<compile_context>
chip_gen: v7x
topology: tpu7x:2x2x1
jax: 0.10.2.dev20260603
libtpu: 0.0.44.dev20260713+nightly
codegen_flags: <defaults>
</compile_context>

<pallas_src>
import math

import jax
import jax.numpy as jnp
from jax import lax
from jax.experimental import pallas as pl
from jax.experimental.pallas import tpu as pltpu
from jax.experimental.pallas import tpu_sc as plsc

D_MODEL = 128
SCALE = math.sqrt(D_MODEL)
NUM_WORKERS = 32
CHUNK = 128
LANES = 16
NBUF = 6


def _sc_body(x_hbm, table_hbm, out_hbm, idx_v, rows_v, gsems, ssems):
    b_per_w = x_hbm.shape[0] // NUM_WORKERS
    steps = b_per_w // CHUNK
    wid = lax.axis_index("s") * 2 + lax.axis_index("c")
    base = wid * b_per_w
    G = NBUF - 1

    pltpu.sync_copy(x_hbm.at[pl.ds(base, b_per_w)], idx_v)

    def start_gather(i, slot):
        pltpu.async_copy(table_hbm.at[idx_v.at[pl.ds(i * CHUNK, CHUNK)]],
                         rows_v.at[slot], gsems[slot])

    def wait_gather(slot):
        pltpu.make_async_copy(table_hbm.at[idx_v.at[pl.ds(0, CHUNK)]],
                              rows_v.at[slot], gsems[slot]).wait()

    def start_scatter(i, slot):
        pltpu.async_copy(rows_v.at[slot],
                         out_hbm.at[pl.ds(base + i * CHUNK, CHUNK)],
                         ssems[slot])

    def wait_scatter(slot):
        pltpu.make_async_copy(rows_v.at[slot],
                              out_hbm.at[pl.ds(base, CHUNK)],
                              ssems[slot]).wait()

    def scale(slot):
        @pl.loop(0, CHUNK)
        def _scale(r):
            for c in range(D_MODEL // LANES):
                s = pl.ds(c * LANES, LANES)
                rows_v[slot, r, s] = rows_v[slot, r, s] * SCALE

    def body(i, slot):
        wait_gather(slot)
        scale(slot)
        start_scatter(i, slot)
        ps = (slot - 1) % NBUF
        wait_scatter(ps)
        start_gather(i + G, ps)

    for s in range(G):
        start_gather(s, s)
    for i in range(NBUF):
        wait_gather(i)
        scale(i)
        start_scatter(i, i)
        if i + G < steps:
            ps = (i - 1) % NBUF
            if i >= 1:
                wait_scatter(ps)
            start_gather(i + G, ps)

    E = NBUF + ((steps - G - NBUF) // NBUF) * NBUF

    @pl.loop(NBUF, E, step=NBUF)
    def _step(g):
        for b in range(NBUF):
            body(g + b, b)

    for i in range(E, steps):
        s = i % NBUF
        wait_gather(s)
        scale(s)
        start_scatter(i, s)
        if i + G < steps:
            ps = (s - 1) % NBUF
            wait_scatter(ps)
            start_gather(i + G, ps)

    for j in range(steps - NBUF, steps):
        wait_scatter(j % NBUF)


def kernel(x, table):
    B = x.shape[0] * x.shape[1]
    xf = x.reshape(B).astype(jnp.int32)
    mesh = plsc.VectorSubcoreMesh(core_axis_name="c", subcore_axis_name="s")
    k = pl.kernel(
        _sc_body,
        out_type=jax.ShapeDtypeStruct((B, D_MODEL), jnp.float32),
        mesh=mesh,
        scratch_types=[
            pltpu.VMEM((x.shape[0] * x.shape[1] // NUM_WORKERS,), jnp.int32),
            pltpu.VMEM((NBUF, CHUNK, D_MODEL), jnp.float32),
            [pltpu.SemaphoreType.DMA] * NBUF,
            [pltpu.SemaphoreType.DMA] * NBUF,
        ],
    )
    out = k(xf, table)
    return out.reshape(x.shape + (D_MODEL,))

# --- scband reference (transcript-rebuilt; emitter-appended) ---
"""Pipeline reference for scband-input-embedding-1632087573041 (READ-ONLY COPY).

The authoritative reference and input builder live on the scoring server;
editing this copy changes nothing except your own understanding.
"""

import jax, jax.numpy as jnp
import numpy as np
import math

D_MODEL = 128
VOCAB_SIZE = 100000

def setup_inputs(seed: int = 0) -> dict:
    key = jax.random.key(seed)
    k1, k2 = jax.random.split(key)
    x = jax.random.randint(k1, (4096, 200), 0, VOCAB_SIZE, dtype=jnp.int64) if jax.config.jax_enable_x64 else jax.random.randint(k1, (4096, 200), 0, VOCAB_SIZE, dtype=jnp.int32)
    table = jax.random.normal(k2, (VOCAB_SIZE, D_MODEL), dtype=jnp.float32)
    return {"x": x, "table": table}

def reference(x, table):
    # nn.Embedding lookup followed by sqrt(d_model) scaling
    emb = jnp.take(table, x, axis=0)
    return emb * math.sqrt(D_MODEL)

if __name__ == "__main__":
    import jax
    _d = setup_inputs()
    print(jax.jit(kernel)(*tuple(_d.values())))

</pallas_src>

<mosaic_0001>
#map = affine_map<(d0, d1) -> (0)>
#map1 = affine_map<(d0, d1) -> (0, 0)>
module attributes {stable_mosaic.version = 14 : i64} {
  func.func @_sc_body(%arg0: i32, %arg1: i32, %arg2: memref<819200xi32, #tpu.memory_space<hbm>>, %arg3: memref<100000x128xf32, #tpu.memory_space<hbm>>, %arg4: memref<819200x128xf32, #tpu.memory_space<hbm>>, %arg5: memref<25600xi32, #tpu.memory_space<vmem>>, %arg6: memref<6x128x128xf32, #tpu.memory_space<vmem>>, %arg7: memref<!tpu.dma_semaphore, #tpu.memory_space<semaphore_mem>>, %arg8: memref<!tpu.dma_semaphore, #tpu.memory_space<semaphore_mem>>, %arg9: memref<!tpu.dma_semaphore, #tpu.memory_space<semaphore_mem>>, %arg10: memref<!tpu.dma_semaphore, #tpu.memory_space<semaphore_mem>>, %arg11: memref<!tpu.dma_semaphore, #tpu.memory_space<semaphore_mem>>, %arg12: memref<!tpu.dma_semaphore, #tpu.memory_space<semaphore_mem>>, %arg13: memref<!tpu.dma_semaphore, #tpu.memory_space<semaphore_mem>>, %arg14: memref<!tpu.dma_semaphore, #tpu.memory_space<semaphore_mem>>, %arg15: memref<!tpu.dma_semaphore, #tpu.memory_space<semaphore_mem>>, %arg16: memref<!tpu.dma_semaphore, #tpu.memory_space<semaphore_mem>>, %arg17: memref<!tpu.dma_semaphore, #tpu.memory_space<semaphore_mem>>, %arg18: memref<!tpu.dma_semaphore, #tpu.memory_space<semaphore_mem>>) attributes {dimension_semantics = [#tpu.dimension_semantics<core_parallel>, #tpu.dimension_semantics<subcore_parallel>], iteration_bounds = array<i64: 2, 16>, scalar_prefetch = 0 : i64, scratch_operands = 14 : i64, tpu.core_type = #tpu.core_type<sc_vector_subcore>, window_params = [{transform_indices = #map}, {transform_indices = #map1}, {transform_indices = #map1}]} {
    %mul3A = arith.constant 2 : i32
    %mul3A_0 = arith.muli %arg1, %mul3A : i32
    %add3A = arith.addi %mul3A_0, %arg0 : i32
    %mul3A_1 = arith.constant 25600 : i32
    %mul3A_2 = arith.muli %add3A, %mul3A_1 : i32
    "tpu.region"() ({
      %run_scoped3A = tpu.sem_alloc : memref<!tpu.dma_semaphore, #tpu.memory_space<semaphore_mem>>
      %dma_start3A_747 = tpu.memref_slice %arg2[%mul3A_2] : memref<819200xi32, #tpu.memory_space<hbm>> -> memref<25600xi32, #tpu.memory_space<hbm>>
      %dma_start3A_748 = tpu.memref_slice %arg2[%mul3A_2] : memref<819200xi32, #tpu.memory_space<hbm>> -> memref<25600xi32, #tpu.memory_space<hbm>>
      tpu.enqueue_dma source(%dma_start3A_748 : memref<25600xi32, #tpu.memory_space<hbm>>) target(%arg5 : memref<25600xi32, #tpu.memory_space<vmem>>) target_semaphore(%run_scoped3A : memref<!tpu.dma_semaphore, #tpu.memory_space<semaphore_mem>>)
      %dma_wait3A_749 = tpu.memref_slice %arg2[%mul3A_2] : memref<819200xi32, #tpu.memory_space<hbm>> -> memref<25600xi32, #tpu.memory_space<hbm>>
      %dma_wait3A_750 = tpu.memref_slice %arg2[%mul3A_2] : memref<819200xi32, #tpu.memory_space<hbm>> -> memref<25600xi32, #tpu.memory_space<hbm>>
      tpu.wait_dma2 semaphore(%run_scoped3A : memref<!tpu.dma_semaphore, #tpu.memory_space<semaphore_mem>>) src(%dma_wait3A_750 : memref<25600xi32, #tpu.memory_space<hbm>>) dst(%arg5 : memref<25600xi32, #tpu.memory_space<vmem>>)
      tpu.yield
    }) : () -> ()
    %dma_start3A = arith.constant 0 : i32
    %dma_start3A_3 = arith.constant 0 : i32
    %dma_start3A_4 = arith.constant 0 : i32
    %dma_start3A_5 = tpu.memref_slice %arg6[%dma_start3A, %dma_start3A_3, %dma_start3A_4] : memref<6x128x128xf32, #tpu.memory_space<vmem>> -> memref<1x128x128xf32, #tpu.memory_space<vmem>>
    %dma_start3A_6 = tpu.memref_squeeze %dma_start3A_5 : memref<1x128x128xf32, #tpu.memory_space<vmem>> -> memref<128x128xf32, #tpu.memory_space<vmem>>
    %dma_start3A_7 = arith.constant 0 : i32
    %dma_start3A_8 = tpu.memref_slice %arg5[%dma_start3A_7] : memref<25600xi32, #tpu.memory_space<vmem>> -> memref<128xi32, #tpu.memory_space<vmem>>
    %dma_start3A_9 = arith.constant 0 : i32
    %dma_start3A_10 = arith.constant 0 : i32
    %dma_start3A_11 = tpu.memref_slice %arg3[%dma_start3A_9, %dma_start3A_10] : memref<100000x128xf32, #tpu.memory_space<hbm>> -> memref<100000x128xf32, #tpu.memory_space<hbm>>
    tpu.enqueue_indirect_dma source(%dma_start3A_11 : memref<100000x128xf32, #tpu.memory_space<hbm>>) target(%dma_start3A_6 : memref<128x128xf32, #tpu.memory_space<vmem>>) offsets(%dma_start3A_8 : memref<128xi32, #tpu.memory_space<vmem>>) semaphore(%arg7 : memref<!tpu.dma_semaphore, #tpu.memory_space<semaphore_mem>>)
    %dma_start3A_12 = arith.constant 1 : i32
    %dma_start3A_13 = arith.constant 0 : i32
    %dma_start3A_14 = arith.constant 0 : i32
    %dma_start3A_15 = tpu.memref_slice %arg6[%dma_start3A_12, %dma_start3A_13, %dma_start3A_14] : memref<6x128x128xf32, #tpu.memory_space<vmem>> -> memref<1x128x128xf32, #tpu.memory_space<vmem>>
    %dma_start3A_16 = tpu.memref_squeeze %dma_start3A_15 : memref<1x128x128xf32, #tpu.memory_space<vmem>> -> memref<128x128xf32, #tpu.memory_space<vmem>>
    %dma_start3A_17 = arith.constant 128 : i32
    %dma_start3A_18 = tpu.memref_slice %arg5[%dma_start3A_17] : memref<25600xi32, #tpu.memory_space<vmem>> -> memref<128xi32, #tpu.memory_space<vmem>>
    %dma_start3A_19 = arith.constant 0 : i32
    %dma_start3A_20 = arith.constant 0 : i32
    %dma_start3A_21 = tpu.memref_slice %arg3[%dma_start3A_19, %dma_start3A_20] : memref<100000x128xf32, #tpu.memory_space<hbm>> -> memref<100000x128xf32, #tpu.memory_space<hbm>>
    tpu.enqueue_indirect_dma source(%dma_start3A_21 : memref<100000x128xf32, #tpu.memory_space<hbm>>) target(%dma_start3A_16 : memref<128x128xf32, #tpu.memory_space<vmem>>) offsets(%dma_start3A_18 : memref<128xi32, #tpu.memory_space<vmem>>) semaphore(%arg8 : memref<!tpu.dma_semaphore, #tpu.memory_space<semaphore_mem>>)
    %dma_start3A_22 = arith.constant 2 : i32
    %dma_start3A_23 = arith.constant 0 : i32
    %dma_start3A_24 = arith.constant 0 : i32
    %dma_start3A_25 = tpu.memref_slice %arg6[%dma_start3A_22, %dma_start3A_23, %dma_start3A_24] : memref<6x128x128xf32, #tpu.memory_space<vmem>> -> memref<1x128x128xf32, #tpu.memory_space<vmem>>
    %dma_start3A_26 = tpu.memref_squeeze %dma_start3A_25 : memref<1x128x128xf32, #tpu.memory_space<vmem>> -> memref<128x128xf32, #tpu.memory_space<vmem>>
    %dma_start3A_27 = arith.constant 256 : i32
    %dma_start3A_28 = tpu.memref_slice %arg5[%dma_start3A_27] : memref<25600xi32, #tpu.memory_space<vmem>> -> memref<128xi32, #tpu.memory_space<vmem>>
    %dma_start3A_29 = arith.constant 0 : i32
    %dma_start3A_30 = arith.constant 0 : i32
    %dma_start3A_31 = tpu.memref_slice %arg3[%dma_start3A_29, %dma_start3A_30] : memref<100000x128xf32, #tpu.memory_space<hbm>> -> memref<100000x128xf32, #tpu.memory_space<hbm>>
    tpu.enqueue_indirect_dma source(%dma_start3A_31 : memref<100000x128xf32, #tpu.memory_space<hbm>>) target(%dma_start3A_26 : memref<128x128xf32, #tpu.memory_space<vmem>>) offsets(%dma_start3A_28 : memref<128xi32, #tpu.memory_space<vmem>>) semaphore(%arg9 : memref<!tpu.dma_semaphore, #tpu.memory_space<semaphore_mem>>)
    %dma_start3A_32 = arith.constant 3 : i32
    %dma_start3A_33 = arith.constant 0 : i32
    %dma_start3A_34 = arith.constant 0 : i32
    %dma_start3A_35 = tpu.memref_slice %arg6[%dma_start3A_32, %dma_start3A_33, %dma_start3A_34] : memref<6x128x128xf32, #tpu.memory_space<vmem>> -> memref<1x128x128xf32, #tpu.memory_space<vmem>>
    %dma_start3A_36 = tpu.memref_squeeze %dma_start3A_35 : memref<1x128x128xf32, #tpu.memory_space<vmem>> -> memref<128x128xf32, #tpu.memory_space<vmem>>
    %dma_start3A_37 = arith.constant 384 : i32
    %dma_start3A_38 = tpu.memref_slice %arg5[%dma_start3A_37] : memref<25600xi32, #tpu.memory_space<vmem>> -> memref<128xi32, #tpu.memory_space<vmem>>
    %dma_start3A_39 = arith.constant 0 : i32
    %dma_start3A_40 = arith.constant 0 : i32
    %dma_start3A_41 = tpu.memref_slice %arg3[%dma_start3A_39, %dma_start3A_40] : memref<100000x128xf32, #tpu.memory_space<hbm>> -> memref<100000x128xf32, #tpu.memory_space<hbm>>
    tpu.enqueue_indirect_dma source(%dma_start3A_41 : memref<100000x128xf32, #tpu.memory_space<hbm>>) target(%dma_start3A_36 : memref<128x128xf32, #tpu.memory_space<vmem>>) offsets(%dma_start3A_38 : memref<128xi32, #tpu.memory_space<vmem>>) semaphore(%arg10 : memref<!tpu.dma_semaphore, #tpu.memory_space<semaphore_mem>>)
    %dma_start3A_42 = arith.constant 4 : i32
    %dma_start3A_43 = arith.constant 0 : i32
    %dma_start3A_44 = arith.constant 0 : i32
    %dma_start3A_45 = tpu.memref_slice %arg6[%dma_start3A_42, %dma_start3A_43, %dma_start3A_44] : memref<6x128x128xf32, #tpu.memory_space<vmem>> -> memref<1x128x128xf32, #tpu.memory_space<vmem>>
    %dma_start3A_46 = tpu.memref_squeeze %dma_start3A_45 : memref<1x128x128xf32, #tpu.memory_space<vmem>> -> memref<128x128xf32, #tpu.memory_space<vmem>>
    %dma_start3A_47 = arith.constant 512 : i32
    %dma_start3A_48 = tpu.memref_slice %arg5[%dma_start3A_47] : memref<25600xi32, #tpu.memory_space<vmem>> -> memref<128xi32, #tpu.memory_space<vmem>>
    %dma_start3A_49 = arith.constant 0 : i32
    %dma_start3A_50 = arith.constant 0 : i32
    %dma_start3A_51 = tpu.memref_slice %arg3[%dma_start3A_49, %dma_start3A_50] : memref<100000x128xf32, #tpu.memory_space<hbm>> -> memref<100000x128xf32, #tpu.memory_space<hbm>>
    tpu.enqueue_indirect_dma source(%dma_start3A_51 : memref<100000x128xf32, #tpu.memory_space<hbm>>) target(%dma_start3A_46 : memref<128x128xf32, #tpu.memory_space<vmem>>) offsets(%dma_start3A_48 : memref<128xi32, #tpu.memory_space<vmem>>) semaphore(%arg11 : memref<!tpu.dma_semaphore, #tpu.memory_space<semaphore_mem>>)
    %dma_wait3A = arith.constant 0 : i32
    %dma_wait3A_52 = arith.constant 0 : i32
    %dma_wait3A_53 = arith.constant 0 : i32
    %dma_wait3A_54 = tpu.memref_slice %arg6[%dma_wait3A, %dma_wait3A_52, %dma_wait3A_53] : memref<6x128x128xf32, #tpu.memory_space<vmem>> -> memref<1x128x128xf32, #tpu.memory_space<vmem>>
    %dma_wait3A_55 = tpu.memref_squeeze %dma_wait3A_54 : memref<1x128x128xf32, #tpu.memory_space<vmem>> -> memref<128x128xf32, #tpu.memory_space<vmem>>
    %dma_wait3A_56 = arith.constant 0 : i32
    %dma_wait3A_57 = tpu.memref_slice %arg5[%dma_wait3A_56] : memref<25600xi32, #tpu.memory_space<vmem>> -> memref<128xi32, #tpu.memory_space<vmem>>
    %dma_wait3A_58 = arith.constant 0 : i32
    %dma_wait3A_59 = arith.constant 0 : i32
    %dma_wait3A_60 = tpu.memref_slice %arg3[%dma_wait3A_58, %dma_wait3A_59] : memref<100000x128xf32, #tpu.memory_space<hbm>> -> memref<100000x128xf32, #tpu.memory_space<hbm>>
    tpu.wait_indirect_dma semaphore(%arg7 : memref<!tpu.dma_semaphore, #tpu.memory_space<semaphore_mem>>) src(%dma_wait3A_60 : memref<100000x128xf32, #tpu.memory_space<hbm>>) dst(%dma_wait3A_55 : memref<128x128xf32, #tpu.memory_space<vmem>>)
    %scan3A = arith.constant 0 : i32
    %scan3A_61 = arith.constant 128 : i32
    %scan3A_62 = arith.addi %scan3A, %scan3A_61 : i32
    %scan3A_63 = arith.constant 1 : i32
    scf.for %scan3A_747 = %scan3A to %scan3A_62 step %scan3A_63  : i32 {
      %mul3A_748 = arith.constant 1 : i32
      %mul3A_749 = arith.muli %scan3A_747, %mul3A_748 : i32
      %add3A_750 = arith.constant 0 : i32
      %add3A_751 = arith.addi %add3A_750, %mul3A_749 : i32
      %get3A = arith.constant 0 : i32
      %get3A_752 = arith.index_cast %get3A : i32 to index
      %get3A_753 = arith.index_cast %add3A_751 : i32 to index
      %get3A_754 = arith.constant 0 : index
      %get3A_755 = tpu.vector_load %arg6[%get3A_752, %get3A_753, %get3A_754] {strides = array<i32>} : memref<6x128x128xf32, #tpu.memory_space<vmem>>, vector<1x1x16xf32>,
      %get3A_756 = vector.shape_cast %get3A_755 : vector<1x1x16xf32> to vector<16xf32>
      %mul3A_757 = arith.constant 11.3137083 : f32
      %mul3A_758 = vector.broadcast %mul3A_757 : f32 to vector<16xf32>
      %mul3A_759 = arith.mulf %get3A_756, %mul3A_758 : vector<16xf32>
      %swap3A = arith.constant 0 : i32
      %swap3A_760 = arith.index_cast %swap3A : i32 to index
      %swap3A_761 = arith.index_cast %add3A_751 : i32 to index
      %swap3A_762 = arith.constant 0 : index
      %swap3A_763 = tpu.vector_load %arg6[%swap3A_760, %swap3A_761, %swap3A_762] {strides = array<i32>} : memref<6x128x128xf32, #tpu.memory_space<vmem>>, vector<1x1x16xf32>,
      %swap3A_764 = vector.shape_cast %swap3A_763 : vector<1x1x16xf32> to vector<16xf32>
      %swap3A_765 = vector.shape_cast %mul3A_759 : vector<16xf32> to vector<1x1x16xf32>
      tpu.vector_store %arg6[%swap3A_760, %swap3A_761, %swap3A_762], %swap3A_765 {strides = array<i32>} : memref<6x128x128xf32, #tpu.memory_space<vmem>>, vector<1x1x16xf32>,
      %get3A_766 = arith.constant 0 : i32
      %get3A_767 = arith.index_cast %get3A_766 : i32 to index
      %get3A_768 = arith.index_cast %add3A_751 : i32 to index
      %get3A_769 = arith.constant 16 : index
      %get3A_770 = tpu.vector_load %arg6[%get3A_767, %get3A_768, %get3A_769] {strides = array<i32>} : memref<6x128x128xf32, #tpu.memory_space<vmem>>, vector<1x1x16xf32>,
      %get3A_771 = vector.shape_cast %get3A_770 : vector<1x1x16xf32> to vector<16xf32>
      %mul3A_772 = arith.constant 11.3137083 : f32
      %mul3A_773 = vector.broadcast %mul3A_772 : f32 to vector<16xf32>
      %mul3A_774 = arith.mulf %get3A_771, %mul3A_773 : vector<16xf32>
      %swap3A_775 = arith.constant 0 : i32
      %swap3A_776 = arith.index_cast %swap3A_775 : i32 to index
      %swap3A_777 = arith.index_cast %add3A_751 : i32 to index
      %swap3A_778 = arith.constant 16 : index
      %swap3A_779 = tpu.vector_load %arg6[%swap3A_776, %swap3A_777, %swap3A_778] {strides = array<i32>} : memref<6x128x128xf32, #tpu.memory_space<vmem>>, vector<1x1x16xf32>,
      %swap3A_780 = vector.shape_cast %swap3A_779 : vector<1x1x16xf32> to vector<16xf32>
      %swap3A_781 = vector.shape_cast %mul3A_774 : vector<16xf32> to vector<1x1x16xf32>
      tpu.vector_store %arg6[%swap3A_776, %swap3A_777, %swap3A_778], %swap3A_781 {strides = array<i32>} : memref<6x128x128xf32, #tpu.memory_space<vmem>>, vector<1x1x16xf32>,
      %get3A_782 = arith.constant 0 : i32
      %get3A_783 = arith.index_cast %get3A_782 : i32 to index
      %get3A_784 = arith.index_cast %add3A_751 : i32 to index
      %get3A_785 = arith.constant 32 : index
      %get3A_786 = tpu.vector_load %arg6[%get3A_783, %get3A_784, %get3A_785] {strides = array<i32>} : memref<6x128x128xf32, #tpu.memory_space<vmem>>, vector<1x1x16xf32>,
      %get3A_787 = vector.shape_cast %get3A_786 : vector<1x1x16xf32> to vector<16xf32>
      %mul3A_788 = arith.constant 11.3137083 : f32
      %mul3A_789 = vector.broadcast %mul3A_788 : f32 to vector<16xf32>
      %mul3A_790 = arith.mulf %get3A_787, %mul3A_789 : vector<16xf32>
      %swap3A_791 = arith.constant 0 : i32
      %swap3A_792 = arith.index_cast %swap3A_791 : i32 to index
      %swap3A_793 = arith.index_cast %add3A_751 : i32 to index
      %swap3A_794 = arith.constant 32 : index
      %swap3A_795 = tpu.vector_load %arg6[%swap3A_792, %swap3A_793, %swap3A_794] {strides = array<i32>} : memref<6x128x128xf32, #tpu.memory_space<vmem>>, vector<1x1x16xf32>,
      %swap3A_796 = vector.shape_cast %swap3A_795 : vector<1x1x16xf32> to vector<16xf32>
      %swap3A_797 = vector.shape_cast %mul3A_790 : vector<16xf32> to vector<1x1x16xf32>
      tpu.vector_store %arg6[%swap3A_792, %swap3A_793, %swap3A_794], %swap3A_797 {strides = array<i32>} : memref<6x128x128xf32, #tpu.memory_space<vmem>>, vector<1x1x16xf32>,
      %get3A_798 = arith.constant 0 : i32
      %get3A_799 = arith.index_cast %get3A_798 : i32 to index
      %get3A_800 = arith.index_cast %add3A_751 : i32 to index
      %get3A_801 = arith.constant 48 : index
      %get3A_802 = tpu.vector_load %arg6[%get3A_799, %get3A_800, %get3A_801] {strides = array<i32>} : memref<6x128x128xf32, #tpu.memory_space<vmem>>, vector<1x1x16xf32>,
      %get3A_803 = vector.shape_cast %get3A_802 : vector<1x1x16xf32> to vector<16xf32>
      %mul3A_804 = arith.constant 11.3137083 : f32
      %mul3A_805 = vector.broadcast %mul3A_804 : f32 to vector<16xf32>
      %mul3A_806 = arith.mulf %get3A_803, %mul3A_805 : vector<16xf32>
      %swap3A_807 = arith.constant 0 : i32
      %swap3A_808 = arith.index_cast %swap3A_807 : i32 to index
      %swap3A_809 = arith.index_cast %add3A_751 : i32 to index
      %swap3A_810 = arith.constant 48 : index
      %swap3A_811 = tpu.vector_load %arg6[%swap3A_808, %swap3A_809, %swap3A_810] {strides = array<i32>} : memref<6x128x128xf32, #tpu.memory_space<vmem>>, vector<1x1x16xf32>,
      %swap3A_812 = vector.shape_cast %swap3A_811 : vector<1x1x16xf32> to vector<16xf32>
      %swap3A_813 = vector.shape_cast %mul3A_806 : vector<16xf32> to vector<1x1x16xf32>
      tpu.vector_store %arg6[%swap3A_808, %swap3A_809, %swap3A_810], %swap3A_813 {strides = array<i32>} : memref<6x128x128xf32, #tpu.memory_space<vmem>>, vector<1x1x16xf32>,
      %get3A_814 = arith.constant 0 : i32
      %get3A_815 = arith.index_cast %get3A_814 : i32 to index
      %get3A_816 = arith.index_cast %add3A_751 : i32 to index
      %get3A_817 = arith.constant 64 : index
      %get3A_818 = tpu.vector_load %arg6[%get3A_815, %get3A_816, %get3A_817] {strides = array<i32>} : memref<6x128x128xf32, #tpu.memory_space<vmem>>, vector<1x1x16xf32>,
      %get3A_819 = vector.shape_cast %get3A_818 : vector<1x1x16xf32> to vector<16xf32>
      %mul3A_820 = arith.constant 11.3137083 : f32
      %mul3A_821 = vector.broadcast %mul3A_820 : f32 to vector<16xf32>
      %mul3A_822 = arith.mulf %get3A_819, %mul3A_821 : vector<16xf32>
      %swap3A_823 = arith.constant 0 : i32
      %swap3A_824 = arith.index_cast %swap3A_823 : i32 to index
      %swap3A_825 = arith.index_cast %add3A_751 : i32 to index
      %swap3A_826 = arith.constant 64 : index
      %swap3A_827 = tpu.vector_load %arg6[%swap3A_824, %swap3A_825, %swap3A_826] {strides = array<i32>} : memref<6x128x128xf32, #tpu.memory_space<vmem>>, vector<1x1x16xf32>,
      %swap3A_828 = vector.shape_cast %swap3A_827 : vector<1x1x16xf32> to vector<16xf32>
      %swap3A_829 = vector.shape_cast %mul3A_822 : vector<16xf32> to vector<1x1x16xf32>
      tpu.vector_store %arg6[%swap3A_824, %swap3A_825, %swap3A_826], %swap3A_829 {strides = array<i32>} : memref<6x128x128xf32, #tpu.memory_space<vmem>>, vector<1x1x16xf32>,
      %get3A_830 = arith.constant 0 : i32
      %get3A_831 = arith.index_cast %get3A_830 : i32 to index
      %get3A_832 = arith.index_cast %add3A_751 : i32 to index
      %get3A_833 = arith.constant 80 : index
      %get3A_834 = tpu.vector_load %arg6[%get3A_831, %get3A_832, %get3A_833] {strides = array<i32>} : memref<6x128x128xf32, #tpu.memory_space<vmem>>, vector<1x1x16xf32>,
      %get3A_835 = vector.shape_cast %get3A_834 : vector<1x1x16xf32> to vector<16xf32>
      %mul3A_836 = arith.constant 11.3137083 : f32
      %mul3A_837 = vector.broadcast %mul3A_836 : f32 to vector<16xf32>
      %mul3A_838 = arith.mulf %get3A_835, %mul3A_837 : vector<16xf32>
      %swap3A_839 = arith.constant 0 : i32
      %swap3A_840 = arith.index_cast %swap3A_839 : i32 to index
      %swap3A_841 = arith.index_cast %add3A_751 : i32 to index
      %swap3A_842 = arith.constant 80 : index
      %swap3A_843 = tpu.vector_load %arg6[%swap3A_840, %swap3A_841, %swap3A_842] {strides = array<i32>} : memref<6x128x128xf32, #tpu.memory_space<vmem>>, vector<1x1x16xf32>,
      %swap3A_844 = vector.shape_cast %swap3A_843 : vector<1x1x16xf32> to vector<16xf32>
      %swap3A_845 = vector.shape_cast %mul3A_838 : vector<16xf32> to vector<1x1x16xf32>
      tpu.vector_store %arg6[%swap3A_840, %swap3A_841, %swap3A_842], %swap3A_845 {strides = array<i32>} : memref<6x128x128xf32, #tpu.memory_space<vmem>>, vector<1x1x16xf32>,
      %get3A_846 = arith.constant 0 : i32
      %get3A_847 = arith.index_cast %get3A_846 : i32 to index
      %get3A_848 = arith.index_cast %add3A_751 : i32 to index
      %get3A_849 = arith.constant 96 : index
      %get3A_850 = tpu.vector_load %arg6[%get3A_847, %get3A_848, %get3A_849] {strides = array<i32>} : memref<6x128x128xf32, #tpu.memory_space<vmem>>, vector<1x1x16xf32>,
      %get3A_851 = vector.shape_cast %get3A_850 : vector<1x1x16xf32> to vector<16xf32>
      %mul3A_852 = arith.constant 11.3137083 : f32
      %mul3A_853 = vector.broadcast %mul3A_852 : f32 to vector<16xf32>
      %mul3A_854 = arith.mulf %get3A_851, %mul3A_853 : vector<16xf32>
      %swap3A_855 = arith.constant 0 : i32
      %swap3A_856 = arith.index_cast %swap3A_855 : i32 to index
      %swap3A_857 = arith.index_cast %add3A_751 : i32 to index
      %swap3A_858 = arith.constant 96 : index
      %swap3A_859 = tpu.vector_load %arg6[%swap3A_856, %swap3A_857, %swap3A_858] {strides = array<i32>} : memref<6x128x128xf32, #tpu.memory_space<vmem>>, vector<1x1x16xf32>,
      %swap3A_860 = vector.shape_cast %swap3A_859 : vector<1x1x16xf32> to vector<16xf32>
      %swap3A_861 = vector.shape_cast %mul3A_854 : vector<16xf32> to vector<1x1x16xf32>
      tpu.vector_store %arg6[%swap3A_856, %swap3A_857, %swap3A_858], %swap3A_861 {strides = array<i32>} : memref<6x128x128xf32, #tpu.memory_space<vmem>>, vector<1x1x16xf32>,
      %get3A_862 = arith.constant 0 : i32
      %get3A_863 = arith.index_cast %get3A_862 : i32 to index
      %get3A_864 = arith.index_cast %add3A_751 : i32 to index
      %get3A_865 = arith.constant 112 : index
      %get3A_866 = tpu.vector_load %arg6[%get3A_863, %get3A_864, %get3A_865] {strides = array<i32>} : memref<6x128x128xf32, #tpu.memory_space<vmem>>, vector<1x1x16xf32>,
      %get3A_867 = vector.shape_cast %get3A_866 : vector<1x1x16xf32> to vector<16xf32>
      %mul3A_868 = arith.constant 11.3137083 : f32
      %mul3A_869 = vector.broadcast %mul3A_868 : f32 to vector<16xf32>
      %mul3A_870 = arith.mulf %get3A_867, %mul3A_869 : vector<16xf32>
      %swap3A_871 = arith.constant 0 : i32
      %swap3A_872 = arith.index_cast %swap3A_871 : i32 to index
      %swap3A_873 = arith.index_cast %add3A_751 : i32 to index
      %swap3A_874 = arith.constant 112 : index
      %swap3A_875 = tpu.vector_load %arg6[%swap3A_872, %swap3A_873, %swap3A_874] {strides = array<i32>} : memref<6x128x128xf32, #tpu.memory_space<vmem>>, vector<1x1x16xf32>,
      %swap3A_876 = vector.shape_cast %swap3A_875 : vector<1x1x16xf32> to vector<16xf32>
      %swap3A_877 = vector.shape_cast %mul3A_870 : vector<16xf32> to vector<1x1x16xf32>
      tpu.vector_store %arg6[%swap3A_872, %swap3A_873, %swap3A_874], %swap3A_877 {strides = array<i32>} : memref<6x128x128xf32, #tpu.memory_space<vmem>>, vector<1x1x16xf32>,
    }
    %scan3A_64 = arith.constant 128 : i32
    %add3A_65 = arith.constant 0 : i32
    %add3A_66 = arith.addi %mul3A_2, %add3A_65 : i32
    %dma_start3A_67 = arith.constant 0 : i32
    %dma_start3A_68 = arith.constant 0 : i32
    %dma_start3A_69 = arith.constant 0 : i32
    %dma_start3A_70 = tpu.memref_slice %arg6[%dma_start3A_67, %dma_start3A_68, %dma_start3A_69] : memref<6x128x128xf32, #tpu.memory_space<vmem>> -> memref<1x128x128xf32, #tpu.memory_space<vmem>>
    %dma_start3A_71 = tpu.memref_squeeze %dma_start3A_70 : memref<1x128x128xf32, #tpu.memory_space<vmem>> -> memref<128x128xf32, #tpu.memory_space<vmem>>
    %dma_start3A_72 = arith.constant 0 : i32
    %dma_start3A_73 = tpu.memref_slice %arg4[%add3A_66, %dma_start3A_72] : memref<819200x128xf32, #tpu.memory_space<hbm>> -> memref<128x128xf32, #tpu.memory_space<hbm>>
    %dma_start3A_74 = arith.constant 0 : i32
    %dma_start3A_75 = tpu.memref_slice %arg4[%add3A_66, %dma_start3A_74] : memref<819200x128xf32, #tpu.memory_space<hbm>> -> memref<128x128xf32, #tpu.memory_space<hbm>>
    %dma_start3A_76 = arith.constant 0 : i32
    %dma_start3A_77 = arith.constant 0 : i32
    %dma_start3A_78 = tpu.memref_slice %arg6[%dma_start3A_67, %dma_start3A_76, %dma_start3A_77] : memref<6x128x128xf32, #tpu.memory_space<vmem>> -> memref<1x128x128xf32, #tpu.memory_space<vmem>>
    %dma_start3A_79 = tpu.memref_squeeze %dma_start3A_78 : memref<1x128x128xf32, #tpu.memory_space<vmem>> -> memref<128x128xf32, #tpu.memory_space<vmem>>
    tpu.enqueue_dma source(%dma_start3A_79 : memref<128x128xf32, #tpu.memory_space<vmem>>) target(%dma_start3A_75 : memref<128x128xf32, #tpu.memory_space<hbm>>) target_semaphore(%arg13 : memref<!tpu.dma_semaphore, #tpu.memory_space<semaphore_mem>>)
    %dma_start3A_80 = arith.constant 5 : i32
    %dma_start3A_81 = arith.constant 0 : i32
    %dma_start3A_82 = arith.constant 0 : i32
    %dma_start3A_83 = tpu.memref_slice %arg6[%dma_start3A_80, %dma_start3A_81, %dma_start3A_82] : memref<6x128x128xf32, #tpu.memory_space<vmem>> -> memref<1x128x128xf32, #tpu.memory_space<vmem>>
    %dma_start3A_84 = tpu.memref_squeeze %dma_start3A_83 : memref<1x128x128xf32, #tpu.memory_space<vmem>> -> memref<128x128xf32, #tpu.memory_space<vmem>>
    %dma_start3A_85 = arith.constant 640 : i32
    %dma_start3A_86 = tpu.memref_slice %arg5[%dma_start3A_85] : memref<25600xi32, #tpu.memory_space<vmem>> -> memref<128xi32, #tpu.memory_space<vmem>>
    %dma_start3A_87 = arith.constant 0 : i32
    %dma_start3A_88 = arith.constant 0 : i32
    %dma_start3A_89 = tpu.memref_slice %arg3[%dma_start3A_87, %dma_start3A_88] : memref<100000x128xf32, #tpu.memory_space<hbm>> -> memref<100000x128xf32, #tpu.memory_space<hbm>>
    tpu.enqueue_indirect_dma source(%dma_start3A_89 : memref<100000x128xf32, #tpu.memory_space<hbm>>) target(%dma_start3A_84 : memref<128x128xf32, #tpu.memory_space<vmem>>) offsets(%dma_start3A_86 : memref<128xi32, #tpu.memory_space<vmem>>) semaphore(%arg12 : memref<!tpu.dma_semaphore, #tpu.memory_space<semaphore_mem>>)
    %dma_wait3A_90 = arith.constant 1 : i32
    %dma_wait3A_91 = arith.constant 0 : i32
    %dma_wait3A_92 = arith.constant 0 : i32
    %dma_wait3A_93 = tpu.memref_slice %arg6[%dma_wait3A_90, %dma_wait3A_91, %dma_wait3A_92] : memref<6x128x128xf32, #tpu.memory_space<vmem>> -> memref<1x128x128xf32, #tpu.memory_space<vmem>>
    %dma_wait3A_94 = tpu.memref_squeeze %dma_wait3A_93 : memref<1x128x128xf32, #tpu.memory_space<vmem>> -> memref<128x128xf32, #tpu.memory_space<vmem>>
    %dma_wait3A_95 = arith.constant 0 : i32
    %dma_wait3A_96 = tpu.memref_slice %arg5[%dma_wait3A_95] : memref<25600xi32, #tpu.memory_space<vmem>> -> memref<128xi32, #tpu.memory_space<vmem>>
    %dma_wait3A_97 = arith.constant 0 : i32
    %dma_wait3A_98 = arith.constant 0 : i32
    %dma_wait3A_99 = tpu.memref_slice %arg3[%dma_wait3A_97, %dma_wait3A_98] : memref<100000x128xf32, #tpu.memory_space<hbm>> -> memref<100000x128xf32, #tpu.memory_space<hbm>>
    tpu.wait_indirect_dma semaphore(%arg8 : memref<!tpu.dma_semaphore, #tpu.memory_space<semaphore_mem>>) src(%dma_wait3A_99 : memref<100000x128xf32, #tpu.memory_space<hbm>>) dst(%dma_wait3A_94 : memref<128x128xf32, #tpu.memory_space<vmem>>)
    %scan3A_100 = arith.constant 0 : i32
    %scan3A_101 = arith.constant 128 : i32
    %scan3A_102 = arith.addi %scan3A_100, %scan3A_101 : i32
    %scan3A_103 = arith.constant 1 : i32
    scf.for %scan3A_747 = %scan3A_100 to %scan3A_102 step %scan3A_103  : i32 {
      %mul3A_748 = arith.constant 1 : i32
      %mul3A_749 = arith.muli %scan3A_747, %mul3A_748 : i32
      %add3A_750 = arith.constant 0 : i32
      %add3A_751 = arith.addi %add3A_750, %mul3A_749 : i32
      %get3A = arith.constant 1 : i32
      %get3A_752 = arith.index_cast %get3A : i32 to index
      %get3A_753 = arith.index_cast %add3A_751 : i32 to index
      %get3A_754 = arith.constant 0 : index
      %get3A_755 = tpu.vector_load %arg6[%get3A_752, %get3A_753, %get3A_754] {strides = array<i32>} : memref<6x128x128xf32, #tpu.memory_space<vmem>>, vector<1x1x16xf32>,
      %get3A_756 = vector.shape_cast %get3A_755 : vector<1x1x16xf32> to vector<16xf32>
      %mul3A_757 = arith.constant 11.3137083 : f32
      %mul3A_758 = vector.broadcast %mul3A_757 : f32 to vector<16xf32>
      %mul3A_759 = arith.mulf %get3A_756, %mul3A_758 : vector<16xf32>
      %swap3A = arith.constant 1 : i32
      %swap3A_760 = arith.index_cast %swap3A : i32 to index
      %swap3A_761 = arith.index_cast %add3A_751 : i32 to index
      %swap3A_762 = arith.constant 0 : index
      %swap3A_763 = tpu.vector_load %arg6[%swap3A_760, %swap3A_761, %swap3A_762] {strides = array<i32>} : memref<6x128x128xf32, #tpu.memory_space<vmem>>, vector<1x1x16xf32>,
      %swap3A_764 = vector.shape_cast %swap3A_763 : vector<1x1x16xf32> to vector<16xf32>
      %swap3A_765 = vector.shape_cast %mul3A_759 : vector<16xf32> to vector<1x1x16xf32>
      tpu.vector_store %arg6[%swap3A_760, %swap3A_761, %swap3A_762], %swap3A_765 {strides = array<i32>} : memref<6x128x128xf32, #tpu.memory_space<vmem>>, vector<1x1x16xf32>,
      %get3A_766 = arith.constant 1 : i32
      %get3A_767 = arith.index_cast %get3A_766 : i32 to index
      %get3A_768 = arith.index_cast %add3A_751 : i32 to index
      %get3A_769 = arith.constant 16 : index
      %get3A_770 = tpu.vector_load %arg6[%get3A_767, %get3A_768, %get3A_769] {strides = array<i32>} : memref<6x128x128xf32, #tpu.memory_space<vmem>>, vector<1x1x16xf32>,
      %get3A_771 = vector.shape_cast %get3A_770 : vector<1x1x16xf32> to vector<16xf32>
      %mul3A_772 = arith.constant 11.3137083 : f32
      %mul3A_773 = vector.broadcast %mul3A_772 : f32 to vector<16xf32>
      %mul3A_774 = arith.mulf %get3A_771, %mul3A_773 : vector<16xf32>
      %swap3A_775 = arith.constant 1 : i32
      %swap3A_776 = arith.index_cast %swap3A_775 : i32 to index
      %swap3A_777 = arith.index_cast %add3A_751 : i32 to index
      %swap3A_778 = arith.constant 16 : index
      %swap3A_779 = tpu.vector_load %arg6[%swap3A_776, %swap3A_777, %swap3A_778] {strides = array<i32>} : memref<6x128x128xf32, #tpu.memory_space<vmem>>, vector<1x1x16xf32>,
      %swap3A_780 = vector.shape_cast %swap3A_779 : vector<1x1x16xf32> to vector<16xf32>
      %swap3A_781 = vector.shape_cast %mul3A_774 : vector<16xf32> to vector<1x1x16xf32>
      tpu.vector_store %arg6[%swap3A_776, %swap3A_777, %swap3A_778], %swap3A_781 {strides = array<i32>} : memref<6x128x128xf32, #tpu.memory_space<vmem>>, vector<1x1x16xf32>,
      %get3A_782 = arith.constant 1 : i32
      %get3A_783 = arith.index_cast %get3A_782 : i32 to index
      %get3A_784 = arith.index_cast %add3A_751 : i32 to index
      %get3A_785 = arith.constant 32 : index
      %get3A_786 = tpu.vector_load %arg6[%get3A_783, %get3A_784, %get3A_785] {strides = array<i32>} : memref<6x128x128xf32, #tpu.memory_space<vmem>>, vector<1x1x16xf32>,
      %get3A_787 = vector.shape_cast %get3A_786 : vector<1x1x16xf32> to vector<16xf32>
      %mul3A_788 = arith.constant 11.3137083 : f32
      %mul3A_789 = vector.broadcast %mul3A_788 : f32 to vector<16xf32>
      %mul3A_790 = arith.mulf %get3A_787, %mul3A_789 : vector<16xf32>
      %swap3A_791 = arith.constant 1 : i32
      %swap3A_792 = arith.index_cast %swap3A_791 : i32 to index
      %swap3A_793 = arith.index_cast %add3A_751 : i32 to index
      %swap3A_794 = arith.constant 32 : index
      %swap3A_795 = tpu.vector_load %arg6[%swap3A_792, %swap3A_793, %swap3A_794] {strides = array<i32>} : memref<6x128x128xf32, #tpu.memory_space<vmem>>, vector<1x1x16xf32>,
      %swap3A_796 = vector.shape_cast %swap3A_795 : vector<1x1x16xf32> to vector<16xf32>
      %swap3A_797 = vector.shape_cast %mul3A_790 : vector<16xf32> to vector<1x1x16xf32>
      tpu.vector_store %arg6[%swap3A_792, %swap3A_793, %swap3A_794], %swap3A_797 {strides = array<i32>} : memref<6x128x128xf32, #tpu.memory_space<vmem>>, vector<1x1x16xf32>,
      %get3A_798 = arith.constant 1 : i32
      %get3A_799 = arith.index_cast %get3A_798 : i32 to index
      %get3A_800 = arith.index_cast %add3A_751 : i32 to index
      %get3A_801 = arith.constant 48 : index
      %get3A_802 = tpu.vector_load %arg6[%get3A_799, %get3A_800, %get3A_801] {strides = array<i32>} : memref<6x128x128xf32, #tpu.memory_space<vmem>>, vector<1x1x16xf32>,
      %get3A_803 = vector.shape_cast %get3A_802 : vector<1x1x16xf32> to vector<16xf32>
      %mul3A_804 = arith.constant 11.3137083 : f32
      %mul3A_805 = vector.broadcast %mul3A_804 : f32 to vector<16xf32>
      %mul3A_806 = arith.mulf %get3A_803, %mul3A_805 : vector<16xf32>
      %swap3A_807 = arith.constant 1 : i32
      %swap3A_808 = arith.index_cast %swap3A_807 : i32 to index
      %swap3A_809 = arith.index_cast %add3A_751 : i32 to index
      %swap3A_810 = arith.constant 48 : index
      %swap3A_811 = tpu.vector_load %arg6[%swap3A_808, %swap3A_809, %swap3A_810] {strides = array<i32>} : memref<6x128x128xf32, #tpu.memory_space<vmem>>, vector<1x1x16xf32>,
      %swap3A_812 = vector.shape_cast %swap3A_811 : vector<1x1x16xf32> to vector<16xf32>
      %swap3A_813 = vector.shape_cast %mul3A_806 : vector<16xf32> to vector<1x1x16xf32>
      tpu.vector_store %arg6[%swap3A_808, %swap3A_809, %swap3A_810], %swap3A_813 {strides = array<i32>} : memref<6x128x128xf32, #tpu.memory_space<vmem>>, vector<1x1x16xf32>,
      %get3A_814 = arith.constant 1 : i32
      %get3A_815 = arith.index_cast %get3A_814 : i32 to index
      %get3A_816 = arith.index_cast %add3A_751 : i32 to index
      %get3A_817 = arith.constant 64 : index
      %get3A_818 = tpu.vector_load %arg6[%get3A_815, %get3A_816, %get3A_817] {strides = array<i32>} : memref<6x128x128xf32, #tpu.memory_space<vmem>>, vector<1x1x16xf32>,
      %get3A_819 = vector.shape_cast %get3A_818 : vector<1x1x16xf32> to vector<16xf32>
      %mul3A_820 = arith.constant 11.3137083 : f32
      %mul3A_821 = vector.broadcast %mul3A_820 : f32 to vector<16xf32>
      %mul3A_822 = arith.mulf %get3A_819, %mul3A_821 : vector<16xf32>
      %swap3A_823 = arith.constant 1 : i32
      %swap3A_824 = arith.index_cast %swap3A_823 : i32 to index
      %swap3A_825 = arith.index_cast %add3A_751 : i32 to index
      %swap3A_826 = arith.constant 64 : index
      %swap3A_827 = tpu.vector_load %arg6[%swap3A_824, %swap3A_825, %swap3A_826] {strides = array<i32>} : memref<6x128x128xf32, #tpu.memory_space<vmem>>, vector<1x1x16xf32>,
      %swap3A_828 = vector.shape_cast %swap3A_827 : vector<1x1x16xf32> to vector<16xf32>
      %swap3A_829 = vector.shape_cast %mul3A_822 : vector<16xf32> to vector<1x1x16xf32>
      tpu.vector_store %arg6[%swap3A_824, %swap3A_825, %swap3A_826], %swap3A_829 {strides = array<i32>} : memref<6x128x128xf32, #tpu.memory_space<vmem>>, vector<1x1x16xf32>,
      %get3A_830 = arith.constant 1 : i32
      %get3A_831 = arith.index_cast %get3A_830 : i32 to index
      %get3A_832 = arith.index_cast %add3A_751 : i32 to index
      %get3A_833 = arith.constant 80 : index
      %get3A_834 = tpu.vector_load %arg6[%get3A_831, %get3A_832, %get3A_833] {strides = array<i32>} : memref<6x128x128xf32, #tpu.memory_space<vmem>>, vector<1x1x16xf32>,
      %get3A_835 = vector.shape_cast %get3A_834 : vector<1x1x16xf32> to vector<16xf32>
      %mul3A_836 = arith.constant 11.3137083 : f32
      %mul3A_837 = vector.broadcast %mul3A_836 : f32 to vector<16xf32>
      %mul3A_838 = arith.mulf %get3A_835, %mul3A_837 : vector<16xf32>
      %swap3A_839 = arith.constant 1 : i32
      %swap3A_840 = arith.index_cast %swap3A_839 : i32 to index
      %swap3A_841 = arith.index_cast %add3A_751 : i32 to index
      %swap3A_842 = arith.constant 80 : index
      %swap3A_843 = tpu.vector_load %arg6[%swap3A_840, %swap3A_841, %swap3A_842] {strides = array<i32>} : memref<6x128x128xf32, #tpu.memory_space<vmem>>, vector<1x1x16xf32>,
      %swap3A_844 = vector.shape_cast %swap3A_843 : vector<1x1x16xf32> to vector<16xf32>
      %swap3A_845 = vector.shape_cast %mul3A_838 : vector<16xf32> to vector<1x1x16xf32>
      tpu.vector_store %arg6[%swap3A_840, %swap3A_841, %swap3A_842], %swap3A_845 {strides = array<i32>} : memref<6x128x128xf32, #tpu.memory_space<vmem>>, vector<1x1x16xf32>,
      %get3A_846 = arith.constant 1 : i32
      %get3A_847 = arith.index_cast %get3A_846 : i32 to index
      %get3A_848 = arith.index_cast %add3A_751 : i32 to index
      %get3A_849 = arith.constant 96 : index
      %get3A_850 = tpu.vector_load %arg6[%get3A_847, %get3A_848, %get3A_849] {strides = array<i32>} : memref<6x128x128xf32, #tpu.memory_space<vmem>>, vector<1x1x16xf32>,
      %get3A_851 = vector.shape_cast %get3A_850 : vector<1x1x16xf32> to vector<16xf32>
      %mul3A_852 = arith.constant 11.3137083 : f32
      %mul3A_853 = vector.broadcast %mul3A_852 : f32 to vector<16xf32>
      %mul3A_854 = arith.mulf %get3A_851, %mul3A_853 : vector<16xf32>
      %swap3A_855 = arith.constant 1 : i32
      %swap3A_856 = arith.index_cast %swap3A_855 : i32 to index
      %swap3A_857 = arith.index_cast %add3A_751 : i32 to index
      %swap3A_858 = arith.constant 96 : index
      %swap3A_859 = tpu.vector_load %arg6[%swap3A_856, %swap3A_857, %swap3A_858] {strides = array<i32>} : memref<6x128x128xf32, #tpu.memory_space<vmem>>, vector<1x1x16xf32>,
      %swap3A_860 = vector.shape_cast %swap3A_859 : vector<1x1x16xf32> to vector<16xf32>
      %swap3A_861 = vector.shape_cast %mul3A_854 : vector<16xf32> to vector<1x1x16xf32>
      tpu.vector_store %arg6[%swap3A_856, %swap3A_857, %swap3A_858], %swap3A_861 {strides = array<i32>} : memref<6x128x128xf32, #tpu.memory_space<vmem>>, vector<1x1x16xf32>,
      %get3A_862 = arith.constant 1 : i32
      %get3A_863 = arith.index_cast %get3A_862 : i32 to index
      %get3A_864 = arith.index_cast %add3A_751 : i32 to index
      %get3A_865 = arith.constant 112 : index
      %get3A_866 = tpu.vector_load %arg6[%get3A_863, %get3A_864, %get3A_865] {strides = array<i32>} : memref<6x128x128xf32, #tpu.memory_space<vmem>>, vector<1x1x16xf32>,
      %get3A_867 = vector.shape_cast %get3A_866 : vector<1x1x16xf32> to vector<16xf32>
      %mul3A_868 = arith.constant 11.3137083 : f32
      %mul3A_869 = vector.broadcast %mul3A_868 : f32 to vector<16xf32>
      %mul3A_870 = arith.mulf %get3A_867, %mul3A_869 : vector<16xf32>
      %swap3A_871 = arith.constant 1 : i32
      %swap3A_872 = arith.index_cast %swap3A_871 : i32 to index
      %swap3A_873 = arith.index_cast %add3A_751 : i32 to index
      %swap3A_874 = arith.constant 112 : index
      %swap3A_875 = tpu.vector_load %arg6[%swap3A_872, %swap3A_873, %swap3A_874] {strides = array<i32>} : memref<6x128x128xf32, #tpu.memory_space<vmem>>, vector<1x1x16xf32>,
      %swap3A_876 = vector.shape_cast %swap3A_875 : vector<1x1x16xf32> to vector<16xf32>
      %swap3A_877 = vector.shape_cast %mul3A_870 : vector<16xf32> to vector<1x1x16xf32>
      tpu.vector_store %arg6[%swap3A_872, %swap3A_873, %swap3A_874], %swap3A_877 {strides = array<i32>} : memref<6x128x128xf32, #tpu.memory_space<vmem>>, vector<1x1x16xf32>,
    }
    %scan3A_104 = arith.constant 128 : i32
    %add3A_105 = arith.constant 128 : i32
    %add3A_106 = arith.addi %mul3A_2, %add3A_105 : i32
    %dma_start3A_107 = arith.constant 1 : i32
    %dma_start3A_108 = arith.constant 0 : i32
    %dma_start3A_109 = arith.constant 0 : i32
    %dma_start3A_110 = tpu.memref_slice %arg6[%dma_start3A_107, %dma_start3A_108, %dma_start3A_109] : memref<6x128x128xf32, #tpu.memory_space<vmem>> -> memref<1x128x128xf32, #tpu.memory_space<vmem>>
    %dma_start3A_111 = tpu.memref_squeeze %dma_start3A_110 : memref<1x128x128xf32, #tpu.memory_space<vmem>> -> memref<128x128xf32, #tpu.memory_space<vmem>>
    %dma_start3A_112 = arith.constant 0 : i32
    %dma_start3A_113 = tpu.memref_slice %arg4[%add3A_106, %dma_start3A_112] : memref<819200x128xf32, #tpu.memory_space<hbm>> -> memref<128x128xf32, #tpu.memory_space<hbm>>
    %dma_start3A_114 = arith.constant 0 : i32
    %dma_start3A_115 = tpu.memref_slice %arg4[%add3A_106, %dma_start3A_114] : memref<819200x128xf32, #tpu.memory_space<hbm>> -> memref<128x128xf32, #tpu.memory_space<hbm>>
    %dma_start3A_116 = arith.constant 0 : i32
    %dma_start3A_117 = arith.constant 0 : i32
    %dma_start3A_118 = tpu.memref_slice %arg6[%dma_start3A_107, %dma_start3A_116, %dma_start3A_117] : memref<6x128x128xf32, #tpu.memory_space<vmem>> -> memref<1x128x128xf32, #tpu.memory_space<vmem>>
    %dma_start3A_119 = tpu.memref_squeeze %dma_start3A_118 : memref<1x128x128xf32, #tpu.memory_space<vmem>> -> memref<128x128xf32, #tpu.memory_space<vmem>>
    tpu.enqueue_dma source(%dma_start3A_119 : memref<128x128xf32, #tpu.memory_space<vmem>>) target(%dma_start3A_115 : memref<128x128xf32, #tpu.memory_space<hbm>>) target_semaphore(%arg14 : memref<!tpu.dma_semaphore, #tpu.memory_space<semaphore_mem>>)
    %dma_wait3A_120 = arith.constant 0 : i32
    %dma_wait3A_121 = arith.constant 0 : i32
    %dma_wait3A_122 = arith.constant 0 : i32
    %dma_wait3A_123 = tpu.memref_slice %arg6[%dma_wait3A_120, %dma_wait3A_121, %dma_wait3A_122] : memref<6x128x128xf32, #tpu.memory_space<vmem>> -> memref<1x128x128xf32, #tpu.memory_space<vmem>>
    %dma_wait3A_124 = tpu.memref_squeeze %dma_wait3A_123 : memref<1x128x128xf32, #tpu.memory_space<vmem>> -> memref<128x128xf32, #tpu.memory_space<vmem>>
    %dma_wait3A_125 = arith.constant 0 : i32
    %dma_wait3A_126 = tpu.memref_slice %arg4[%mul3A_2, %dma_wait3A_125] : memref<819200x128xf32, #tpu.memory_space<hbm>> -> memref<128x128xf32, #tpu.memory_space<hbm>>
    %dma_wait3A_127 = arith.constant 0 : i32
    %dma_wait3A_128 = tpu.memref_slice %arg4[%mul3A_2, %dma_wait3A_127] : memref<819200x128xf32, #tpu.memory_space<hbm>> -> memref<128x128xf32, #tpu.memory_space<hbm>>
    %dma_wait3A_129 = arith.constant 0 : i32
    %dma_wait3A_130 = arith.constant 0 : i32
    %dma_wait3A_131 = tpu.memref_slice %arg6[%dma_wait3A_120, %dma_wait3A_129, %dma_wait3A_130] : memref<6x128x128xf32, #tpu.memory_space<vmem>> -> memref<1x128x128xf32, #tpu.memory_space<vmem>>
    %dma_wait3A_132 = tpu.memref_squeeze %dma_wait3A_131 : memref<1x128x128xf32, #tpu.memory_space<vmem>> -> memref<128x128xf32, #tpu.memory_space<vmem>>
    tpu.wait_dma2 semaphore(%arg13 : memref<!tpu.dma_semaphore, #tpu.memory_space<semaphore_mem>>) src(%dma_wait3A_132 : memref<128x128xf32, #tpu.memory_space<vmem>>) dst(%dma_wait3A_128 : memref<128x128xf32, #tpu.memory_space<hbm>>)
    %dma_start3A_133 = arith.constant 0 : i32
    %dma_start3A_134 = arith.constant 0 : i32
    %dma_start3A_135 = arith.constant 0 : i32
    %dma_start3A_136 = tpu.memref_slice %arg6[%dma_start3A_133, %dma_start3A_134, %dma_start3A_135] : memref<6x128x128xf32, #tpu.memory_space<vmem>> -> memref<1x128x128xf32, #tpu.memory_space<vmem>>
    %dma_start3A_137 = tpu.memref_squeeze %dma_start3A_136 : memref<1x128x128xf32, #tpu.memory_space<vmem>> -> memref<128x128xf32, #tpu.memory_space<vmem>>
    %dma_start3A_138 = arith.constant 768 : i32
    %dma_start3A_139 = tpu.memref_slice %arg5[%dma_start3A_138] : memref<25600xi32, #tpu.memory_space<vmem>> -> memref<128xi32, #tpu.memory_space<vmem>>
    %dma_start3A_140 = arith.constant 0 : i32
    %dma_start3A_141 = arith.constant 0 : i32
    %dma_start3A_142 = tpu.memref_slice %arg3[%dma_start3A_140, %dma_start3A_141] : memref<100000x128xf32, #tpu.memory_space<hbm>> -> memref<100000x128xf32, #tpu.memory_space<hbm>>
    tpu.enqueue_indirect_dma source(%dma_start3A_142 : memref<100000x128xf32, #tpu.memory_space<hbm>>) target(%dma_start3A_137 : memref<128x128xf32, #tpu.memory_space<vmem>>) offsets(%dma_start3A_139 : memref<128xi32, #tpu.memory_space<vmem>>) semaphore(%arg7 : memref<!tpu.dma_semaphore, #tpu.memory_space<semaphore_mem>>)
    %dma_wait3A_143 = arith.constant 2 : i32
    %dma_wait3A_144 = arith.constant 0 : i32
    %dma_wait3A_145 = arith.constant 0 : i32
    %dma_wait3A_146 = tpu.memref_slice %arg6[%dma_wait3A_143, %dma_wait3A_144, %dma_wait3A_145] : memref<6x128x128xf32, #tpu.memory_space<vmem>> -> memref<1x128x128xf32, #tpu.memory_space<vmem>>
    %dma_wait3A_147 = tpu.memref_squeeze %dma_wait3A_146 : memref<1x128x128xf32, #tpu.memory_space<vmem>> -> memref<128x128xf32, #tpu.memory_space<vmem>>
    %dma_wait3A_148 = arith.constant 0 : i32
    %dma_wait3A_149 = tpu.memref_slice %arg5[%dma_wait3A_148] : memref<25600xi32, #tpu.memory_space<vmem>> -> memref<128xi32, #tpu.memory_space<vmem>>
    %dma_wait3A_150 = arith.constant 0 : i32
    %dma_wait3A_151 = arith.constant 0 : i32
    %dma_wait3A_152 = tpu.memref_slice %arg3[%dma_wait3A_150, %dma_wait3A_151] : memref<100000x128xf32, #tpu.memory_space<hbm>> -> memref<100000x128xf32, #tpu.memory_space<hbm>>
    tpu.wait_indirect_dma semaphore(%arg9 : memref<!tpu.dma_semaphore, #tpu.memory_space<semaphore_mem>>) src(%dma_wait3A_152 : memref<100000x128xf32, #tpu.memory_space<hbm>>) dst(%dma_wait3A_147 : memref<128x128xf32, #tpu.memory_space<vmem>>)
    %scan3A_153 = arith.constant 0 : i32
    %scan3A_154 = arith.constant 128 : i32
    %scan3A_155 = arith.addi %scan3A_153, %scan3A_154 : i32
    %scan3A_156 = arith.constant 1 : i32
    scf.for %scan3A_747 = %scan3A_153 to %scan3A_155 step %scan3A_156  : i32 {
      %mul3A_748 = arith.constant 1 : i32
      %mul3A_749 = arith.muli %scan3A_747, %mul3A_748 : i32
      %add3A_750 = arith.constant 0 : i32
      %add3A_751 = arith.addi %add3A_750, %mul3A_749 : i32
      %get3A = arith.constant 2 : i32
      %get3A_752 = arith.index_cast %get3A : i32 to index
      %get3A_753 = arith.index_cast %add3A_751 : i32 to index
      %get3A_754 = arith.constant 0 : index
      %get3A_755 = tpu.vector_load %arg6[%get3A_752, %get3A_753, %get3A_754] {strides = array<i32>} : memref<6x128x128xf32, #tpu.memory_space<vmem>>, vector<1x1x16xf32>,
      %get3A_756 = vector.shape_cast %get3A_755 : vector<1x1x16xf32> to vector<16xf32>
      %mul3A_757 = arith.constant 11.3137083 : f32
      %mul3A_758 = vector.broadcast %mul3A_757 : f32 to vector<16xf32>
      %mul3A_759 = arith.mulf %get3A_756, %mul3A_758 : vector<16xf32>
      %swap3A = arith.constant 2 : i32
      %swap3A_760 = arith.index_cast %swap3A : i32 to index
      %swap3A_761 = arith.index_cast %add3A_751 : i32 to index
      %swap3A_762 = arith.constant 0 : index
      %swap3A_763 = tpu.vector_load %arg6[%swap3A_760, %swap3A_761, %swap3A_762] {strides = array<i32>} : memref<6x128x128xf32, #tpu.memory_space<vmem>>, vector<1x1x16xf32>,
      %swap3A_764 = vector.shape_cast %swap3A_763 : vector<1x1x16xf32> to vector<16xf32>
      %swap3A_765 = vector.shape_cast %mul3A_759 : vector<16xf32> to vector<1x1x16xf32>
      tpu.vector_store %arg6[%swap3A_760, %swap3A_761, %swap3A_762], %swap3A_765 {strides = array<i32>} : memref<6x128x128xf32, #tpu.memory_space<vmem>>, vector<1x1x16xf32>,
      %get3A_766 = arith.constant 2 : i32
      %get3A_767 = arith.index_cast %get3A_766 : i32 to index
      %get3A_768 = arith.index_cast %add3A_751 : i32 to index
      %get3A_769 = arith.constant 16 : index
      %get3A_770 = tpu.vector_load %arg6[%get3A_767, %get3A_768, %get3A_769] {strides = array<i32>} : memref<6x128x128xf32, #tpu.memory_space<vmem>>, vector<1x1x16xf32>,
      %get3A_771 = vector.shape_cast %get3A_770 : vector<1x1x16xf32> to vector<16xf32>
      %mul3A_772 = arith.constant 11.3137083 : f32
      %mul3A_773 = vector.broadcast %mul3A_772 : f32 to vector<16xf32>
      %mul3A_774 = arith.mulf %get3A_771, %mul3A_773 : vector<16xf32>
      %swap3A_775 = arith.constant 2 : i32
      %swap3A_776 = arith.index_cast %swap3A_775 : i32 to index
      %swap3A_777 = arith.index_cast %add3A_751 : i32 to index
      %swap3A_778 = arith.constant 16 : index
      %swap3A_779 = tpu.vector_load %arg6[%swap3A_776, %swap3A_777, %swap3A_778] {strides = array<i32>} : memref<6x128x128xf32, #tpu.memory_space<vmem>>, vector<1x1x16xf32>,
      %swap3A_780 = vector.shape_cast %swap3A_779 : vector<1x1x16xf32> to vector<16xf32>
      %swap3A_781 = vector.shape_cast %mul3A_774 : vector<16xf32> to vector<1x1x16xf32>
      tpu.vector_store %arg6[%swap3A_776, %swap3A_777, %swap3A_778], %swap3A_781 {strides = array<i32>} : memref<6x128x128xf32, #tpu.memory_space<vmem>>, vector<1x1x16xf32>,
      %get3A_782 = arith.constant 2 : i32
      %get3A_783 = arith.index_cast %get3A_782 : i32 to index
      %get3A_784 = arith.index_cast %add3A_751 : i32 to index
      %get3A_785 = arith.constant 32 : index
      %get3A_786 = tpu.vector_load %arg6[%get3A_783, %get3A_784, %get3A_785] {strides = array<i32>} : memref<6x128x128xf32, #tpu.memory_space<vmem>>, vector<1x1x16xf32>,
      %get3A_787 = vector.shape_cast %get3A_786 : vector<1x1x16xf32> to vector<16xf32>
      %mul3A_788 = arith.constant 11.3137083 : f32
      %mul3A_789 = vector.broadcast %mul3A_788 : f32 to vector<16xf32>
      %mul3A_790 = arith.mulf %get3A_787, %mul3A_789 : vector<16xf32>
      %swap3A_791 = arith.constant 2 : i32
      %swap3A_792 = arith.index_cast %swap3A_791 : i32 to index
      %swap3A_793 = arith.index_cast %add3A_751 : i32 to index
      %swap3A_794 = arith.constant 32 : index
      %swap3A_795 = tpu.vector_load %arg6[%swap3A_792, %swap3A_793, %swap3A_794] {strides = array<i32>} : memref<6x128x128xf32, #tpu.memory_space<vmem>>, vector<1x1x16xf32>,
      %swap3A_796 = vector.shape_cast %swap3A_795 : vector<1x1x16xf32> to vector<16xf32>
      %swap3A_797 = vector.shape_cast %mul3A_790 : vector<16xf32> to vector<1x1x16xf32>
      tpu.vector_store %arg6[%swap3A_792, %swap3A_793, %swap3A_794], %swap3A_797 {strides = array<i32>} : memref<6x128x128xf32, #tpu.memory_space<vmem>>, vector<1x1x16xf32>,
      %get3A_798 = arith.constant 2 : i32
      %get3A_799 = arith.index_cast %get3A_798 : i32 to index
      %get3A_800 = arith.index_cast %add3A_751 : i32 to index
      %get3A_801 = arith.constant 48 : index
      %get3A_802 = tpu.vector_load %arg6[%get3A_799, %get3A_800, %get3A_801] {strides = array<i32>} : memref<6x128x128xf32, #tpu.memory_space<vmem>>, vector<1x1x16xf32>,
      %get3A_803 = vector.shape_cast %get3A_802 : vector<1x1x16xf32> to vector<16xf32>
      %mul3A_804 = arith.constant 11.3137083 : f32
      %mul3A_805 = vector.broadcast %mul3A_804 : f32 to vector<16xf32>
      %mul3A_806 = arith.mulf %get3A_803, %mul3A_805 : vector<16xf32>
      %swap3A_807 = arith.constant 2 : i32
      %swap3A_808 = arith.index_cast %swap3A_807 : i32 to index
      %swap3A_809 = arith.index_cast %add3A_751 : i32 to index
      %swap3A_810 = arith.constant 48 : index
      %swap3A_811 = tpu.vector_load %arg6[%swap3A_808, %swap3A_809, %swap3A_810] {strides = array<i32>} : memref<6x128x128xf32, #tpu.memory_space<vmem>>, vector<1x1x16xf32>,
      %swap3A_812 = vector.shape_cast %swap3A_811 : vector<1x1x16xf32> to vector<16xf32>
      %swap3A_813 = vector.shape_cast %mul3A_806 : vector<16xf32> to vector<1x1x16xf32>
      tpu.vector_store %arg6[%swap3A_808, %swap3A_809, %swap3A_810], %swap3A_813 {strides = array<i32>} : memref<6x128x128xf32, #tpu.memory_space<vmem>>, vector<1x1x16xf32>,
      %get3A_814 = arith.constant 2 : i32
      %get3A_815 = arith.index_cast %get3A_814 : i32 to index
      %get3A_816 = arith.index_cast %add3A_751 : i32 to index
      %get3A_817 = arith.constant 64 : index
      %get3A_818 = tpu.vector_load %arg6[%get3A_815, %get3A_816, %get3A_817] {strides = array<i32>} : memref<6x128x128xf32, #tpu.memory_space<vmem>>, vector<1x1x16xf32>,
      %get3A_819 = vector.shape_cast %get3A_818 : vector<1x1x16xf32> to vector<16xf32>
      %mul3A_820 = arith.constant 11.3137083 : f32
      %mul3A_821 = vector.broadcast %mul3A_820 : f32 to vector<16xf32>
      %mul3A_822 = arith.mulf %get3A_819, %mul3A_821 : vector<16xf32>
      %swap3A_823 = arith.constant 2 : i32
      %swap3A_824 = arith.index_cast %swap3A_823 : i32 to index
      %swap3A_825 = arith.index_cast %add3A_751 : i32 to index
      %swap3A_826 = arith.constant 64 : index
      %swap3A_827 = tpu.vector_load %arg6[%swap3A_824, %swap3A_825, %swap3A_826] {strides = array<i32>} : memref<6x128x128xf32, #tpu.memory_space<vmem>>, vector<1x1x16xf32>,
      %swap3A_828 = vector.shape_cast %swap3A_827 : vector<1x1x16xf32> to vector<16xf32>
      %swap3A_829 = vector.shape_cast %mul3A_822 : vector<16xf32> to vector<1x1x16xf32>
      tpu.vector_store %arg6[%swap3A_824, %swap3A_825, %swap3A_826], %swap3A_829 {strides = array<i32>} : memref<6x128x128xf32, #tpu.memory_space<vmem>>, vector<1x1x16xf32>,
      %get3A_830 = arith.constant 2 : i32
      %get3A_831 = arith.index_cast %get3A_830 : i32 to index
      %get3A_832 = arith.index_cast %add3A_751 : i32 to index
      %get3A_833 = arith.constant 80 : index
      %get3A_834 = tpu.vector_load %arg6[%get3A_831, %get3A_832, %get3A_833] {strides = array<i32>} : memref<6x128x128xf32, #tpu.memory_space<vmem>>, vector<1x1x16xf32>,
      %get3A_835 = vector.shape_cast %get3A_834 : vector<1x1x16xf32> to vector<16xf32>
      %mul3A_836 = arith.constant 11.3137083 : f32
      %mul3A_837 = vector.broadcast %mul3A_836 : f32 to vector<16xf32>
      %mul3A_838 = arith.mulf %get3A_835, %mul3A_837 : vector<16xf32>
      %swap3A_839 = arith.constant 2 : i32
      %swap3A_840 = arith.index_cast %swap3A_839 : i32 to index
      %swap3A_841 = arith.index_cast %add3A_751 : i32 to index
      %swap3A_842 = arith.constant 80 : index
      %swap3A_843 = tpu.vector_load %arg6[%swap3A_840, %swap3A_841, %swap3A_842] {strides = array<i32>} : memref<6x128x128xf32, #tpu.memory_space<vmem>>, vector<1x1x16xf32>,
      %swap3A_844 = vector.shape_cast %swap3A_843 : vector<1x1x16xf32> to vector<16xf32>
      %swap3A_845 = vector.shape_cast %mul3A_838 : vector<16xf32> to vector<1x1x16xf32>
      tpu.vector_store %arg6[%swap3A_840, %swap3A_841, %swap3A_842], %swap3A_845 {strides = array<i32>} : memref<6x128x128xf32, #tpu.memory_space<vmem>>, vector<1x1x16xf32>,
      %get3A_846 = arith.constant 2 : i32
      %get3A_847 = arith.index_cast %get3A_846 : i32 to index
      %get3A_848 = arith.index_cast %add3A_751 : i32 to index
      %get3A_849 = arith.constant 96 : index
      %get3A_850 = tpu.vector_load %arg6[%get3A_847, %get3A_848, %get3A_849] {strides = array<i32>} : memref<6x128x128xf32, #tpu.memory_space<vmem>>, vector<1x1x16xf32>,
      %get3A_851 = vector.shape_cast %get3A_850 : vector<1x1x16xf32> to vector<16xf32>
      %mul3A_852 = arith.constant 11.3137083 : f32
      %mul3A_853 = vector.broadcast %mul3A_852 : f32 to vector<16xf32>
      %mul3A_854 = arith.mulf %get3A_851, %mul3A_853 : vector<16xf32>
      %swap3A_855 = arith.constant 2 : i32
      %swap3A_856 = arith.index_cast %swap3A_855 : i32 to index
      %swap3A_857 = arith.index_cast %add3A_751 : i32 to index
      %swap3A_858 = arith.constant 96 : index
      %swap3A_859 = tpu.vector_load %arg6[%swap3A_856, %swap3A_857, %swap3A_858] {strides = array<i32>} : memref<6x128x128xf32, #tpu.memory_space<vmem>>, vector<1x1x16xf32>,
      %swap3A_860 = vector.shape_cast %swap3A_859 : vector<1x1x16xf32> to vector<16xf32>
      %swap3A_861 = vector.shape_cast %mul3A_854 : vector<16xf32> to vector<1x1x16xf32>
      tpu.vector_store %arg6[%swap3A_856, %swap3A_857, %swap3A_858], %swap3A_861 {strides = array<i32>} : memref<6x128x128xf32, #tpu.memory_space<vmem>>, vector<1x1x16xf32>,
      %get3A_862 = arith.constant 2 : i32
      %get3A_863 = arith.index_cast %get3A_862 : i32 to index
      %get3A_864 = arith.index_cast %add3A_751 : i32 to index
      %get3A_865 = arith.constant 112 : index
      %get3A_866 = tpu.vector_load %arg6[%get3A_863, %get3A_864, %get3A_865] {strides = array<i32>} : memref<6x128x128xf32, #tpu.memory_space<vmem>>, vector<1x1x16xf32>,
      %get3A_867 = vector.shape_cast %get3A_866 : vector<1x1x16xf32> to vector<16xf32>
      %mul3A_868 = arith.constant 11.3137083 : f32
      %mul3A_869 = vector.broadcast %mul3A_868 : f32 to vector<16xf32>
      %mul3A_870 = arith.mulf %get3A_867, %mul3A_869 : vector<16xf32>
      %swap3A_871 = arith.constant 2 : i32
      %swap3A_872 = arith.index_cast %swap3A_871 : i32 to index
      %swap3A_873 = arith.index_cast %add3A_751 : i32 to index
      %swap3A_874 = arith.constant 112 : index
      %swap3A_875 = tpu.vector_load %arg6[%swap3A_872, %swap3A_873, %swap3A_874] {strides = array<i32>} : memref<6x128x128xf32, #tpu.memory_space<vmem>>, vector<1x1x16xf32>,
      %swap3A_876 = vector.shape_cast %swap3A_875 : vector<1x1x16xf32> to vector<16xf32>
      %swap3A_877 = vector.shape_cast %mul3A_870 : vector<16xf32> to vector<1x1x16xf32>
      tpu.vector_store %arg6[%swap3A_872, %swap3A_873, %swap3A_874], %swap3A_877 {strides = array<i32>} : memref<6x128x128xf32, #tpu.memory_space<vmem>>, vector<1x1x16xf32>,
    }
    %scan3A_157 = arith.constant 128 : i32
    %add3A_158 = arith.constant 256 : i32
    %add3A_159 = arith.addi %mul3A_2, %add3A_158 : i32
    %dma_start3A_160 = arith.constant 2 : i32
    %dma_start3A_161 = arith.constant 0 : i32
    %dma_start3A_162 = arith.constant 0 : i32
    %dma_start3A_163 = tpu.memref_slice %arg6[%dma_start3A_160, %dma_start3A_161, %dma_start3A_162] : memref<6x128x128xf32, #tpu.memory_space<vmem>> -> memref<1x128x128xf32, #tpu.memory_space<vmem>>
    %dma_start3A_164 = tpu.memref_squeeze %dma_start3A_163 : memref<1x128x128xf32, #tpu.memory_space<vmem>> -> memref<128x128xf32, #tpu.memory_space<vmem>>
    %dma_start3A_165 = arith.constant 0 : i32
    %dma_start3A_166 = tpu.memref_slice %arg4[%add3A_159, %dma_start3A_165] : memref<819200x128xf32, #tpu.memory_space<hbm>> -> memref<128x128xf32, #tpu.memory_space<hbm>>
    %dma_start3A_167 = arith.constant 0 : i32
    %dma_start3A_168 = tpu.memref_slice %arg4[%add3A_159, %dma_start3A_167] : memref<819200x128xf32, #tpu.memory_space<hbm>> -> memref<128x128xf32, #tpu.memory_space<hbm>>
    %dma_start3A_169 = arith.constant 0 : i32
    %dma_start3A_170 = arith.constant 0 : i32
    %dma_start3A_171 = tpu.memref_slice %arg6[%dma_start3A_160, %dma_start3A_169, %dma_start3A_170] : memref<6x128x128xf32, #tpu.memory_space<vmem>> -> memref<1x128x128xf32, #tpu.memory_space<vmem>>
    %dma_start3A_172 = tpu.memref_squeeze %dma_start3A_171 : memref<1x128x128xf32, #tpu.memory_space<vmem>> -> memref<128x128xf32, #tpu.memory_space<vmem>>
    tpu.enqueue_dma source(%dma_start3A_172 : memref<128x128xf32, #tpu.memory_space<vmem>>) target(%dma_start3A_168 : memref<128x128xf32, #tpu.memory_space<hbm>>) target_semaphore(%arg15 : memref<!tpu.dma_semaphore, #tpu.memory_space<semaphore_mem>>)
    %dma_wait3A_173 = arith.constant 1 : i32
    %dma_wait3A_174 = arith.constant 0 : i32
    %dma_wait3A_175 = arith.constant 0 : i32
    %dma_wait3A_176 = tpu.memref_slice %arg6[%dma_wait3A_173, %dma_wait3A_174, %dma_wait3A_175] : memref<6x128x128xf32, #tpu.memory_space<vmem>> -> memref<1x128x128xf32, #tpu.memory_space<vmem>>
    %dma_wait3A_177 = tpu.memref_squeeze %dma_wait3A_176 : memref<1x128x128xf32, #tpu.memory_space<vmem>> -> memref<128x128xf32, #tpu.memory_space<vmem>>
    %dma_wait3A_178 = arith.constant 0 : i32
    %dma_wait3A_179 = tpu.memref_slice %arg4[%mul3A_2, %dma_wait3A_178] : memref<819200x128xf32, #tpu.memory_space<hbm>> -> memref<128x128xf32, #tpu.memory_space<hbm>>
    %dma_wait3A_180 = arith.constant 0 : i32
    %dma_wait3A_181 = tpu.memref_slice %arg4[%mul3A_2, %dma_wait3A_180] : memref<819200x128xf32, #tpu.memory_space<hbm>> -> memref<128x128xf32, #tpu.memory_space<hbm>>
    %dma_wait3A_182 = arith.constant 0 : i32
    %dma_wait3A_183 = arith.constant 0 : i32
    %dma_wait3A_184 = tpu.memref_slice %arg6[%dma_wait3A_173, %dma_wait3A_182, %dma_wait3A_183] : memref<6x128x128xf32, #tpu.memory_space<vmem>> -> memref<1x128x128xf32, #tpu.memory_space<vmem>>
    %dma_wait3A_185 = tpu.memref_squeeze %dma_wait3A_184 : memref<1x128x128xf32, #tpu.memory_space<vmem>> -> memref<128x128xf32, #tpu.memory_space<vmem>>
    tpu.wait_dma2 semaphore(%arg14 : memref<!tpu.dma_semaphore, #tpu.memory_space<semaphore_mem>>) src(%dma_wait3A_185 : memref<128x128xf32, #tpu.memory_space<vmem>>) dst(%dma_wait3A_181 : memref<128x128xf32, #tpu.memory_space<hbm>>)
    %dma_start3A_186 = arith.constant 1 : i32
    %dma_start3A_187 = arith.constant 0 : i32
    %dma_start3A_188 = arith.constant 0 : i32
    %dma_start3A_189 = tpu.memref_slice %arg6[%dma_start3A_186, %dma_start3A_187, %dma_start3A_188] : memref<6x128x128xf32, #tpu.memory_space<vmem>> -> memref<1x128x128xf32, #tpu.memory_space<vmem>>
    %dma_start3A_190 = tpu.memref_squeeze %dma_start3A_189 : memref<1x128x128xf32, #tpu.memory_space<vmem>> -> memref<128x128xf32, #tpu.memory_space<vmem>>
    %dma_start3A_191 = arith.constant 896 : i32
    %dma_start3A_192 = tpu.memref_slice %arg5[%dma_start3A_191] : memref<25600xi32, #tpu.memory_space<vmem>> -> memref<128xi32, #tpu.memory_space<vmem>>
    %dma_start3A_193 = arith.constant 0 : i32
    %dma_start3A_194 = arith.constant 0 : i32
    %dma_start3A_195 = tpu.memref_slice %arg3[%dma_start3A_193, %dma_start3A_194] : memref<100000x128xf32, #tpu.memory_space<hbm>> -> memref<100000x128xf32, #tpu.memory_space<hbm>>
    tpu.enqueue_indirect_dma source(%dma_start3A_195 : memref<100000x128xf32, #tpu.memory_space<hbm>>) target(%dma_start3A_190 : memref<128x128xf32, #tpu.memory_space<vmem>>) offsets(%dma_start3A_192 : memref<128xi32, #tpu.memory_space<vmem>>) semaphore(%arg8 : memref<!tpu.dma_semaphore, #tpu.memory_space<semaphore_mem>>)
    %dma_wait3A_196 = arith.constant 3 : i32
    %dma_wait3A_197 = arith.constant 0 : i32
    %dma_wait3A_198 = arith.constant 0 : i32
    %dma_wait3A_199 = tpu.memref_slice %arg6[%dma_wait3A_196, %dma_wait3A_197, %dma_wait3A_198] : memref<6x128x128xf32, #tpu.memory_space<vmem>> -> memref<1x128x128xf32, #tpu.memory_space<vmem>>
    %dma_wait3A_200 = tpu.memref_squeeze %dma_wait3A_199 : memref<1x128x128xf32, #tpu.memory_space<vmem>> -> memref<128x128xf32, #tpu.memory_space<vmem>>
    %dma_wait3A_201 = arith.constant 0 : i32
    %dma_wait3A_202 = tpu.memref_slice %arg5[%dma_wait3A_201] : memref<25600xi32, #tpu.memory_space<vmem>> -> memref<128xi32, #tpu.memory_space<vmem>>
    %dma_wait3A_203 = arith.constant 0 : i32
    %dma_wait3A_204 = arith.constant 0 : i32
    %dma_wait3A_205 = tpu.memref_slice %arg3[%dma_wait3A_203, %dma_wait3A_204] : memref<100000x128xf32, #tpu.memory_space<hbm>> -> memref<100000x128xf32, #tpu.memory_space<hbm>>
    tpu.wait_indirect_dma semaphore(%arg10 : memref<!tpu.dma_semaphore, #tpu.memory_space<semaphore_mem>>) src(%dma_wait3A_205 : memref<100000x128xf32, #tpu.memory_space<hbm>>) dst(%dma_wait3A_200 : memref<128x128xf32, #tpu.memory_space<vmem>>)
    %scan3A_206 = arith.constant 0 : i32
    %scan3A_207 = arith.constant 128 : i32
    %scan3A_208 = arith.addi %scan3A_206, %scan3A_207 : i32
    %scan3A_209 = arith.constant 1 : i32
    scf.for %scan3A_747 = %scan3A_206 to %scan3A_208 step %scan3A_209  : i32 {
      %mul3A_748 = arith.constant 1 : i32
      %mul3A_749 = arith.muli %scan3A_747, %mul3A_748 : i32
      %add3A_750 = arith.constant 0 : i32
      %add3A_751 = arith.addi %add3A_750, %mul3A_749 : i32
      %get3A = arith.constant 3 : i32
      %get3A_752 = arith.index_cast %get3A : i32 to index
      %get3A_753 = arith.index_cast %add3A_751 : i32 to index
      %get3A_754 = arith.constant 0 : index
      %get3A_755 = tpu.vector_load %arg6[%get3A_752, %get3A_753, %get3A_754] {strides = array<i32>} : memref<6x128x128xf32, #tpu.memory_space<vmem>>, vector<1x1x16xf32>,
      %get3A_756 = vector.shape_cast %get3A_755 : vector<1x1x16xf32> to vector<16xf32>
      %mul3A_757 = arith.constant 11.3137083 : f32
      %mul3A_758 = vector.broadcast %mul3A_757 : f32 to vector<16xf32>
      %mul3A_759 = arith.mulf %get3A_756, %mul3A_758 : vector<16xf32>
      %swap3A = arith.constant 3 : i32
      %swap3A_760 = arith.index_cast %swap3A : i32 to index
      %swap3A_761 = arith.index_cast %add3A_751 : i32 to index
      %swap3A_762 = arith.constant 0 : index
      %swap3A_763 = tpu.vector_load %arg6[%swap3A_760, %swap3A_761, %swap3A_762] {strides = array<i32>} : memref<6x128x128xf32, #tpu.memory_space<vmem>>, vector<1x1x16xf32>,
      %swap3A_764 = vector.shape_cast %swap3A_763 : vector<1x1x16xf32> to vector<16xf32>
      %swap3A_765 = vector.shape_cast %mul3A_759 : vector<16xf32> to vector<1x1x16xf32>
      tpu.vector_store %arg6[%swap3A_760, %swap3A_761, %swap3A_762], %swap3A_765 {strides = array<i32>} : memref<6x128x128xf32, #tpu.memory_space<vmem>>, vector<1x1x16xf32>,
      %get3A_766 = arith.constant 3 : i32
      %get3A_767 = arith.index_cast %get3A_766 : i32 to index
      %get3A_768 = arith.index_cast %add3A_751 : i32 to index
      %get3A_769 = arith.constant 16 : index
      %get3A_770 = tpu.vector_load %arg6[%get3A_767, %get3A_768, %get3A_769] {strides = array<i32>} : memref<6x128x128xf32, #tpu.memory_space<vmem>>, vector<1x1x16xf32>,
      %get3A_771 = vector.shape_cast %get3A_770 : vector<1x1x16xf32> to vector<16xf32>
      %mul3A_772 = arith.constant 11.3137083 : f32
      %mul3A_773 = vector.broadcast %mul3A_772 : f32 to vector<16xf32>
      %mul3A_774 = arith.mulf %get3A_771, %mul3A_773 : vector<16xf32>
      %swap3A_775 = arith.constant 3 : i32
      %swap3A_776 = arith.index_cast %swap3A_775 : i32 to index
      %swap3A_777 = arith.index_cast %add3A_751 : i32 to index
      %swap3A_778 = arith.constant 16 : index
      %swap3A_779 = tpu.vector_load %arg6[%swap3A_776, %swap3A_777, %swap3A_778] {strides = array<i32>} : memref<6x128x128xf32, #tpu.memory_space<vmem>>, vector<1x1x16xf32>,
      %swap3A_780 = vector.shape_cast %swap3A_779 : vector<1x1x16xf32> to vector<16xf32>
      %swap3A_781 = vector.shape_cast %mul3A_774 : vector<16xf32> to vector<1x1x16xf32>
      tpu.vector_store %arg6[%swap3A_776, %swap3A_777, %swap3A_778], %swap3A_781 {strides = array<i32>} : memref<6x128x128xf32, #tpu.memory_space<vmem>>, vector<1x1x16xf32>,
      %get3A_782 = arith.constant 3 : i32
      %get3A_783 = arith.index_cast %get3A_782 : i32 to index
      %get3A_784 = arith.index_cast %add3A_751 : i32 to index
      %get3A_785 = arith.constant 32 : index
      %get3A_786 = tpu.vector_load %arg6[%get3A_783, %get3A_784, %get3A_785] {strides = array<i32>} : memref<6x128x128xf32, #tpu.memory_space<vmem>>, vector<1x1x16xf32>,
      %get3A_787 = vector.shape_cast %get3A_786 : vector<1x1x16xf32> to vector<16xf32>
      %mul3A_788 = arith.constant 11.3137083 : f32
      %mul3A_789 = vector.broadcast %mul3A_788 : f32 to vector<16xf32>
      %mul3A_790 = arith.mulf %get3A_787, %mul3A_789 : vector<16xf32>
      %swap3A_791 = arith.constant 3 : i32
      %swap3A_792 = arith.index_cast %swap3A_791 : i32 to index
      %swap3A_793 = arith.index_cast %add3A_751 : i32 to index
      %swap3A_794 = arith.constant 32 : index
      %swap3A_795 = tpu.vector_load %arg6[%swap3A_792, %swap3A_793, %swap3A_794] {strides = array<i32>} : memref<6x128x128xf32, #tpu.memory_space<vmem>>, vector<1x1x16xf32>,
      %swap3A_796 = vector.shape_cast %swap3A_795 : vector<1x1x16xf32> to vector<16xf32>
      %swap3A_797 = vector.shape_cast %mul3A_790 : vector<16xf32> to vector<1x1x16xf32>
      tpu.vector_store %arg6[%swap3A_792, %swap3A_793, %swap3A_794], %swap3A_797 {strides = array<i32>} : memref<6x128x128xf32, #tpu.memory_space<vmem>>, vector<1x1x16xf32>,
      %get3A_798 = arith.constant 3 : i32
      %get3A_799 = arith.index_cast %get3A_798 : i32 to index
      %get3A_800 = arith.index_cast %add3A_751 : i32 to index
      %get3A_801 = arith.constant 48 : index
      %get3A_802 = tpu.vector_load %arg6[%get3A_799, %get3A_800, %get3A_801] {strides = array<i32>} : memref<6x128x128xf32, #tpu.memory_space<vmem>>, vector<1x1x16xf32>,
      %get3A_803 = vector.shape_cast %get3A_802 : vector<1x1x16xf32> to vector<16xf32>
      %mul3A_804 = arith.constant 11.3137083 : f32
      %mul3A_805 = vector.broadcast %mul3A_804 : f32 to vector<16xf32>
      %mul3A_806 = arith.mulf %get3A_803, %mul3A_805 : vector<16xf32>
      %swap3A_807 = arith.constant 3 : i32
      %swap3A_808 = arith.index_cast %swap3A_807 : i32 to index
      %swap3A_809 = arith.index_cast %add3A_751 : i32 to index
      %swap3A_810 = arith.constant 48 : index
      %swap3A_811 = tpu.vector_load %arg6[%swap3A_808, %swap3A_809, %swap3A_810] {strides = array<i32>} : memref<6x128x128xf32, #tpu.memory_space<vmem>>, vector<1x1x16xf32>,
      %swap3A_812 = vector.shape_cast %swap3A_811 : vector<1x1x16xf32> to vector<16xf32>
      %swap3A_813 = vector.shape_cast %mul3A_806 : vector<16xf32> to vector<1x1x16xf32>
      tpu.vector_store %arg6[%swap3A_808, %swap3A_809, %swap3A_810], %swap3A_813 {strides = array<i32>} : memref<6x128x128xf32, #tpu.memory_space<vmem>>, vector<1x1x16xf32>,
      %get3A_814 = arith.constant 3 : i32
      %get3A_815 = arith.index_cast %get3A_814 : i32 to index
      %get3A_816 = arith.index_cast %add3A_751 : i32 to index
      %get3A_817 = arith.constant 64 : index
      %get3A_818 = tpu.vector_load %arg6[%get3A_815, %get3A_816, %get3A_817] {strides = array<i32>} : memref<6x128x128xf32, #tpu.memory_space<vmem>>, vector<1x1x16xf32>,
      %get3A_819 = vector.shape_cast %get3A_818 : vector<1x1x16xf32> to vector<16xf32>
      %mul3A_820 = arith.constant 11.3137083 : f32
      %mul3A_821 = vector.broadcast %mul3A_820 : f32 to vector<16xf32>
      %mul3A_822 = arith.mulf %get3A_819, %mul3A_821 : vector<16xf32>
      %swap3A_823 = arith.constant 3 : i32
      %swap3A_824 = arith.index_cast %swap3A_823 : i32 to index
      %swap3A_825 = arith.index_cast %add3A_751 : i32 to index
      %swap3A_826 = arith.constant 64 : index
      %swap3A_827 = tpu.vector_load %arg6[%swap3A_824, %swap3A_825, %swap3A_826] {strides = array<i32>} : memref<6x128x128xf32, #tpu.memory_space<vmem>>, vector<1x1x16xf32>,
      %swap3A_828 = vector.shape_cast %swap3A_827 : vector<1x1x16xf32> to vector<16xf32>
      %swap3A_829 = vector.shape_cast %mul3A_822 : vector<16xf32> to vector<1x1x16xf32>
      tpu.vector_store %arg6[%swap3A_824, %swap3A_825, %swap3A_826], %swap3A_829 {strides = array<i32>} : memref<6x128x128xf32, #tpu.memory_space<vmem>>, vector<1x1x16xf32>,
      %get3A_830 = arith.constant 3 : i32
      %get3A_831 = arith.index_cast %get3A_830 : i32 to index
      %get3A_832 = arith.index_cast %add3A_751 : i32 to index
      %get3A_833 = arith.constant 80 : index
      %get3A_834 = tpu.vector_load %arg6[%get3A_831, %get3A_832, %get3A_833] {strides = array<i32>} : memref<6x128x128xf32, #tpu.memory_space<vmem>>, vector<1x1x16xf32>,
      %get3A_835 = vector.shape_cast %get3A_834 : vector<1x1x16xf32> to vector<16xf32>
      %mul3A_836 = arith.constant 11.3137083 : f32
      %mul3A_837 = vector.broadcast %mul3A_836 : f32 to vector<16xf32>
      %mul3A_838 = arith.mulf %get3A_835, %mul3A_837 : vector<16xf32>
      %swap3A_839 = arith.constant 3 : i32
      %swap3A_840 = arith.index_cast %swap3A_839 : i32 to index
      %swap3A_841 = arith.index_cast %add3A_751 : i32 to index
      %swap3A_842 = arith.constant 80 : index
      %swap3A_843 = tpu.vector_load %arg6[%swap3A_840, %swap3A_841, %swap3A_842] {strides = array<i32>} : memref<6x128x128xf32, #tpu.memory_space<vmem>>, vector<1x1x16xf32>,
      %swap3A_844 = vector.shape_cast %swap3A_843 : vector<1x1x16xf32> to vector<16xf32>
      %swap3A_845 = vector.shape_cast %mul3A_838 : vector<16xf32> to vector<1x1x16xf32>
      tpu.vector_store %arg6[%swap3A_840, %swap3A_841, %swap3A_842], %swap3A_845 {strides = array<i32>} : memref<6x128x128xf32, #tpu.memory_space<vmem>>, vector<1x1x16xf32>,
      %get3A_846 = arith.constant 3 : i32
      %get3A_847 = arith.index_cast %get3A_846 : i32 to index
      %get3A_848 = arith.index_cast %add3A_751 : i32 to index
      %get3A_849 = arith.constant 96 : index
      %get3A_850 = tpu.vector_load %arg6[%get3A_847, %get3A_848, %get3A_849] {strides = array<i32>} : memref<6x128x128xf32, #tpu.memory_space<vmem>>, vector<1x1x16xf32>,
      %get3A_851 = vector.shape_cast %get3A_850 : vector<1x1x16xf32> to vector<16xf32>
      %mul3A_852 = arith.constant 11.3137083 : f32
      %mul3A_853 = vector.broadcast %mul3A_852 : f32 to vector<16xf32>
      %mul3A_854 = arith.mulf %get3A_851, %mul3A_853 : vector<16xf32>
      %swap3A_855 = arith.constant 3 : i32
      %swap3A_856 = arith.index_cast %swap3A_855 : i32 to index
      %swap3A_857 = arith.index_cast %add3A_751 : i32 to index
      %swap3A_858 = arith.constant 96 : index
      %swap3A_859 = tpu.vector_load %arg6[%swap3A_856, %swap3A_857, %swap3A_858] {strides = array<i32>} : memref<6x128x128xf32, #tpu.memory_space<vmem>>, vector<1x1x16xf32>,
      %swap3A_860 = vector.shape_cast %swap3A_859 : vector<1x1x16xf32> to vector<16xf32>
      %swap3A_861 = vector.shape_cast %mul3A_854 : vector<16xf32> to vector<1x1x16xf32>
      tpu.vector_store %arg6[%swap3A_856, %swap3A_857, %swap3A_858], %swap3A_861 {strides = array<i32>} : memref<6x128x128xf32, #tpu.memory_space<vmem>>, vector<1x1x16xf32>,
      %get3A_862 = arith.constant 3 : i32
      %get3A_863 = arith.index_cast %get3A_862 : i32 to index
      %get3A_864 = arith.index_cast %add3A_751 : i32 to index
      %get3A_865 = arith.constant 112 : index
      %get3A_866 = tpu.vector_load %arg6[%get3A_863, %get3A_864, %get3A_865] {strides = array<i32>} : memref<6x128x128xf32, #tpu.memory_space<vmem>>, vector<1x1x16xf32>,
      %get3A_867 = vector.shape_cast %get3A_866 : vector<1x1x16xf32> to vector<16xf32>
      %mul3A_868 = arith.constant 11.3137083 : f32
      %mul3A_869 = vector.broadcast %mul3A_868 : f32 to vector<16xf32>
      %mul3A_870 = arith.mulf %get3A_867, %mul3A_869 : vector<16xf32>
      %swap3A_871 = arith.constant 3 : i32
      %swap3A_872 = arith.index_cast %swap3A_871 : i32 to index
      %swap3A_873 = arith.index_cast %add3A_751 : i32 to index
      %swap3A_874 = arith.constant 112 : index
      %swap3A_875 = tpu.vector_load %arg6[%swap3A_872, %swap3A_873, %swap3A_874] {strides = array<i32>} : memref<6x128x128xf32, #tpu.memory_space<vmem>>, vector<1x1x16xf32>,
      %swap3A_876 = vector.shape_cast %swap3A_875 : vector<1x1x16xf32> to vector<16xf32>
      %swap3A_877 = vector.shape_cast %mul3A_870 : vector<16xf32> to vector<1x1x16xf32>
      tpu.vector_store %arg6[%swap3A_872, %swap3A_873, %swap3A_874], %swap3A_877 {strides = array<i32>} : memref<6x128x128xf32, #tpu.memory_space<vmem>>, vector<1x1x16xf32>,
    }
    %scan3A_210 = arith.constant 128 : i32
    %add3A_211 = arith.constant 384 : i32
    %add3A_212 = arith.addi %mul3A_2, %add3A_211 : i32
    %dma_start3A_213 = arith.constant 3 : i32
    %dma_start3A_214 = arith.constant 0 : i32
    %dma_start3A_215 = arith.constant 0 : i32
    %dma_start3A_216 = tpu.memref_slice %arg6[%dma_start3A_213, %dma_start3A_214, %dma_start3A_215] : memref<6x128x128xf32, #tpu.memory_space<vmem>> -> memref<1x128x128xf32, #tpu.memory_space<vmem>>
    %dma_start3A_217 = tpu.memref_squeeze %dma_start3A_216 : memref<1x128x128xf32, #tpu.memory_space<vmem>> -> memref<128x128xf32, #tpu.memory_space<vmem>>
    %dma_start3A_218 = arith.constant 0 : i32
    %dma_start3A_219 = tpu.memref_slice %arg4[%add3A_212, %dma_start3A_218] : memref<819200x128xf32, #tpu.memory_space<hbm>> -> memref<128x128xf32, #tpu.memory_space<hbm>>
    %dma_start3A_220 = arith.constant 0 : i32
    %dma_start3A_221 = tpu.memref_slice %arg4[%add3A_212, %dma_start3A_220] : memref<819200x128xf32, #tpu.memory_space<hbm>> -> memref<128x128xf32, #tpu.memory_space<hbm>>
    %dma_start3A_222 = arith.constant 0 : i32
    %dma_start3A_223 = arith.constant 0 : i32
    %dma_start3A_224 = tpu.memref_slice %arg6[%dma_start3A_213, %dma_start3A_222, %dma_start3A_223] : memref<6x128x128xf32, #tpu.memory_space<vmem>> -> memref<1x128x128xf32, #tpu.memory_space<vmem>>
    %dma_start3A_225 = tpu.memref_squeeze %dma_start3A_224 : memref<1x128x128xf32, #tpu.memory_space<vmem>> -> memref<128x128xf32, #tpu.memory_space<vmem>>
    tpu.enqueue_dma source(%dma_start3A_225 : memref<128x128xf32, #tpu.memory_space<vmem>>) target(%dma_start3A_221 : memref<128x128xf32, #tpu.memory_space<hbm>>) target_semaphore(%arg16 : memref<!tpu.dma_semaphore, #tpu.memory_space<semaphore_mem>>)
    %dma_wait3A_226 = arith.constant 2 : i32
    %dma_wait3A_227 = arith.constant 0 : i32
    %dma_wait3A_228 = arith.constant 0 : i32
    %dma_wait3A_229 = tpu.memref_slice %arg6[%dma_wait3A_226, %dma_wait3A_227, %dma_wait3A_228] : memref<6x128x128xf32, #tpu.memory_space<vmem>> -> memref<1x128x128xf32, #tpu.memory_space<vmem>>
    %dma_wait3A_230 = tpu.memref_squeeze %dma_wait3A_229 : memref<1x128x128xf32, #tpu.memory_space<vmem>> -> memref<128x128xf32, #tpu.memory_space<vmem>>
    %dma_wait3A_231 = arith.constant 0 : i32
    %dma_wait3A_232 = tpu.memref_slice %arg4[%mul3A_2, %dma_wait3A_231] : memref<819200x128xf32, #tpu.memory_space<hbm>> -> memref<128x128xf32, #tpu.memory_space<hbm>>
    %dma_wait3A_233 = arith.constant 0 : i32
    %dma_wait3A_234 = tpu.memref_slice %arg4[%mul3A_2, %dma_wait3A_233] : memref<819200x128xf32, #tpu.memory_space<hbm>> -> memref<128x128xf32, #tpu.memory_space<hbm>>
    %dma_wait3A_235 = arith.constant 0 : i32
    %dma_wait3A_236 = arith.constant 0 : i32
    %dma_wait3A_237 = tpu.memref_slice %arg6[%dma_wait3A_226, %dma_wait3A_235, %dma_wait3A_236] : memref<6x128x128xf32, #tpu.memory_space<vmem>> -> memref<1x128x128xf32, #tpu.memory_space<vmem>>
    %dma_wait3A_238 = tpu.memref_squeeze %dma_wait3A_237 : memref<1x128x128xf32, #tpu.memory_space<vmem>> -> memref<128x128xf32, #tpu.memory_space<vmem>>
    tpu.wait_dma2 semaphore(%arg15 : memref<!tpu.dma_semaphore, #tpu.memory_space<semaphore_mem>>) src(%dma_wait3A_238 : memref<128x128xf32, #tpu.memory_space<vmem>>) dst(%dma_wait3A_234 : memref<128x128xf32, #tpu.memory_space<hbm>>)
    %dma_start3A_239 = arith.constant 2 : i32
    %dma_start3A_240 = arith.constant 0 : i32
    %dma_start3A_241 = arith.constant 0 : i32
    %dma_start3A_242 = tpu.memref_slice %arg6[%dma_start3A_239, %dma_start3A_240, %dma_start3A_241] : memref<6x128x128xf32, #tpu.memory_space<vmem>> -> memref<1x128x128xf32, #tpu.memory_space<vmem>>
    %dma_start3A_243 = tpu.memref_squeeze %dma_start3A_242 : memref<1x128x128xf32, #tpu.memory_space<vmem>> -> memref<128x128xf32, #tpu.memory_space<vmem>>
    %dma_start3A_244 = arith.constant 1024 : i32
    %dma_start3A_245 = tpu.memref_slice %arg5[%dma_start3A_244] : memref<25600xi32, #tpu.memory_space<vmem>> -> memref<128xi32, #tpu.memory_space<vmem>>
    %dma_start3A_246 = arith.constant 0 : i32
    %dma_start3A_247 = arith.constant 0 : i32
    %dma_start3A_248 = tpu.memref_slice %arg3[%dma_start3A_246, %dma_start3A_247] : memref<100000x128xf32, #tpu.memory_space<hbm>> -> memref<100000x128xf32, #tpu.memory_space<hbm>>
    tpu.enqueue_indirect_dma source(%dma_start3A_248 : memref<100000x128xf32, #tpu.memory_space<hbm>>) target(%dma_start3A_243 : memref<128x128xf32, #tpu.memory_space<vmem>>) offsets(%dma_start3A_245 : memref<128xi32, #tpu.memory_space<vmem>>) semaphore(%arg9 : memref<!tpu.dma_semaphore, #tpu.memory_space<semaphore_mem>>)
    %dma_wait3A_249 = arith.constant 4 : i32
    %dma_wait3A_250 = arith.constant 0 : i32
    %dma_wait3A_251 = arith.constant 0 : i32
    %dma_wait3A_252 = tpu.memref_slice %arg6[%dma_wait3A_249, %dma_wait3A_250, %dma_wait3A_251] : memref<6x128x128xf32, #tpu.memory_space<vmem>> -> memref<1x128x128xf32, #tpu.memory_space<vmem>>
    %dma_wait3A_253 = tpu.memref_squeeze %dma_wait3A_252 : memref<1x128x128xf32, #tpu.memory_space<vmem>> -> memref<128x128xf32, #tpu.memory_space<vmem>>
    %dma_wait3A_254 = arith.constant 0 : i32
    %dma_wait3A_255 = tpu.memref_slice %arg5[%dma_wait3A_254] : memref<25600xi32, #tpu.memory_space<vmem>> -> memref<128xi32, #tpu.memory_space<vmem>>
    %dma_wait3A_256 = arith.constant 0 : i32
    %dma_wait3A_257 = arith.constant 0 : i32
    %dma_wait3A_258 = tpu.memref_slice %arg3[%dma_wait3A_256, %dma_wait3A_257] : memref<100000x128xf32, #tpu.memory_space<hbm>> -> memref<100000x128xf32, #tpu.memory_space<hbm>>
    tpu.wait_indirect_dma semaphore(%arg11 : memref<!tpu.dma_semaphore, #tpu.memory_space<semaphore_mem>>) src(%dma_wait3A_258 : memref<100000x128xf32, #tpu.memory_space<hbm>>) dst(%dma_wait3A_253 : memref<128x128xf32, #tpu.memory_space<vmem>>)
    %scan3A_259 = arith.constant 0 : i32
    %scan3A_260 = arith.constant 128 : i32
    %scan3A_261 = arith.addi %scan3A_259, %scan3A_260 : i32
    %scan3A_262 = arith.constant 1 : i32
    scf.for %scan3A_747 = %scan3A_259 to %scan3A_261 step %scan3A_262  : i32 {
      %mul3A_748 = arith.constant 1 : i32
      %mul3A_749 = arith.muli %scan3A_747, %mul3A_748 : i32
      %add3A_750 = arith.constant 0 : i32
      %add3A_751 = arith.addi %add3A_750, %mul3A_749 : i32
      %get3A = arith.constant 4 : i32
      %get3A_752 = arith.index_cast %get3A : i32 to index
      %get3A_753 = arith.index_cast %add3A_751 : i32 to index
      %get3A_754 = arith.constant 0 : index
      %get3A_755 = tpu.vector_load %arg6[%get3A_752, %get3A_753, %get3A_754] {strides = array<i32>} : memref<6x128x128xf32, #tpu.memory_space<vmem>>, vector<1x1x16xf32>,
      %get3A_756 = vector.shape_cast %get3A_755 : vector<1x1x16xf32> to vector<16xf32>
      %mul3A_757 = arith.constant 11.3137083 : f32
      %mul3A_758 = vector.broadcast %mul3A_757 : f32 to vector<16xf32>
      %mul3A_759 = arith.mulf %get3A_756, %mul3A_758 : vector<16xf32>
      %swap3A = arith.constant 4 : i32
      %swap3A_760 = arith.index_cast %swap3A : i32 to index
      %swap3A_761 = arith.index_cast %add3A_751 : i32 to index
      %swap3A_762 = arith.constant 0 : index
      %swap3A_763 = tpu.vector_load %arg6[%swap3A_760, %swap3A_761, %swap3A_762] {strides = array<i32>} : memref<6x128x128xf32, #tpu.memory_space<vmem>>, vector<1x1x16xf32>,
      %swap3A_764 = vector.shape_cast %swap3A_763 : vector<1x1x16xf32> to vector<16xf32>
      %swap3A_765 = vector.shape_cast %mul3A_759 : vector<16xf32> to vector<1x1x16xf32>
      tpu.vector_store %arg6[%swap3A_760, %swap3A_761, %swap3A_762], %swap3A_765 {strides = array<i32>} : memref<6x128x128xf32, #tpu.memory_space<vmem>>, vector<1x1x16xf32>,
      %get3A_766 = arith.constant 4 : i32
      %get3A_767 = arith.index_cast %get3A_766 : i32 to index
      %get3A_768 = arith.index_cast %add3A_751 : i32 to index
      %get3A_769 = arith.constant 16 : index
      %get3A_770 = tpu.vector_load %arg6[%get3A_767, %get3A_768, %get3A_769] {strides = array<i32>} : memref<6x128x128xf32, #tpu.memory_space<vmem>>, vector<1x1x16xf32>,
      %get3A_771 = vector.shape_cast %get3A_770 : vector<1x1x16xf32> to vector<16xf32>
      %mul3A_772 = arith.constant 11.3137083 : f32
      %mul3A_773 = vector.broadcast %mul3A_772 : f32 to vector<16xf32>
      %mul3A_774 = arith.mulf %get3A_771, %mul3A_773 : vector<16xf32>
      %swap3A_775 = arith.constant 4 : i32
      %swap3A_776 = arith.index_cast %swap3A_775 : i32 to index
      %swap3A_777 = arith.index_cast %add3A_751 : i32 to index
      %swap3A_778 = arith.constant 16 : index
      %swap3A_779 = tpu.vector_load %arg6[%swap3A_776, %swap3A_777, %swap3A_778] {strides = array<i32>} : memref<6x128x128xf32, #tpu.memory_space<vmem>>, vector<1x1x16xf32>,
      %swap3A_780 = vector.shape_cast %swap3A_779 : vector<1x1x16xf32> to vector<16xf32>
      %swap3A_781 = vector.shape_cast %mul3A_774 : vector<16xf32> to vector<1x1x16xf32>
      tpu.vector_store %arg6[%swap3A_776, %swap3A_777, %swap3A_778], %swap3A_781 {strides = array<i32>} : memref<6x128x128xf32, #tpu.memory_space<vmem>>, vector<1x1x16xf32>,
      %get3A_782 = arith.constant 4 : i32
      %get3A_783 = arith.index_cast %get3A_782 : i32 to index
      %get3A_784 = arith.index_cast %add3A_751 : i32 to index
      %get3A_785 = arith.constant 32 : index
      %get3A_786 = tpu.vector_load %arg6[%get3A_783, %get3A_784, %get3A_785] {strides = array<i32>} : memref<6x128x128xf32, #tpu.memory_space<vmem>>, vector<1x1x16xf32>,
      %get3A_787 = vector.shape_cast %get3A_786 : vector<1x1x16xf32> to vector<16xf32>
      %mul3A_788 = arith.constant 11.3137083 : f32
      %mul3A_789 = vector.broadcast %mul3A_788 : f32 to vector<16xf32>
      %mul3A_790 = arith.mulf %get3A_787, %mul3A_789 : vector<16xf32>
      %swap3A_791 = arith.constant 4 : i32
      %swap3A_792 = arith.index_cast %swap3A_791 : i32 to index
      %swap3A_793 = arith.index_cast %add3A_751 : i32 to index
      %swap3A_794 = arith.constant 32 : index
      %swap3A_795 = tpu.vector_load %arg6[%swap3A_792, %swap3A_793, %swap3A_794] {strides = array<i32>} : memref<6x128x128xf32, #tpu.memory_space<vmem>>, vector<1x1x16xf32>,
      %swap3A_796 = vector.shape_cast %swap3A_795 : vector<1x1x16xf32> to vector<16xf32>
      %swap3A_797 = vector.shape_cast %mul3A_790 : vector<16xf32> to vector<1x1x16xf32>
      tpu.vector_store %arg6[%swap3A_792, %swap3A_793, %swap3A_794], %swap3A_797 {strides = array<i32>} : memref<6x128x128xf32, #tpu.memory_space<vmem>>, vector<1x1x16xf32>,
      %get3A_798 = arith.constant 4 : i32
      %get3A_799 = arith.index_cast %get3A_798 : i32 to index
      %get3A_800 = arith.index_cast %add3A_751 : i32 to index
      %get3A_801 = arith.constant 48 : index
      %get3A_802 = tpu.vector_load %arg6[%get3A_799, %get3A_800, %get3A_801] {strides = array<i32>} : memref<6x128x128xf32, #tpu.memory_space<vmem>>, vector<1x1x16xf32>,
      %get3A_803 = vector.shape_cast %get3A_802 : vector<1x1x16xf32> to vector<16xf32>
      %mul3A_804 = arith.constant 11.3137083 : f32
      %mul3A_805 = vector.broadcast %mul3A_804 : f32 to vector<16xf32>
      %mul3A_806 = arith.mulf %get3A_803, %mul3A_805 : vector<16xf32>
      %swap3A_807 = arith.constant 4 : i32
      %swap3A_808 = arith.index_cast %swap3A_807 : i32 to index
      %swap3A_809 = arith.index_cast %add3A_751 : i32 to index
      %swap3A_810 = arith.constant 48 : index
      %swap3A_811 = tpu.vector_load %arg6[%swap3A_808, %swap3A_809, %swap3A_810] {strides = array<i32>} : memref<6x128x128xf32, #tpu.memory_space<vmem>>, vector<1x1x16xf32>,
      %swap3A_812 = vector.shape_cast %swap3A_811 : vector<1x1x16xf32> to vector<16xf32>
      %swap3A_813 = vector.shape_cast %mul3A_806 : vector<16xf32> to vector<1x1x16xf32>
      tpu.vector_store %arg6[%swap3A_808, %swap3A_809, %swap3A_810], %swap3A_813 {strides = array<i32>} : memref<6x128x128xf32, #tpu.memory_space<vmem>>, vector<1x1x16xf32>,
      %get3A_814 = arith.constant 4 : i32
      %get3A_815 = arith.index_cast %get3A_814 : i32 to index
      %get3A_816 = arith.index_cast %add3A_751 : i32 to index
      %get3A_817 = arith.constant 64 : index
      %get3A_818 = tpu.vector_load %arg6[%get3A_815, %get3A_816, %get3A_817] {strides = array<i32>} : memref<6x128x128xf32, #tpu.memory_space<vmem>>, vector<1x1x16xf32>,
      %get3A_819 = vector.shape_cast %get3A_818 : vector<1x1x16xf32> to vector<16xf32>
      %mul3A_820 = arith.constant 11.3137083 : f32
      %mul3A_821 = vector.broadcast %mul3A_820 : f32 to vector<16xf32>
      %mul3A_822 = arith.mulf %get3A_819, %mul3A_821 : vector<16xf32>
      %swap3A_823 = arith.constant 4 : i32
      %swap3A_824 = arith.index_cast %swap3A_823 : i32 to index
      %swap3A_825 = arith.index_cast %add3A_751 : i32 to index
      %swap3A_826 = arith.constant 64 : index
      %swap3A_827 = tpu.vector_load %arg6[%swap3A_824, %swap3A_825, %swap3A_826] {strides = array<i32>} : memref<6x128x128xf32, #tpu.memory_space<vmem>>, vector<1x1x16xf32>,
      %swap3A_828 = vector.shape_cast %swap3A_827 : vector<1x1x16xf32> to vector<16xf32>
      %swap3A_829 = vector.shape_cast %mul3A_822 : vector<16xf32> to vector<1x1x16xf32>
      tpu.vector_store %arg6[%swap3A_824, %swap3A_825, %swap3A_826], %swap3A_829 {strides = array<i32>} : memref<6x128x128xf32, #tpu.memory_space<vmem>>, vector<1x1x16xf32>,
      %get3A_830 = arith.constant 4 : i32
      %get3A_831 = arith.index_cast %get3A_830 : i32 to index
      %get3A_832 = arith.index_cast %add3A_751 : i32 to index
      %get3A_833 = arith.constant 80 : index
      %get3A_834 = tpu.vector_load %arg6[%get3A_831, %get3A_832, %get3A_833] {strides = array<i32>} : memref<6x128x128xf32, #tpu.memory_space<vmem>>, vector<1x1x16xf32>,
      %get3A_835 = vector.shape_cast %get3A_834 : vector<1x1x16xf32> to vector<16xf32>
      %mul3A_836 = arith.constant 11.3137083 : f32
      %mul3A_837 = vector.broadcast %mul3A_836 : f32 to vector<16xf32>
      %mul3A_838 = arith.mulf %get3A_835, %mul3A_837 : vector<16xf32>
      %swap3A_839 = arith.constant 4 : i32
      %swap3A_840 = arith.index_cast %swap3A_839 : i32 to index
      %swap3A_841 = arith.index_cast %add3A_751 : i32 to index
      %swap3A_842 = arith.constant 80 : index
      %swap3A_843 = tpu.vector_load %arg6[%swap3A_840, %swap3A_841, %swap3A_842] {strides = array<i32>} : memref<6x128x128xf32, #tpu.memory_space<vmem>>, vector<1x1x16xf32>,
      %swap3A_844 = vector.shape_cast %swap3A_843 : vector<1x1x16xf32> to vector<16xf32>
      %swap3A_845 = vector.shape_cast %mul3A_838 : vector<16xf32> to vector<1x1x16xf32>
      tpu.vector_store %arg6[%swap3A_840, %swap3A_841, %swap3A_842], %swap3A_845 {strides = array<i32>} : memref<6x128x128xf32, #tpu.memory_space<vmem>>, vector<1x1x16xf32>,
      %get3A_846 = arith.constant 4 : i32
      %get3A_847 = arith.index_cast %get3A_846 : i32 to index
      %get3A_848 = arith.index_cast %add3A_751 : i32 to index
      %get3A_849 = arith.constant 96 : index
      %get3A_850 = tpu.vector_load %arg6[%get3A_847, %get3A_848, %get3A_849] {strides = array<i32>} : memref<6x128x128xf32, #tpu.memory_space<vmem>>, vector<1x1x16xf32>,
      %get3A_851 = vector.shape_cast %get3A_850 : vector<1x1x16xf32> to vector<16xf32>
      %mul3A_852 = arith.constant 11.3137083 : f32
      %mul3A_853 = vector.broadcast %mul3A_852 : f32 to vector<16xf32>
      %mul3A_854 = arith.mulf %get3A_851, %mul3A_853 : vector<16xf32>
      %swap3A_855 = arith.constant 4 : i32
      %swap3A_856 = arith.index_cast %swap3A_855 : i32 to index
      %swap3A_857 = arith.index_cast %add3A_751 : i32 to index
      %swap3A_858 = arith.constant 96 : index
      %swap3A_859 = tpu.vector_load %arg6[%swap3A_856, %swap3A_857, %swap3A_858] {strides = array<i32>} : memref<6x128x128xf32, #tpu.memory_space<vmem>>, vector<1x1x16xf32>,
      %swap3A_860 = vector.shape_cast %swap3A_859 : vector<1x1x16xf32> to vector<16xf32>
      %swap3A_861 = vector.shape_cast %mul3A_854 : vector<16xf32> to vector<1x1x16xf32>
      tpu.vector_store %arg6[%swap3A_856, %swap3A_857, %swap3A_858], %swap3A_861 {strides = array<i32>} : memref<6x128x128xf32, #tpu.memory_space<vmem>>, vector<1x1x16xf32>,
      %get3A_862 = arith.constant 4 : i32
      %get3A_863 = arith.index_cast %get3A_862 : i32 to index
      %get3A_864 = arith.index_cast %add3A_751 : i32 to index
      %get3A_865 = arith.constant 112 : index
      %get3A_866 = tpu.vector_load %arg6[%get3A_863, %get3A_864, %get3A_865] {strides = array<i32>} : memref<6x128x128xf32, #tpu.memory_space<vmem>>, vector<1x1x16xf32>,
      %get3A_867 = vector.shape_cast %get3A_866 : vector<1x1x16xf32> to vector<16xf32>
      %mul3A_868 = arith.constant 11.3137083 : f32
      %mul3A_869 = vector.broadcast %mul3A_868 : f32 to vector<16xf32>
      %mul3A_870 = arith.mulf %get3A_867, %mul3A_869 : vector<16xf32>
      %swap3A_871 = arith.constant 4 : i32
      %swap3A_872 = arith.index_cast %swap3A_871 : i32 to index
      %swap3A_873 = arith.index_cast %add3A_751 : i32 to index
      %swap3A_874 = arith.constant 112 : index
      %swap3A_875 = tpu.vector_load %arg6[%swap3A_872, %swap3A_873, %swap3A_874] {strides = array<i32>} : memref<6x128x128xf32, #tpu.memory_space<vmem>>, vector<1x1x16xf32>,
      %swap3A_876 = vector.shape_cast %swap3A_875 : vector<1x1x16xf32> to vector<16xf32>
      %swap3A_877 = vector.shape_cast %mul3A_870 : vector<16xf32> to vector<1x1x16xf32>
      tpu.vector_store %arg6[%swap3A_872, %swap3A_873, %swap3A_874], %swap3A_877 {strides = array<i32>} : memref<6x128x128xf32, #tpu.memory_space<vmem>>, vector<1x1x16xf32>,
    }
    %scan3A_263 = arith.constant 128 : i32
    %add3A_264 = arith.constant 512 : i32
    %add3A_265 = arith.addi %mul3A_2, %add3A_264 : i32
    %dma_start3A_266 = arith.constant 4 : i32
    %dma_start3A_267 = arith.constant 0 : i32
    %dma_start3A_268 = arith.constant 0 : i32
    %dma_start3A_269 = tpu.memref_slice %arg6[%dma_start3A_266, %dma_start3A_267, %dma_start3A_268] : memref<6x128x128xf32, #tpu.memory_space<vmem>> -> memref<1x128x128xf32, #tpu.memory_space<vmem>>
    %dma_start3A_270 = tpu.memref_squeeze %dma_start3A_269 : memref<1x128x128xf32, #tpu.memory_space<vmem>> -> memref<128x128xf32, #tpu.memory_space<vmem>>
    %dma_start3A_271 = arith.constant 0 : i32
    %dma_start3A_272 = tpu.memref_slice %arg4[%add3A_265, %dma_start3A_271] : memref<819200x128xf32, #tpu.memory_space<hbm>> -> memref<128x128xf32, #tpu.memory_space<hbm>>
    %dma_start3A_273 = arith.constant 0 : i32
    %dma_start3A_274 = tpu.memref_slice %arg4[%add3A_265, %dma_start3A_273] : memref<819200x128xf32, #tpu.memory_space<hbm>> -> memref<128x128xf32, #tpu.memory_space<hbm>>
    %dma_start3A_275 = arith.constant 0 : i32
    %dma_start3A_276 = arith.constant 0 : i32
    %dma_start3A_277 = tpu.memref_slice %arg6[%dma_start3A_266, %dma_start3A_275, %dma_start3A_276] : memref<6x128x128xf32, #tpu.memory_space<vmem>> -> memref<1x128x128xf32, #tpu.memory_space<vmem>>
    %dma_start3A_278 = tpu.memref_squeeze %dma_start3A_277 : memref<1x128x128xf32, #tpu.memory_space<vmem>> -> memref<128x128xf32, #tpu.memory_space<vmem>>
    tpu.enqueue_dma source(%dma_start3A_278 : memref<128x128xf32, #tpu.memory_space<vmem>>) target(%dma_start3A_274 : memref<128x128xf32, #tpu.memory_space<hbm>>) target_semaphore(%arg17 : memref<!tpu.dma_semaphore, #tpu.memory_space<semaphore_mem>>)
    %dma_wait3A_279 = arith.constant 3 : i32
    %dma_wait3A_280 = arith.constant 0 : i32
    %dma_wait3A_281 = arith.constant 0 : i32
    %dma_wait3A_282 = tpu.memref_slice %arg6[%dma_wait3A_279, %dma_wait3A_280, %dma_wait3A_281] : memref<6x128x128xf32, #tpu.memory_space<vmem>> -> memref<1x128x128xf32, #tpu.memory_space<vmem>>
    %dma_wait3A_283 = tpu.memref_squeeze %dma_wait3A_282 : memref<1x128x128xf32, #tpu.memory_space<vmem>> -> memref<128x128xf32, #tpu.memory_space<vmem>>
    %dma_wait3A_284 = arith.constant 0 : i32
    %dma_wait3A_285 = tpu.memref_slice %arg4[%mul3A_2, %dma_wait3A_284] : memref<819200x128xf32, #tpu.memory_space<hbm>> -> memref<128x128xf32, #tpu.memory_space<hbm>>
    %dma_wait3A_286 = arith.constant 0 : i32
    %dma_wait3A_287 = tpu.memref_slice %arg4[%mul3A_2, %dma_wait3A_286] : memref<819200x128xf32, #tpu.memory_space<hbm>> -> memref<128x128xf32, #tpu.memory_space<hbm>>
    %dma_wait3A_288 = arith.constant 0 : i32
    %dma_wait3A_289 = arith.constant 0 : i32
    %dma_wait3A_290 = tpu.memref_slice %arg6[%dma_wait3A_279, %dma_wait3A_288, %dma_wait3A_289] : memref<6x128x128xf32, #tpu.memory_space<vmem>> -> memref<1x128x128xf32, #tpu.memory_space<vmem>>
    %dma_wait3A_291 = tpu.memref_squeeze %dma_wait3A_290 : memref<1x128x128xf32, #tpu.memory_space<vmem>> -> memref<128x128xf32, #tpu.memory_space<vmem>>
    tpu.wait_dma2 semaphore(%arg16 : memref<!tpu.dma_semaphore, #tpu.memory_space<semaphore_mem>>) src(%dma_wait3A_291 : memref<128x128xf32, #tpu.memory_space<vmem>>) dst(%dma_wait3A_287 : memref<128x128xf32, #tpu.memory_space<hbm>>)
    %dma_start3A_292 = arith.constant 3 : i32
    %dma_start3A_293 = arith.constant 0 : i32
    %dma_start3A_294 = arith.constant 0 : i32
    %dma_start3A_295 = tpu.memref_slice %arg6[%dma_start3A_292, %dma_start3A_293, %dma_start3A_294] : memref<6x128x128xf32, #tpu.memory_space<vmem>> -> memref<1x128x128xf32, #tpu.memory_space<vmem>>
    %dma_start3A_296 = tpu.memref_squeeze %dma_start3A_295 : memref<1x128x128xf32, #tpu.memory_space<vmem>> -> memref<128x128xf32, #tpu.memory_space<vmem>>
    %dma_start3A_297 = arith.constant 1152 : i32
    %dma_start3A_298 = tpu.memref_slice %arg5[%dma_start3A_297] : memref<25600xi32, #tpu.memory_space<vmem>> -> memref<128xi32, #tpu.memory_space<vmem>>
    %dma_start3A_299 = arith.constant 0 : i32
    %dma_start3A_300 = arith.constant 0 : i32
    %dma_start3A_301 = tpu.memref_slice %arg3[%dma_start3A_299, %dma_start3A_300] : memref<100000x128xf32, #tpu.memory_space<hbm>> -> memref<100000x128xf32, #tpu.memory_space<hbm>>
    tpu.enqueue_indirect_dma source(%dma_start3A_301 : memref<100000x128xf32, #tpu.memory_space<hbm>>) target(%dma_start3A_296 : memref<128x128xf32, #tpu.memory_space<vmem>>) offsets(%dma_start3A_298 : memref<128xi32, #tpu.memory_space<vmem>>) semaphore(%arg10 : memref<!tpu.dma_semaphore, #tpu.memory_space<semaphore_mem>>)
    %dma_wait3A_302 = arith.constant 5 : i32
    %dma_wait3A_303 = arith.constant 0 : i32
    %dma_wait3A_304 = arith.constant 0 : i32
    %dma_wait3A_305 = tpu.memref_slice %arg6[%dma_wait3A_302, %dma_wait3A_303, %dma_wait3A_304] : memref<6x128x128xf32, #tpu.memory_space<vmem>> -> memref<1x128x128xf32, #tpu.memory_space<vmem>>
    %dma_wait3A_306 = tpu.memref_squeeze %dma_wait3A_305 : memref<1x128x128xf32, #tpu.memory_space<vmem>> -> memref<128x128xf32, #tpu.memory_space<vmem>>
    %dma_wait3A_307 = arith.constant 0 : i32
    %dma_wait3A_308 = tpu.memref_slice %arg5[%dma_wait3A_307] : memref<25600xi32, #tpu.memory_space<vmem>> -> memref<128xi32, #tpu.memory_space<vmem>>
    %dma_wait3A_309 = arith.constant 0 : i32
    %dma_wait3A_310 = arith.constant 0 : i32
    %dma_wait3A_311 = tpu.memref_slice %arg3[%dma_wait3A_309, %dma_wait3A_310] : memref<100000x128xf32, #tpu.memory_space<hbm>> -> memref<100000x128xf32, #tpu.memory_space<hbm>>
    tpu.wait_indirect_dma semaphore(%arg12 : memref<!tpu.dma_semaphore, #tpu.memory_space<semaphore_mem>>) src(%dma_wait3A_311 : memref<100000x128xf32, #tpu.memory_space<hbm>>) dst(%dma_wait3A_306 : memref<128x128xf32, #tpu.memory_space<vmem>>)
    %scan3A_312 = arith.constant 0 : i32
    %scan3A_313 = arith.constant 128 : i32
    %scan3A_314 = arith.addi %scan3A_312, %scan3A_313 : i32
    %scan3A_315 = arith.constant 1 : i32
    scf.for %scan3A_747 = %scan3A_312 to %scan3A_314 step %scan3A_315  : i32 {
      %mul3A_748 = arith.constant 1 : i32
      %mul3A_749 = arith.muli %scan3A_747, %mul3A_748 : i32
      %add3A_750 = arith.constant 0 : i32
      %add3A_751 = arith.addi %add3A_750, %mul3A_749 : i32
      %get3A = arith.constant 5 : i32
      %get3A_752 = arith.index_cast %get3A : i32 to index
      %get3A_753 = arith.index_cast %add3A_751 : i32 to index
      %get3A_754 = arith.constant 0 : index
      %get3A_755 = tpu.vector_load %arg6[%get3A_752, %get3A_753, %get3A_754] {strides = array<i32>} : memref<6x128x128xf32, #tpu.memory_space<vmem>>, vector<1x1x16xf32>,
      %get3A_756 = vector.shape_cast %get3A_755 : vector<1x1x16xf32> to vector<16xf32>
      %mul3A_757 = arith.constant 11.3137083 : f32
      %mul3A_758 = vector.broadcast %mul3A_757 : f32 to vector<16xf32>
      %mul3A_759 = arith.mulf %get3A_756, %mul3A_758 : vector<16xf32>
      %swap3A = arith.constant 5 : i32
      %swap3A_760 = arith.index_cast %swap3A : i32 to index
      %swap3A_761 = arith.index_cast %add3A_751 : i32 to index
      %swap3A_762 = arith.constant 0 : index
      %swap3A_763 = tpu.vector_load %arg6[%swap3A_760, %swap3A_761, %swap3A_762] {strides = array<i32>} : memref<6x128x128xf32, #tpu.memory_space<vmem>>, vector<1x1x16xf32>,
      %swap3A_764 = vector.shape_cast %swap3A_763 : vector<1x1x16xf32> to vector<16xf32>
      %swap3A_765 = vector.shape_cast %mul3A_759 : vector<16xf32> to vector<1x1x16xf32>
      tpu.vector_store %arg6[%swap3A_760, %swap3A_761, %swap3A_762], %swap3A_765 {strides = array<i32>} : memref<6x128x128xf32, #tpu.memory_space<vmem>>, vector<1x1x16xf32>,
      %get3A_766 = arith.constant 5 : i32
      %get3A_767 = arith.index_cast %get3A_766 : i32 to index
      %get3A_768 = arith.index_cast %add3A_751 : i32 to index
      %get3A_769 = arith.constant 16 : index
      %get3A_770 = tpu.vector_load %arg6[%get3A_767, %get3A_768, %get3A_769] {strides = array<i32>} : memref<6x128x128xf32, #tpu.memory_space<vmem>>, vector<1x1x16xf32>,
      %get3A_771 = vector.shape_cast %get3A_770 : vector<1x1x16xf32> to vector<16xf32>
      %mul3A_772 = arith.constant 11.3137083 : f32
      %mul3A_773 = vector.broadcast %mul3A_772 : f32 to vector<16xf32>
      %mul3A_774 = arith.mulf %get3A_771, %mul3A_773 : vector<16xf32>
      %swap3A_775 = arith.constant 5 : i32
      %swap3A_776 = arith.index_cast %swap3A_775 : i32 to index
      %swap3A_777 = arith.index_cast %add3A_751 : i32 to index
      %swap3A_778 = arith.constant 16 : index
      %swap3A_779 = tpu.vector_load %arg6[%swap3A_776, %swap3A_777, %swap3A_778] {strides = array<i32>} : memref<6x128x128xf32, #tpu.memory_space<vmem>>, vector<1x1x16xf32>,
      %swap3A_780 = vector.shape_cast %swap3A_779 : vector<1x1x16xf32> to vector<16xf32>
      %swap3A_781 = vector.shape_cast %mul3A_774 : vector<16xf32> to vector<1x1x16xf32>
      tpu.vector_store %arg6[%swap3A_776, %swap3A_777, %swap3A_778], %swap3A_781 {strides = array<i32>} : memref<6x128x128xf32, #tpu.memory_space<vmem>>, vector<1x1x16xf32>,
      %get3A_782 = arith.constant 5 : i32
      %get3A_783 = arith.index_cast %get3A_782 : i32 to index
      %get3A_784 = arith.index_cast %add3A_751 : i32 to index
      %get3A_785 = arith.constant 32 : index
      %get3A_786 = tpu.vector_load %arg6[%get3A_783, %get3A_784, %get3A_785] {strides = array<i32>} : memref<6x128x128xf32, #tpu.memory_space<vmem>>, vector<1x1x16xf32>,
      %get3A_787 = vector.shape_cast %get3A_786 : vector<1x1x16xf32> to vector<16xf32>
      %mul3A_788 = arith.constant 11.3137083 : f32
      %mul3A_789 = vector.broadcast %mul3A_788 : f32 to vector<16xf32>
      %mul3A_790 = arith.mulf %get3A_787, %mul3A_789 : vector<16xf32>
      %swap3A_791 = arith.constant 5 : i32
      %swap3A_792 = arith.index_cast %swap3A_791 : i32 to index
      %swap3A_793 = arith.index_cast %add3A_751 : i32 to index
      %swap3A_794 = arith.constant 32 : index
      %swap3A_795 = tpu.vector_load %arg6[%swap3A_792, %swap3A_793, %swap3A_794] {strides = array<i32>} : memref<6x128x128xf32, #tpu.memory_space<vmem>>, vector<1x1x16xf32>,
      %swap3A_796 = vector.shape_cast %swap3A_795 : vector<1x1x16xf32> to vector<16xf32>
      %swap3A_797 = vector.shape_cast %mul3A_790 : vector<16xf32> to vector<1x1x16xf32>
      tpu.vector_store %arg6[%swap3A_792, %swap3A_793, %swap3A_794], %swap3A_797 {strides = array<i32>} : memref<6x128x128xf32, #tpu.memory_space<vmem>>, vector<1x1x16xf32>,
      %get3A_798 = arith.constant 5 : i32
      %get3A_799 = arith.index_cast %get3A_798 : i32 to index
      %get3A_800 = arith.index_cast %add3A_751 : i32 to index
      %get3A_801 = arith.constant 48 : index
      %get3A_802 = tpu.vector_load %arg6[%get3A_799, %get3A_800, %get3A_801] {strides = array<i32>} : memref<6x128x128xf32, #tpu.memory_space<vmem>>, vector<1x1x16xf32>,
      %get3A_803 = vector.shape_cast %get3A_802 : vector<1x1x16xf32> to vector<16xf32>
      %mul3A_804 = arith.constant 11.3137083 : f32
      %mul3A_805 = vector.broadcast %mul3A_804 : f32 to vector<16xf32>
      %mul3A_806 = arith.mulf %get3A_803, %mul3A_805 : vector<16xf32>
      %swap3A_807 = arith.constant 5 : i32
      %swap3A_808 = arith.index_cast %swap3A_807 : i32 to index
      %swap3A_809 = arith.index_cast %add3A_751 : i32 to index
      %swap3A_810 = arith.constant 48 : index
      %swap3A_811 = tpu.vector_load %arg6[%swap3A_808, %swap3A_809, %swap3A_810] {strides = array<i32>} : memref<6x128x128xf32, #tpu.memory_space<vmem>>, vector<1x1x16xf32>,
      %swap3A_812 = vector.shape_cast %swap3A_811 : vector<1x1x16xf32> to vector<16xf32>
      %swap3A_813 = vector.shape_cast %mul3A_806 : vector<16xf32> to vector<1x1x16xf32>
      tpu.vector_store %arg6[%swap3A_808, %swap3A_809, %swap3A_810], %swap3A_813 {strides = array<i32>} : memref<6x128x128xf32, #tpu.memory_space<vmem>>, vector<1x1x16xf32>,
      %get3A_814 = arith.constant 5 : i32
      %get3A_815 = arith.index_cast %get3A_814 : i32 to index
      %get3A_816 = arith.index_cast %add3A_751 : i32 to index
      %get3A_817 = arith.constant 64 : index
      %get3A_818 = tpu.vector_load %arg6[%get3A_815, %get3A_816, %get3A_817] {strides = array<i32>} : memref<6x128x128xf32, #tpu.memory_space<vmem>>, vector<1x1x16xf32>,
      %get3A_819 = vector.shape_cast %get3A_818 : vector<1x1x16xf32> to vector<16xf32>
      %mul3A_820 = arith.constant 11.3137083 : f32
      %mul3A_821 = vector.broadcast %mul3A_820 : f32 to vector<16xf32>
      %mul3A_822 = arith.mulf %get3A_819, %mul3A_821 : vector<16xf32>
      %swap3A_823 = arith.constant 5 : i32
      %swap3A_824 = arith.index_cast %swap3A_823 : i32 to index
      %swap3A_825 = arith.index_cast %add3A_751 : i32 to index
      %swap3A_826 = arith.constant 64 : index
      %swap3A_827 = tpu.vector_load %arg6[%swap3A_824, %swap3A_825, %swap3A_826] {strides = array<i32>} : memref<6x128x128xf32, #tpu.memory_space<vmem>>, vector<1x1x16xf32>,
      %swap3A_828 = vector.shape_cast %swap3A_827 : vector<1x1x16xf32> to vector<16xf32>
      %swap3A_829 = vector.shape_cast %mul3A_822 : vector<16xf32> to vector<1x1x16xf32>
      tpu.vector_store %arg6[%swap3A_824, %swap3A_825, %swap3A_826], %swap3A_829 {strides = array<i32>} : memref<6x128x128xf32, #tpu.memory_space<vmem>>, vector<1x1x16xf32>,
      %get3A_830 = arith.constant 5 : i32
      %get3A_831 = arith.index_cast %get3A_830 : i32 to index
      %get3A_832 = arith.index_cast %add3A_751 : i32 to index
      %get3A_833 = arith.constant 80 : index
      %get3A_834 = tpu.vector_load %arg6[%get3A_831, %get3A_832, %get3A_833] {strides = array<i32>} : memref<6x128x128xf32, #tpu.memory_space<vmem>>, vector<1x1x16xf32>,
      %get3A_835 = vector.shape_cast %get3A_834 : vector<1x1x16xf32> to vector<16xf32>
      %mul3A_836 = arith.constant 11.3137083 : f32
      %mul3A_837 = vector.broadcast %mul3A_836 : f32 to vector<16xf32>
      %mul3A_838 = arith.mulf %get3A_835, %mul3A_837 : vector<16xf32>
      %swap3A_839 = arith.constant 5 : i32
      %swap3A_840 = arith.index_cast %swap3A_839 : i32 to index
      %swap3A_841 = arith.index_cast %add3A_751 : i32 to index
      %swap3A_842 = arith.constant 80 : index
      %swap3A_843 = tpu.vector_load %arg6[%swap3A_840, %swap3A_841, %swap3A_842] {strides = array<i32>} : memref<6x128x128xf32, #tpu.memory_space<vmem>>, vector<1x1x16xf32>,
      %swap3A_844 = vector.shape_cast %swap3A_843 : vector<1x1x16xf32> to vector<16xf32>
      %swap3A_845 = vector.shape_cast %mul3A_838 : vector<16xf32> to vector<1x1x16xf32>
      tpu.vector_store %arg6[%swap3A_840, %swap3A_841, %swap3A_842], %swap3A_845 {strides = array<i32>} : memref<6x128x128xf32, #tpu.memory_space<vmem>>, vector<1x1x16xf32>,
      %get3A_846 = arith.constant 5 : i32
      %get3A_847 = arith.index_cast %get3A_846 : i32 to index
      %get3A_848 = arith.index_cast %add3A_751 : i32 to index
      %get3A_849 = arith.constant 96 : index
      %get3A_850 = tpu.vector_load %arg6[%get3A_847, %get3A_848, %get3A_849] {strides = array<i32>} : memref<6x128x128xf32, #tpu.memory_space<vmem>>, vector<1x1x16xf32>,
      %get3A_851 = vector.shape_cast %get3A_850 : vector<1x1x16xf32> to vector<16xf32>
      %mul3A_852 = arith.constant 11.3137083 : f32
      %mul3A_853 = vector.broadcast %mul3A_852 : f32 to vector<16xf32>
      %mul3A_854 = arith.mulf %get3A_851, %mul3A_853 : vector<16xf32>
      %swap3A_855 = arith.constant 5 : i32
      %swap3A_856 = arith.index_cast %swap3A_855 : i32 to index
      %swap3A_857 = arith.index_cast %add3A_751 : i32 to index
      %swap3A_858 = arith.constant 96 : index
      %swap3A_859 = tpu.vector_load %arg6[%swap3A_856, %swap3A_857, %swap3A_858] {strides = array<i32>} : memref<6x128x128xf32, #tpu.memory_space<vmem>>, vector<1x1x16xf32>,
      %swap3A_860 = vector.shape_cast %swap3A_859 : vector<1x1x16xf32> to vector<16xf32>
      %swap3A_861 = vector.shape_cast %mul3A_854 : vector<16xf32> to vector<1x1x16xf32>
      tpu.vector_store %arg6[%swap3A_856, %swap3A_857, %swap3A_858], %swap3A_861 {strides = array<i32>} : memref<6x128x128xf32, #tpu.memory_space<vmem>>, vector<1x1x16xf32>,
      %get3A_862 = arith.constant 5 : i32
      %get3A_863 = arith.index_cast %get3A_862 : i32 to index
      %get3A_864 = arith.index_cast %add3A_751 : i32 to index
      %get3A_865 = arith.constant 112 : index
      %get3A_866 = tpu.vector_load %arg6[%get3A_863, %get3A_864, %get3A_865] {strides = array<i32>} : memref<6x128x128xf32, #tpu.memory_space<vmem>>, vector<1x1x16xf32>,
      %get3A_867 = vector.shape_cast %get3A_866 : vector<1x1x16xf32> to vector<16xf32>
      %mul3A_868 = arith.constant 11.3137083 : f32
      %mul3A_869 = vector.broadcast %mul3A_868 : f32 to vector<16xf32>
      %mul3A_870 = arith.mulf %get3A_867, %mul3A_869 : vector<16xf32>
      %swap3A_871 = arith.constant 5 : i32
      %swap3A_872 = arith.index_cast %swap3A_871 : i32 to index
      %swap3A_873 = arith.index_cast %add3A_751 : i32 to index
      %swap3A_874 = arith.constant 112 : index
      %swap3A_875 = tpu.vector_load %arg6[%swap3A_872, %swap3A_873, %swap3A_874] {strides = array<i32>} : memref<6x128x128xf32, #tpu.memory_space<vmem>>, vector<1x1x16xf32>,
      %swap3A_876 = vector.shape_cast %swap3A_875 : vector<1x1x16xf32> to vector<16xf32>
      %swap3A_877 = vector.shape_cast %mul3A_870 : vector<16xf32> to vector<1x1x16xf32>
      tpu.vector_store %arg6[%swap3A_872, %swap3A_873, %swap3A_874], %swap3A_877 {strides = array<i32>} : memref<6x128x128xf32, #tpu.memory_space<vmem>>, vector<1x1x16xf32>,
    }
    %scan3A_316 = arith.constant 128 : i32
    %add3A_317 = arith.constant 640 : i32
    %add3A_318 = arith.addi %mul3A_2, %add3A_317 : i32
    %dma_start3A_319 = arith.constant 5 : i32
    %dma_start3A_320 = arith.constant 0 : i32
    %dma_start3A_321 = arith.constant 0 : i32
    %dma_start3A_322 = tpu.memref_slice %arg6[%dma_start3A_319, %dma_start3A_320, %dma_start3A_321] : memref<6x128x128xf32, #tpu.memory_space<vmem>> -> memref<1x128x128xf32, #tpu.memory_space<vmem>>
    %dma_start3A_323 = tpu.memref_squeeze %dma_start3A_322 : memref<1x128x128xf32, #tpu.memory_space<vmem>> -> memref<128x128xf32, #tpu.memory_space<vmem>>
    %dma_start3A_324 = arith.constant 0 : i32
    %dma_start3A_325 = tpu.memref_slice %arg4[%add3A_318, %dma_start3A_324] : memref<819200x128xf32, #tpu.memory_space<hbm>> -> memref<128x128xf32, #tpu.memory_space<hbm>>
    %dma_start3A_326 = arith.constant 0 : i32
    %dma_start3A_327 = tpu.memref_slice %arg4[%add3A_318, %dma_start3A_326] : memref<819200x128xf32, #tpu.memory_space<hbm>> -> memref<128x128xf32, #tpu.memory_space<hbm>>
    %dma_start3A_328 = arith.constant 0 : i32
    %dma_start3A_329 = arith.constant 0 : i32
    %dma_start3A_330 = tpu.memref_slice %arg6[%dma_start3A_319, %dma_start3A_328, %dma_start3A_329] : memref<6x128x128xf32, #tpu.memory_space<vmem>> -> memref<1x128x128xf32, #tpu.memory_space<vmem>>
    %dma_start3A_331 = tpu.memref_squeeze %dma_start3A_330 : memref<1x128x128xf32, #tpu.memory_space<vmem>> -> memref<128x128xf32, #tpu.memory_space<vmem>>
    tpu.enqueue_dma source(%dma_start3A_331 : memref<128x128xf32, #tpu.memory_space<vmem>>) target(%dma_start3A_327 : memref<128x128xf32, #tpu.memory_space<hbm>>) target_semaphore(%arg18 : memref<!tpu.dma_semaphore, #tpu.memory_space<semaphore_mem>>)
    %dma_wait3A_332 = arith.constant 4 : i32
    %dma_wait3A_333 = arith.constant 0 : i32
    %dma_wait3A_334 = arith.constant 0 : i32
    %dma_wait3A_335 = tpu.memref_slice %arg6[%dma_wait3A_332, %dma_wait3A_333, %dma_wait3A_334] : memref<6x128x128xf32, #tpu.memory_space<vmem>> -> memref<1x128x128xf32, #tpu.memory_space<vmem>>
    %dma_wait3A_336 = tpu.memref_squeeze %dma_wait3A_335 : memref<1x128x128xf32, #tpu.memory_space<vmem>> -> memref<128x128xf32, #tpu.memory_space<vmem>>
    %dma_wait3A_337 = arith.constant 0 : i32
    %dma_wait3A_338 = tpu.memref_slice %arg4[%mul3A_2, %dma_wait3A_337] : memref<819200x128xf32, #tpu.memory_space<hbm>> -> memref<128x128xf32, #tpu.memory_space<hbm>>
    %dma_wait3A_339 = arith.constant 0 : i32
    %dma_wait3A_340 = tpu.memref_slice %arg4[%mul3A_2, %dma_wait3A_339] : memref<819200x128xf32, #tpu.memory_space<hbm>> -> memref<128x128xf32, #tpu.memory_space<hbm>>
    %dma_wait3A_341 = arith.constant 0 : i32
    %dma_wait3A_342 = arith.constant 0 : i32
    %dma_wait3A_343 = tpu.memref_slice %arg6[%dma_wait3A_332, %dma_wait3A_341, %dma_wait3A_342] : memref<6x128x128xf32, #tpu.memory_space<vmem>> -> memref<1x128x128xf32, #tpu.memory_space<vmem>>
    %dma_wait3A_344 = tpu.memref_squeeze %dma_wait3A_343 : memref<1x128x128xf32, #tpu.memory_space<vmem>> -> memref<128x128xf32, #tpu.memory_space<vmem>>
    tpu.wait_dma2 semaphore(%arg17 : memref<!tpu.dma_semaphore, #tpu.memory_space<semaphore_mem>>) src(%dma_wait3A_344 : memref<128x128xf32, #tpu.memory_space<vmem>>) dst(%dma_wait3A_340 : memref<128x128xf32, #tpu.memory_space<hbm>>)
    %dma_start3A_345 = arith.constant 4 : i32
    %dma_start3A_346 = arith.constant 0 : i32
    %dma_start3A_347 = arith.constant 0 : i32
    %dma_start3A_348 = tpu.memref_slice %arg6[%dma_start3A_345, %dma_start3A_346, %dma_start3A_347] : memref<6x128x128xf32, #tpu.memory_space<vmem>> -> memref<1x128x128xf32, #tpu.memory_space<vmem>>
    %dma_start3A_349 = tpu.memref_squeeze %dma_start3A_348 : memref<1x128x128xf32, #tpu.memory_space<vmem>> -> memref<128x128xf32, #tpu.memory_space<vmem>>
    %dma_start3A_350 = arith.constant 1280 : i32
    %dma_start3A_351 = tpu.memref_slice %arg5[%dma_start3A_350] : memref<25600xi32, #tpu.memory_space<vmem>> -> memref<128xi32, #tpu.memory_space<vmem>>
    %dma_start3A_352 = arith.constant 0 : i32
    %dma_start3A_353 = arith.constant 0 : i32
    %dma_start3A_354 = tpu.memref_slice %arg3[%dma_start3A_352, %dma_start3A_353] : memref<100000x128xf32, #tpu.memory_space<hbm>> -> memref<100000x128xf32, #tpu.memory_space<hbm>>
    tpu.enqueue_indirect_dma source(%dma_start3A_354 : memref<100000x128xf32, #tpu.memory_space<hbm>>) target(%dma_start3A_349 : memref<128x128xf32, #tpu.memory_space<vmem>>) offsets(%dma_start3A_351 : memref<128xi32, #tpu.memory_space<vmem>>) semaphore(%arg11 : memref<!tpu.dma_semaphore, #tpu.memory_space<semaphore_mem>>)
    %scan3A_355 = arith.constant 0 : i32
    %scan3A_356 = arith.constant 31 : i32
    %scan3A_357 = arith.addi %scan3A_355, %scan3A_356 : i32
    %scan3A_358 = arith.constant 1 : i32
    scf.for %scan3A_747 = %scan3A_355 to %scan3A_357 step %scan3A_358  : i32 {
      %mul3A_748 = arith.constant 6 : i32
      %mul3A_749 = arith.muli %scan3A_747, %mul3A_748 : i32
      %add3A_750 = arith.constant 6 : i32
      %add3A_751 = arith.addi %add3A_750, %mul3A_749 : i32
      %add3A_752 = arith.constant 0 : i32
      %add3A_753 = arith.addi %add3A_751, %add3A_752 : i32
      %dma_wait3A_754 = arith.constant 0 : i32
      %dma_wait3A_755 = arith.constant 0 : i32
      %dma_wait3A_756 = arith.constant 0 : i32
      %dma_wait3A_757 = tpu.memref_slice %arg6[%dma_wait3A_754, %dma_wait3A_755, %dma_wait3A_756] : memref<6x128x128xf32, #tpu.memory_space<vmem>> -> memref<1x128x128xf32, #tpu.memory_space<vmem>>
      %dma_wait3A_758 = tpu.memref_squeeze %dma_wait3A_757 : memref<1x128x128xf32, #tpu.memory_space<vmem>> -> memref<128x128xf32, #tpu.memory_space<vmem>>
      %dma_wait3A_759 = arith.constant 0 : i32
      %dma_wait3A_760 = tpu.memref_slice %arg5[%dma_wait3A_759] : memref<25600xi32, #tpu.memory_space<vmem>> -> memref<128xi32, #tpu.memory_space<vmem>>
      %dma_wait3A_761 = arith.constant 0 : i32
      %dma_wait3A_762 = arith.constant 0 : i32
      %dma_wait3A_763 = tpu.memref_slice %arg3[%dma_wait3A_761, %dma_wait3A_762] : memref<100000x128xf32, #tpu.memory_space<hbm>> -> memref<100000x128xf32, #tpu.memory_space<hbm>>
      tpu.wait_indirect_dma semaphore(%arg7 : memref<!tpu.dma_semaphore, #tpu.memory_space<semaphore_mem>>) src(%dma_wait3A_763 : memref<100000x128xf32, #tpu.memory_space<hbm>>) dst(%dma_wait3A_758 : memref<128x128xf32, #tpu.memory_space<vmem>>)
      %scan3A_764 = arith.constant 0 : i32
      %scan3A_765 = arith.constant 128 : i32
      %scan3A_766 = arith.addi %scan3A_764, %scan3A_765 : i32
      %scan3A_767 = arith.constant 1 : i32
      scf.for %scan3A_1106 = %scan3A_764 to %scan3A_766 step %scan3A_767  : i32 {
        %mul3A_1107 = arith.constant 1 : i32
        %mul3A_1108 = arith.muli %scan3A_1106, %mul3A_1107 : i32
        %add3A_1109 = arith.constant 0 : i32
        %add3A_1110 = arith.addi %add3A_1109, %mul3A_1108 : i32
        %get3A = arith.constant 0 : i32
        %get3A_1111 = arith.index_cast %get3A : i32 to index
        %get3A_1112 = arith.index_cast %add3A_1110 : i32 to index
        %get3A_1113 = arith.constant 0 : index
        %get3A_1114 = tpu.vector_load %arg6[%get3A_1111, %get3A_1112, %get3A_1113] {strides = array<i32>} : memref<6x128x128xf32, #tpu.memory_space<vmem>>, vector<1x1x16xf32>,
        %get3A_1115 = vector.shape_cast %get3A_1114 : vector<1x1x16xf32> to vector<16xf32>
        %mul3A_1116 = arith.constant 11.3137083 : f32
        %mul3A_1117 = vector.broadcast %mul3A_1116 : f32 to vector<16xf32>
        %mul3A_1118 = arith.mulf %get3A_1115, %mul3A_1117 : vector<16xf32>
        %swap3A = arith.constant 0 : i32
        %swap3A_1119 = arith.index_cast %swap3A : i32 to index
        %swap3A_1120 = arith.index_cast %add3A_1110 : i32 to index
        %swap3A_1121 = arith.constant 0 : index
        %swap3A_1122 = tpu.vector_load %arg6[%swap3A_1119, %swap3A_1120, %swap3A_1121] {strides = array<i32>} : memref<6x128x128xf32, #tpu.memory_space<vmem>>, vector<1x1x16xf32>,
        %swap3A_1123 = vector.shape_cast %swap3A_1122 : vector<1x1x16xf32> to vector<16xf32>
        %swap3A_1124 = vector.shape_cast %mul3A_1118 : vector<16xf32> to vector<1x1x16xf32>
        tpu.vector_store %arg6[%swap3A_1119, %swap3A_1120, %swap3A_1121], %swap3A_1124 {strides = array<i32>} : memref<6x128x128xf32, #tpu.memory_space<vmem>>, vector<1x1x16xf32>,
        %get3A_1125 = arith.constant 0 : i32
        %get3A_1126 = arith.index_cast %get3A_1125 : i32 to index
        %get3A_1127 = arith.index_cast %add3A_1110 : i32 to index
        %get3A_1128 = arith.constant 16 : index
        %get3A_1129 = tpu.vector_load %arg6[%get3A_1126, %get3A_1127, %get3A_1128] {strides = array<i32>} : memref<6x128x128xf32, #tpu.memory_space<vmem>>, vector<1x1x16xf32>,
        %get3A_1130 = vector.shape_cast %get3A_1129 : vector<1x1x16xf32> to vector<16xf32>
        %mul3A_1131 = arith.constant 11.3137083 : f32
        %mul3A_1132 = vector.broadcast %mul3A_1131 : f32 to vector<16xf32>
        %mul3A_1133 = arith.mulf %get3A_1130, %mul3A_1132 : vector<16xf32>
        %swap3A_1134 = arith.constant 0 : i32
        %swap3A_1135 = arith.index_cast %swap3A_1134 : i32 to index
        %swap3A_1136 = arith.index_cast %add3A_1110 : i32 to index
        %swap3A_1137 = arith.constant 16 : index
        %swap3A_1138 = tpu.vector_load %arg6[%swap3A_1135, %swap3A_1136, %swap3A_1137] {strides = array<i32>} : memref<6x128x128xf32, #tpu.memory_space<vmem>>, vector<1x1x16xf32>,
        %swap3A_1139 = vector.shape_cast %swap3A_1138 : vector<1x1x16xf32> to vector<16xf32>
        %swap3A_1140 = vector.shape_cast %mul3A_1133 : vector<16xf32> to vector<1x1x16xf32>
        tpu.vector_store %arg6[%swap3A_1135, %swap3A_1136, %swap3A_1137], %swap3A_1140 {strides = array<i32>} : memref<6x128x128xf32, #tpu.memory_space<vmem>>, vector<1x1x16xf32>,
        %get3A_1141 = arith.constant 0 : i32
        %get3A_1142 = arith.index_cast %get3A_1141 : i32 to index
        %get3A_1143 = arith.index_cast %add3A_1110 : i32 to index
        %get3A_1144 = arith.constant 32 : index
        %get3A_1145 = tpu.vector_load %arg6[%get3A_1142, %get3A_1143, %get3A_1144] {strides = array<i32>} : memref<6x128x128xf32, #tpu.memory_space<vmem>>, vector<1x1x16xf32>,
        %get3A_1146 = vector.shape_cast %get3A_1145 : vector<1x1x16xf32> to vector<16xf32>
        %mul3A_1147 = arith.constant 11.3137083 : f32
        %mul3A_1148 = vector.broadcast %mul3A_1147 : f32 to vector<16xf32>
        %mul3A_1149 = arith.mulf %get3A_1146, %mul3A_1148 : vector<16xf32>
        %swap3A_1150 = arith.constant 0 : i32
        %swap3A_1151 = arith.index_cast %swap3A_1150 : i32 to index
        %swap3A_1152 = arith.index_cast %add3A_1110 : i32 to index
        %swap3A_1153 = arith.constant 32 : index
        %swap3A_1154 = tpu.vector_load %arg6[%swap3A_1151, %swap3A_1152, %swap3A_1153] {strides = array<i32>} : memref<6x128x128xf32, #tpu.memory_space<vmem>>, vector<1x1x16xf32>,
        %swap3A_1155 = vector.shape_cast %swap3A_1154 : vector<1x1x16xf32> to vector<16xf32>
        %swap3A_1156 = vector.shape_cast %mul3A_1149 : vector<16xf32> to vector<1x1x16xf32>
        tpu.vector_store %arg6[%swap3A_1151, %swap3A_1152, %swap3A_1153], %swap3A_1156 {strides = array<i32>} : memref<6x128x128xf32, #tpu.memory_space<vmem>>, vector<1x1x16xf32>,
        %get3A_1157 = arith.constant 0 : i32
        %get3A_1158 = arith.index_cast %get3A_1157 : i32 to index
        %get3A_1159 = arith.index_cast %add3A_1110 : i32 to index
        %get3A_1160 = arith.constant 48 : index
        %get3A_1161 = tpu.vector_load %arg6[%get3A_1158, %get3A_1159, %get3A_1160] {strides = array<i32>} : memref<6x128x128xf32, #tpu.memory_space<vmem>>, vector<1x1x16xf32>,
        %get3A_1162 = vector.shape_cast %get3A_1161 : vector<1x1x16xf32> to vector<16xf32>
        %mul3A_1163 = arith.constant 11.3137083 : f32
        %mul3A_1164 = vector.broadcast %mul3A_1163 : f32 to vector<16xf32>
        %mul3A_1165 = arith.mulf %get3A_1162, %mul3A_1164 : vector<16xf32>
        %swap3A_1166 = arith.constant 0 : i32
        %swap3A_1167 = arith.index_cast %swap3A_1166 : i32 to index
        %swap3A_1168 = arith.index_cast %add3A_1110 : i32 to index
        %swap3A_1169 = arith.constant 48 : index
        %swap3A_1170 = tpu.vector_load %arg6[%swap3A_1167, %swap3A_1168, %swap3A_1169] {strides = array<i32>} : memref<6x128x128xf32, #tpu.memory_space<vmem>>, vector<1x1x16xf32>,
        %swap3A_1171 = vector.shape_cast %swap3A_1170 : vector<1x1x16xf32> to vector<16xf32>
        %swap3A_1172 = vector.shape_cast %mul3A_1165 : vector<16xf32> to vector<1x1x16xf32>
        tpu.vector_store %arg6[%swap3A_1167, %swap3A_1168, %swap3A_1169], %swap3A_1172 {strides = array<i32>} : memref<6x128x128xf32, #tpu.memory_space<vmem>>, vector<1x1x16xf32>,
        %get3A_1173 = arith.constant 0 : i32
        %get3A_1174 = arith.index_cast %get3A_1173 : i32 to index
        %get3A_1175 = arith.index_cast %add3A_1110 : i32 to index
        %get3A_1176 = arith.constant 64 : index
        %get3A_1177 = tpu.vector_load %arg6[%get3A_1174, %get3A_1175, %get3A_1176] {strides = array<i32>} : memref<6x128x128xf32, #tpu.memory_space<vmem>>, vector<1x1x16xf32>,
        %get3A_1178 = vector.shape_cast %get3A_1177 : vector<1x1x16xf32> to vector<16xf32>
        %mul3A_1179 = arith.constant 11.3137083 : f32
        %mul3A_1180 = vector.broadcast %mul3A_1179 : f32 to vector<16xf32>
        %mul3A_1181 = arith.mulf %get3A_1178, %mul3A_1180 : vector<16xf32>
        %swap3A_1182 = arith.constant 0 : i32
        %swap3A_1183 = arith.index_cast %swap3A_1182 : i32 to index
        %swap3A_1184 = arith.index_cast %add3A_1110 : i32 to index
        %swap3A_1185 = arith.constant 64 : index
        %swap3A_1186 = tpu.vector_load %arg6[%swap3A_1183, %swap3A_1184, %swap3A_1185] {strides = array<i32>} : memref<6x128x128xf32, #tpu.memory_space<vmem>>, vector<1x1x16xf32>,
        %swap3A_1187 = vector.shape_cast %swap3A_1186 : vector<1x1x16xf32> to vector<16xf32>
        %swap3A_1188 = vector.shape_cast %mul3A_1181 : vector<16xf32> to vector<1x1x16xf32>
        tpu.vector_store %arg6[%swap3A_1183, %swap3A_1184, %swap3A_1185], %swap3A_1188 {strides = array<i32>} : memref<6x128x128xf32, #tpu.memory_space<vmem>>, vector<1x1x16xf32>,
        %get3A_1189 = arith.constant 0 : i32
        %get3A_1190 = arith.index_cast %get3A_1189 : i32 to index
        %get3A_1191 = arith.index_cast %add3A_1110 : i32 to index
        %get3A_1192 = arith.constant 80 : index
        %get3A_1193 = tpu.vector_load %arg6[%get3A_1190, %get3A_1191, %get3A_1192] {strides = array<i32>} : memref<6x128x128xf32, #tpu.memory_space<vmem>>, vector<1x1x16xf32>,
        %get3A_1194 = vector.shape_cast %get3A_1193 : vector<1x1x16xf32> to vector<16xf32>
        %mul3A_1195 = arith.constant 11.3137083 : f32
        %mul3A_1196 = vector.broadcast %mul3A_1195 : f32 to vector<16xf32>
        %mul3A_1197 = arith.mulf %get3A_1194, %mul3A_1196 : vector<16xf32>
        %swap3A_1198 = arith.constant 0 : i32
        %swap3A_1199 = arith.index_cast %swap3A_1198 : i32 to index
        %swap3A_1200 = arith.index_cast %add3A_1110 : i32 to index
        %swap3A_1201 = arith.constant 80 : index
        %swap3A_1202 = tpu.vector_load %arg6[%swap3A_1199, %swap3A_1200, %swap3A_1201] {strides = array<i32>} : memref<6x128x128xf32, #tpu.memory_space<vmem>>, vector<1x1x16xf32>,
        %swap3A_1203 = vector.shape_cast %swap3A_1202 : vector<1x1x16xf32> to vector<16xf32>
        %swap3A_1204 = vector.shape_cast %mul3A_1197 : vector<16xf32> to vector<1x1x16xf32>
        tpu.vector_store %arg6[%swap3A_1199, %swap3A_1200, %swap3A_1201], %swap3A_1204 {strides = array<i32>} : memref<6x128x128xf32, #tpu.memory_space<vmem>>, vector<1x1x16xf32>,
        %get3A_1205 = arith.constant 0 : i32
        %get3A_1206 = arith.index_cast %get3A_1205 : i32 to index
        %get3A_1207 = arith.index_cast %add3A_1110 : i32 to index
        %get3A_1208 = arith.constant 96 : index
        %get3A_1209 = tpu.vector_load %arg6[%get3A_1206, %get3A_1207, %get3A_1208] {strides = array<i32>} : memref<6x128x128xf32, #tpu.memory_space<vmem>>, vector<1x1x16xf32>,
        %get3A_1210 = vector.shape_cast %get3A_1209 : vector<1x1x16xf32> to vector<16xf32>
        %mul3A_1211 = arith.constant 11.3137083 : f32
        %mul3A_1212 = vector.broadcast %mul3A_1211 : f32 to vector<16xf32>
        %mul3A_1213 = arith.mulf %get3A_1210, %mul3A_1212 : vector<16xf32>
        %swap3A_1214 = arith.constant 0 : i32
        %swap3A_1215 = arith.index_cast %swap3A_1214 : i32 to index
        %swap3A_1216 = arith.index_cast %add3A_1110 : i32 to index
        %swap3A_1217 = arith.constant 96 : index
        %swap3A_1218 = tpu.vector_load %arg6[%swap3A_1215, %swap3A_1216, %swap3A_1217] {strides = array<i32>} : memref<6x128x128xf32, #tpu.memory_space<vmem>>, vector<1x1x16xf32>,
        %swap3A_1219 = vector.shape_cast %swap3A_1218 : vector<1x1x16xf32> to vector<16xf32>
        %swap3A_1220 = vector.shape_cast %mul3A_1213 : vector<16xf32> to vector<1x1x16xf32>
        tpu.vector_store %arg6[%swap3A_1215, %swap3A_1216, %swap3A_1217], %swap3A_1220 {strides = array<i32>} : memref<6x128x128xf32, #tpu.memory_space<vmem>>, vector<1x1x16xf32>,
        %get3A_1221 = arith.constant 0 : i32
        %get3A_1222 = arith.index_cast %get3A_1221 : i32 to index
        %get3A_1223 = arith.index_cast %add3A_1110 : i32 to index
        %get3A_1224 = arith.constant 112 : index
        %get3A_1225 = tpu.vector_load %arg6[%get3A_1222, %get3A_1223, %get3A_1224] {strides = array<i32>} : memref<6x128x128xf32, #tpu.memory_space<vmem>>, vector<1x1x16xf32>,
        %get3A_1226 = vector.shape_cast %get3A_1225 : vector<1x1x16xf32> to vector<16xf32>
        %mul3A_1227 = arith.constant 11.3137083 : f32
        %mul3A_1228 = vector.broadcast %mul3A_1227 : f32 to vector<16xf32>
        %mul3A_1229 = arith.mulf %get3A_1226, %mul3A_1228 : vector<16xf32>
        %swap3A_1230 = arith.constant 0 : i32
        %swap3A_1231 = arith.index_cast %swap3A_1230 : i32 to index
        %swap3A_1232 = arith.index_cast %add3A_1110 : i32 to index
        %swap3A_1233 = arith.constant 112 : index
        %swap3A_1234 = tpu.vector_load %arg6[%swap3A_1231, %swap3A_1232, %swap3A_1233] {strides = array<i32>} : memref<6x128x128xf32, #tpu.memory_space<vmem>>, vector<1x1x16xf32>,
        %swap3A_1235 = vector.shape_cast %swap3A_1234 : vector<1x1x16xf32> to vector<16xf32>
        %swap3A_1236 = vector.shape_cast %mul3A_1229 : vector<16xf32> to vector<1x1x16xf32>
        tpu.vector_store %arg6[%swap3A_1231, %swap3A_1232, %swap3A_1233], %swap3A_1236 {strides = array<i32>} : memref<6x128x128xf32, #tpu.memory_space<vmem>>, vector<1x1x16xf32>,
      }
      %scan3A_768 = arith.constant 128 : i32
      %mul3A_769 = arith.constant 128 : i32
      %mul3A_770 = arith.muli %add3A_753, %mul3A_769 : i32
      %add3A_771 = arith.addi %mul3A_2, %mul3A_770 : i32
      %dma_start3A_772 = arith.constant 0 : i32
      %dma_start3A_773 = arith.constant 0 : i32
      %dma_start3A_774 = arith.constant 0 : i32
      %dma_start3A_775 = tpu.memref_slice %arg6[%dma_start3A_772, %dma_start3A_773, %dma_start3A_774] : memref<6x128x128xf32, #tpu.memory_space<vmem>> -> memref<1x128x128xf32, #tpu.memory_space<vmem>>
      %dma_start3A_776 = tpu.memref_squeeze %dma_start3A_775 : memref<1x128x128xf32, #tpu.memory_space<vmem>> -> memref<128x128xf32, #tpu.memory_space<vmem>>
      %dma_start3A_777 = arith.constant 0 : i32
      %dma_start3A_778 = tpu.memref_slice %arg4[%add3A_771, %dma_start3A_777] : memref<819200x128xf32, #tpu.memory_space<hbm>> -> memref<128x128xf32, #tpu.memory_space<hbm>>
      %dma_start3A_779 = arith.constant 0 : i32
      %dma_start3A_780 = tpu.memref_slice %arg4[%add3A_771, %dma_start3A_779] : memref<819200x128xf32, #tpu.memory_space<hbm>> -> memref<128x128xf32, #tpu.memory_space<hbm>>
      %dma_start3A_781 = arith.constant 0 : i32
      %dma_start3A_782 = arith.constant 0 : i32
      %dma_start3A_783 = tpu.memref_slice %arg6[%dma_start3A_772, %dma_start3A_781, %dma_start3A_782] : memref<6x128x128xf32, #tpu.memory_space<vmem>> -> memref<1x128x128xf32, #tpu.memory_space<vmem>>
      %dma_start3A_784 = tpu.memref_squeeze %dma_start3A_783 : memref<1x128x128xf32, #tpu.memory_space<vmem>> -> memref<128x128xf32, #tpu.memory_space<vmem>>
      tpu.enqueue_dma source(%dma_start3A_784 : memref<128x128xf32, #tpu.memory_space<vmem>>) target(%dma_start3A_780 : memref<128x128xf32, #tpu.memory_space<hbm>>) target_semaphore(%arg13 : memref<!tpu.dma_semaphore, #tpu.memory_space<semaphore_mem>>)
      %dma_wait3A_785 = arith.constant 5 : i32
      %dma_wait3A_786 = arith.constant 0 : i32
      %dma_wait3A_787 = arith.constant 0 : i32
      %dma_wait3A_788 = tpu.memref_slice %arg6[%dma_wait3A_785, %dma_wait3A_786, %dma_wait3A_787] : memref<6x128x128xf32, #tpu.memory_space<vmem>> -> memref<1x128x128xf32, #tpu.memory_space<vmem>>
      %dma_wait3A_789 = tpu.memref_squeeze %dma_wait3A_788 : memref<1x128x128xf32, #tpu.memory_space<vmem>> -> memref<128x128xf32, #tpu.memory_space<vmem>>
      %dma_wait3A_790 = arith.constant 0 : i32
      %dma_wait3A_791 = tpu.memref_slice %arg4[%mul3A_2, %dma_wait3A_790] : memref<819200x128xf32, #tpu.memory_space<hbm>> -> memref<128x128xf32, #tpu.memory_space<hbm>>
      %dma_wait3A_792 = arith.constant 0 : i32
      %dma_wait3A_793 = tpu.memref_slice %arg4[%mul3A_2, %dma_wait3A_792] : memref<819200x128xf32, #tpu.memory_space<hbm>> -> memref<128x128xf32, #tpu.memory_space<hbm>>
      %dma_wait3A_794 = arith.constant 0 : i32
      %dma_wait3A_795 = arith.constant 0 : i32
      %dma_wait3A_796 = tpu.memref_slice %arg6[%dma_wait3A_785, %dma_wait3A_794, %dma_wait3A_795] : memref<6x128x128xf32, #tpu.memory_space<vmem>> -> memref<1x128x128xf32, #tpu.memory_space<vmem>>
      %dma_wait3A_797 = tpu.memref_squeeze %dma_wait3A_796 : memref<1x128x128xf32, #tpu.memory_space<vmem>> -> memref<128x128xf32, #tpu.memory_space<vmem>>
      tpu.wait_dma2 semaphore(%arg18 : memref<!tpu.dma_semaphore, #tpu.memory_space<semaphore_mem>>) src(%dma_wait3A_797 : memref<128x128xf32, #tpu.memory_space<vmem>>) dst(%dma_wait3A_793 : memref<128x128xf32, #tpu.memory_space<hbm>>)
      %add3A_798 = arith.constant 5 : i32
      %add3A_799 = arith.addi %add3A_753, %add3A_798 : i32
      %mul3A_800 = arith.constant 128 : i32
      %mul3A_801 = arith.muli %add3A_799, %mul3A_800 : i32
      %dma_start3A_802 = arith.constant 5 : i32
      %dma_start3A_803 = arith.constant 0 : i32
      %dma_start3A_804 = arith.constant 0 : i32
      %dma_start3A_805 = tpu.memref_slice %arg6[%dma_start3A_802, %dma_start3A_803, %dma_start3A_804] : memref<6x128x128xf32, #tpu.memory_space<vmem>> -> memref<1x128x128xf32, #tpu.memory_space<vmem>>
      %dma_start3A_806 = tpu.memref_squeeze %dma_start3A_805 : memref<1x128x128xf32, #tpu.memory_space<vmem>> -> memref<128x128xf32, #tpu.memory_space<vmem>>
      %dma_start3A_807 = tpu.memref_slice %arg5[%mul3A_801] : memref<25600xi32, #tpu.memory_space<vmem>> -> memref<128xi32, #tpu.memory_space<vmem>>
      %dma_start3A_808 = arith.constant 0 : i32
      %dma_start3A_809 = arith.constant 0 : i32
      %dma_start3A_810 = tpu.memref_slice %arg3[%dma_start3A_808, %dma_start3A_809] : memref<100000x128xf32, #tpu.memory_space<hbm>> -> memref<100000x128xf32, #tpu.memory_space<hbm>>
      tpu.enqueue_indirect_dma source(%dma_start3A_810 : memref<100000x128xf32, #tpu.memory_space<hbm>>) target(%dma_start3A_806 : memref<128x128xf32, #tpu.memory_space<vmem>>) offsets(%dma_start3A_807 : memref<128xi32, #tpu.memory_space<vmem>>) semaphore(%arg12 : memref<!tpu.dma_semaphore, #tpu.memory_space<semaphore_mem>>)
      %add3A_811 = arith.constant 1 : i32
      %add3A_812 = arith.addi %add3A_751, %add3A_811 : i32
      %dma_wait3A_813 = arith.constant 1 : i32
      %dma_wait3A_814 = arith.constant 0 : i32
      %dma_wait3A_815 = arith.constant 0 : i32
      %dma_wait3A_816 = tpu.memref_slice %arg6[%dma_wait3A_813, %dma_wait3A_814, %dma_wait3A_815] : memref<6x128x128xf32, #tpu.memory_space<vmem>> -> memref<1x128x128xf32, #tpu.memory_space<vmem>>
      %dma_wait3A_817 = tpu.memref_squeeze %dma_wait3A_816 : memref<1x128x128xf32, #tpu.memory_space<vmem>> -> memref<128x128xf32, #tpu.memory_space<vmem>>
      %dma_wait3A_818 = arith.constant 0 : i32
      %dma_wait3A_819 = tpu.memref_slice %arg5[%dma_wait3A_818] : memref<25600xi32, #tpu.memory_space<vmem>> -> memref<128xi32, #tpu.memory_space<vmem>>
      %dma_wait3A_820 = arith.constant 0 : i32
      %dma_wait3A_821 = arith.constant 0 : i32
      %dma_wait3A_822 = tpu.memref_slice %arg3[%dma_wait3A_820, %dma_wait3A_821] : memref<100000x128xf32, #tpu.memory_space<hbm>> -> memref<100000x128xf32, #tpu.memory_space<hbm>>
      tpu.wait_indirect_dma semaphore(%arg8 : memref<!tpu.dma_semaphore, #tpu.memory_space<semaphore_mem>>) src(%dma_wait3A_822 : memref<100000x128xf32, #tpu.memory_space<hbm>>) dst(%dma_wait3A_817 : memref<128x128xf32, #tpu.memory_space<vmem>>)
      %scan3A_823 = arith.constant 0 : i32
      %scan3A_824 = arith.constant 128 : i32
      %scan3A_825 = arith.addi %scan3A_823, %scan3A_824 : i32
      %scan3A_826 = arith.constant 1 : i32
      scf.for %scan3A_1106 = %scan3A_823 to %scan3A_825 step %scan3A_826  : i32 {
        %mul3A_1107 = arith.constant 1 : i32
        %mul3A_1108 = arith.muli %scan3A_1106, %mul3A_1107 : i32
        %add3A_1109 = arith.constant 0 : i32
        %add3A_1110 = arith.addi %add3A_1109, %mul3A_1108 : i32
        %get3A = arith.constant 1 : i32
        %get3A_1111 = arith.index_cast %get3A : i32 to index
        %get3A_1112 = arith.index_cast %add3A_1110 : i32 to index
        %get3A_1113 = arith.constant 0 : index
        %get3A_1114 = tpu.vector_load %arg6[%get3A_1111, %get3A_1112, %get3A_1113] {strides = array<i32>} : memref<6x128x128xf32, #tpu.memory_space<vmem>>, vector<1x1x16xf32>,
        %get3A_1115 = vector.shape_cast %get3A_1114 : vector<1x1x16xf32> to vector<16xf32>
        %mul3A_1116 = arith.constant 11.3137083 : f32
        %mul3A_1117 = vector.broadcast %mul3A_1116 : f32 to vector<16xf32>
        %mul3A_1118 = arith.mulf %get3A_1115, %mul3A_1117 : vector<16xf32>
        %swap3A = arith.constant 1 : i32
        %swap3A_1119 = arith.index_cast %swap3A : i32 to index
        %swap3A_1120 = arith.index_cast %add3A_1110 : i32 to index
        %swap3A_1121 = arith.constant 0 : index
        %swap3A_1122 = tpu.vector_load %arg6[%swap3A_1119, %swap3A_1120, %swap3A_1121] {strides = array<i32>} : memref<6x128x128xf32, #tpu.memory_space<vmem>>, vector<1x1x16xf32>,
        %swap3A_1123 = vector.shape_cast %swap3A_1122 : vector<1x1x16xf32> to vector<16xf32>
        %swap3A_1124 = vector.shape_cast %mul3A_1118 : vector<16xf32> to vector<1x1x16xf32>
        tpu.vector_store %arg6[%swap3A_1119, %swap3A_1120, %swap3A_1121], %swap3A_1124 {strides = array<i32>} : memref<6x128x128xf32, #tpu.memory_space<vmem>>, vector<1x1x16xf32>,
        %get3A_1125 = arith.constant 1 : i32
        %get3A_1126 = arith.index_cast %get3A_1125 : i32 to index
        %get3A_1127 = arith.index_cast %add3A_1110 : i32 to index
        %get3A_1128 = arith.constant 16 : index
        %get3A_1129 = tpu.vector_load %arg6[%get3A_1126, %get3A_1127, %get3A_1128] {strides = array<i32>} : memref<6x128x128xf32, #tpu.memory_space<vmem>>, vector<1x1x16xf32>,
        %get3A_1130 = vector.shape_cast %get3A_1129 : vector<1x1x16xf32> to vector<16xf32>
        %mul3A_1131 = arith.constant 11.3137083 : f32
        %mul3A_1132 = vector.broadcast %mul3A_1131 : f32 to vector<16xf32>
        %mul3A_1133 = arith.mulf %get3A_1130, %mul3A_1132 : vector<16xf32>
        %swap3A_1134 = arith.constant 1 : i32
        %swap3A_1135 = arith.index_cast %swap3A_1134 : i32 to index
        %swap3A_1136 = arith.index_cast %add3A_1110 : i32 to index
        %swap3A_1137 = arith.constant 16 : index
        %swap3A_1138 = tpu.vector_load %arg6[%swap3A_1135, %swap3A_1136, %swap3A_1137] {strides = array<i32>} : memref<6x128x128xf32, #tpu.memory_space<vmem>>, vector<1x1x16xf32>,
        %swap3A_1139 = vector.shape_cast %swap3A_1138 : vector<1x1x16xf32> to vector<16xf32>
        %swap3A_1140 = vector.shape_cast %mul3A_1133 : vector<16xf32> to vector<1x1x16xf32>
        tpu.vector_store %arg6[%swap3A_1135, %swap3A_1136, %swap3A_1137], %swap3A_1140 {strides = array<i32>} : memref<6x128x128xf32, #tpu.memory_space<vmem>>, vector<1x1x16xf32>,
        %get3A_1141 = arith.constant 1 : i32
        %get3A_1142 = arith.index_cast %get3A_1141 : i32 to index
        %get3A_1143 = arith.index_cast %add3A_1110 : i32 to index
        %get3A_1144 = arith.constant 32 : index
        %get3A_1145 = tpu.vector_load %arg6[%get3A_1142, %get3A_1143, %get3A_1144] {strides = array<i32>} : memref<6x128x128xf32, #tpu.memory_space<vmem>>, vector<1x1x16xf32>,
        %get3A_1146 = vector.shape_cast %get3A_1145 : vector<1x1x16xf32> to vector<16xf32>
        %mul3A_1147 = arith.constant 11.3137083 : f32
        %mul3A_1148 = vector.broadcast %mul3A_1147 : f32 to vector<16xf32>
        %mul3A_1149 = arith.mulf %get3A_1146, %mul3A_1148 : vector<16xf32>
        %swap3A_1150 = arith.constant 1 : i32
        %swap3A_1151 = arith.index_cast %swap3A_1150 : i32 to index
        %swap3A_1152 = arith.index_cast %add3A_1110 : i32 to index
        %swap3A_1153 = arith.constant 32 : index
        %swap3A_1154 = tpu.vector_load %arg6[%swap3A_1151, %swap3A_1152, %swap3A_1153] {strides = array<i32>} : memref<6x128x128xf32, #tpu.memory_space<vmem>>, vector<1x1x16xf32>,
        %swap3A_1155 = vector.shape_cast %swap3A_1154 : vector<1x1x16xf32> to vector<16xf32>
        %swap3A_1156 = vector.shape_cast %mul3A_1149 : vector<16xf32> to vector<1x1x16xf32>
        tpu.vector_store %arg6[%swap3A_1151, %swap3A_1152, %swap3A_1153], %swap3A_1156 {strides = array<i32>} : memref<6x128x128xf32, #tpu.memory_space<vmem>>, vector<1x1x16xf32>,
        %get3A_1157 = arith.constant 1 : i32
        %get3A_1158 = arith.index_cast %get3A_1157 : i32 to index
        %get3A_1159 = arith.index_cast %add3A_1110 : i32 to index
        %get3A_1160 = arith.constant 48 : index
        %get3A_1161 = tpu.vector_load %arg6[%get3A_1158, %get3A_1159, %get3A_1160] {strides = array<i32>} : memref<6x128x128xf32, #tpu.memory_space<vmem>>, vector<1x1x16xf32>,
        %get3A_1162 = vector.shape_cast %get3A_1161 : vector<1x1x16xf32> to vector<16xf32>
        %mul3A_1163 = arith.constant 11.3137083 : f32
        %mul3A_1164 = vector.broadcast %mul3A_1163 : f32 to vector<16xf32>
        %mul3A_1165 = arith.mulf %get3A_1162, %mul3A_1164 : vector<16xf32>
        %swap3A_1166 = arith.constant 1 : i32
        %swap3A_1167 = arith.index_cast %swap3A_1166 : i32 to index
        %swap3A_1168 = arith.index_cast %add3A_1110 : i32 to index
        %swap3A_1169 = arith.constant 48 : index
        %swap3A_1170 = tpu.vector_load %arg6[%swap3A_1167, %swap3A_1168, %swap3A_1169] {strides = array<i32>} : memref<6x128x128xf32, #tpu.memory_space<vmem>>, vector<1x1x16xf32>,
        %swap3A_1171 = vector.shape_cast %swap3A_1170 : vector<1x1x16xf32> to vector<16xf32>
        %swap3A_1172 = vector.shape_cast %mul3A_1165 : vector<16xf32> to vector<1x1x16xf32>
        tpu.vector_store %arg6[%swap3A_1167, %swap3A_1168, %swap3A_1169], %swap3A_1172 {strides = array<i32>} : memref<6x128x128xf32, #tpu.memory_space<vmem>>, vector<1x1x16xf32>,
        %get3A_1173 = arith.constant 1 : i32
        %get3A_1174 = arith.index_cast %get3A_1173 : i32 to index
        %get3A_1175 = arith.index_cast %add3A_1110 : i32 to index
        %get3A_1176 = arith.constant 64 : index
        %get3A_1177 = tpu.vector_load %arg6[%get3A_1174, %get3A_1175, %get3A_1176] {strides = array<i32>} : memref<6x128x128xf32, #tpu.memory_space<vmem>>, vector<1x1x16xf32>,
        %get3A_1178 = vector.shape_cast %get3A_1177 : vector<1x1x16xf32> to vector<16xf32>
        %mul3A_1179 = arith.constant 11.3137083 : f32
        %mul3A_1180 = vector.broadcast %mul3A_1179 : f32 to vector<16xf32>
        %mul3A_1181 = arith.mulf %get3A_1178, %mul3A_1180 : vector<16xf32>
        %swap3A_1182 = arith.constant 1 : i32
        %swap3A_1183 = arith.index_cast %swap3A_1182 : i32 to index
        %swap3A_1184 = arith.index_cast %add3A_1110 : i32 to index
        %swap3A_1185 = arith.constant 64 : index
        %swap3A_1186 = tpu.vector_load %arg6[%swap3A_1183, %swap3A_1184, %swap3A_1185] {strides = array<i32>} : memref<6x128x128xf32, #tpu.memory_space<vmem>>, vector<1x1x16xf32>,
        %swap3A_1187 = vector.shape_cast %swap3A_1186 : vector<1x1x16xf32> to vector<16xf32>
        %swap3A_1188 = vector.shape_cast %mul3A_1181 : vector<16xf32> to vector<1x1x16xf32>
        tpu.vector_store %arg6[%swap3A_1183, %swap3A_1184, %swap3A_1185], %swap3A_1188 {strides = array<i32>} : memref<6x128x128xf32, #tpu.memory_space<vmem>>, vector<1x1x16xf32>,
        %get3A_1189 = arith.constant 1 : i32
        %get3A_1190 = arith.index_cast %get3A_1189 : i32 to index
        %get3A_1191 = arith.index_cast %add3A_1110 : i32 to index
        %get3A_1192 = arith.constant 80 : index
        %get3A_1193 = tpu.vector_load %arg6[%get3A_1190, %get3A_1191, %get3A_1192] {strides = array<i32>} : memref<6x128x128xf32, #tpu.memory_space<vmem>>, vector<1x1x16xf32>,
        %get3A_1194 = vector.shape_cast %get3A_1193 : vector<1x1x16xf32> to vector<16xf32>
        %mul3A_1195 = arith.constant 11.3137083 : f32
        %mul3A_1196 = vector.broadcast %mul3A_1195 : f32 to vector<16xf32>
        %mul3A_1197 = arith.mulf %get3A_1194, %mul3A_1196 : vector<16xf32>
        %swap3A_1198 = arith.constant 1 : i32
        %swap3A_1199 = arith.index_cast %swap3A_1198 : i32 to index
        %swap3A_1200 = arith.index_cast %add3A_1110 : i32 to index
        %swap3A_1201 = arith.constant 80 : index
        %swap3A_1202 = tpu.vector_load %arg6[%swap3A_1199, %swap3A_1200, %swap3A_1201] {strides = array<i32>} : memref<6x128x128xf32, #tpu.memory_space<vmem>>, vector<1x1x16xf32>,
        %swap3A_1203 = vector.shape_cast %swap3A_1202 : vector<1x1x16xf32> to vector<16xf32>
        %swap3A_1204 = vector.shape_cast %mul3A_1197 : vector<16xf32> to vector<1x1x16xf32>
        tpu.vector_store %arg6[%swap3A_1199, %swap3A_1200, %swap3A_1201], %swap3A_1204 {strides = array<i32>} : memref<6x128x128xf32, #tpu.memory_space<vmem>>, vector<1x1x16xf32>,
        %get3A_1205 = arith.constant 1 : i32
        %get3A_1206 = arith.index_cast %get3A_1205 : i32 to index
        %get3A_1207 = arith.index_cast %add3A_1110 : i32 to index
        %get3A_1208 = arith.constant 96 : index
        %get3A_1209 = tpu.vector_load %arg6[%get3A_1206, %get3A_1207, %get3A_1208] {strides = array<i32>} : memref<6x128x128xf32, #tpu.memory_space<vmem>>, vector<1x1x16xf32>,
        %get3A_1210 = vector.shape_cast %get3A_1209 : vector<1x1x16xf32> to vector<16xf32>
        %mul3A_1211 = arith.constant 11.3137083 : f32
        %mul3A_1212 = vector.broadcast %mul3A_1211 : f32 to vector<16xf32>
        %mul3A_1213 = arith.mulf %get3A_1210, %mul3A_1212 : vector<16xf32>
        %swap3A_1214 = arith.constant 1 : i32
        %swap3A_1215 = arith.index_cast %swap3A_1214 : i32 to index
        %swap3A_1216 = arith.index_cast %add3A_1110 : i32 to index
        %swap3A_1217 = arith.constant 96 : index
        %swap3A_1218 = tpu.vector_load %arg6[%swap3A_1215, %swap3A_1216, %swap3A_1217] {strides = array<i32>} : memref<6x128x128xf32, #tpu.memory_space<vmem>>, vector<1x1x16xf32>,
        %swap3A_1219 = vector.shape_cast %swap3A_1218 : vector<1x1x16xf32> to vector<16xf32>
        %swap3A_1220 = vector.shape_cast %mul3A_1213 : vector<16xf32> to vector<1x1x16xf32>
        tpu.vector_store %arg6[%swap3A_1215, %swap3A_1216, %swap3A_1217], %swap3A_1220 {strides = array<i32>} : memref<6x128x128xf32, #tpu.memory_space<vmem>>, vector<1x1x16xf32>,
        %get3A_1221 = arith.constant 1 : i32
        %get3A_1222 = arith.index_cast %get3A_1221 : i32 to index
        %get3A_1223 = arith.index_cast %add3A_1110 : i32 to index
        %get3A_1224 = arith.constant 112 : index
        %get3A_1225 = tpu.vector_load %arg6[%get3A_1222, %get3A_1223, %get3A_1224] {strides = array<i32>} : memref<6x128x128xf32, #tpu.memory_space<vmem>>, vector<1x1x16xf32>,
        %get3A_1226 = vector.shape_cast %get3A_1225 : vector<1x1x16xf32> to vector<16xf32>
        %mul3A_1227 = arith.constant 11.3137083 : f32
        %mul3A_1228 = vector.broadcast %mul3A_1227 : f32 to vector<16xf32>
        %mul3A_1229 = arith.mulf %get3A_1226, %mul3A_1228 : vector<16xf32>
        %swap3A_1230 = arith.constant 1 : i32
        %swap3A_1231 = arith.index_cast %swap3A_1230 : i32 to index
        %swap3A_1232 = arith.index_cast %add3A_1110 : i32 to index
        %swap3A_1233 = arith.constant 112 : index
        %swap3A_1234 = tpu.vector_load %arg6[%swap3A_1231, %swap3A_1232, %swap3A_1233] {strides = array<i32>} : memref<6x128x128xf32, #tpu.memory_space<vmem>>, vector<1x1x16xf32>,
        %swap3A_1235 = vector.shape_cast %swap3A_1234 : vector<1x1x16xf32> to vector<16xf32>
        %swap3A_1236 = vector.shape_cast %mul3A_1229 : vector<16xf32> to vector<1x1x16xf32>
        tpu.vector_store %arg6[%swap3A_1231, %swap3A_1232, %swap3A_1233], %swap3A_1236 {strides = array<i32>} : memref<6x128x128xf32, #tpu.memory_space<vmem>>, vector<1x1x16xf32>,
      }
      %scan3A_827 = arith.constant 128 : i32
      %mul3A_828 = arith.constant 128 : i32
      %mul3A_829 = arith.muli %add3A_812, %mul3A_828 : i32
      %add3A_830 = arith.addi %mul3A_2, %mul3A_829 : i32
      %dma_start3A_831 = arith.constant 1 : i32
      %dma_start3A_832 = arith.constant 0 : i32
      %dma_start3A_833 = arith.constant 0 : i32
      %dma_start3A_834 = tpu.memref_slice %arg6[%dma_start3A_831, %dma_start3A_832, %dma_start3A_833] : memref<6x128x128xf32, #tpu.memory_space<vmem>> -> memref<1x128x128xf32, #tpu.memory_space<vmem>>
      %dma_start3A_835 = tpu.memref_squeeze %dma_start3A_834 : memref<1x128x128xf32, #tpu.memory_space<vmem>> -> memref<128x128xf32, #tpu.memory_space<vmem>>
      %dma_start3A_836 = arith.constant 0 : i32
      %dma_start3A_837 = tpu.memref_slice %arg4[%add3A_830, %dma_start3A_836] : memref<819200x128xf32, #tpu.memory_space<hbm>> -> memref<128x128xf32, #tpu.memory_space<hbm>>
      %dma_start3A_838 = arith.constant 0 : i32
      %dma_start3A_839 = tpu.memref_slice %arg4[%add3A_830, %dma_start3A_838] : memref<819200x128xf32, #tpu.memory_space<hbm>> -> memref<128x128xf32, #tpu.memory_space<hbm>>
      %dma_start3A_840 = arith.constant 0 : i32
      %dma_start3A_841 = arith.constant 0 : i32
      %dma_start3A_842 = tpu.memref_slice %arg6[%dma_start3A_831, %dma_start3A_840, %dma_start3A_841] : memref<6x128x128xf32, #tpu.memory_space<vmem>> -> memref<1x128x128xf32, #tpu.memory_space<vmem>>
      %dma_start3A_843 = tpu.memref_squeeze %dma_start3A_842 : memref<1x128x128xf32, #tpu.memory_space<vmem>> -> memref<128x128xf32, #tpu.memory_space<vmem>>
      tpu.enqueue_dma source(%dma_start3A_843 : memref<128x128xf32, #tpu.memory_space<vmem>>) target(%dma_start3A_839 : memref<128x128xf32, #tpu.memory_space<hbm>>) target_semaphore(%arg14 : memref<!tpu.dma_semaphore, #tpu.memory_space<semaphore_mem>>)
      %dma_wait3A_844 = arith.constant 0 : i32
      %dma_wait3A_845 = arith.constant 0 : i32
      %dma_wait3A_846 = arith.constant 0 : i32
      %dma_wait3A_847 = tpu.memref_slice %arg6[%dma_wait3A_844, %dma_wait3A_845, %dma_wait3A_846] : memref<6x128x128xf32, #tpu.memory_space<vmem>> -> memref<1x128x128xf32, #tpu.memory_space<vmem>>
      %dma_wait3A_848 = tpu.memref_squeeze %dma_wait3A_847 : memref<1x128x128xf32, #tpu.memory_space<vmem>> -> memref<128x128xf32, #tpu.memory_space<vmem>>
      %dma_wait3A_849 = arith.constant 0 : i32
      %dma_wait3A_850 = tpu.memref_slice %arg4[%mul3A_2, %dma_wait3A_849] : memref<819200x128xf32, #tpu.memory_space<hbm>> -> memref<128x128xf32, #tpu.memory_space<hbm>>
      %dma_wait3A_851 = arith.constant 0 : i32
      %dma_wait3A_852 = tpu.memref_slice %arg4[%mul3A_2, %dma_wait3A_851] : memref<819200x128xf32, #tpu.memory_space<hbm>> -> memref<128x128xf32, #tpu.memory_space<hbm>>
      %dma_wait3A_853 = arith.constant 0 : i32
      %dma_wait3A_854 = arith.constant 0 : i32
      %dma_wait3A_855 = tpu.memref_slice %arg6[%dma_wait3A_844, %dma_wait3A_853, %dma_wait3A_854] : memref<6x128x128xf32, #tpu.memory_space<vmem>> -> memref<1x128x128xf32, #tpu.memory_space<vmem>>
      %dma_wait3A_856 = tpu.memref_squeeze %dma_wait3A_855 : memref<1x128x128xf32, #tpu.memory_space<vmem>> -> memref<128x128xf32, #tpu.memory_space<vmem>>
      tpu.wait_dma2 semaphore(%arg13 : memref<!tpu.dma_semaphore, #tpu.memory_space<semaphore_mem>>) src(%dma_wait3A_856 : memref<128x128xf32, #tpu.memory_space<vmem>>) dst(%dma_wait3A_852 : memref<128x128xf32, #tpu.memory_space<hbm>>)
      %add3A_857 = arith.constant 5 : i32
      %add3A_858 = arith.addi %add3A_812, %add3A_857 : i32
      %mul3A_859 = arith.constant 128 : i32
      %mul3A_860 = arith.muli %add3A_858, %mul3A_859 : i32
      %dma_start3A_861 = arith.constant 0 : i32
      %dma_start3A_862 = arith.constant 0 : i32
      %dma_start3A_863 = arith.constant 0 : i32
      %dma_start3A_864 = tpu.memref_slice %arg6[%dma_start3A_861, %dma_start3A_862, %dma_start3A_863] : memref<6x128x128xf32, #tpu.memory_space<vmem>> -> memref<1x128x128xf32, #tpu.memory_space<vmem>>
      %dma_start3A_865 = tpu.memref_squeeze %dma_start3A_864 : memref<1x128x128xf32, #tpu.memory_space<vmem>> -> memref<128x128xf32, #tpu.memory_space<vmem>>
      %dma_start3A_866 = tpu.memref_slice %arg5[%mul3A_860] : memref<25600xi32, #tpu.memory_space<vmem>> -> memref<128xi32, #tpu.memory_space<vmem>>
      %dma_start3A_867 = arith.constant 0 : i32
      %dma_start3A_868 = arith.constant 0 : i32
      %dma_start3A_869 = tpu.memref_slice %arg3[%dma_start3A_867, %dma_start3A_868] : memref<100000x128xf32, #tpu.memory_space<hbm>> -> memref<100000x128xf32, #tpu.memory_space<hbm>>
      tpu.enqueue_indirect_dma source(%dma_start3A_869 : memref<100000x128xf32, #tpu.memory_space<hbm>>) target(%dma_start3A_865 : memref<128x128xf32, #tpu.memory_space<vmem>>) offsets(%dma_start3A_866 : memref<128xi32, #tpu.memory_space<vmem>>) semaphore(%arg7 : memref<!tpu.dma_semaphore, #tpu.memory_space<semaphore_mem>>)
      %add3A_870 = arith.constant 2 : i32
      %add3A_871 = arith.addi %add3A_751, %add3A_870 : i32
      %dma_wait3A_872 = arith.constant 2 : i32
      %dma_wait3A_873 = arith.constant 0 : i32
      %dma_wait3A_874 = arith.constant 0 : i32
      %dma_wait3A_875 = tpu.memref_slice %arg6[%dma_wait3A_872, %dma_wait3A_873, %dma_wait3A_874] : memref<6x128x128xf32, #tpu.memory_space<vmem>> -> memref<1x128x128xf32, #tpu.memory_space<vmem>>
      %dma_wait3A_876 = tpu.memref_squeeze %dma_wait3A_875 : memref<1x128x128xf32, #tpu.memory_space<vmem>> -> memref<128x128xf32, #tpu.memory_space<vmem>>
      %dma_wait3A_877 = arith.constant 0 : i32
      %dma_wait3A_878 = tpu.memref_slice %arg5[%dma_wait3A_877] : memref<25600xi32, #tpu.memory_space<vmem>> -> memref<128xi32, #tpu.memory_space<vmem>>
      %dma_wait3A_879 = arith.constant 0 : i32
      %dma_wait3A_880 = arith.constant 0 : i32
      %dma_wait3A_881 = tpu.memref_slice %arg3[%dma_wait3A_879, %dma_wait3A_880] : memref<100000x128xf32, #tpu.memory_space<hbm>> -> memref<100000x128xf32, #tpu.memory_space<hbm>>
      tpu.wait_indirect_dma semaphore(%arg9 : memref<!tpu.dma_semaphore, #tpu.memory_space<semaphore_mem>>) src(%dma_wait3A_881 : memref<100000x128xf32, #tpu.memory_space<hbm>>) dst(%dma_wait3A_876 : memref<128x128xf32, #tpu.memory_space<vmem>>)
      %scan3A_882 = arith.constant 0 : i32
      %scan3A_883 = arith.constant 128 : i32
      %scan3A_884 = arith.addi %scan3A_882, %scan3A_883 : i32
      %scan3A_885 = arith.constant 1 : i32
      scf.for %scan3A_1106 = %scan3A_882 to %scan3A_884 step %scan3A_885  : i32 {
        %mul3A_1107 = arith.constant 1 : i32
        %mul3A_1108 = arith.muli %scan3A_1106, %mul3A_1107 : i32
        %add3A_1109 = arith.constant 0 : i32
        %add3A_1110 = arith.addi %add3A_1109, %mul3A_1108 : i32
        %get3A = arith.constant 2 : i32
        %get3A_1111 = arith.index_cast %get3A : i32 to index
        %get3A_1112 = arith.index_cast %add3A_1110 : i32 to index
        %get3A_1113 = arith.constant 0 : index
        %get3A_1114 = tpu.vector_load %arg6[%get3A_1111, %get3A_1112, %get3A_1113] {strides = array<i32>} : memref<6x128x128xf32, #tpu.memory_space<vmem>>, vector<1x1x16xf32>,
        %get3A_1115 = vector.shape_cast %get3A_1114 : vector<1x1x16xf32> to vector<16xf32>
        %mul3A_1116 = arith.constant 11.3137083 : f32
        %mul3A_1117 = vector.broadcast %mul3A_1116 : f32 to vector<16xf32>
        %mul3A_1118 = arith.mulf %get3A_1115, %mul3A_1117 : vector<16xf32>
        %swap3A = arith.constant 2 : i32
        %swap3A_1119 = arith.index_cast %swap3A : i32 to index
        %swap3A_1120 = arith.index_cast %add3A_1110 : i32 to index
        %swap3A_1121 = arith.constant 0 : index
        %swap3A_1122 = tpu.vector_load %arg6[%swap3A_1119, %swap3A_1120, %swap3A_1121] {strides = array<i32>} : memref<6x128x128xf32, #tpu.memory_space<vmem>>, vector<1x1x16xf32>,
        %swap3A_1123 = vector.shape_cast %swap3A_1122 : vector<1x1x16xf32> to vector<16xf32>
        %swap3A_1124 = vector.shape_cast %mul3A_1118 : vector<16xf32> to vector<1x1x16xf32>
        tpu.vector_store %arg6[%swap3A_1119, %swap3A_1120, %swap3A_1121], %swap3A_1124 {strides = array<i32>} : memref<6x128x128xf32, #tpu.memory_space<vmem>>, vector<1x1x16xf32>,
        %get3A_1125 = arith.constant 2 : i32
        %get3A_1126 = arith.index_cast %get3A_1125 : i32 to index
        %get3A_1127 = arith.index_cast %add3A_1110 : i32 to index
        %get3A_1128 = arith.constant 16 : index
        %get3A_1129 = tpu.vector_load %arg6[%get3A_1126, %get3A_1127, %get3A_1128] {strides = array<i32>} : memref<6x128x128xf32, #tpu.memory_space<vmem>>, vector<1x1x16xf32>,
        %get3A_1130 = vector.shape_cast %get3A_1129 : vector<1x1x16xf32> to vector<16xf32>
        %mul3A_1131 = arith.constant 11.3137083 : f32
        %mul3A_1132 = vector.broadcast %mul3A_1131 : f32 to vector<16xf32>
        %mul3A_1133 = arith.mulf %get3A_1130, %mul3A_1132 : vector<16xf32>
        %swap3A_1134 = arith.constant 2 : i32
        %swap3A_1135 = arith.index_cast %swap3A_1134 : i32 to index
        %swap3A_1136 = arith.index_cast %add3A_1110 : i32 to index
        %swap3A_1137 = arith.constant 16 : index
        %swap3A_1138 = tpu.vector_load %arg6[%swap3A_1135, %swap3A_1136, %swap3A_1137] {strides = array<i32>} : memref<6x128x128xf32, #tpu.memory_space<vmem>>, vector<1x1x16xf32>,
        %swap3A_1139 = vector.shape_cast %swap3A_1138 : vector<1x1x16xf32> to vector<16xf32>
        %swap3A_1140 = vector.shape_cast %mul3A_1133 : vector<16xf32> to vector<1x1x16xf32>
        tpu.vector_store %arg6[%swap3A_1135, %swap3A_1136, %swap3A_1137], %swap3A_1140 {strides = array<i32>} : memref<6x128x128xf32, #tpu.memory_space<vmem>>, vector<1x1x16xf32>,
        %get3A_1141 = arith.constant 2 : i32
        %get3A_1142 = arith.index_cast %get3A_1141 : i32 to index
        %get3A_1143 = arith.index_cast %add3A_1110 : i32 to index
        %get3A_1144 = arith.constant 32 : index
        %get3A_1145 = tpu.vector_load %arg6[%get3A_1142, %get3A_1143, %get3A_1144] {strides = array<i32>} : memref<6x128x128xf32, #tpu.memory_space<vmem>>, vector<1x1x16xf32>,
        %get3A_1146 = vector.shape_cast %get3A_1145 : vector<1x1x16xf32> to vector<16xf32>
        %mul3A_1147 = arith.constant 11.3137083 : f32
        %mul3A_1148 = vector.broadcast %mul3A_1147 : f32 to vector<16xf32>
        %mul3A_1149 = arith.mulf %get3A_1146, %mul3A_1148 : vector<16xf32>
        %swap3A_1150 = arith.constant 2 : i32
        %swap3A_1151 = arith.index_cast %swap3A_1150 : i32 to index
        %swap3A_1152 = arith.index_cast %add3A_1110 : i32 to index
        %swap3A_1153 = arith.constant 32 : index
        %swap3A_1154 = tpu.vector_load %arg6[%swap3A_1151, %swap3A_1152, %swap3A_1153] {strides = array<i32>} : memref<6x128x128xf32, #tpu.memory_space<vmem>>, vector<1x1x16xf32>,
        %swap3A_1155 = vector.shape_cast %swap3A_1154 : vector<1x1x16xf32> to vector<16xf32>
        %swap3A_1156 = vector.shape_cast %mul3A_1149 : vector<16xf32> to vector<1x1x16xf32>
        tpu.vector_store %arg6[%swap3A_1151, %swap3A_1152, %swap3A_1153], %swap3A_1156 {strides = array<i32>} : memref<6x128x128xf32, #tpu.memory_space<vmem>>, vector<1x1x16xf32>,
        %get3A_1157 = arith.constant 2 : i32
        %get3A_1158 = arith.index_cast %get3A_1157 : i32 to index
        %get3A_1159 = arith.index_cast %add3A_1110 : i32 to index
        %get3A_1160 = arith.constant 48 : index
        %get3A_1161 = tpu.vector_load %arg6[%get3A_1158, %get3A_1159, %get3A_1160] {strides = array<i32>} : memref<6x128x128xf32, #tpu.memory_space<vmem>>, vector<1x1x16xf32>,
        %get3A_1162 = vector.shape_cast %get3A_1161 : vector<1x1x16xf32> to vector<16xf32>
        %mul3A_1163 = arith.constant 11.3137083 : f32
        %mul3A_1164 = vector.broadcast %mul3A_1163 : f32 to vector<16xf32>
        %mul3A_1165 = arith.mulf %get3A_1162, %mul3A_1164 : vector<16xf32>
        %swap3A_1166 = arith.constant 2 : i32
        %swap3A_1167 = arith.index_cast %swap3A_1166 : i32 to index
        %swap3A_1168 = arith.index_cast %add3A_1110 : i32 to index
        %swap3A_1169 = arith.constant 48 : index
        %swap3A_1170 = tpu.vector_load %arg6[%swap3A_1167, %swap3A_1168, %swap3A_1169] {strides = array<i32>} : memref<6x128x128xf32, #tpu.memory_space<vmem>>, vector<1x1x16xf32>,
        %swap3A_1171 = vector.shape_cast %swap3A_1170 : vector<1x1x16xf32> to vector<16xf32>
        %swap3A_1172 = vector.shape_cast %mul3A_1165 : vector<16xf32> to vector<1x1x16xf32>
        tpu.vector_store %arg6[%swap3A_1167, %swap3A_1168, %swap3A_1169], %swap3A_1172 {strides = array<i32>} : memref<6x128x128xf32, #tpu.memory_space<vmem>>, vector<1x1x16xf32>,
        %get3A_1173 = arith.constant 2 : i32
        %get3A_1174 = arith.index_cast %get3A_1173 : i32 to index
        %get3A_1175 = arith.index_cast %add3A_1110 : i32 to index
        %get3A_1176 = arith.constant 64 : index
        %get3A_1177 = tpu.vector_load %arg6[%get3A_1174, %get3A_1175, %get3A_1176] {strides = array<i32>} : memref<6x128x128xf32, #tpu.memory_space<vmem>>, vector<1x1x16xf32>,
        %get3A_1178 = vector.shape_cast %get3A_1177 : vector<1x1x16xf32> to vector<16xf32>
        %mul3A_1179 = arith.constant 11.3137083 : f32
        %mul3A_1180 = vector.broadcast %mul3A_1179 : f32 to vector<16xf32>
        %mul3A_1181 = arith.mulf %get3A_1178, %mul3A_1180 : vector<16xf32>
        %swap3A_1182 = arith.constant 2 : i32
        %swap3A_1183 = arith.index_cast %swap3A_1182 : i32 to index
        %swap3A_1184 = arith.index_cast %add3A_1110 : i32 to index
        %swap3A_1185 = arith.constant 64 : index
        %swap3A_1186 = tpu.vector_load %arg6[%swap3A_1183, %swap3A_1184, %swap3A_1185] {strides = array<i32>} : memref<6x128x128xf32, #tpu.memory_space<vmem>>, vector<1x1x16xf32>,
        %swap3A_1187 = vector.shape_cast %swap3A_1186 : vector<1x1x16xf32> to vector<16xf32>
        %swap3A_1188 = vector.shape_cast %mul3A_1181 : vector<16xf32> to vector<1x1x16xf32>
        tpu.vector_store %arg6[%swap3A_1183, %swap3A_1184, %swap3A_1185], %swap3A_1188 {strides = array<i32>} : memref<6x128x128xf32, #tpu.memory_space<vmem>>, vector<1x1x16xf32>,
        %get3A_1189 = arith.constant 2 : i32
        %get3A_1190 = arith.index_cast %get3A_1189 : i32 to index
        %get3A_1191 = arith.index_cast %add3A_1110 : i32 to index
        %get3A_1192 = arith.constant 80 : index
        %get3A_1193 = tpu.vector_load %arg6[%get3A_1190, %get3A_1191, %get3A_1192] {strides = array<i32>} : memref<6x128x128xf32, #tpu.memory_space<vmem>>, vector<1x1x16xf32>,
        %get3A_1194 = vector.shape_cast %get3A_1193 : vector<1x1x16xf32> to vector<16xf32>
        %mul3A_1195 = arith.constant 11.3137083 : f32
        %mul3A_1196 = vector.broadcast %mul3A_1195 : f32 to vector<16xf32>
        %mul3A_1197 = arith.mulf %get3A_1194, %mul3A_1196 : vector<16xf32>
        %swap3A_1198 = arith.constant 2 : i32
        %swap3A_1199 = arith.index_cast %swap3A_1198 : i32 to index
        %swap3A_1200 = arith.index_cast %add3A_1110 : i32 to index
        %swap3A_1201 = arith.constant 80 : index
        %swap3A_1202 = tpu.vector_load %arg6[%swap3A_1199, %swap3A_1200, %swap3A_1201] {strides = array<i32>} : memref<6x128x128xf32, #tpu.memory_space<vmem>>, vector<1x1x16xf32>,
        %swap3A_1203 = vector.shape_cast %swap3A_1202 : vector<1x1x16xf32> to vector<16xf32>
        %swap3A_1204 = vector.shape_cast %mul3A_1197 : vector<16xf32> to vector<1x1x16xf32>
        tpu.vector_store %arg6[%swap3A_1199, %swap3A_1200, %swap3A_1201], %swap3A_1204 {strides = array<i32>} : memref<6x128x128xf32, #tpu.memory_space<vmem>>, vector<1x1x16xf32>,
        %get3A_1205 = arith.constant 2 : i32
        %get3A_1206 = arith.index_cast %get3A_1205 : i32 to index
        %get3A_1207 = arith.index_cast %add3A_1110 : i32 to index
        %get3A_1208 = arith.constant 96 : index
        %get3A_1209 = tpu.vector_load %arg6[%get3A_1206, %get3A_1207, %get3A_1208] {strides = array<i32>} : memref<6x128x128xf32, #tpu.memory_space<vmem>>, vector<1x1x16xf32>,
        %get3A_1210 = vector.shape_cast %get3A_1209 : vector<1x1x16xf32> to vector<16xf32>
        %mul3A_1211 = arith.constant 11.3137083 : f32
        %mul3A_1212 = vector.broadcast %mul3A_1211 : f32 to vector<16xf32>
        %mul3A_1213 = arith.mulf %get3A_1210, %mul3A_1212 : vector<16xf32>
        %swap3A_1214 = arith.constant 2 : i32
        %swap3A_1215 = arith.index_cast %swap3A_1214 : i32 to index
        %swap3A_1216 = arith.index_cast %add3A_1110 : i32 to index
        %swap3A_1217 = arith.constant 96 : index
        %swap3A_1218 = tpu.vector_load %arg6[%swap3A_1215, %swap3A_1216, %swap3A_1217] {strides = array<i32>} : memref<6x128x128xf32, #tpu.memory_space<vmem>>, vector<1x1x16xf32>,
        %swap3A_1219 = vector.shape_cast %swap3A_1218 : vector<1x1x16xf32> to vector<16xf32>
        %swap3A_1220 = vector.shape_cast %mul3A_1213 : vector<16xf32> to vector<1x1x16xf32>
        tpu.vector_store %arg6[%swap3A_1215, %swap3A_1216, %swap3A_1217], %swap3A_1220 {strides = array<i32>} : memref<6x128x128xf32, #tpu.memory_space<vmem>>, vector<1x1x16xf32>,
        %get3A_1221 = arith.constant 2 : i32
        %get3A_1222 = arith.index_cast %get3A_1221 : i32 to index
        %get3A_1223 = arith.index_cast %add3A_1110 : i32 to index
        %get3A_1224 = arith.constant 112 : index
        %get3A_1225 = tpu.vector_load %arg6[%get3A_1222, %get3A_1223, %get3A_1224] {strides = array<i32>} : memref<6x128x128xf32, #tpu.memory_space<vmem>>, vector<1x1x16xf32>,
        %get3A_1226 = vector.shape_cast %get3A_1225 : vector<1x1x16xf32> to vector<16xf32>
        %mul3A_1227 = arith.constant 11.3137083 : f32
        %mul3A_1228 = vector.broadcast %mul3A_1227 : f32 to vector<16xf32>
        %mul3A_1229 = arith.mulf %get3A_1226, %mul3A_1228 : vector<16xf32>
        %swap3A_1230 = arith.constant 2 : i32
        %swap3A_1231 = arith.index_cast %swap3A_1230 : i32 to index
        %swap3A_1232 = arith.index_cast %add3A_1110 : i32 to index
        %swap3A_1233 = arith.constant 112 : index
        %swap3A_1234 = tpu.vector_load %arg6[%swap3A_1231, %swap3A_1232, %swap3A_1233] {strides = array<i32>} : memref<6x128x128xf32, #tpu.memory_space<vmem>>, vector<1x1x16xf32>,
        %swap3A_1235 = vector.shape_cast %swap3A_1234 : vector<1x1x16xf32> to vector<16xf32>
        %swap3A_1236 = vector.shape_cast %mul3A_1229 : vector<16xf32> to vector<1x1x16xf32>
        tpu.vector_store %arg6[%swap3A_1231, %swap3A_1232, %swap3A_1233], %swap3A_1236 {strides = array<i32>} : memref<6x128x128xf32, #tpu.memory_space<vmem>>, vector<1x1x16xf32>,
      }
      %scan3A_886 = arith.constant 128 : i32
      %mul3A_887 = arith.constant 128 : i32
      %mul3A_888 = arith.muli %add3A_871, %mul3A_887 : i32
      %add3A_889 = arith.addi %mul3A_2, %mul3A_888 : i32
      %dma_start3A_890 = arith.constant 2 : i32
      %dma_start3A_891 = arith.constant 0 : i32
      %dma_start3A_892 = arith.constant 0 : i32
      %dma_start3A_893 = tpu.memref_slice %arg6[%dma_start3A_890, %dma_start3A_891, %dma_start3A_892] : memref<6x128x128xf32, #tpu.memory_space<vmem>> -> memref<1x128x128xf32, #tpu.memory_space<vmem>>
      %dma_start3A_894 = tpu.memref_squeeze %dma_start3A_893 : memref<1x128x128xf32, #tpu.memory_space<vmem>> -> memref<128x128xf32, #tpu.memory_space<vmem>>
      %dma_start3A_895 = arith.constant 0 : i32
      %dma_start3A_896 = tpu.memref_slice %arg4[%add3A_889, %dma_start3A_895] : memref<819200x128xf32, #tpu.memory_space<hbm>> -> memref<128x128xf32, #tpu.memory_space<hbm>>
      %dma_start3A_897 = arith.constant 0 : i32
      %dma_start3A_898 = tpu.memref_slice %arg4[%add3A_889, %dma_start3A_897] : memref<819200x128xf32, #tpu.memory_space<hbm>> -> memref<128x128xf32, #tpu.memory_space<hbm>>
      %dma_start3A_899 = arith.constant 0 : i32
      %dma_start3A_900 = arith.constant 0 : i32
      %dma_start3A_901 = tpu.memref_slice %arg6[%dma_start3A_890, %dma_start3A_899, %dma_start3A_900] : memref<6x128x128xf32, #tpu.memory_space<vmem>> -> memref<1x128x128xf32, #tpu.memory_space<vmem>>
      %dma_start3A_902 = tpu.memref_squeeze %dma_start3A_901 : memref<1x128x128xf32, #tpu.memory_space<vmem>> -> memref<128x128xf32, #tpu.memory_space<vmem>>
      tpu.enqueue_dma source(%dma_start3A_902 : memref<128x128xf32, #tpu.memory_space<vmem>>) target(%dma_start3A_898 : memref<128x128xf32, #tpu.memory_space<hbm>>) target_semaphore(%arg15 : memref<!tpu.dma_semaphore, #tpu.memory_space<semaphore_mem>>)
      %dma_wait3A_903 = arith.constant 1 : i32
      %dma_wait3A_904 = arith.constant 0 : i32
      %dma_wait3A_905 = arith.constant 0 : i32
      %dma_wait3A_906 = tpu.memref_slice %arg6[%dma_wait3A_903, %dma_wait3A_904, %dma_wait3A_905] : memref<6x128x128xf32, #tpu.memory_space<vmem>> -> memref<1x128x128xf32, #tpu.memory_space<vmem>>
      %dma_wait3A_907 = tpu.memref_squeeze %dma_wait3A_906 : memref<1x128x128xf32, #tpu.memory_space<vmem>> -> memref<128x128xf32, #tpu.memory_space<vmem>>
      %dma_wait3A_908 = arith.constant 0 : i32
      %dma_wait3A_909 = tpu.memref_slice %arg4[%mul3A_2, %dma_wait3A_908] : memref<819200x128xf32, #tpu.memory_space<hbm>> -> memref<128x128xf32, #tpu.memory_space<hbm>>
      %dma_wait3A_910 = arith.constant 0 : i32
      %dma_wait3A_911 = tpu.memref_slice %arg4[%mul3A_2, %dma_wait3A_910] : memref<819200x128xf32, #tpu.memory_space<hbm>> -> memref<128x128xf32, #tpu.memory_space<hbm>>
      %dma_wait3A_912 = arith.constant 0 : i32
      %dma_wait3A_913 = arith.constant 0 : i32
      %dma_wait3A_914 = tpu.memref_slice %arg6[%dma_wait3A_903, %dma_wait3A_912, %dma_wait3A_913] : memref<6x128x128xf32, #tpu.memory_space<vmem>> -> memref<1x128x128xf32, #tpu.memory_space<vmem>>
      %dma_wait3A_915 = tpu.memref_squeeze %dma_wait3A_914 : memref<1x128x128xf32, #tpu.memory_space<vmem>> -> memref<128x128xf32, #tpu.memory_space<vmem>>
      tpu.wait_dma2 semaphore(%arg14 : memref<!tpu.dma_semaphore, #tpu.memory_space<semaphore_mem>>) src(%dma_wait3A_915 : memref<128x128xf32, #tpu.memory_space<vmem>>) dst(%dma_wait3A_911 : memref<128x128xf32, #tpu.memory_space<hbm>>)
      %add3A_916 = arith.constant 5 : i32
      %add3A_917 = arith.addi %add3A_871, %add3A_916 : i32
      %mul3A_918 = arith.constant 128 : i32
      %mul3A_919 = arith.muli %add3A_917, %mul3A_918 : i32
      %dma_start3A_920 = arith.constant 1 : i32
      %dma_start3A_921 = arith.constant 0 : i32
      %dma_start3A_922 = arith.constant 0 : i32
      %dma_start3A_923 = tpu.memref_slice %arg6[%dma_start3A_920, %dma_start3A_921, %dma_start3A_922] : memref<6x128x128xf32, #tpu.memory_space<vmem>> -> memref<1x128x128xf32, #tpu.memory_space<vmem>>
      %dma_start3A_924 = tpu.memref_squeeze %dma_start3A_923 : memref<1x128x128xf32, #tpu.memory_space<vmem>> -> memref<128x128xf32, #tpu.memory_space<vmem>>
      %dma_start3A_925 = tpu.memref_slice %arg5[%mul3A_919] : memref<25600xi32, #tpu.memory_space<vmem>> -> memref<128xi32, #tpu.memory_space<vmem>>
      %dma_start3A_926 = arith.constant 0 : i32
      %dma_start3A_927 = arith.constant 0 : i32
      %dma_start3A_928 = tpu.memref_slice %arg3[%dma_start3A_926, %dma_start3A_927] : memref<100000x128xf32, #tpu.memory_space<hbm>> -> memref<100000x128xf32, #tpu.memory_space<hbm>>
      tpu.enqueue_indirect_dma source(%dma_start3A_928 : memref<100000x128xf32, #tpu.memory_space<hbm>>) target(%dma_start3A_924 : memref<128x128xf32, #tpu.memory_space<vmem>>) offsets(%dma_start3A_925 : memref<128xi32, #tpu.memory_space<vmem>>) semaphore(%arg8 : memref<!tpu.dma_semaphore, #tpu.memory_space<semaphore_mem>>)
      %add3A_929 = arith.constant 3 : i32
      %add3A_930 = arith.addi %add3A_751, %add3A_929 : i32
      %dma_wait3A_931 = arith.constant 3 : i32
      %dma_wait3A_932 = arith.constant 0 : i32
      %dma_wait3A_933 = arith.constant 0 : i32
      %dma_wait3A_934 = tpu.memref_slice %arg6[%dma_wait3A_931, %dma_wait3A_932, %dma_wait3A_933] : memref<6x128x128xf32, #tpu.memory_space<vmem>> -> memref<1x128x128xf32, #tpu.memory_space<vmem>>
      %dma_wait3A_935 = tpu.memref_squeeze %dma_wait3A_934 : memref<1x128x128xf32, #tpu.memory_space<vmem>> -> memref<128x128xf32, #tpu.memory_space<vmem>>
      %dma_wait3A_936 = arith.constant 0 : i32
      %dma_wait3A_937 = tpu.memref_slice %arg5[%dma_wait3A_936] : memref<25600xi32, #tpu.memory_space<vmem>> -> memref<128xi32, #tpu.memory_space<vmem>>
      %dma_wait3A_938 = arith.constant 0 : i32
      %dma_wait3A_939 = arith.constant 0 : i32
      %dma_wait3A_940 = tpu.memref_slice %arg3[%dma_wait3A_938, %dma_wait3A_939] : memref<100000x128xf32, #tpu.memory_space<hbm>> -> memref<100000x128xf32, #tpu.memory_space<hbm>>
      tpu.wait_indirect_dma semaphore(%arg10 : memref<!tpu.dma_semaphore, #tpu.memory_space<semaphore_mem>>) src(%dma_wait3A_940 : memref<100000x128xf32, #tpu.memory_space<hbm>>) dst(%dma_wait3A_935 : memref<128x128xf32, #tpu.memory_space<vmem>>)
      %scan3A_941 = arith.constant 0 : i32
      %scan3A_942 = arith.constant 128 : i32
      %scan3A_943 = arith.addi %scan3A_941, %scan3A_942 : i32
      %scan3A_944 = arith.constant 1 : i32
      scf.for %scan3A_1106 = %scan3A_941 to %scan3A_943 step %scan3A_944  : i32 {
        %mul3A_1107 = arith.constant 1 : i32
        %mul3A_1108 = arith.muli %scan3A_1106, %mul3A_1107 : i32
        %add3A_1109 = arith.constant 0 : i32
        %add3A_1110 = arith.addi %add3A_1109, %mul3A_1108 : i32
        %get3A = arith.constant 3 : i32
        %get3A_1111 = arith.index_cast %get3A : i32 to index
        %get3A_1112 = arith.index_cast %add3A_1110 : i32 to index
        %get3A_1113 = arith.constant 0 : index
        %get3A_1114 = tpu.vector_load %arg6[%get3A_1111, %get3A_1112, %get3A_1113] {strides = array<i32>} : memref<6x128x128xf32, #tpu.memory_space<vmem>>, vector<1x1x16xf32>,
        %get3A_1115 = vector.shape_cast %get3A_1114 : vector<1x1x16xf32> to vector<16xf32>
        %mul3A_1116 = arith.constant 11.3137083 : f32
        %mul3A_1117 = vector.broadcast %mul3A_1116 : f32 to vector<16xf32>
        %mul3A_1118 = arith.mulf %get3A_1115, %mul3A_1117 : vector<16xf32>
        %swap3A = arith.constant 3 : i32
        %swap3A_1119 = arith.index_cast %swap3A : i32 to index
        %swap3A_1120 = arith.index_cast %add3A_1110 : i32 to index
        %swap3A_1121 = arith.constant 0 : index
        %swap3A_1122 = tpu.vector_load %arg6[%swap3A_1119, %swap3A_1120, %swap3A_1121] {strides = array<i32>} : memref<6x128x128xf32, #tpu.memory_space<vmem>>, vector<1x1x16xf32>,
        %swap3A_1123 = vector.shape_cast %swap3A_1122 : vector<1x1x16xf32> to vector<16xf32>
        %swap3A_1124 = vector.shape_cast %mul3A_1118 : vector<16xf32> to vector<1x1x16xf32>
        tpu.vector_store %arg6[%swap3A_1119, %swap3A_1120, %swap3A_1121], %swap3A_1124 {strides = array<i32>} : memref<6x128x128xf32, #tpu.memory_space<vmem>>, vector<1x1x16xf32>,
        %get3A_1125 = arith.constant 3 : i32
        %get3A_1126 = arith.index_cast %get3A_1125 : i32 to index
        %get3A_1127 = arith.index_cast %add3A_1110 : i32 to index
        %get3A_1128 = arith.constant 16 : index
        %get3A_1129 = tpu.vector_load %arg6[%get3A_1126, %get3A_1127, %get3A_1128] {strides = array<i32>} : memref<6x128x128xf32, #tpu.memory_space<vmem>>, vector<1x1x16xf32>,
        %get3A_1130 = vector.shape_cast %get3A_1129 : vector<1x1x16xf32> to vector<16xf32>
        %mul3A_1131 = arith.constant 11.3137083 : f32
        %mul3A_1132 = vector.broadcast %mul3A_1131 : f32 to vector<16xf32>
        %mul3A_1133 = arith.mulf %get3A_1130, %mul3A_1132 : vector<16xf32>
        %swap3A_1134 = arith.constant 3 : i32
        %swap3A_1135 = arith.index_cast %swap3A_1134 : i32 to index
        %swap3A_1136 = arith.index_cast %add3A_1110 : i32 to index
        %swap3A_1137 = arith.constant 16 : index
        %swap3A_1138 = tpu.vector_load %arg6[%swap3A_1135, %swap3A_1136, %swap3A_1137] {strides = array<i32>} : memref<6x128x128xf32, #tpu.memory_space<vmem>>, vector<1x1x16xf32>,
        %swap3A_1139 = vector.shape_cast %swap3A_1138 : vector<1x1x16xf32> to vector<16xf32>
        %swap3A_1140 = vector.shape_cast %mul3A_1133 : vector<16xf32> to vector<1x1x16xf32>
        tpu.vector_store %arg6[%swap3A_1135, %swap3A_1136, %swap3A_1137], %swap3A_1140 {strides = array<i32>} : memref<6x128x128xf32, #tpu.memory_space<vmem>>, vector<1x1x16xf32>,
        %get3A_1141 = arith.constant 3 : i32
        %get3A_1142 = arith.index_cast %get3A_1141 : i32 to index
        %get3A_1143 = arith.index_cast %add3A_1110 : i32 to index
        %get3A_1144 = arith.constant 32 : index
        %get3A_1145 = tpu.vector_load %arg6[%get3A_1142, %get3A_1143, %get3A_1144] {strides = array<i32>} : memref<6x128x128xf32, #tpu.memory_space<vmem>>, vector<1x1x16xf32>,
        %get3A_1146 = vector.shape_cast %get3A_1145 : vector<1x1x16xf32> to vector<16xf32>
        %mul3A_1147 = arith.constant 11.3137083 : f32
        %mul3A_1148 = vector.broadcast %mul3A_1147 : f32 to vector<16xf32>
        %mul3A_1149 = arith.mulf %get3A_1146, %mul3A_1148 : vector<16xf32>
        %swap3A_1150 = arith.constant 3 : i32
        %swap3A_1151 = arith.index_cast %swap3A_1150 : i32 to index
        %swap3A_1152 = arith.index_cast %add3A_1110 : i32 to index
        %swap3A_1153 = arith.constant 32 : index
        %swap3A_1154 = tpu.vector_load %arg6[%swap3A_1151, %swap3A_1152, %swap3A_1153] {strides = array<i32>} : memref<6x128x128xf32, #tpu.memory_space<vmem>>, vector<1x1x16xf32>,
        %swap3A_1155 = vector.shape_cast %swap3A_1154 : vector<1x1x16xf32> to vector<16xf32>
        %swap3A_1156 = vector.shape_cast %mul3A_1149 : vector<16xf32> to vector<1x1x16xf32>
        tpu.vector_store %arg6[%swap3A_1151, %swap3A_1152, %swap3A_1153], %swap3A_1156 {strides = array<i32>} : memref<6x128x128xf32, #tpu.memory_space<vmem>>, vector<1x1x16xf32>,
        %get3A_1157 = arith.constant 3 : i32
        %get3A_1158 = arith.index_cast %get3A_1157 : i32 to index
        %get3A_1159 = arith.index_cast %add3A_1110 : i32 to index
        %get3A_1160 = arith.constant 48 : index
        %get3A_1161 = tpu.vector_load %arg6[%get3A_1158, %get3A_1159, %get3A_1160] {strides = array<i32>} : memref<6x128x128xf32, #tpu.memory_space<vmem>>, vector<1x1x16xf32>,
        %get3A_1162 = vector.shape_cast %get3A_1161 : vector<1x1x16xf32> to vector<16xf32>
        %mul3A_1163 = arith.constant 11.3137083 : f32
        %mul3A_1164 = vector.broadcast %mul3A_1163 : f32 to vector<16xf32>
        %mul3A_1165 = arith.mulf %get3A_1162, %mul3A_1164 : vector<16xf32>
        %swap3A_1166 = arith.constant 3 : i32
        %swap3A_1167 = arith.index_cast %swap3A_1166 : i32 to index
        %swap3A_1168 = arith.index_cast %add3A_1110 : i32 to index
        %swap3A_1169 = arith.constant 48 : index
        %swap3A_1170 = tpu.vector_load %arg6[%swap3A_1167, %swap3A_1168, %swap3A_1169] {strides = array<i32>} : memref<6x128x128xf32, #tpu.memory_space<vmem>>, vector<1x1x16xf32>,
        %swap3A_1171 = vector.shape_cast %swap3A_1170 : vector<1x1x16xf32> to vector<16xf32>
        %swap3A_1172 = vector.shape_cast %mul3A_1165 : vector<16xf32> to vector<1x1x16xf32>
        tpu.vector_store %arg6[%swap3A_1167, %swap3A_1168, %swap3A_1169], %swap3A_1172 {strides = array<i32>} : memref<6x128x128xf32, #tpu.memory_space<vmem>>, vector<1x1x16xf32>,
        %get3A_1173 = arith.constant 3 : i32
        %get3A_1174 = arith.index_cast %get3A_1173 : i32 to index
        %get3A_1175 = arith.index_cast %add3A_1110 : i32 to index
        %get3A_1176 = arith.constant 64 : index
        %get3A_1177 = tpu.vector_load %arg6[%get3A_1174, %get3A_1175, %get3A_1176] {strides = array<i32>} : memref<6x128x128xf32, #tpu.memory_space<vmem>>, vector<1x1x16xf32>,
        %get3A_1178 = vector.shape_cast %get3A_1177 : vector<1x1x16xf32> to vector<16xf32>
        %mul3A_1179 = arith.constant 11.3137083 : f32
        %mul3A_1180 = vector.broadcast %mul3A_1179 : f32 to vector<16xf32>
        %mul3A_1181 = arith.mulf %get3A_1178, %mul3A_1180 : vector<16xf32>
        %swap3A_1182 = arith.constant 3 : i32
        %swap3A_1183 = arith.index_cast %swap3A_1182 : i32 to index
        %swap3A_1184 = arith.index_cast %add3A_1110 : i32 to index
        %swap3A_1185 = arith.constant 64 : index
        %swap3A_1186 = tpu.vector_load %arg6[%swap3A_1183, %swap3A_1184, %swap3A_1185] {strides = array<i32>} : memref<6x128x128xf32, #tpu.memory_space<vmem>>, vector<1x1x16xf32>,
        %swap3A_1187 = vector.shape_cast %swap3A_1186 : vector<1x1x16xf32> to vector<16xf32>
        %swap3A_1188 = vector.shape_cast %mul3A_1181 : vector<16xf32> to vector<1x1x16xf32>
        tpu.vector_store %arg6[%swap3A_1183, %swap3A_1184, %swap3A_1185], %swap3A_1188 {strides = array<i32>} : memref<6x128x128xf32, #tpu.memory_space<vmem>>, vector<1x1x16xf32>,
        %get3A_1189 = arith.constant 3 : i32
        %get3A_1190 = arith.index_cast %get3A_1189 : i32 to index
        %get3A_1191 = arith.index_cast %add3A_1110 : i32 to index
        %get3A_1192 = arith.constant 80 : index
        %get3A_1193 = tpu.vector_load %arg6[%get3A_1190, %get3A_1191, %get3A_1192] {strides = array<i32>} : memref<6x128x128xf32, #tpu.memory_space<vmem>>, vector<1x1x16xf32>,
        %get3A_1194 = vector.shape_cast %get3A_1193 : vector<1x1x16xf32> to vector<16xf32>
        %mul3A_1195 = arith.constant 11.3137083 : f32
        %mul3A_1196 = vector.broadcast %mul3A_1195 : f32 to vector<16xf32>
        %mul3A_1197 = arith.mulf %get3A_1194, %mul3A_1196 : vector<16xf32>
        %swap3A_1198 = arith.constant 3 : i32
        %swap3A_1199 = arith.index_cast %swap3A_1198 : i32 to index
        %swap3A_1200 = arith.index_cast %add3A_1110 : i32 to index
        %swap3A_1201 = arith.constant 80 : index
        %swap3A_1202 = tpu.vector_load %arg6[%swap3A_1199, %swap3A_1200, %swap3A_1201] {strides = array<i32>} : memref<6x128x128xf32, #tpu.memory_space<vmem>>, vector<1x1x16xf32>,
        %swap3A_1203 = vector.shape_cast %swap3A_1202 : vector<1x1x16xf32> to vector<16xf32>
        %swap3A_1204 = vector.shape_cast %mul3A_1197 : vector<16xf32> to vector<1x1x16xf32>
        tpu.vector_store %arg6[%swap3A_1199, %swap3A_1200, %swap3A_1201], %swap3A_1204 {strides = array<i32>} : memref<6x128x128xf32, #tpu.memory_space<vmem>>, vector<1x1x16xf32>,
        %get3A_1205 = arith.constant 3 : i32
        %get3A_1206 = arith.index_cast %get3A_1205 : i32 to index
        %get3A_1207 = arith.index_cast %add3A_1110 : i32 to index
        %get3A_1208 = arith.constant 96 : index
        %get3A_1209 = tpu.vector_load %arg6[%get3A_1206, %get3A_1207, %get3A_1208] {strides = array<i32>} : memref<6x128x128xf32, #tpu.memory_space<vmem>>, vector<1x1x16xf32>,
        %get3A_1210 = vector.shape_cast %get3A_1209 : vector<1x1x16xf32> to vector<16xf32>
        %mul3A_1211 = arith.constant 11.3137083 : f32
        %mul3A_1212 = vector.broadcast %mul3A_1211 : f32 to vector<16xf32>
        %mul3A_1213 = arith.mulf %get3A_1210, %mul3A_1212 : vector<16xf32>
        %swap3A_1214 = arith.constant 3 : i32
        %swap3A_1215 = arith.index_cast %swap3A_1214 : i32 to index
        %swap3A_1216 = arith.index_cast %add3A_1110 : i32 to index
        %swap3A_1217 = arith.constant 96 : index
        %swap3A_1218 = tpu.vector_load %arg6[%swap3A_1215, %swap3A_1216, %swap3A_1217] {strides = array<i32>} : memref<6x128x128xf32, #tpu.memory_space<vmem>>, vector<1x1x16xf32>,
        %swap3A_1219 = vector.shape_cast %swap3A_1218 : vector<1x1x16xf32> to vector<16xf32>
        %swap3A_1220 = vector.shape_cast %mul3A_1213 : vector<16xf32> to vector<1x1x16xf32>
        tpu.vector_store %arg6[%swap3A_1215, %swap3A_1216, %swap3A_1217], %swap3A_1220 {strides = array<i32>} : memref<6x128x128xf32, #tpu.memory_space<vmem>>, vector<1x1x16xf32>,
        %get3A_1221 = arith.constant 3 : i32
        %get3A_1222 = arith.index_cast %get3A_1221 : i32 to index
        %get3A_1223 = arith.index_cast %add3A_1110 : i32 to index
        %get3A_1224 = arith.constant 112 : index
        %get3A_1225 = tpu.vector_load %arg6[%get3A_1222, %get3A_1223, %get3A_1224] {strides = array<i32>} : memref<6x128x128xf32, #tpu.memory_space<vmem>>, vector<1x1x16xf32>,
        %get3A_1226 = vector.shape_cast %get3A_1225 : vector<1x1x16xf32> to vector<16xf32>
        %mul3A_1227 = arith.constant 11.3137083 : f32
        %mul3A_1228 = vector.broadcast %mul3A_1227 : f32 to vector<16xf32>
        %mul3A_1229 = arith.mulf %get3A_1226, %mul3A_1228 : vector<16xf32>
        %swap3A_1230 = arith.constant 3 : i32
        %swap3A_1231 = arith.index_cast %swap3A_1230 : i32 to index
        %swap3A_1232 = arith.index_cast %add3A_1110 : i32 to index
        %swap3A_1233 = arith.constant 112 : index
        %swap3A_1234 = tpu.vector_load %arg6[%swap3A_1231, %swap3A_1232, %swap3A_1233] {strides = array<i32>} : memref<6x128x128xf32, #tpu.memory_space<vmem>>, vector<1x1x16xf32>,
        %swap3A_1235 = vector.shape_cast %swap3A_1234 : vector<1x1x16xf32> to vector<16xf32>
        %swap3A_1236 = vector.shape_cast %mul3A_1229 : vector<16xf32> to vector<1x1x16xf32>
        tpu.vector_store %arg6[%swap3A_1231, %swap3A_1232, %swap3A_1233], %swap3A_1236 {strides = array<i32>} : memref<6x128x128xf32, #tpu.memory_space<vmem>>, vector<1x1x16xf32>,
      }
      %scan3A_945 = arith.constant 128 : i32
      %mul3A_946 = arith.constant 128 : i32
      %mul3A_947 = arith.muli %add3A_930, %mul3A_946 : i32
      %add3A_948 = arith.addi %mul3A_2, %mul3A_947 : i32
      %dma_start3A_949 = arith.constant 3 : i32
      %dma_start3A_950 = arith.constant 0 : i32
      %dma_start3A_951 = arith.constant 0 : i32
      %dma_start3A_952 = tpu.memref_slice %arg6[%dma_start3A_949, %dma_start3A_950, %dma_start3A_951] : memref<6x128x128xf32, #tpu.memory_space<vmem>> -> memref<1x128x128xf32, #tpu.memory_space<vmem>>
      %dma_start3A_953 = tpu.memref_squeeze %dma_start3A_952 : memref<1x128x128xf32, #tpu.memory_space<vmem>> -> memref<128x128xf32, #tpu.memory_space<vmem>>
      %dma_start3A_954 = arith.constant 0 : i32
      %dma_start3A_955 = tpu.memref_slice %arg4[%add3A_948, %dma_start3A_954] : memref<819200x128xf32, #tpu.memory_space<hbm>> -> memref<128x128xf32, #tpu.memory_space<hbm>>
      %dma_start3A_956 = arith.constant 0 : i32
      %dma_start3A_957 = tpu.memref_slice %arg4[%add3A_948, %dma_start3A_956] : memref<819200x128xf32, #tpu.memory_space<hbm>> -> memref<128x128xf32, #tpu.memory_space<hbm>>
      %dma_start3A_958 = arith.constant 0 : i32
      %dma_start3A_959 = arith.constant 0 : i32
      %dma_start3A_960 = tpu.memref_slice %arg6[%dma_start3A_949, %dma_start3A_958, %dma_start3A_959] : memref<6x128x128xf32, #tpu.memory_space<vmem>> -> memref<1x128x128xf32, #tpu.memory_space<vmem>>
      %dma_start3A_961 = tpu.memref_squeeze %dma_start3A_960 : memref<1x128x128xf32, #tpu.memory_space<vmem>> -> memref<128x128xf32, #tpu.memory_space<vmem>>
      tpu.enqueue_dma source(%dma_start3A_961 : memref<128x128xf32, #tpu.memory_space<vmem>>) target(%dma_start3A_957 : memref<128x128xf32, #tpu.memory_space<hbm>>) target_semaphore(%arg16 : memref<!tpu.dma_semaphore, #tpu.memory_space<semaphore_mem>>)
      %dma_wait3A_962 = arith.constant 2 : i32
      %dma_wait3A_963 = arith.constant 0 : i32
      %dma_wait3A_964 = arith.constant 0 : i32
      %dma_wait3A_965 = tpu.memref_slice %arg6[%dma_wait3A_962, %dma_wait3A_963, %dma_wait3A_964] : memref<6x128x128xf32, #tpu.memory_space<vmem>> -> memref<1x128x128xf32, #tpu.memory_space<vmem>>
      %dma_wait3A_966 = tpu.memref_squeeze %dma_wait3A_965 : memref<1x128x128xf32, #tpu.memory_space<vmem>> -> memref<128x128xf32, #tpu.memory_space<vmem>>
      %dma_wait3A_967 = arith.constant 0 : i32
      %dma_wait3A_968 = tpu.memref_slice %arg4[%mul3A_2, %dma_wait3A_967] : memref<819200x128xf32, #tpu.memory_space<hbm>> -> memref<128x128xf32, #tpu.memory_space<hbm>>
      %dma_wait3A_969 = arith.constant 0 : i32
      %dma_wait3A_970 = tpu.memref_slice %arg4[%mul3A_2, %dma_wait3A_969] : memref<819200x128xf32, #tpu.memory_space<hbm>> -> memref<128x128xf32, #tpu.memory_space<hbm>>
      %dma_wait3A_971 = arith.constant 0 : i32
      %dma_wait3A_972 = arith.constant 0 : i32
      %dma_wait3A_973 = tpu.memref_slice %arg6[%dma_wait3A_962, %dma_wait3A_971, %dma_wait3A_972] : memref<6x128x128xf32, #tpu.memory_space<vmem>> -> memref<1x128x128xf32, #tpu.memory_space<vmem>>
      %dma_wait3A_974 = tpu.memref_squeeze %dma_wait3A_973 : memref<1x128x128xf32, #tpu.memory_space<vmem>> -> memref<128x128xf32, #tpu.memory_space<vmem>>
      tpu.wait_dma2 semaphore(%arg15 : memref<!tpu.dma_semaphore, #tpu.memory_space<semaphore_mem>>) src(%dma_wait3A_974 : memref<128x128xf32, #tpu.memory_space<vmem>>) dst(%dma_wait3A_970 : memref<128x128xf32, #tpu.memory_space<hbm>>)
      %add3A_975 = arith.constant 5 : i32
      %add3A_976 = arith.addi %add3A_930, %add3A_975 : i32
      %mul3A_977 = arith.constant 128 : i32
      %mul3A_978 = arith.muli %add3A_976, %mul3A_977 : i32
      %dma_start3A_979 = arith.constant 2 : i32
      %dma_start3A_980 = arith.constant 0 : i32
      %dma_start3A_981 = arith.constant 0 : i32
      %dma_start3A_982 = tpu.memref_slice %arg6[%dma_start3A_979, %dma_start3A_980, %dma_start3A_981] : memref<6x128x128xf32, #tpu.memory_space<vmem>> -> memref<1x128x128xf32, #tpu.memory_space<vmem>>
      %dma_start3A_983 = tpu.memref_squeeze %dma_start3A_982 : memref<1x128x128xf32, #tpu.memory_space<vmem>> -> memref<128x128xf32, #tpu.memory_space<vmem>>
      %dma_start3A_984 = tpu.memref_slice %arg5[%mul3A_978] : memref<25600xi32, #tpu.memory_space<vmem>> -> memref<128xi32, #tpu.memory_space<vmem>>
      %dma_start3A_985 = arith.constant 0 : i32
      %dma_start3A_986 = arith.constant 0 : i32
      %dma_start3A_987 = tpu.memref_slice %arg3[%dma_start3A_985, %dma_start3A_986] : memref<100000x128xf32, #tpu.memory_space<hbm>> -> memref<100000x128xf32, #tpu.memory_space<hbm>>
      tpu.enqueue_indirect_dma source(%dma_start3A_987 : memref<100000x128xf32, #tpu.memory_space<hbm>>) target(%dma_start3A_983 : memref<128x128xf32, #tpu.memory_space<vmem>>) offsets(%dma_start3A_984 : memref<128xi32, #tpu.memory_space<vmem>>) semaphore(%arg9 : memref<!tpu.dma_semaphore, #tpu.memory_space<semaphore_mem>>)
      %add3A_988 = arith.constant 4 : i32
      %add3A_989 = arith.addi %add3A_751, %add3A_988 : i32
      %dma_wait3A_990 = arith.constant 4 : i32
      %dma_wait3A_991 = arith.constant 0 : i32
      %dma_wait3A_992 = arith.constant 0 : i32
      %dma_wait3A_993 = tpu.memref_slice %arg6[%dma_wait3A_990, %dma_wait3A_991, %dma_wait3A_992] : memref<6x128x128xf32, #tpu.memory_space<vmem>> -> memref<1x128x128xf32, #tpu.memory_space<vmem>>
      %dma_wait3A_994 = tpu.memref_squeeze %dma_wait3A_993 : memref<1x128x128xf32, #tpu.memory_space<vmem>> -> memref<128x128xf32, #tpu.memory_space<vmem>>
      %dma_wait3A_995 = arith.constant 0 : i32
      %dma_wait3A_996 = tpu.memref_slice %arg5[%dma_wait3A_995] : memref<25600xi32, #tpu.memory_space<vmem>> -> memref<128xi32, #tpu.memory_space<vmem>>
      %dma_wait3A_997 = arith.constant 0 : i32
      %dma_wait3A_998 = arith.constant 0 : i32
      %dma_wait3A_999 = tpu.memref_slice %arg3[%dma_wait3A_997, %dma_wait3A_998] : memref<100000x128xf32, #tpu.memory_space<hbm>> -> memref<100000x128xf32, #tpu.memory_space<hbm>>
      tpu.wait_indirect_dma semaphore(%arg11 : memref<!tpu.dma_semaphore, #tpu.memory_space<semaphore_mem>>) src(%dma_wait3A_999 : memref<100000x128xf32, #tpu.memory_space<hbm>>) dst(%dma_wait3A_994 : memref<128x128xf32, #tpu.memory_space<vmem>>)
      %scan3A_1000 = arith.constant 0 : i32
      %scan3A_1001 = arith.constant 128 : i32
      %scan3A_1002 = arith.addi %scan3A_1000, %scan3A_1001 : i32
      %scan3A_1003 = arith.constant 1 : i32
      scf.for %scan3A_1106 = %scan3A_1000 to %scan3A_1002 step %scan3A_1003  : i32 {
        %mul3A_1107 = arith.constant 1 : i32
        %mul3A_1108 = arith.muli %scan3A_1106, %mul3A_1107 : i32
        %add3A_1109 = arith.constant 0 : i32
        %add3A_1110 = arith.addi %add3A_1109, %mul3A_1108 : i32
        %get3A = arith.constant 4 : i32
        %get3A_1111 = arith.index_cast %get3A : i32 to index
        %get3A_1112 = arith.index_cast %add3A_1110 : i32 to index
        %get3A_1113 = arith.constant 0 : index
        %get3A_1114 = tpu.vector_load %arg6[%get3A_1111, %get3A_1112, %get3A_1113] {strides = array<i32>} : memref<6x128x128xf32, #tpu.memory_space<vmem>>, vector<1x1x16xf32>,
        %get3A_1115 = vector.shape_cast %get3A_1114 : vector<1x1x16xf32> to vector<16xf32>
        %mul3A_1116 = arith.constant 11.3137083 : f32
        %mul3A_1117 = vector.broadcast %mul3A_1116 : f32 to vector<16xf32>
        %mul3A_1118 = arith.mulf %get3A_1115, %mul3A_1117 : vector<16xf32>
        %swap3A = arith.constant 4 : i32
        %swap3A_1119 = arith.index_cast %swap3A : i32 to index
        %swap3A_1120 = arith.index_cast %add3A_1110 : i32 to index
        %swap3A_1121 = arith.constant 0 : index
        %swap3A_1122 = tpu.vector_load %arg6[%swap3A_1119, %swap3A_1120, %swap3A_1121] {strides = array<i32>} : memref<6x128x128xf32, #tpu.memory_space<vmem>>, vector<1x1x16xf32>,
        %swap3A_1123 = vector.shape_cast %swap3A_1122 : vector<1x1x16xf32> to vector<16xf32>
        %swap3A_1124 = vector.shape_cast %mul3A_1118 : vector<16xf32> to vector<1x1x16xf32>
        tpu.vector_store %arg6[%swap3A_1119, %swap3A_1120, %swap3A_1121], %swap3A_1124 {strides = array<i32>} : memref<6x128x128xf32, #tpu.memory_space<vmem>>, vector<1x1x16xf32>,
        %get3A_1125 = arith.constant 4 : i32
        %get3A_1126 = arith.index_cast %get3A_1125 : i32 to index
        %get3A_1127 = arith.index_cast %add3A_1110 : i32 to index
        %get3A_1128 = arith.constant 16 : index
        %get3A_1129 = tpu.vector_load %arg6[%get3A_1126, %get3A_1127, %get3A_1128] {strides = array<i32>} : memref<6x128x128xf32, #tpu.memory_space<vmem>>, vector<1x1x16xf32>,
        %get3A_1130 = vector.shape_cast %get3A_1129 : vector<1x1x16xf32> to vector<16xf32>
        %mul3A_1131 = arith.constant 11.3137083 : f32
        %mul3A_1132 = vector.broadcast %mul3A_1131 : f32 to vector<16xf32>
        %mul3A_1133 = arith.mulf %get3A_1130, %mul3A_1132 : vector<16xf32>
        %swap3A_1134 = arith.constant 4 : i32
        %swap3A_1135 = arith.index_cast %swap3A_1134 : i32 to index
        %swap3A_1136 = arith.index_cast %add3A_1110 : i32 to index
        %swap3A_1137 = arith.constant 16 : index
        %swap3A_1138 = tpu.vector_load %arg6[%swap3A_1135, %swap3A_1136, %swap3A_1137] {strides = array<i32>} : memref<6x128x128xf32, #tpu.memory_space<vmem>>, vector<1x1x16xf32>,
        %swap3A_1139 = vector.shape_cast %swap3A_1138 : vector<1x1x16xf32> to vector<16xf32>
        %swap3A_1140 = vector.shape_cast %mul3A_1133 : vector<16xf32> to vector<1x1x16xf32>
        tpu.vector_store %arg6[%swap3A_1135, %swap3A_1136, %swap3A_1137], %swap3A_1140 {strides = array<i32>} : memref<6x128x128xf32, #tpu.memory_space<vmem>>, vector<1x1x16xf32>,
        %get3A_1141 = arith.constant 4 : i32
        %get3A_1142 = arith.index_cast %get3A_1141 : i32 to index
        %get3A_1143 = arith.index_cast %add3A_1110 : i32 to index
        %get3A_1144 = arith.constant 32 : index
        %get3A_1145 = tpu.vector_load %arg6[%get3A_1142, %get3A_1143, %get3A_1144] {strides = array<i32>} : memref<6x128x128xf32, #tpu.memory_space<vmem>>, vector<1x1x16xf32>,
        %get3A_1146 = vector.shape_cast %get3A_1145 : vector<1x1x16xf32> to vector<16xf32>
        %mul3A_1147 = arith.constant 11.3137083 : f32
        %mul3A_1148 = vector.broadcast %mul3A_1147 : f32 to vector<16xf32>
        %mul3A_1149 = arith.mulf %get3A_1146, %mul3A_1148 : vector<16xf32>
        %swap3A_1150 = arith.constant 4 : i32
        %swap3A_1151 = arith.index_cast %swap3A_1150 : i32 to index
        %swap3A_1152 = arith.index_cast %add3A_1110 : i32 to index
        %swap3A_1153 = arith.constant 32 : index
        %swap3A_1154 = tpu.vector_load %arg6[%swap3A_1151, %swap3A_1152, %swap3A_1153] {strides = array<i32>} : memref<6x128x128xf32, #tpu.memory_space<vmem>>, vector<1x1x16xf32>,
        %swap3A_1155 = vector.shape_cast %swap3A_1154 : vector<1x1x16xf32> to vector<16xf32>
        %swap3A_1156 = vector.shape_cast %mul3A_1149 : vector<16xf32> to vector<1x1x16xf32>
        tpu.vector_store %arg6[%swap3A_1151, %swap3A_1152, %swap3A_1153], %swap3A_1156 {strides = array<i32>} : memref<6x128x128xf32, #tpu.memory_space<vmem>>, vector<1x1x16xf32>,
        %get3A_1157 = arith.constant 4 : i32
        %get3A_1158 = arith.index_cast %get3A_1157 : i32 to index
        %get3A_1159 = arith.index_cast %add3A_1110 : i32 to index
        %get3A_1160 = arith.constant 48 : index
        %get3A_1161 = tpu.vector_load %arg6[%get3A_1158, %get3A_1159, %get3A_1160] {strides = array<i32>} : memref<6x128x128xf32, #tpu.memory_space<vmem>>, vector<1x1x16xf32>,
        %get3A_1162 = vector.shape_cast %get3A_1161 : vector<1x1x16xf32> to vector<16xf32>
        %mul3A_1163 = arith.constant 11.3137083 : f32
        %mul3A_1164 = vector.broadcast %mul3A_1163 : f32 to vector<16xf32>
        %mul3A_1165 = arith.mulf %get3A_1162, %mul3A_1164 : vector<16xf32>
        %swap3A_1166 = arith.constant 4 : i32
        %swap3A_1167 = arith.index_cast %swap3A_1166 : i32 to index
        %swap3A_1168 = arith.index_cast %add3A_1110 : i32 to index
        %swap3A_1169 = arith.constant 48 : index
        %swap3A_1170 = tpu.vector_load %arg6[%swap3A_1167, %swap3A_1168, %swap3A_1169] {strides = array<i32>} : memref<6x128x128xf32, #tpu.memory_space<vmem>>, vector<1x1x16xf32>,
        %swap3A_1171 = vector.shape_cast %swap3A_1170 : vector<1x1x16xf32> to vector<16xf32>
        %swap3A_1172 = vector.shape_cast %mul3A_1165 : vector<16xf32> to vector<1x1x16xf32>
        tpu.vector_store %arg6[%swap3A_1167, %swap3A_1168, %swap3A_1169], %swap3A_1172 {strides = array<i32>} : memref<6x128x128xf32, #tpu.memory_space<vmem>>, vector<1x1x16xf32>,
        %get3A_1173 = arith.constant 4 : i32
        %get3A_1174 = arith.index_cast %get3A_1173 : i32 to index
        %get3A_1175 = arith.index_cast %add3A_1110 : i32 to index
        %get3A_1176 = arith.constant 64 : index
        %get3A_1177 = tpu.vector_load %arg6[%get3A_1174, %get3A_1175, %get3A_1176] {strides = array<i32>} : memref<6x128x128xf32, #tpu.memory_space<vmem>>, vector<1x1x16xf32>,
        %get3A_1178 = vector.shape_cast %get3A_1177 : vector<1x1x16xf32> to vector<16xf32>
        %mul3A_1179 = arith.constant 11.3137083 : f32
        %mul3A_1180 = vector.broadcast %mul3A_1179 : f32 to vector<16xf32>
        %mul3A_1181 = arith.mulf %get3A_1178, %mul3A_1180 : vector<16xf32>
        %swap3A_1182 = arith.constant 4 : i32
        %swap3A_1183 = arith.index_cast %swap3A_1182 : i32 to index
        %swap3A_1184 = arith.index_cast %add3A_1110 : i32 to index
        %swap3A_1185 = arith.constant 64 : index
        %swap3A_1186 = tpu.vector_load %arg6[%swap3A_1183, %swap3A_1184, %swap3A_1185] {strides = array<i32>} : memref<6x128x128xf32, #tpu.memory_space<vmem>>, vector<1x1x16xf32>,
        %swap3A_1187 = vector.shape_cast %swap3A_1186 : vector<1x1x16xf32> to vector<16xf32>
        %swap3A_1188 = vector.shape_cast %mul3A_1181 : vector<16xf32> to vector<1x1x16xf32>
        tpu.vector_store %arg6[%swap3A_1183, %swap3A_1184, %swap3A_1185], %swap3A_1188 {strides = array<i32>} : memref<6x128x128xf32, #tpu.memory_space<vmem>>, vector<1x1x16xf32>,
        %get3A_1189 = arith.constant 4 : i32
        %get3A_1190 = arith.index_cast %get3A_1189 : i32 to index
        %get3A_1191 = arith.index_cast %add3A_1110 : i32 to index
        %get3A_1192 = arith.constant 80 : index
        %get3A_1193 = tpu.vector_load %arg6[%get3A_1190, %get3A_1191, %get3A_1192] {strides = array<i32>} : memref<6x128x128xf32, #tpu.memory_space<vmem>>, vector<1x1x16xf32>,
        %get3A_1194 = vector.shape_cast %get3A_1193 : vector<1x1x16xf32> to vector<16xf32>
        %mul3A_1195 = arith.constant 11.3137083 : f32
        %mul3A_1196 = vector.broadcast %mul3A_1195 : f32 to vector<16xf32>
        %mul3A_1197 = arith.mulf %get3A_1194, %mul3A_1196 : vector<16xf32>
        %swap3A_1198 = arith.constant 4 : i32
        %swap3A_1199 = arith.index_cast %swap3A_1198 : i32 to index
        %swap3A_1200 = arith.index_cast %add3A_1110 : i32 to index
        %swap3A_1201 = arith.constant 80 : index
        %swap3A_1202 = tpu.vector_load %arg6[%swap3A_1199, %swap3A_1200, %swap3A_1201] {strides = array<i32>} : memref<6x128x128xf32, #tpu.memory_space<vmem>>, vector<1x1x16xf32>,
        %swap3A_1203 = vector.shape_cast %swap3A_1202 : vector<1x1x16xf32> to vector<16xf32>
        %swap3A_1204 = vector.shape_cast %mul3A_1197 : vector<16xf32> to vector<1x1x16xf32>
        tpu.vector_store %arg6[%swap3A_1199, %swap3A_1200, %swap3A_1201], %swap3A_1204 {strides = array<i32>} : memref<6x128x128xf32, #tpu.memory_space<vmem>>, vector<1x1x16xf32>,
        %get3A_1205 = arith.constant 4 : i32
        %get3A_1206 = arith.index_cast %get3A_1205 : i32 to index
        %get3A_1207 = arith.index_cast %add3A_1110 : i32 to index
        %get3A_1208 = arith.constant 96 : index
        %get3A_1209 = tpu.vector_load %arg6[%get3A_1206, %get3A_1207, %get3A_1208] {strides = array<i32>} : memref<6x128x128xf32, #tpu.memory_space<vmem>>, vector<1x1x16xf32>,
        %get3A_1210 = vector.shape_cast %get3A_1209 : vector<1x1x16xf32> to vector<16xf32>
        %mul3A_1211 = arith.constant 11.3137083 : f32
        %mul3A_1212 = vector.broadcast %mul3A_1211 : f32 to vector<16xf32>
        %mul3A_1213 = arith.mulf %get3A_1210, %mul3A_1212 : vector<16xf32>
        %swap3A_1214 = arith.constant 4 : i32
        %swap3A_1215 = arith.index_cast %swap3A_1214 : i32 to index
        %swap3A_1216 = arith.index_cast %add3A_1110 : i32 to index
        %swap3A_1217 = arith.constant 96 : index
        %swap3A_1218 = tpu.vector_load %arg6[%swap3A_1215, %swap3A_1216, %swap3A_1217] {strides = array<i32>} : memref<6x128x128xf32, #tpu.memory_space<vmem>>, vector<1x1x16xf32>,
        %swap3A_1219 = vector.shape_cast %swap3A_1218 : vector<1x1x16xf32> to vector<16xf32>
        %swap3A_1220 = vector.shape_cast %mul3A_1213 : vector<16xf32> to vector<1x1x16xf32>
        tpu.vector_store %arg6[%swap3A_1215, %swap3A_1216, %swap3A_1217], %swap3A_1220 {strides = array<i32>} : memref<6x128x128xf32, #tpu.memory_space<vmem>>, vector<1x1x16xf32>,
        %get3A_1221 = arith.constant 4 : i32
        %get3A_1222 = arith.index_cast %get3A_1221 : i32 to index
        %get3A_1223 = arith.index_cast %add3A_1110 : i32 to index
        %get3A_1224 = arith.constant 112 : index
        %get3A_1225 = tpu.vector_load %arg6[%get3A_1222, %get3A_1223, %get3A_1224] {strides = array<i32>} : memref<6x128x128xf32, #tpu.memory_space<vmem>>, vector<1x1x16xf32>,
        %get3A_1226 = vector.shape_cast %get3A_1225 : vector<1x1x16xf32> to vector<16xf32>
        %mul3A_1227 = arith.constant 11.3137083 : f32
        %mul3A_1228 = vector.broadcast %mul3A_1227 : f32 to vector<16xf32>
        %mul3A_1229 = arith.mulf %get3A_1226, %mul3A_1228 : vector<16xf32>
        %swap3A_1230 = arith.constant 4 : i32
        %swap3A_1231 = arith.index_cast %swap3A_1230 : i32 to index
        %swap3A_1232 = arith.index_cast %add3A_1110 : i32 to index
        %swap3A_1233 = arith.constant 112 : index
        %swap3A_1234 = tpu.vector_load %arg6[%swap3A_1231, %swap3A_1232, %swap3A_1233] {strides = array<i32>} : memref<6x128x128xf32, #tpu.memory_space<vmem>>, vector<1x1x16xf32>,
        %swap3A_1235 = vector.shape_cast %swap3A_1234 : vector<1x1x16xf32> to vector<16xf32>
        %swap3A_1236 = vector.shape_cast %mul3A_1229 : vector<16xf32> to vector<1x1x16xf32>
        tpu.vector_store %arg6[%swap3A_1231, %swap3A_1232, %swap3A_1233], %swap3A_1236 {strides = array<i32>} : memref<6x128x128xf32, #tpu.memory_space<vmem>>, vector<1x1x16xf32>,
      }
      %scan3A_1004 = arith.constant 128 : i32
      %mul3A_1005 = arith.constant 128 : i32
      %mul3A_1006 = arith.muli %add3A_989, %mul3A_1005 : i32
      %add3A_1007 = arith.addi %mul3A_2, %mul3A_1006 : i32
      %dma_start3A_1008 = arith.constant 4 : i32
      %dma_start3A_1009 = arith.constant 0 : i32
      %dma_start3A_1010 = arith.constant 0 : i32
      %dma_start3A_1011 = tpu.memref_slice %arg6[%dma_start3A_1008, %dma_start3A_1009, %dma_start3A_1010] : memref<6x128x128xf32, #tpu.memory_space<vmem>> -> memref<1x128x128xf32, #tpu.memory_space<vmem>>
      %dma_start3A_1012 = tpu.memref_squeeze %dma_start3A_1011 : memref<1x128x128xf32, #tpu.memory_space<vmem>> -> memref<128x128xf32, #tpu.memory_space<vmem>>
      %dma_start3A_1013 = arith.constant 0 : i32
      %dma_start3A_1014 = tpu.memref_slice %arg4[%add3A_1007, %dma_start3A_1013] : memref<819200x128xf32, #tpu.memory_space<hbm>> -> memref<128x128xf32, #tpu.memory_space<hbm>>
      %dma_start3A_1015 = arith.constant 0 : i32
      %dma_start3A_1016 = tpu.memref_slice %arg4[%add3A_1007, %dma_start3A_1015] : memref<819200x128xf32, #tpu.memory_space<hbm>> -> memref<128x128xf32, #tpu.memory_space<hbm>>
      %dma_start3A_1017 = arith.constant 0 : i32
      %dma_start3A_1018 = arith.constant 0 : i32
      %dma_start3A_1019 = tpu.memref_slice %arg6[%dma_start3A_1008, %dma_start3A_1017, %dma_start3A_1018] : memref<6x128x128xf32, #tpu.memory_space<vmem>> -> memref<1x128x128xf32, #tpu.memory_space<vmem>>
      %dma_start3A_1020 = tpu.memref_squeeze %dma_start3A_1019 : memref<1x128x128xf32, #tpu.memory_space<vmem>> -> memref<128x128xf32, #tpu.memory_space<vmem>>
      tpu.enqueue_dma source(%dma_start3A_1020 : memref<128x128xf32, #tpu.memory_space<vmem>>) target(%dma_start3A_1016 : memref<128x128xf32, #tpu.memory_space<hbm>>) target_semaphore(%arg17 : memref<!tpu.dma_semaphore, #tpu.memory_space<semaphore_mem>>)
      %dma_wait3A_1021 = arith.constant 3 : i32
      %dma_wait3A_1022 = arith.constant 0 : i32
      %dma_wait3A_1023 = arith.constant 0 : i32
      %dma_wait3A_1024 = tpu.memref_slice %arg6[%dma_wait3A_1021, %dma_wait3A_1022, %dma_wait3A_1023] : memref<6x128x128xf32, #tpu.memory_space<vmem>> -> memref<1x128x128xf32, #tpu.memory_space<vmem>>
      %dma_wait3A_1025 = tpu.memref_squeeze %dma_wait3A_1024 : memref<1x128x128xf32, #tpu.memory_space<vmem>> -> memref<128x128xf32, #tpu.memory_space<vmem>>
      %dma_wait3A_1026 = arith.constant 0 : i32
      %dma_wait3A_1027 = tpu.memref_slice %arg4[%mul3A_2, %dma_wait3A_1026] : memref<819200x128xf32, #tpu.memory_space<hbm>> -> memref<128x128xf32, #tpu.memory_space<hbm>>
      %dma_wait3A_1028 = arith.constant 0 : i32
      %dma_wait3A_1029 = tpu.memref_slice %arg4[%mul3A_2, %dma_wait3A_1028] : memref<819200x128xf32, #tpu.memory_space<hbm>> -> memref<128x128xf32, #tpu.memory_space<hbm>>
      %dma_wait3A_1030 = arith.constant 0 : i32
      %dma_wait3A_1031 = arith.constant 0 : i32
      %dma_wait3A_1032 = tpu.memref_slice %arg6[%dma_wait3A_1021, %dma_wait3A_1030, %dma_wait3A_1031] : memref<6x128x128xf32, #tpu.memory_space<vmem>> -> memref<1x128x128xf32, #tpu.memory_space<vmem>>
      %dma_wait3A_1033 = tpu.memref_squeeze %dma_wait3A_1032 : memref<1x128x128xf32, #tpu.memory_space<vmem>> -> memref<128x128xf32, #tpu.memory_space<vmem>>
      tpu.wait_dma2 semaphore(%arg16 : memref<!tpu.dma_semaphore, #tpu.memory_space<semaphore_mem>>) src(%dma_wait3A_1033 : memref<128x128xf32, #tpu.memory_space<vmem>>) dst(%dma_wait3A_1029 : memref<128x128xf32, #tpu.memory_space<hbm>>)
      %add3A_1034 = arith.constant 5 : i32
      %add3A_1035 = arith.addi %add3A_989, %add3A_1034 : i32
      %mul3A_1036 = arith.constant 128 : i32
      %mul3A_1037 = arith.muli %add3A_1035, %mul3A_1036 : i32
      %dma_start3A_1038 = arith.constant 3 : i32
      %dma_start3A_1039 = arith.constant 0 : i32
      %dma_start3A_1040 = arith.constant 0 : i32
      %dma_start3A_1041 = tpu.memref_slice %arg6[%dma_start3A_1038, %dma_start3A_1039, %dma_start3A_1040] : memref<6x128x128xf32, #tpu.memory_space<vmem>> -> memref<1x128x128xf32, #tpu.memory_space<vmem>>
      %dma_start3A_1042 = tpu.memref_squeeze %dma_start3A_1041 : memref<1x128x128xf32, #tpu.memory_space<vmem>> -> memref<128x128xf32, #tpu.memory_space<vmem>>
      %dma_start3A_1043 = tpu.memref_slice %arg5[%mul3A_1037] : memref<25600xi32, #tpu.memory_space<vmem>> -> memref<128xi32, #tpu.memory_space<vmem>>
      %dma_start3A_1044 = arith.constant 0 : i32
      %dma_start3A_1045 = arith.constant 0 : i32
      %dma_start3A_1046 = tpu.memref_slice %arg3[%dma_start3A_1044, %dma_start3A_1045] : memref<100000x128xf32, #tpu.memory_space<hbm>> -> memref<100000x128xf32, #tpu.memory_space<hbm>>
      tpu.enqueue_indirect_dma source(%dma_start3A_1046 : memref<100000x128xf32, #tpu.memory_space<hbm>>) target(%dma_start3A_1042 : memref<128x128xf32, #tpu.memory_space<vmem>>) offsets(%dma_start3A_1043 : memref<128xi32, #tpu.memory_space<vmem>>) semaphore(%arg10 : memref<!tpu.dma_semaphore, #tpu.memory_space<semaphore_mem>>)
      %add3A_1047 = arith.constant 5 : i32
      %add3A_1048 = arith.addi %add3A_751, %add3A_1047 : i32
      %dma_wait3A_1049 = arith.constant 5 : i32
      %dma_wait3A_1050 = arith.constant 0 : i32
      %dma_wait3A_1051 = arith.constant 0 : i32
      %dma_wait3A_1052 = tpu.memref_slice %arg6[%dma_wait3A_1049, %dma_wait3A_1050, %dma_wait3A_1051] : memref<6x128x128xf32, #tpu.memory_space<vmem>> -> memref<1x128x128xf32, #tpu.memory_space<vmem>>
      %dma_wait3A_1053 = tpu.memref_squeeze %dma_wait3A_1052 : memref<1x128x128xf32, #tpu.memory_space<vmem>> -> memref<128x128xf32, #tpu.memory_space<vmem>>
      %dma_wait3A_1054 = arith.constant 0 : i32
      %dma_wait3A_1055 = tpu.memref_slice %arg5[%dma_wait3A_1054] : memref<25600xi32, #tpu.memory_space<vmem>> -> memref<128xi32, #tpu.memory_space<vmem>>
      %dma_wait3A_1056 = arith.constant 0 : i32
      %dma_wait3A_1057 = arith.constant 0 : i32
      %dma_wait3A_1058 = tpu.memref_slice %arg3[%dma_wait3A_1056, %dma_wait3A_1057] : memref<100000x128xf32, #tpu.memory_space<hbm>> -> memref<100000x128xf32, #tpu.memory_space<hbm>>
      tpu.wait_indirect_dma semaphore(%arg12 : memref<!tpu.dma_semaphore, #tpu.memory_space<semaphore_mem>>) src(%dma_wait3A_1058 : memref<100000x128xf32, #tpu.memory_space<hbm>>) dst(%dma_wait3A_1053 : memref<128x128xf32, #tpu.memory_space<vmem>>)
      %scan3A_1059 = arith.constant 0 : i32
      %scan3A_1060 = arith.constant 128 : i32
      %scan3A_1061 = arith.addi %scan3A_1059, %scan3A_1060 : i32
      %scan3A_1062 = arith.constant 1 : i32
      scf.for %scan3A_1106 = %scan3A_1059 to %scan3A_1061 step %scan3A_1062  : i32 {
        %mul3A_1107 = arith.constant 1 : i32
        %mul3A_1108 = arith.muli %scan3A_1106, %mul3A_1107 : i32
        %add3A_1109 = arith.constant 0 : i32
        %add3A_1110 = arith.addi %add3A_1109, %mul3A_1108 : i32
        %get3A = arith.constant 5 : i32
        %get3A_1111 = arith.index_cast %get3A : i32 to index
        %get3A_1112 = arith.index_cast %add3A_1110 : i32 to index
        %get3A_1113 = arith.constant 0 : index
        %get3A_1114 = tpu.vector_load %arg6[%get3A_1111, %get3A_1112, %get3A_1113] {strides = array<i32>} : memref<6x128x128xf32, #tpu.memory_space<vmem>>, vector<1x1x16xf32>,
        %get3A_1115 = vector.shape_cast %get3A_1114 : vector<1x1x16xf32> to vector<16xf32>
        %mul3A_1116 = arith.constant 11.3137083 : f32
        %mul3A_1117 = vector.broadcast %mul3A_1116 : f32 to vector<16xf32>
        %mul3A_1118 = arith.mulf %get3A_1115, %mul3A_1117 : vector<16xf32>
        %swap3A = arith.constant 5 : i32
        %swap3A_1119 = arith.index_cast %swap3A : i32 to index
        %swap3A_1120 = arith.index_cast %add3A_1110 : i32 to index
        %swap3A_1121 = arith.constant 0 : index
        %swap3A_1122 = tpu.vector_load %arg6[%swap3A_1119, %swap3A_1120, %swap3A_1121] {strides = array<i32>} : memref<6x128x128xf32, #tpu.memory_space<vmem>>, vector<1x1x16xf32>,
        %swap3A_1123 = vector.shape_cast %swap3A_1122 : vector<1x1x16xf32> to vector<16xf32>
        %swap3A_1124 = vector.shape_cast %mul3A_1118 : vector<16xf32> to vector<1x1x16xf32>
        tpu.vector_store %arg6[%swap3A_1119, %swap3A_1120, %swap3A_1121], %swap3A_1124 {strides = array<i32>} : memref<6x128x128xf32, #tpu.memory_space<vmem>>, vector<1x1x16xf32>,
        %get3A_1125 = arith.constant 5 : i32
        %get3A_1126 = arith.index_cast %get3A_1125 : i32 to index
        %get3A_1127 = arith.index_cast %add3A_1110 : i32 to index
        %get3A_1128 = arith.constant 16 : index
        %get3A_1129 = tpu.vector_load %arg6[%get3A_1126, %get3A_1127, %get3A_1128] {strides = array<i32>} : memref<6x128x128xf32, #tpu.memory_space<vmem>>, vector<1x1x16xf32>,
        %get3A_1130 = vector.shape_cast %get3A_1129 : vector<1x1x16xf32> to vector<16xf32>
        %mul3A_1131 = arith.constant 11.3137083 : f32
        %mul3A_1132 = vector.broadcast %mul3A_1131 : f32 to vector<16xf32>
        %mul3A_1133 = arith.mulf %get3A_1130, %mul3A_1132 : vector<16xf32>
        %swap3A_1134 = arith.constant 5 : i32
        %swap3A_1135 = arith.index_cast %swap3A_1134 : i32 to index
        %swap3A_1136 = arith.index_cast %add3A_1110 : i32 to index
        %swap3A_1137 = arith.constant 16 : index
        %swap3A_1138 = tpu.vector_load %arg6[%swap3A_1135, %swap3A_1136, %swap3A_1137] {strides = array<i32>} : memref<6x128x128xf32, #tpu.memory_space<vmem>>, vector<1x1x16xf32>,
        %swap3A_1139 = vector.shape_cast %swap3A_1138 : vector<1x1x16xf32> to vector<16xf32>
        %swap3A_1140 = vector.shape_cast %mul3A_1133 : vector<16xf32> to vector<1x1x16xf32>
        tpu.vector_store %arg6[%swap3A_1135, %swap3A_1136, %swap3A_1137], %swap3A_1140 {strides = array<i32>} : memref<6x128x128xf32, #tpu.memory_space<vmem>>, vector<1x1x16xf32>,
        %get3A_1141 = arith.constant 5 : i32
        %get3A_1142 = arith.index_cast %get3A_1141 : i32 to index
        %get3A_1143 = arith.index_cast %add3A_1110 : i32 to index
        %get3A_1144 = arith.constant 32 : index
        %get3A_1145 = tpu.vector_load %arg6[%get3A_1142, %get3A_1143, %get3A_1144] {strides = array<i32>} : memref<6x128x128xf32, #tpu.memory_space<vmem>>, vector<1x1x16xf32>,
        %get3A_1146 = vector.shape_cast %get3A_1145 : vector<1x1x16xf32> to vector<16xf32>
        %mul3A_1147 = arith.constant 11.3137083 : f32
        %mul3A_1148 = vector.broadcast %mul3A_1147 : f32 to vector<16xf32>
        %mul3A_1149 = arith.mulf %get3A_1146, %mul3A_1148 : vector<16xf32>
        %swap3A_1150 = arith.constant 5 : i32
        %swap3A_1151 = arith.index_cast %swap3A_1150 : i32 to index
        %swap3A_1152 = arith.index_cast %add3A_1110 : i32 to index
        %swap3A_1153 = arith.constant 32 : index
        %swap3A_1154 = tpu.vector_load %arg6[%swap3A_1151, %swap3A_1152, %swap3A_1153] {strides = array<i32>} : memref<6x128x128xf32, #tpu.memory_space<vmem>>, vector<1x1x16xf32>,
        %swap3A_1155 = vector.shape_cast %swap3A_1154 : vector<1x1x16xf32> to vector<16xf32>
        %swap3A_1156 = vector.shape_cast %mul3A_1149 : vector<16xf32> to vector<1x1x16xf32>
        tpu.vector_store %arg6[%swap3A_1151, %swap3A_1152, %swap3A_1153], %swap3A_1156 {strides = array<i32>} : memref<6x128x128xf32, #tpu.memory_space<vmem>>, vector<1x1x16xf32>,
        %get3A_1157 = arith.constant 5 : i32
        %get3A_1158 = arith.index_cast %get3A_1157 : i32 to index
        %get3A_1159 = arith.index_cast %add3A_1110 : i32 to index
        %get3A_1160 = arith.constant 48 : index
        %get3A_1161 = tpu.vector_load %arg6[%get3A_1158, %get3A_1159, %get3A_1160] {strides = array<i32>} : memref<6x128x128xf32, #tpu.memory_space<vmem>>, vector<1x1x16xf32>,
        %get3A_1162 = vector.shape_cast %get3A_1161 : vector<1x1x16xf32> to vector<16xf32>
        %mul3A_1163 = arith.constant 11.3137083 : f32
        %mul3A_1164 = vector.broadcast %mul3A_1163 : f32 to vector<16xf32>
        %mul3A_1165 = arith.mulf %get3A_1162, %mul3A_1164 : vector<16xf32>
        %swap3A_1166 = arith.constant 5 : i32
        %swap3A_1167 = arith.index_cast %swap3A_1166 : i32 to index
        %swap3A_1168 = arith.index_cast %add3A_1110 : i32 to index
        %swap3A_1169 = arith.constant 48 : index
        %swap3A_1170 = tpu.vector_load %arg6[%swap3A_1167, %swap3A_1168, %swap3A_1169] {strides = array<i32>} : memref<6x128x128xf32, #tpu.memory_space<vmem>>, vector<1x1x16xf32>,
        %swap3A_1171 = vector.shape_cast %swap3A_1170 : vector<1x1x16xf32> to vector<16xf32>
        %swap3A_1172 = vector.shape_cast %mul3A_1165 : vector<16xf32> to vector<1x1x16xf32>
        tpu.vector_store %arg6[%swap3A_1167, %swap3A_1168, %swap3A_1169], %swap3A_1172 {strides = array<i32>} : memref<6x128x128xf32, #tpu.memory_space<vmem>>, vector<1x1x16xf32>,
        %get3A_1173 = arith.constant 5 : i32
        %get3A_1174 = arith.index_cast %get3A_1173 : i32 to index
        %get3A_1175 = arith.index_cast %add3A_1110 : i32 to index
        %get3A_1176 = arith.constant 64 : index
        %get3A_1177 = tpu.vector_load %arg6[%get3A_1174, %get3A_1175, %get3A_1176] {strides = array<i32>} : memref<6x128x128xf32, #tpu.memory_space<vmem>>, vector<1x1x16xf32>,
        %get3A_1178 = vector.shape_cast %get3A_1177 : vector<1x1x16xf32> to vector<16xf32>
        %mul3A_1179 = arith.constant 11.3137083 : f32
        %mul3A_1180 = vector.broadcast %mul3A_1179 : f32 to vector<16xf32>
        %mul3A_1181 = arith.mulf %get3A_1178, %mul3A_1180 : vector<16xf32>
        %swap3A_1182 = arith.constant 5 : i32
        %swap3A_1183 = arith.index_cast %swap3A_1182 : i32 to index
        %swap3A_1184 = arith.index_cast %add3A_1110 : i32 to index
        %swap3A_1185 = arith.constant 64 : index
        %swap3A_1186 = tpu.vector_load %arg6[%swap3A_1183, %swap3A_1184, %swap3A_1185] {strides = array<i32>} : memref<6x128x128xf32, #tpu.memory_space<vmem>>, vector<1x1x16xf32>,
        %swap3A_1187 = vector.shape_cast %swap3A_1186 : vector<1x1x16xf32> to vector<16xf32>
        %swap3A_1188 = vector.shape_cast %mul3A_1181 : vector<16xf32> to vector<1x1x16xf32>
        tpu.vector_store %arg6[%swap3A_1183, %swap3A_1184, %swap3A_1185], %swap3A_1188 {strides = array<i32>} : memref<6x128x128xf32, #tpu.memory_space<vmem>>, vector<1x1x16xf32>,
        %get3A_1189 = arith.constant 5 : i32
        %get3A_1190 = arith.index_cast %get3A_1189 : i32 to index
        %get3A_1191 = arith.index_cast %add3A_1110 : i32 to index
        %get3A_1192 = arith.constant 80 : index
        %get3A_1193 = tpu.vector_load %arg6[%get3A_1190, %get3A_1191, %get3A_1192] {strides = array<i32>} : memref<6x128x128xf32, #tpu.memory_space<vmem>>, vector<1x1x16xf32>,
        %get3A_1194 = vector.shape_cast %get3A_1193 : vector<1x1x16xf32> to vector<16xf32>
        %mul3A_1195 = arith.constant 11.3137083 : f32
        %mul3A_1196 = vector.broadcast %mul3A_1195 : f32 to vector<16xf32>
        %mul3A_1197 = arith.mulf %get3A_1194, %mul3A_1196 : vector<16xf32>
        %swap3A_1198 = arith.constant 5 : i32
        %swap3A_1199 = arith.index_cast %swap3A_1198 : i32 to index
        %swap3A_1200 = arith.index_cast %add3A_1110 : i32 to index
        %swap3A_1201 = arith.constant 80 : index
        %swap3A_1202 = tpu.vector_load %arg6[%swap3A_1199, %swap3A_1200, %swap3A_1201] {strides = array<i32>} : memref<6x128x128xf32, #tpu.memory_space<vmem>>, vector<1x1x16xf32>,
        %swap3A_1203 = vector.shape_cast %swap3A_1202 : vector<1x1x16xf32> to vector<16xf32>
        %swap3A_1204 = vector.shape_cast %mul3A_1197 : vector<16xf32> to vector<1x1x16xf32>
        tpu.vector_store %arg6[%swap3A_1199, %swap3A_1200, %swap3A_1201], %swap3A_1204 {strides = array<i32>} : memref<6x128x128xf32, #tpu.memory_space<vmem>>, vector<1x1x16xf32>,
        %get3A_1205 = arith.constant 5 : i32
        %get3A_1206 = arith.index_cast %get3A_1205 : i32 to index
        %get3A_1207 = arith.index_cast %add3A_1110 : i32 to index
        %get3A_1208 = arith.constant 96 : index
        %get3A_1209 = tpu.vector_load %arg6[%get3A_1206, %get3A_1207, %get3A_1208] {strides = array<i32>} : memref<6x128x128xf32, #tpu.memory_space<vmem>>, vector<1x1x16xf32>,
        %get3A_1210 = vector.shape_cast %get3A_1209 : vector<1x1x16xf32> to vector<16xf32>
        %mul3A_1211 = arith.constant 11.3137083 : f32
        %mul3A_1212 = vector.broadcast %mul3A_1211 : f32 to vector<16xf32>
        %mul3A_1213 = arith.mulf %get3A_1210, %mul3A_1212 : vector<16xf32>
        %swap3A_1214 = arith.constant 5 : i32
        %swap3A_1215 = arith.index_cast %swap3A_1214 : i32 to index
        %swap3A_1216 = arith.index_cast %add3A_1110 : i32 to index
        %swap3A_1217 = arith.constant 96 : index
        %swap3A_1218 = tpu.vector_load %arg6[%swap3A_1215, %swap3A_1216, %swap3A_1217] {strides = array<i32>} : memref<6x128x128xf32, #tpu.memory_space<vmem>>, vector<1x1x16xf32>,
        %swap3A_1219 = vector.shape_cast %swap3A_1218 : vector<1x1x16xf32> to vector<16xf32>
        %swap3A_1220 = vector.shape_cast %mul3A_1213 : vector<16xf32> to vector<1x1x16xf32>
        tpu.vector_store %arg6[%swap3A_1215, %swap3A_1216, %swap3A_1217], %swap3A_1220 {strides = array<i32>} : memref<6x128x128xf32, #tpu.memory_space<vmem>>, vector<1x1x16xf32>,
        %get3A_1221 = arith.constant 5 : i32
        %get3A_1222 = arith.index_cast %get3A_1221 : i32 to index
        %get3A_1223 = arith.index_cast %add3A_1110 : i32 to index
        %get3A_1224 = arith.constant 112 : index
        %get3A_1225 = tpu.vector_load %arg6[%get3A_1222, %get3A_1223, %get3A_1224] {strides = array<i32>} : memref<6x128x128xf32, #tpu.memory_space<vmem>>, vector<1x1x16xf32>,
        %get3A_1226 = vector.shape_cast %get3A_1225 : vector<1x1x16xf32> to vector<16xf32>
        %mul3A_1227 = arith.constant 11.3137083 : f32
        %mul3A_1228 = vector.broadcast %mul3A_1227 : f32 to vector<16xf32>
        %mul3A_1229 = arith.mulf %get3A_1226, %mul3A_1228 : vector<16xf32>
        %swap3A_1230 = arith.constant 5 : i32
        %swap3A_1231 = arith.index_cast %swap3A_1230 : i32 to index
        %swap3A_1232 = arith.index_cast %add3A_1110 : i32 to index
        %swap3A_1233 = arith.constant 112 : index
        %swap3A_1234 = tpu.vector_load %arg6[%swap3A_1231, %swap3A_1232, %swap3A_1233] {strides = array<i32>} : memref<6x128x128xf32, #tpu.memory_space<vmem>>, vector<1x1x16xf32>,
        %swap3A_1235 = vector.shape_cast %swap3A_1234 : vector<1x1x16xf32> to vector<16xf32>
        %swap3A_1236 = vector.shape_cast %mul3A_1229 : vector<16xf32> to vector<1x1x16xf32>
        tpu.vector_store %arg6[%swap3A_1231, %swap3A_1232, %swap3A_1233], %swap3A_1236 {strides = array<i32>} : memref<6x128x128xf32, #tpu.memory_space<vmem>>, vector<1x1x16xf32>,
      }
      %scan3A_1063 = arith.constant 128 : i32
      %mul3A_1064 = arith.constant 128 : i32
      %mul3A_1065 = arith.muli %add3A_1048, %mul3A_1064 : i32
      %add3A_1066 = arith.addi %mul3A_2, %mul3A_1065 : i32
      %dma_start3A_1067 = arith.constant 5 : i32
      %dma_start3A_1068 = arith.constant 0 : i32
      %dma_start3A_1069 = arith.constant 0 : i32
      %dma_start3A_1070 = tpu.memref_slice %arg6[%dma_start3A_1067, %dma_start3A_1068, %dma_start3A_1069] : memref<6x128x128xf32, #tpu.memory_space<vmem>> -> memref<1x128x128xf32, #tpu.memory_space<vmem>>
      %dma_start3A_1071 = tpu.memref_squeeze %dma_start3A_1070 : memref<1x128x128xf32, #tpu.memory_space<vmem>> -> memref<128x128xf32, #tpu.memory_space<vmem>>
      %dma_start3A_1072 = arith.constant 0 : i32
      %dma_start3A_1073 = tpu.memref_slice %arg4[%add3A_1066, %dma_start3A_1072] : memref<819200x128xf32, #tpu.memory_space<hbm>> -> memref<128x128xf32, #tpu.memory_space<hbm>>
      %dma_start3A_1074 = arith.constant 0 : i32
      %dma_start3A_1075 = tpu.memref_slice %arg4[%add3A_1066, %dma_start3A_1074] : memref<819200x128xf32, #tpu.memory_space<hbm>> -> memref<128x128xf32, #tpu.memory_space<hbm>>
      %dma_start3A_1076 = arith.constant 0 : i32
      %dma_start3A_1077 = arith.constant 0 : i32
      %dma_start3A_1078 = tpu.memref_slice %arg6[%dma_start3A_1067, %dma_start3A_1076, %dma_start3A_1077] : memref<6x128x128xf32, #tpu.memory_space<vmem>> -> memref<1x128x128xf32, #tpu.memory_space<vmem>>
      %dma_start3A_1079 = tpu.memref_squeeze %dma_start3A_1078 : memref<1x128x128xf32, #tpu.memory_space<vmem>> -> memref<128x128xf32, #tpu.memory_space<vmem>>
      tpu.enqueue_dma source(%dma_start3A_1079 : memref<128x128xf32, #tpu.memory_space<vmem>>) target(%dma_start3A_1075 : memref<128x128xf32, #tpu.memory_space<hbm>>) target_semaphore(%arg18 : memref<!tpu.dma_semaphore, #tpu.memory_space<semaphore_mem>>)
      %dma_wait3A_1080 = arith.constant 4 : i32
      %dma_wait3A_1081 = arith.constant 0 : i32
      %dma_wait3A_1082 = arith.constant 0 : i32
      %dma_wait3A_1083 = tpu.memref_slice %arg6[%dma_wait3A_1080, %dma_wait3A_1081, %dma_wait3A_1082] : memref<6x128x128xf32, #tpu.memory_space<vmem>> -> memref<1x128x128xf32, #tpu.memory_space<vmem>>
      %dma_wait3A_1084 = tpu.memref_squeeze %dma_wait3A_1083 : memref<1x128x128xf32, #tpu.memory_space<vmem>> -> memref<128x128xf32, #tpu.memory_space<vmem>>
      %dma_wait3A_1085 = arith.constant 0 : i32
      %dma_wait3A_1086 = tpu.memref_slice %arg4[%mul3A_2, %dma_wait3A_1085] : memref<819200x128xf32, #tpu.memory_space<hbm>> -> memref<128x128xf32, #tpu.memory_space<hbm>>
      %dma_wait3A_1087 = arith.constant 0 : i32
      %dma_wait3A_1088 = tpu.memref_slice %arg4[%mul3A_2, %dma_wait3A_1087] : memref<819200x128xf32, #tpu.memory_space<hbm>> -> memref<128x128xf32, #tpu.memory_space<hbm>>
      %dma_wait3A_1089 = arith.constant 0 : i32
      %dma_wait3A_1090 = arith.constant 0 : i32
      %dma_wait3A_1091 = tpu.memref_slice %arg6[%dma_wait3A_1080, %dma_wait3A_1089, %dma_wait3A_1090] : memref<6x128x128xf32, #tpu.memory_space<vmem>> -> memref<1x128x128xf32, #tpu.memory_space<vmem>>
      %dma_wait3A_1092 = tpu.memref_squeeze %dma_wait3A_1091 : memref<1x128x128xf32, #tpu.memory_space<vmem>> -> memref<128x128xf32, #tpu.memory_space<vmem>>
      tpu.wait_dma2 semaphore(%arg17 : memref<!tpu.dma_semaphore, #tpu.memory_space<semaphore_mem>>) src(%dma_wait3A_1092 : memref<128x128xf32, #tpu.memory_space<vmem>>) dst(%dma_wait3A_1088 : memref<128x128xf32, #tpu.memory_space<hbm>>)
      %add3A_1093 = arith.constant 5 : i32
      %add3A_1094 = arith.addi %add3A_1048, %add3A_1093 : i32
      %mul3A_1095 = arith.constant 128 : i32
      %mul3A_1096 = arith.muli %add3A_1094, %mul3A_1095 : i32
      %dma_start3A_1097 = arith.constant 4 : i32
      %dma_start3A_1098 = arith.constant 0 : i32
      %dma_start3A_1099 = arith.constant 0 : i32
      %dma_start3A_1100 = tpu.memref_slice %arg6[%dma_start3A_1097, %dma_start3A_1098, %dma_start3A_1099] : memref<6x128x128xf32, #tpu.memory_space<vmem>> -> memref<1x128x128xf32, #tpu.memory_space<vmem>>
      %dma_start3A_1101 = tpu.memref_squeeze %dma_start3A_1100 : memref<1x128x128xf32, #tpu.memory_space<vmem>> -> memref<128x128xf32, #tpu.memory_space<vmem>>
      %dma_start3A_1102 = tpu.memref_slice %arg5[%mul3A_1096] : memref<25600xi32, #tpu.memory_space<vmem>> -> memref<128xi32, #tpu.memory_space<vmem>>
      %dma_start3A_1103 = arith.constant 0 : i32
      %dma_start3A_1104 = arith.constant 0 : i32
      %dma_start3A_1105 = tpu.memref_slice %arg3[%dma_start3A_1103, %dma_start3A_1104] : memref<100000x128xf32, #tpu.memory_space<hbm>> -> memref<100000x128xf32, #tpu.memory_space<hbm>>
      tpu.enqueue_indirect_dma source(%dma_start3A_1105 : memref<100000x128xf32, #tpu.memory_space<hbm>>) target(%dma_start3A_1101 : memref<128x128xf32, #tpu.memory_space<vmem>>) offsets(%dma_start3A_1102 : memref<128xi32, #tpu.memory_space<vmem>>) semaphore(%arg11 : memref<!tpu.dma_semaphore, #tpu.memory_space<semaphore_mem>>)
    }
    %scan3A_359 = arith.constant 31 : i32
    %dma_wait3A_360 = arith.constant 0 : i32
    %dma_wait3A_361 = arith.constant 0 : i32
    %dma_wait3A_362 = arith.constant 0 : i32
    %dma_wait3A_363 = tpu.memref_slice %arg6[%dma_wait3A_360, %dma_wait3A_361, %dma_wait3A_362] : memref<6x128x128xf32, #tpu.memory_space<vmem>> -> memref<1x128x128xf32, #tpu.memory_space<vmem>>
    %dma_wait3A_364 = tpu.memref_squeeze %dma_wait3A_363 : memref<1x128x128xf32, #tpu.memory_space<vmem>> -> memref<128x128xf32, #tpu.memory_space<vmem>>
    %dma_wait3A_365 = arith.constant 0 : i32
    %dma_wait3A_366 = tpu.memref_slice %arg5[%dma_wait3A_365] : memref<25600xi32, #tpu.memory_space<vmem>> -> memref<128xi32, #tpu.memory_space<vmem>>
    %dma_wait3A_367 = arith.constant 0 : i32
    %dma_wait3A_368 = arith.constant 0 : i32
    %dma_wait3A_369 = tpu.memref_slice %arg3[%dma_wait3A_367, %dma_wait3A_368] : memref<100000x128xf32, #tpu.memory_space<hbm>> -> memref<100000x128xf32, #tpu.memory_space<hbm>>
    tpu.wait_indirect_dma semaphore(%arg7 : memref<!tpu.dma_semaphore, #tpu.memory_space<semaphore_mem>>) src(%dma_wait3A_369 : memref<100000x128xf32, #tpu.memory_space<hbm>>) dst(%dma_wait3A_364 : memref<128x128xf32, #tpu.memory_space<vmem>>)
    %scan3A_370 = arith.constant 0 : i32
    %scan3A_371 = arith.constant 128 : i32
    %scan3A_372 = arith.addi %scan3A_370, %scan3A_371 : i32
    %scan3A_373 = arith.constant 1 : i32
    scf.for %scan3A_747 = %scan3A_370 to %scan3A_372 step %scan3A_373  : i32 {
      %mul3A_748 = arith.constant 1 : i32
      %mul3A_749 = arith.muli %scan3A_747, %mul3A_748 : i32
      %add3A_750 = arith.constant 0 : i32
      %add3A_751 = arith.addi %add3A_750, %mul3A_749 : i32
      %get3A = arith.constant 0 : i32
      %get3A_752 = arith.index_cast %get3A : i32 to index
      %get3A_753 = arith.index_cast %add3A_751 : i32 to index
      %get3A_754 = arith.constant 0 : index
      %get3A_755 = tpu.vector_load %arg6[%get3A_752, %get3A_753, %get3A_754] {strides = array<i32>} : memref<6x128x128xf32, #tpu.memory_space<vmem>>, vector<1x1x16xf32>,
      %get3A_756 = vector.shape_cast %get3A_755 : vector<1x1x16xf32> to vector<16xf32>
      %mul3A_757 = arith.constant 11.3137083 : f32
      %mul3A_758 = vector.broadcast %mul3A_757 : f32 to vector<16xf32>
      %mul3A_759 = arith.mulf %get3A_756, %mul3A_758 : vector<16xf32>
      %swap3A = arith.constant 0 : i32
      %swap3A_760 = arith.index_cast %swap3A : i32 to index
      %swap3A_761 = arith.index_cast %add3A_751 : i32 to index
      %swap3A_762 = arith.constant 0 : index
      %swap3A_763 = tpu.vector_load %arg6[%swap3A_760, %swap3A_761, %swap3A_762] {strides = array<i32>} : memref<6x128x128xf32, #tpu.memory_space<vmem>>, vector<1x1x16xf32>,
      %swap3A_764 = vector.shape_cast %swap3A_763 : vector<1x1x16xf32> to vector<16xf32>
      %swap3A_765 = vector.shape_cast %mul3A_759 : vector<16xf32> to vector<1x1x16xf32>
      tpu.vector_store %arg6[%swap3A_760, %swap3A_761, %swap3A_762], %swap3A_765 {strides = array<i32>} : memref<6x128x128xf32, #tpu.memory_space<vmem>>, vector<1x1x16xf32>,
      %get3A_766 = arith.constant 0 : i32
      %get3A_767 = arith.index_cast %get3A_766 : i32 to index
      %get3A_768 = arith.index_cast %add3A_751 : i32 to index
      %get3A_769 = arith.constant 16 : index
      %get3A_770 = tpu.vector_load %arg6[%get3A_767, %get3A_768, %get3A_769] {strides = array<i32>} : memref<6x128x128xf32, #tpu.memory_space<vmem>>, vector<1x1x16xf32>,
      %get3A_771 = vector.shape_cast %get3A_770 : vector<1x1x16xf32> to vector<16xf32>
      %mul3A_772 = arith.constant 11.3137083 : f32
      %mul3A_773 = vector.broadcast %mul3A_772 : f32 to vector<16xf32>
      %mul3A_774 = arith.mulf %get3A_771, %mul3A_773 : vector<16xf32>
      %swap3A_775 = arith.constant 0 : i32
      %swap3A_776 = arith.index_cast %swap3A_775 : i32 to index
      %swap3A_777 = arith.index_cast %add3A_751 : i32 to index
      %swap3A_778 = arith.constant 16 : index
      %swap3A_779 = tpu.vector_load %arg6[%swap3A_776, %swap3A_777, %swap3A_778] {strides = array<i32>} : memref<6x128x128xf32, #tpu.memory_space<vmem>>, vector<1x1x16xf32>,
      %swap3A_780 = vector.shape_cast %swap3A_779 : vector<1x1x16xf32> to vector<16xf32>
      %swap3A_781 = vector.shape_cast %mul3A_774 : vector<16xf32> to vector<1x1x16xf32>
      tpu.vector_store %arg6[%swap3A_776, %swap3A_777, %swap3A_778], %swap3A_781 {strides = array<i32>} : memref<6x128x128xf32, #tpu.memory_space<vmem>>, vector<1x1x16xf32>,
      %get3A_782 = arith.constant 0 : i32
      %get3A_783 = arith.index_cast %get3A_782 : i32 to index
      %get3A_784 = arith.index_cast %add3A_751 : i32 to index
      %get3A_785 = arith.constant 32 : index
      %get3A_786 = tpu.vector_load %arg6[%get3A_783, %get3A_784, %get3A_785] {strides = array<i32>} : memref<6x128x128xf32, #tpu.memory_space<vmem>>, vector<1x1x16xf32>,
      %get3A_787 = vector.shape_cast %get3A_786 : vector<1x1x16xf32> to vector<16xf32>
      %mul3A_788 = arith.constant 11.3137083 : f32
      %mul3A_789 = vector.broadcast %mul3A_788 : f32 to vector<16xf32>
      %mul3A_790 = arith.mulf %get3A_787, %mul3A_789 : vector<16xf32>
      %swap3A_791 = arith.constant 0 : i32
      %swap3A_792 = arith.index_cast %swap3A_791 : i32 to index
      %swap3A_793 = arith.index_cast %add3A_751 : i32 to index
      %swap3A_794 = arith.constant 32 : index
      %swap3A_795 = tpu.vector_load %arg6[%swap3A_792, %swap3A_793, %swap3A_794] {strides = array<i32>} : memref<6x128x128xf32, #tpu.memory_space<vmem>>, vector<1x1x16xf32>,
      %swap3A_796 = vector.shape_cast %swap3A_795 : vector<1x1x16xf32> to vector<16xf32>
      %swap3A_797 = vector.shape_cast %mul3A_790 : vector<16xf32> to vector<1x1x16xf32>
      tpu.vector_store %arg6[%swap3A_792, %swap3A_793, %swap3A_794], %swap3A_797 {strides = array<i32>} : memref<6x128x128xf32, #tpu.memory_space<vmem>>, vector<1x1x16xf32>,
      %get3A_798 = arith.constant 0 : i32
      %get3A_799 = arith.index_cast %get3A_798 : i32 to index
      %get3A_800 = arith.index_cast %add3A_751 : i32 to index
      %get3A_801 = arith.constant 48 : index
      %get3A_802 = tpu.vector_load %arg6[%get3A_799, %get3A_800, %get3A_801] {strides = array<i32>} : memref<6x128x128xf32, #tpu.memory_space<vmem>>, vector<1x1x16xf32>,
      %get3A_803 = vector.shape_cast %get3A_802 : vector<1x1x16xf32> to vector<16xf32>
      %mul3A_804 = arith.constant 11.3137083 : f32
      %mul3A_805 = vector.broadcast %mul3A_804 : f32 to vector<16xf32>
      %mul3A_806 = arith.mulf %get3A_803, %mul3A_805 : vector<16xf32>
      %swap3A_807 = arith.constant 0 : i32
      %swap3A_808 = arith.index_cast %swap3A_807 : i32 to index
      %swap3A_809 = arith.index_cast %add3A_751 : i32 to index
      %swap3A_810 = arith.constant 48 : index
      %swap3A_811 = tpu.vector_load %arg6[%swap3A_808, %swap3A_809, %swap3A_810] {strides = array<i32>} : memref<6x128x128xf32, #tpu.memory_space<vmem>>, vector<1x1x16xf32>,
      %swap3A_812 = vector.shape_cast %swap3A_811 : vector<1x1x16xf32> to vector<16xf32>
      %swap3A_813 = vector.shape_cast %mul3A_806 : vector<16xf32> to vector<1x1x16xf32>
      tpu.vector_store %arg6[%swap3A_808, %swap3A_809, %swap3A_810], %swap3A_813 {strides = array<i32>} : memref<6x128x128xf32, #tpu.memory_space<vmem>>, vector<1x1x16xf32>,
      %get3A_814 = arith.constant 0 : i32
      %get3A_815 = arith.index_cast %get3A_814 : i32 to index
      %get3A_816 = arith.index_cast %add3A_751 : i32 to index
      %get3A_817 = arith.constant 64 : index
      %get3A_818 = tpu.vector_load %arg6[%get3A_815, %get3A_816, %get3A_817] {strides = array<i32>} : memref<6x128x128xf32, #tpu.memory_space<vmem>>, vector<1x1x16xf32>,
      %get3A_819 = vector.shape_cast %get3A_818 : vector<1x1x16xf32> to vector<16xf32>
      %mul3A_820 = arith.constant 11.3137083 : f32
      %mul3A_821 = vector.broadcast %mul3A_820 : f32 to vector<16xf32>
      %mul3A_822 = arith.mulf %get3A_819, %mul3A_821 : vector<16xf32>
      %swap3A_823 = arith.constant 0 : i32
      %swap3A_824 = arith.index_cast %swap3A_823 : i32 to index
      %swap3A_825 = arith.index_cast %add3A_751 : i32 to index
      %swap3A_826 = arith.constant 64 : index
      %swap3A_827 = tpu.vector_load %arg6[%swap3A_824, %swap3A_825, %swap3A_826] {strides = array<i32>} : memref<6x128x128xf32, #tpu.memory_space<vmem>>, vector<1x1x16xf32>,
      %swap3A_828 = vector.shape_cast %swap3A_827 : vector<1x1x16xf32> to vector<16xf32>
      %swap3A_829 = vector.shape_cast %mul3A_822 : vector<16xf32> to vector<1x1x16xf32>
      tpu.vector_store %arg6[%swap3A_824, %swap3A_825, %swap3A_826], %swap3A_829 {strides = array<i32>} : memref<6x128x128xf32, #tpu.memory_space<vmem>>, vector<1x1x16xf32>,
      %get3A_830 = arith.constant 0 : i32
      %get3A_831 = arith.index_cast %get3A_830 : i32 to index
      %get3A_832 = arith.index_cast %add3A_751 : i32 to index
      %get3A_833 = arith.constant 80 : index
      %get3A_834 = tpu.vector_load %arg6[%get3A_831, %get3A_832, %get3A_833] {strides = array<i32>} : memref<6x128x128xf32, #tpu.memory_space<vmem>>, vector<1x1x16xf32>,
      %get3A_835 = vector.shape_cast %get3A_834 : vector<1x1x16xf32> to vector<16xf32>
      %mul3A_836 = arith.constant 11.3137083 : f32
      %mul3A_837 = vector.broadcast %mul3A_836 : f32 to vector<16xf32>
      %mul3A_838 = arith.mulf %get3A_835, %mul3A_837 : vector<16xf32>
      %swap3A_839 = arith.constant 0 : i32
      %swap3A_840 = arith.index_cast %swap3A_839 : i32 to index
      %swap3A_841 = arith.index_cast %add3A_751 : i32 to index
      %swap3A_842 = arith.constant 80 : index
      %swap3A_843 = tpu.vector_load %arg6[%swap3A_840, %swap3A_841, %swap3A_842] {strides = array<i32>} : memref<6x128x128xf32, #tpu.memory_space<vmem>>, vector<1x1x16xf32>,
      %swap3A_844 = vector.shape_cast %swap3A_843 : vector<1x1x16xf32> to vector<16xf32>
      %swap3A_845 = vector.shape_cast %mul3A_838 : vector<16xf32> to vector<1x1x16xf32>
      tpu.vector_store %arg6[%swap3A_840, %swap3A_841, %swap3A_842], %swap3A_845 {strides = array<i32>} : memref<6x128x128xf32, #tpu.memory_space<vmem>>, vector<1x1x16xf32>,
      %get3A_846 = arith.constant 0 : i32
      %get3A_847 = arith.index_cast %get3A_846 : i32 to index
      %get3A_848 = arith.index_cast %add3A_751 : i32 to index
      %get3A_849 = arith.constant 96 : index
      %get3A_850 = tpu.vector_load %arg6[%get3A_847, %get3A_848, %get3A_849] {strides = array<i32>} : memref<6x128x128xf32, #tpu.memory_space<vmem>>, vector<1x1x16xf32>,
      %get3A_851 = vector.shape_cast %get3A_850 : vector<1x1x16xf32> to vector<16xf32>
      %mul3A_852 = arith.constant 11.3137083 : f32
      %mul3A_853 = vector.broadcast %mul3A_852 : f32 to vector<16xf32>
      %mul3A_854 = arith.mulf %get3A_851, %mul3A_853 : vector<16xf32>
      %swap3A_855 = arith.constant 0 : i32
      %swap3A_856 = arith.index_cast %swap3A_855 : i32 to index
      %swap3A_857 = arith.index_cast %add3A_751 : i32 to index
      %swap3A_858 = arith.constant 96 : index
      %swap3A_859 = tpu.vector_load %arg6[%swap3A_856, %swap3A_857, %swap3A_858] {strides = array<i32>} : memref<6x128x128xf32, #tpu.memory_space<vmem>>, vector<1x1x16xf32>,
      %swap3A_860 = vector.shape_cast %swap3A_859 : vector<1x1x16xf32> to vector<16xf32>
      %swap3A_861 = vector.shape_cast %mul3A_854 : vector<16xf32> to vector<1x1x16xf32>
      tpu.vector_store %arg6[%swap3A_856, %swap3A_857, %swap3A_858], %swap3A_861 {strides = array<i32>} : memref<6x128x128xf32, #tpu.memory_space<vmem>>, vector<1x1x16xf32>,
      %get3A_862 = arith.constant 0 : i32
      %get3A_863 = arith.index_cast %get3A_862 : i32 to index
      %get3A_864 = arith.index_cast %add3A_751 : i32 to index
      %get3A_865 = arith.constant 112 : index
      %get3A_866 = tpu.vector_load %arg6[%get3A_863, %get3A_864, %get3A_865] {strides = array<i32>} : memref<6x128x128xf32, #tpu.memory_space<vmem>>, vector<1x1x16xf32>,
      %get3A_867 = vector.shape_cast %get3A_866 : vector<1x1x16xf32> to vector<16xf32>
      %mul3A_868 = arith.constant 11.3137083 : f32
      %mul3A_869 = vector.broadcast %mul3A_868 : f32 to vector<16xf32>
      %mul3A_870 = arith.mulf %get3A_867, %mul3A_869 : vector<16xf32>
      %swap3A_871 = arith.constant 0 : i32
      %swap3A_872 = arith.index_cast %swap3A_871 : i32 to index
      %swap3A_873 = arith.index_cast %add3A_751 : i32 to index
      %swap3A_874 = arith.constant 112 : index
      %swap3A_875 = tpu.vector_load %arg6[%swap3A_872, %swap3A_873, %swap3A_874] {strides = array<i32>} : memref<6x128x128xf32, #tpu.memory_space<vmem>>, vector<1x1x16xf32>,
      %swap3A_876 = vector.shape_cast %swap3A_875 : vector<1x1x16xf32> to vector<16xf32>
      %swap3A_877 = vector.shape_cast %mul3A_870 : vector<16xf32> to vector<1x1x16xf32>
      tpu.vector_store %arg6[%swap3A_872, %swap3A_873, %swap3A_874], %swap3A_877 {strides = array<i32>} : memref<6x128x128xf32, #tpu.memory_space<vmem>>, vector<1x1x16xf32>,
    }
    %scan3A_374 = arith.constant 128 : i32
    %add3A_375 = arith.constant 24576 : i32
    %add3A_376 = arith.addi %mul3A_2, %add3A_375 : i32
    %dma_start3A_377 = arith.constant 0 : i32
    %dma_start3A_378 = arith.constant 0 : i32
    %dma_start3A_379 = arith.constant 0 : i32
    %dma_start3A_380 = tpu.memref_slice %arg6[%dma_start3A_377, %dma_start3A_378, %dma_start3A_379] : memref<6x128x128xf32, #tpu.memory_space<vmem>> -> memref<1x128x128xf32, #tpu.memory_space<vmem>>
    %dma_start3A_381 = tpu.memref_squeeze %dma_start3A_380 : memref<1x128x128xf32, #tpu.memory_space<vmem>> -> memref<128x128xf32, #tpu.memory_space<vmem>>
    %dma_start3A_382 = arith.constant 0 : i32
    %dma_start3A_383 = tpu.memref_slice %arg4[%add3A_376, %dma_start3A_382] : memref<819200x128xf32, #tpu.memory_space<hbm>> -> memref<128x128xf32, #tpu.memory_space<hbm>>
    %dma_start3A_384 = arith.constant 0 : i32
    %dma_start3A_385 = tpu.memref_slice %arg4[%add3A_376, %dma_start3A_384] : memref<819200x128xf32, #tpu.memory_space<hbm>> -> memref<128x128xf32, #tpu.memory_space<hbm>>
    %dma_start3A_386 = arith.constant 0 : i32
    %dma_start3A_387 = arith.constant 0 : i32
    %dma_start3A_388 = tpu.memref_slice %arg6[%dma_start3A_377, %dma_start3A_386, %dma_start3A_387] : memref<6x128x128xf32, #tpu.memory_space<vmem>> -> memref<1x128x128xf32, #tpu.memory_space<vmem>>
    %dma_start3A_389 = tpu.memref_squeeze %dma_start3A_388 : memref<1x128x128xf32, #tpu.memory_space<vmem>> -> memref<128x128xf32, #tpu.memory_space<vmem>>
    tpu.enqueue_dma source(%dma_start3A_389 : memref<128x128xf32, #tpu.memory_space<vmem>>) target(%dma_start3A_385 : memref<128x128xf32, #tpu.memory_space<hbm>>) target_semaphore(%arg13 : memref<!tpu.dma_semaphore, #tpu.memory_space<semaphore_mem>>)
    %dma_wait3A_390 = arith.constant 5 : i32
    %dma_wait3A_391 = arith.constant 0 : i32
    %dma_wait3A_392 = arith.constant 0 : i32
    %dma_wait3A_393 = tpu.memref_slice %arg6[%dma_wait3A_390, %dma_wait3A_391, %dma_wait3A_392] : memref<6x128x128xf32, #tpu.memory_space<vmem>> -> memref<1x128x128xf32, #tpu.memory_space<vmem>>
    %dma_wait3A_394 = tpu.memref_squeeze %dma_wait3A_393 : memref<1x128x128xf32, #tpu.memory_space<vmem>> -> memref<128x128xf32, #tpu.memory_space<vmem>>
    %dma_wait3A_395 = arith.constant 0 : i32
    %dma_wait3A_396 = tpu.memref_slice %arg4[%mul3A_2, %dma_wait3A_395] : memref<819200x128xf32, #tpu.memory_space<hbm>> -> memref<128x128xf32, #tpu.memory_space<hbm>>
    %dma_wait3A_397 = arith.constant 0 : i32
    %dma_wait3A_398 = tpu.memref_slice %arg4[%mul3A_2, %dma_wait3A_397] : memref<819200x128xf32, #tpu.memory_space<hbm>> -> memref<128x128xf32, #tpu.memory_space<hbm>>
    %dma_wait3A_399 = arith.constant 0 : i32
    %dma_wait3A_400 = arith.constant 0 : i32
    %dma_wait3A_401 = tpu.memref_slice %arg6[%dma_wait3A_390, %dma_wait3A_399, %dma_wait3A_400] : memref<6x128x128xf32, #tpu.memory_space<vmem>> -> memref<1x128x128xf32, #tpu.memory_space<vmem>>
    %dma_wait3A_402 = tpu.memref_squeeze %dma_wait3A_401 : memref<1x128x128xf32, #tpu.memory_space<vmem>> -> memref<128x128xf32, #tpu.memory_space<vmem>>
    tpu.wait_dma2 semaphore(%arg18 : memref<!tpu.dma_semaphore, #tpu.memory_space<semaphore_mem>>) src(%dma_wait3A_402 : memref<128x128xf32, #tpu.memory_space<vmem>>) dst(%dma_wait3A_398 : memref<128x128xf32, #tpu.memory_space<hbm>>)
    %dma_start3A_403 = arith.constant 5 : i32
    %dma_start3A_404 = arith.constant 0 : i32
    %dma_start3A_405 = arith.constant 0 : i32
    %dma_start3A_406 = tpu.memref_slice %arg6[%dma_start3A_403, %dma_start3A_404, %dma_start3A_405] : memref<6x128x128xf32, #tpu.memory_space<vmem>> -> memref<1x128x128xf32, #tpu.memory_space<vmem>>
    %dma_start3A_407 = tpu.memref_squeeze %dma_start3A_406 : memref<1x128x128xf32, #tpu.memory_space<vmem>> -> memref<128x128xf32, #tpu.memory_space<vmem>>
    %dma_start3A_408 = arith.constant 25216 : i32
    %dma_start3A_409 = tpu.memref_slice %arg5[%dma_start3A_408] : memref<25600xi32, #tpu.memory_space<vmem>> -> memref<128xi32, #tpu.memory_space<vmem>>
    %dma_start3A_410 = arith.constant 0 : i32
    %dma_start3A_411 = arith.constant 0 : i32
    %dma_start3A_412 = tpu.memref_slice %arg3[%dma_start3A_410, %dma_start3A_411] : memref<100000x128xf32, #tpu.memory_space<hbm>> -> memref<100000x128xf32, #tpu.memory_space<hbm>>
    tpu.enqueue_indirect_dma source(%dma_start3A_412 : memref<100000x128xf32, #tpu.memory_space<hbm>>) target(%dma_start3A_407 : memref<128x128xf32, #tpu.memory_space<vmem>>) offsets(%dma_start3A_409 : memref<128xi32, #tpu.memory_space<vmem>>) semaphore(%arg12 : memref<!tpu.dma_semaphore, #tpu.memory_space<semaphore_mem>>)
    %dma_wait3A_413 = arith.constant 1 : i32
    %dma_wait3A_414 = arith.constant 0 : i32
    %dma_wait3A_415 = arith.constant 0 : i32
    %dma_wait3A_416 = tpu.memref_slice %arg6[%dma_wait3A_413, %dma_wait3A_414, %dma_wait3A_415] : memref<6x128x128xf32, #tpu.memory_space<vmem>> -> memref<1x128x128xf32, #tpu.memory_space<vmem>>
    %dma_wait3A_417 = tpu.memref_squeeze %dma_wait3A_416 : memref<1x128x128xf32, #tpu.memory_space<vmem>> -> memref<128x128xf32, #tpu.memory_space<vmem>>
    %dma_wait3A_418 = arith.constant 0 : i32
    %dma_wait3A_419 = tpu.memref_slice %arg5[%dma_wait3A_418] : memref<25600xi32, #tpu.memory_space<vmem>> -> memref<128xi32, #tpu.memory_space<vmem>>
    %dma_wait3A_420 = arith.constant 0 : i32
    %dma_wait3A_421 = arith.constant 0 : i32
    %dma_wait3A_422 = tpu.memref_slice %arg3[%dma_wait3A_420, %dma_wait3A_421] : memref<100000x128xf32, #tpu.memory_space<hbm>> -> memref<100000x128xf32, #tpu.memory_space<hbm>>
    tpu.wait_indirect_dma semaphore(%arg8 : memref<!tpu.dma_semaphore, #tpu.memory_space<semaphore_mem>>) src(%dma_wait3A_422 : memref<100000x128xf32, #tpu.memory_space<hbm>>) dst(%dma_wait3A_417 : memref<128x128xf32, #tpu.memory_space<vmem>>)
    %scan3A_423 = arith.constant 0 : i32
    %scan3A_424 = arith.constant 128 : i32
    %scan3A_425 = arith.addi %scan3A_423, %scan3A_424 : i32
    %scan3A_426 = arith.constant 1 : i32
    scf.for %scan3A_747 = %scan3A_423 to %scan3A_425 step %scan3A_426  : i32 {
      %mul3A_748 = arith.constant 1 : i32
      %mul3A_749 = arith.muli %scan3A_747, %mul3A_748 : i32
      %add3A_750 = arith.constant 0 : i32
      %add3A_751 = arith.addi %add3A_750, %mul3A_749 : i32
      %get3A = arith.constant 1 : i32
      %get3A_752 = arith.index_cast %get3A : i32 to index
      %get3A_753 = arith.index_cast %add3A_751 : i32 to index
      %get3A_754 = arith.constant 0 : index
      %get3A_755 = tpu.vector_load %arg6[%get3A_752, %get3A_753, %get3A_754] {strides = array<i32>} : memref<6x128x128xf32, #tpu.memory_space<vmem>>, vector<1x1x16xf32>,
      %get3A_756 = vector.shape_cast %get3A_755 : vector<1x1x16xf32> to vector<16xf32>
      %mul3A_757 = arith.constant 11.3137083 : f32
      %mul3A_758 = vector.broadcast %mul3A_757 : f32 to vector<16xf32>
      %mul3A_759 = arith.mulf %get3A_756, %mul3A_758 : vector<16xf32>
      %swap3A = arith.constant 1 : i32
      %swap3A_760 = arith.index_cast %swap3A : i32 to index
      %swap3A_761 = arith.index_cast %add3A_751 : i32 to index
      %swap3A_762 = arith.constant 0 : index
      %swap3A_763 = tpu.vector_load %arg6[%swap3A_760, %swap3A_761, %swap3A_762] {strides = array<i32>} : memref<6x128x128xf32, #tpu.memory_space<vmem>>, vector<1x1x16xf32>,
      %swap3A_764 = vector.shape_cast %swap3A_763 : vector<1x1x16xf32> to vector<16xf32>
      %swap3A_765 = vector.shape_cast %mul3A_759 : vector<16xf32> to vector<1x1x16xf32>
      tpu.vector_store %arg6[%swap3A_760, %swap3A_761, %swap3A_762], %swap3A_765 {strides = array<i32>} : memref<6x128x128xf32, #tpu.memory_space<vmem>>, vector<1x1x16xf32>,
      %get3A_766 = arith.constant 1 : i32
      %get3A_767 = arith.index_cast %get3A_766 : i32 to index
      %get3A_768 = arith.index_cast %add3A_751 : i32 to index
      %get3A_769 = arith.constant 16 : index
      %get3A_770 = tpu.vector_load %arg6[%get3A_767, %get3A_768, %get3A_769] {strides = array<i32>} : memref<6x128x128xf32, #tpu.memory_space<vmem>>, vector<1x1x16xf32>,
      %get3A_771 = vector.shape_cast %get3A_770 : vector<1x1x16xf32> to vector<16xf32>
      %mul3A_772 = arith.constant 11.3137083 : f32
      %mul3A_773 = vector.broadcast %mul3A_772 : f32 to vector<16xf32>
      %mul3A_774 = arith.mulf %get3A_771, %mul3A_773 : vector<16xf32>
      %swap3A_775 = arith.constant 1 : i32
      %swap3A_776 = arith.index_cast %swap3A_775 : i32 to index
      %swap3A_777 = arith.index_cast %add3A_751 : i32 to index
      %swap3A_778 = arith.constant 16 : index
      %swap3A_779 = tpu.vector_load %arg6[%swap3A_776, %swap3A_777, %swap3A_778] {strides = array<i32>} : memref<6x128x128xf32, #tpu.memory_space<vmem>>, vector<1x1x16xf32>,
      %swap3A_780 = vector.shape_cast %swap3A_779 : vector<1x1x16xf32> to vector<16xf32>
      %swap3A_781 = vector.shape_cast %mul3A_774 : vector<16xf32> to vector<1x1x16xf32>
      tpu.vector_store %arg6[%swap3A_776, %swap3A_777, %swap3A_778], %swap3A_781 {strides = array<i32>} : memref<6x128x128xf32, #tpu.memory_space<vmem>>, vector<1x1x16xf32>,
      %get3A_782 = arith.constant 1 : i32
      %get3A_783 = arith.index_cast %get3A_782 : i32 to index
      %get3A_784 = arith.index_cast %add3A_751 : i32 to index
      %get3A_785 = arith.constant 32 : index
      %get3A_786 = tpu.vector_load %arg6[%get3A_783, %get3A_784, %get3A_785] {strides = array<i32>} : memref<6x128x128xf32, #tpu.memory_space<vmem>>, vector<1x1x16xf32>,
      %get3A_787 = vector.shape_cast %get3A_786 : vector<1x1x16xf32> to vector<16xf32>
      %mul3A_788 = arith.constant 11.3137083 : f32
      %mul3A_789 = vector.broadcast %mul3A_788 : f32 to vector<16xf32>
      %mul3A_790 = arith.mulf %get3A_787, %mul3A_789 : vector<16xf32>
      %swap3A_791 = arith.constant 1 : i32
      %swap3A_792 = arith.index_cast %swap3A_791 : i32 to index
      %swap3A_793 = arith.index_cast %add3A_751 : i32 to index
      %swap3A_794 = arith.constant 32 : index
      %swap3A_795 = tpu.vector_load %arg6[%swap3A_792, %swap3A_793, %swap3A_794] {strides = array<i32>} : memref<6x128x128xf32, #tpu.memory_space<vmem>>, vector<1x1x16xf32>,
      %swap3A_796 = vector.shape_cast %swap3A_795 : vector<1x1x16xf32> to vector<16xf32>
      %swap3A_797 = vector.shape_cast %mul3A_790 : vector<16xf32> to vector<1x1x16xf32>
      tpu.vector_store %arg6[%swap3A_792, %swap3A_793, %swap3A_794], %swap3A_797 {strides = array<i32>} : memref<6x128x128xf32, #tpu.memory_space<vmem>>, vector<1x1x16xf32>,
      %get3A_798 = arith.constant 1 : i32
      %get3A_799 = arith.index_cast %get3A_798 : i32 to index
      %get3A_800 = arith.index_cast %add3A_751 : i32 to index
      %get3A_801 = arith.constant 48 : index
      %get3A_802 = tpu.vector_load %arg6[%get3A_799, %get3A_800, %get3A_801] {strides = array<i32>} : memref<6x128x128xf32, #tpu.memory_space<vmem>>, vector<1x1x16xf32>,
      %get3A_803 = vector.shape_cast %get3A_802 : vector<1x1x16xf32> to vector<16xf32>
      %mul3A_804 = arith.constant 11.3137083 : f32
      %mul3A_805 = vector.broadcast %mul3A_804 : f32 to vector<16xf32>
      %mul3A_806 = arith.mulf %get3A_803, %mul3A_805 : vector<16xf32>
      %swap3A_807 = arith.constant 1 : i32
      %swap3A_808 = arith.index_cast %swap3A_807 : i32 to index
      %swap3A_809 = arith.index_cast %add3A_751 : i32 to index
      %swap3A_810 = arith.constant 48 : index
      %swap3A_811 = tpu.vector_load %arg6[%swap3A_808, %swap3A_809, %swap3A_810] {strides = array<i32>} : memref<6x128x128xf32, #tpu.memory_space<vmem>>, vector<1x1x16xf32>,
      %swap3A_812 = vector.shape_cast %swap3A_811 : vector<1x1x16xf32> to vector<16xf32>
      %swap3A_813 = vector.shape_cast %mul3A_806 : vector<16xf32> to vector<1x1x16xf32>
      tpu.vector_store %arg6[%swap3A_808, %swap3A_809, %swap3A_810], %swap3A_813 {strides = array<i32>} : memref<6x128x128xf32, #tpu.memory_space<vmem>>, vector<1x1x16xf32>,
      %get3A_814 = arith.constant 1 : i32
      %get3A_815 = arith.index_cast %get3A_814 : i32 to index
      %get3A_816 = arith.index_cast %add3A_751 : i32 to index
      %get3A_817 = arith.constant 64 : index
      %get3A_818 = tpu.vector_load %arg6[%get3A_815, %get3A_816, %get3A_817] {strides = array<i32>} : memref<6x128x128xf32, #tpu.memory_space<vmem>>, vector<1x1x16xf32>,
      %get3A_819 = vector.shape_cast %get3A_818 : vector<1x1x16xf32> to vector<16xf32>
      %mul3A_820 = arith.constant 11.3137083 : f32
      %mul3A_821 = vector.broadcast %mul3A_820 : f32 to vector<16xf32>
      %mul3A_822 = arith.mulf %get3A_819, %mul3A_821 : vector<16xf32>
      %swap3A_823 = arith.constant 1 : i32
      %swap3A_824 = arith.index_cast %swap3A_823 : i32 to index
      %swap3A_825 = arith.index_cast %add3A_751 : i32 to index
      %swap3A_826 = arith.constant 64 : index
      %swap3A_827 = tpu.vector_load %arg6[%swap3A_824, %swap3A_825, %swap3A_826] {strides = array<i32>} : memref<6x128x128xf32, #tpu.memory_space<vmem>>, vector<1x1x16xf32>,
      %swap3A_828 = vector.shape_cast %swap3A_827 : vector<1x1x16xf32> to vector<16xf32>
      %swap3A_829 = vector.shape_cast %mul3A_822 : vector<16xf32> to vector<1x1x16xf32>
      tpu.vector_store %arg6[%swap3A_824, %swap3A_825, %swap3A_826], %swap3A_829 {strides = array<i32>} : memref<6x128x128xf32, #tpu.memory_space<vmem>>, vector<1x1x16xf32>,
      %get3A_830 = arith.constant 1 : i32
      %get3A_831 = arith.index_cast %get3A_830 : i32 to index
      %get3A_832 = arith.index_cast %add3A_751 : i32 to index
      %get3A_833 = arith.constant 80 : index
      %get3A_834 = tpu.vector_load %arg6[%get3A_831, %get3A_832, %get3A_833] {strides = array<i32>} : memref<6x128x128xf32, #tpu.memory_space<vmem>>, vector<1x1x16xf32>,
      %get3A_835 = vector.shape_cast %get3A_834 : vector<1x1x16xf32> to vector<16xf32>
      %mul3A_836 = arith.constant 11.3137083 : f32
      %mul3A_837 = vector.broadcast %mul3A_836 : f32 to vector<16xf32>
      %mul3A_838 = arith.mulf %get3A_835, %mul3A_837 : vector<16xf32>
      %swap3A_839 = arith.constant 1 : i32
      %swap3A_840 = arith.index_cast %swap3A_839 : i32 to index
      %swap3A_841 = arith.index_cast %add3A_751 : i32 to index
      %swap3A_842 = arith.constant 80 : index
      %swap3A_843 = tpu.vector_load %arg6[%swap3A_840, %swap3A_841, %swap3A_842] {strides = array<i32>} : memref<6x128x128xf32, #tpu.memory_space<vmem>>, vector<1x1x16xf32>,
      %swap3A_844 = vector.shape_cast %swap3A_843 : vector<1x1x16xf32> to vector<16xf32>
      %swap3A_845 = vector.shape_cast %mul3A_838 : vector<16xf32> to vector<1x1x16xf32>
      tpu.vector_store %arg6[%swap3A_840, %swap3A_841, %swap3A_842], %swap3A_845 {strides = array<i32>} : memref<6x128x128xf32, #tpu.memory_space<vmem>>, vector<1x1x16xf32>,
      %get3A_846 = arith.constant 1 : i32
      %get3A_847 = arith.index_cast %get3A_846 : i32 to index
      %get3A_848 = arith.index_cast %add3A_751 : i32 to index
      %get3A_849 = arith.constant 96 : index
      %get3A_850 = tpu.vector_load %arg6[%get3A_847, %get3A_848, %get3A_849] {strides = array<i32>} : memref<6x128x128xf32, #tpu.memory_space<vmem>>, vector<1x1x16xf32>,
      %get3A_851 = vector.shape_cast %get3A_850 : vector<1x1x16xf32> to vector<16xf32>
      %mul3A_852 = arith.constant 11.3137083 : f32
      %mul3A_853 = vector.broadcast %mul3A_852 : f32 to vector<16xf32>
      %mul3A_854 = arith.mulf %get3A_851, %mul3A_853 : vector<16xf32>
      %swap3A_855 = arith.constant 1 : i32
      %swap3A_856 = arith.index_cast %swap3A_855 : i32 to index
      %swap3A_857 = arith.index_cast %add3A_751 : i32 to index
      %swap3A_858 = arith.constant 96 : index
      %swap3A_859 = tpu.vector_load %arg6[%swap3A_856, %swap3A_857, %swap3A_858] {strides = array<i32>} : memref<6x128x128xf32, #tpu.memory_space<vmem>>, vector<1x1x16xf32>,
      %swap3A_860 = vector.shape_cast %swap3A_859 : vector<1x1x16xf32> to vector<16xf32>
      %swap3A_861 = vector.shape_cast %mul3A_854 : vector<16xf32> to vector<1x1x16xf32>
      tpu.vector_store %arg6[%swap3A_856, %swap3A_857, %swap3A_858], %swap3A_861 {strides = array<i32>} : memref<6x128x128xf32, #tpu.memory_space<vmem>>, vector<1x1x16xf32>,
      %get3A_862 = arith.constant 1 : i32
      %get3A_863 = arith.index_cast %get3A_862 : i32 to index
      %get3A_864 = arith.index_cast %add3A_751 : i32 to index
      %get3A_865 = arith.constant 112 : index
      %get3A_866 = tpu.vector_load %arg6[%get3A_863, %get3A_864, %get3A_865] {strides = array<i32>} : memref<6x128x128xf32, #tpu.memory_space<vmem>>, vector<1x1x16xf32>,
      %get3A_867 = vector.shape_cast %get3A_866 : vector<1x1x16xf32> to vector<16xf32>
      %mul3A_868 = arith.constant 11.3137083 : f32
      %mul3A_869 = vector.broadcast %mul3A_868 : f32 to vector<16xf32>
      %mul3A_870 = arith.mulf %get3A_867, %mul3A_869 : vector<16xf32>
      %swap3A_871 = arith.constant 1 : i32
      %swap3A_872 = arith.index_cast %swap3A_871 : i32 to index
      %swap3A_873 = arith.index_cast %add3A_751 : i32 to index
      %swap3A_874 = arith.constant 112 : index
      %swap3A_875 = tpu.vector_load %arg6[%swap3A_872, %swap3A_873, %swap3A_874] {strides = array<i32>} : memref<6x128x128xf32, #tpu.memory_space<vmem>>, vector<1x1x16xf32>,
      %swap3A_876 = vector.shape_cast %swap3A_875 : vector<1x1x16xf32> to vector<16xf32>
      %swap3A_877 = vector.shape_cast %mul3A_870 : vector<16xf32> to vector<1x1x16xf32>
      tpu.vector_store %arg6[%swap3A_872, %swap3A_873, %swap3A_874], %swap3A_877 {strides = array<i32>} : memref<6x128x128xf32, #tpu.memory_space<vmem>>, vector<1x1x16xf32>,
    }
    %scan3A_427 = arith.constant 128 : i32
    %add3A_428 = arith.constant 24704 : i32
    %add3A_429 = arith.addi %mul3A_2, %add3A_428 : i32
    %dma_start3A_430 = arith.constant 1 : i32
    %dma_start3A_431 = arith.constant 0 : i32
    %dma_start3A_432 = arith.constant 0 : i32
    %dma_start3A_433 = tpu.memref_slice %arg6[%dma_start3A_430, %dma_start3A_431, %dma_start3A_432] : memref<6x128x128xf32, #tpu.memory_space<vmem>> -> memref<1x128x128xf32, #tpu.memory_space<vmem>>
    %dma_start3A_434 = tpu.memref_squeeze %dma_start3A_433 : memref<1x128x128xf32, #tpu.memory_space<vmem>> -> memref<128x128xf32, #tpu.memory_space<vmem>>
    %dma_start3A_435 = arith.constant 0 : i32
    %dma_start3A_436 = tpu.memref_slice %arg4[%add3A_429, %dma_start3A_435] : memref<819200x128xf32, #tpu.memory_space<hbm>> -> memref<128x128xf32, #tpu.memory_space<hbm>>
    %dma_start3A_437 = arith.constant 0 : i32
    %dma_start3A_438 = tpu.memref_slice %arg4[%add3A_429, %dma_start3A_437] : memref<819200x128xf32, #tpu.memory_space<hbm>> -> memref<128x128xf32, #tpu.memory_space<hbm>>
    %dma_start3A_439 = arith.constant 0 : i32
    %dma_start3A_440 = arith.constant 0 : i32
    %dma_start3A_441 = tpu.memref_slice %arg6[%dma_start3A_430, %dma_start3A_439, %dma_start3A_440] : memref<6x128x128xf32, #tpu.memory_space<vmem>> -> memref<1x128x128xf32, #tpu.memory_space<vmem>>
    %dma_start3A_442 = tpu.memref_squeeze %dma_start3A_441 : memref<1x128x128xf32, #tpu.memory_space<vmem>> -> memref<128x128xf32, #tpu.memory_space<vmem>>
    tpu.enqueue_dma source(%dma_start3A_442 : memref<128x128xf32, #tpu.memory_space<vmem>>) target(%dma_start3A_438 : memref<128x128xf32, #tpu.memory_space<hbm>>) target_semaphore(%arg14 : memref<!tpu.dma_semaphore, #tpu.memory_space<semaphore_mem>>)
    %dma_wait3A_443 = arith.constant 0 : i32
    %dma_wait3A_444 = arith.constant 0 : i32
    %dma_wait3A_445 = arith.constant 0 : i32
    %dma_wait3A_446 = tpu.memref_slice %arg6[%dma_wait3A_443, %dma_wait3A_444, %dma_wait3A_445] : memref<6x128x128xf32, #tpu.memory_space<vmem>> -> memref<1x128x128xf32, #tpu.memory_space<vmem>>
    %dma_wait3A_447 = tpu.memref_squeeze %dma_wait3A_446 : memref<1x128x128xf32, #tpu.memory_space<vmem>> -> memref<128x128xf32, #tpu.memory_space<vmem>>
    %dma_wait3A_448 = arith.constant 0 : i32
    %dma_wait3A_449 = tpu.memref_slice %arg4[%mul3A_2, %dma_wait3A_448] : memref<819200x128xf32, #tpu.memory_space<hbm>> -> memref<128x128xf32, #tpu.memory_space<hbm>>
    %dma_wait3A_450 = arith.constant 0 : i32
    %dma_wait3A_451 = tpu.memref_slice %arg4[%mul3A_2, %dma_wait3A_450] : memref<819200x128xf32, #tpu.memory_space<hbm>> -> memref<128x128xf32, #tpu.memory_space<hbm>>
    %dma_wait3A_452 = arith.constant 0 : i32
    %dma_wait3A_453 = arith.constant 0 : i32
    %dma_wait3A_454 = tpu.memref_slice %arg6[%dma_wait3A_443, %dma_wait3A_452, %dma_wait3A_453] : memref<6x128x128xf32, #tpu.memory_space<vmem>> -> memref<1x128x128xf32, #tpu.memory_space<vmem>>
    %dma_wait3A_455 = tpu.memref_squeeze %dma_wait3A_454 : memref<1x128x128xf32, #tpu.memory_space<vmem>> -> memref<128x128xf32, #tpu.memory_space<vmem>>
    tpu.wait_dma2 semaphore(%arg13 : memref<!tpu.dma_semaphore, #tpu.memory_space<semaphore_mem>>) src(%dma_wait3A_455 : memref<128x128xf32, #tpu.memory_space<vmem>>) dst(%dma_wait3A_451 : memref<128x128xf32, #tpu.memory_space<hbm>>)
    %dma_start3A_456 = arith.constant 0 : i32
    %dma_start3A_457 = arith.constant 0 : i32
    %dma_start3A_458 = arith.constant 0 : i32
    %dma_start3A_459 = tpu.memref_slice %arg6[%dma_start3A_456, %dma_start3A_457, %dma_start3A_458] : memref<6x128x128xf32, #tpu.memory_space<vmem>> -> memref<1x128x128xf32, #tpu.memory_space<vmem>>
    %dma_start3A_460 = tpu.memref_squeeze %dma_start3A_459 : memref<1x128x128xf32, #tpu.memory_space<vmem>> -> memref<128x128xf32, #tpu.memory_space<vmem>>
    %dma_start3A_461 = arith.constant 25344 : i32
    %dma_start3A_462 = tpu.memref_slice %arg5[%dma_start3A_461] : memref<25600xi32, #tpu.memory_space<vmem>> -> memref<128xi32, #tpu.memory_space<vmem>>
    %dma_start3A_463 = arith.constant 0 : i32
    %dma_start3A_464 = arith.constant 0 : i32
    %dma_start3A_465 = tpu.memref_slice %arg3[%dma_start3A_463, %dma_start3A_464] : memref<100000x128xf32, #tpu.memory_space<hbm>> -> memref<100000x128xf32, #tpu.memory_space<hbm>>
    tpu.enqueue_indirect_dma source(%dma_start3A_465 : memref<100000x128xf32, #tpu.memory_space<hbm>>) target(%dma_start3A_460 : memref<128x128xf32, #tpu.memory_space<vmem>>) offsets(%dma_start3A_462 : memref<128xi32, #tpu.memory_space<vmem>>) semaphore(%arg7 : memref<!tpu.dma_semaphore, #tpu.memory_space<semaphore_mem>>)
    %dma_wait3A_466 = arith.constant 2 : i32
    %dma_wait3A_467 = arith.constant 0 : i32
    %dma_wait3A_468 = arith.constant 0 : i32
    %dma_wait3A_469 = tpu.memref_slice %arg6[%dma_wait3A_466, %dma_wait3A_467, %dma_wait3A_468] : memref<6x128x128xf32, #tpu.memory_space<vmem>> -> memref<1x128x128xf32, #tpu.memory_space<vmem>>
    %dma_wait3A_470 = tpu.memref_squeeze %dma_wait3A_469 : memref<1x128x128xf32, #tpu.memory_space<vmem>> -> memref<128x128xf32, #tpu.memory_space<vmem>>
    %dma_wait3A_471 = arith.constant 0 : i32
    %dma_wait3A_472 = tpu.memref_slice %arg5[%dma_wait3A_471] : memref<25600xi32, #tpu.memory_space<vmem>> -> memref<128xi32, #tpu.memory_space<vmem>>
    %dma_wait3A_473 = arith.constant 0 : i32
    %dma_wait3A_474 = arith.constant 0 : i32
    %dma_wait3A_475 = tpu.memref_slice %arg3[%dma_wait3A_473, %dma_wait3A_474] : memref<100000x128xf32, #tpu.memory_space<hbm>> -> memref<100000x128xf32, #tpu.memory_space<hbm>>
    tpu.wait_indirect_dma semaphore(%arg9 : memref<!tpu.dma_semaphore, #tpu.memory_space<semaphore_mem>>) src(%dma_wait3A_475 : memref<100000x128xf32, #tpu.memory_space<hbm>>) dst(%dma_wait3A_470 : memref<128x128xf32, #tpu.memory_space<vmem>>)
    %scan3A_476 = arith.constant 0 : i32
    %scan3A_477 = arith.constant 128 : i32
    %scan3A_478 = arith.addi %scan3A_476, %scan3A_477 : i32
    %scan3A_479 = arith.constant 1 : i32
    scf.for %scan3A_747 = %scan3A_476 to %scan3A_478 step %scan3A_479  : i32 {
      %mul3A_748 = arith.constant 1 : i32
      %mul3A_749 = arith.muli %scan3A_747, %mul3A_748 : i32
      %add3A_750 = arith.constant 0 : i32
      %add3A_751 = arith.addi %add3A_750, %mul3A_749 : i32
      %get3A = arith.constant 2 : i32
      %get3A_752 = arith.index_cast %get3A : i32 to index
      %get3A_753 = arith.index_cast %add3A_751 : i32 to index
      %get3A_754 = arith.constant 0 : index
      %get3A_755 = tpu.vector_load %arg6[%get3A_752, %get3A_753, %get3A_754] {strides = array<i32>} : memref<6x128x128xf32, #tpu.memory_space<vmem>>, vector<1x1x16xf32>,
      %get3A_756 = vector.shape_cast %get3A_755 : vector<1x1x16xf32> to vector<16xf32>
      %mul3A_757 = arith.constant 11.3137083 : f32
      %mul3A_758 = vector.broadcast %mul3A_757 : f32 to vector<16xf32>
      %mul3A_759 = arith.mulf %get3A_756, %mul3A_758 : vector<16xf32>
      %swap3A = arith.constant 2 : i32
      %swap3A_760 = arith.index_cast %swap3A : i32 to index
      %swap3A_761 = arith.index_cast %add3A_751 : i32 to index
      %swap3A_762 = arith.constant 0 : index
      %swap3A_763 = tpu.vector_load %arg6[%swap3A_760, %swap3A_761, %swap3A_762] {strides = array<i32>} : memref<6x128x128xf32, #tpu.memory_space<vmem>>, vector<1x1x16xf32>,
      %swap3A_764 = vector.shape_cast %swap3A_763 : vector<1x1x16xf32> to vector<16xf32>
      %swap3A_765 = vector.shape_cast %mul3A_759 : vector<16xf32> to vector<1x1x16xf32>
      tpu.vector_store %arg6[%swap3A_760, %swap3A_761, %swap3A_762], %swap3A_765 {strides = array<i32>} : memref<6x128x128xf32, #tpu.memory_space<vmem>>, vector<1x1x16xf32>,
      %get3A_766 = arith.constant 2 : i32
      %get3A_767 = arith.index_cast %get3A_766 : i32 to index
      %get3A_768 = arith.index_cast %add3A_751 : i32 to index
      %get3A_769 = arith.constant 16 : index
      %get3A_770 = tpu.vector_load %arg6[%get3A_767, %get3A_768, %get3A_769] {strides = array<i32>} : memref<6x128x128xf32, #tpu.memory_space<vmem>>, vector<1x1x16xf32>,
      %get3A_771 = vector.shape_cast %get3A_770 : vector<1x1x16xf32> to vector<16xf32>
      %mul3A_772 = arith.constant 11.3137083 : f32
      %mul3A_773 = vector.broadcast %mul3A_772 : f32 to vector<16xf32>
      %mul3A_774 = arith.mulf %get3A_771, %mul3A_773 : vector<16xf32>
      %swap3A_775 = arith.constant 2 : i32
      %swap3A_776 = arith.index_cast %swap3A_775 : i32 to index
      %swap3A_777 = arith.index_cast %add3A_751 : i32 to index
      %swap3A_778 = arith.constant 16 : index
      %swap3A_779 = tpu.vector_load %arg6[%swap3A_776, %swap3A_777, %swap3A_778] {strides = array<i32>} : memref<6x128x128xf32, #tpu.memory_space<vmem>>, vector<1x1x16xf32>,
      %swap3A_780 = vector.shape_cast %swap3A_779 : vector<1x1x16xf32> to vector<16xf32>
      %swap3A_781 = vector.shape_cast %mul3A_774 : vector<16xf32> to vector<1x1x16xf32>
      tpu.vector_store %arg6[%swap3A_776, %swap3A_777, %swap3A_778], %swap3A_781 {strides = array<i32>} : memref<6x128x128xf32, #tpu.memory_space<vmem>>, vector<1x1x16xf32>,
      %get3A_782 = arith.constant 2 : i32
      %get3A_783 = arith.index_cast %get3A_782 : i32 to index
      %get3A_784 = arith.index_cast %add3A_751 : i32 to index
      %get3A_785 = arith.constant 32 : index
      %get3A_786 = tpu.vector_load %arg6[%get3A_783, %get3A_784, %get3A_785] {strides = array<i32>} : memref<6x128x128xf32, #tpu.memory_space<vmem>>, vector<1x1x16xf32>,
      %get3A_787 = vector.shape_cast %get3A_786 : vector<1x1x16xf32> to vector<16xf32>
      %mul3A_788 = arith.constant 11.3137083 : f32
      %mul3A_789 = vector.broadcast %mul3A_788 : f32 to vector<16xf32>
      %mul3A_790 = arith.mulf %get3A_787, %mul3A_789 : vector<16xf32>
      %swap3A_791 = arith.constant 2 : i32
      %swap3A_792 = arith.index_cast %swap3A_791 : i32 to index
      %swap3A_793 = arith.index_cast %add3A_751 : i32 to index
      %swap3A_794 = arith.constant 32 : index
      %swap3A_795 = tpu.vector_load %arg6[%swap3A_792, %swap3A_793, %swap3A_794] {strides = array<i32>} : memref<6x128x128xf32, #tpu.memory_space<vmem>>, vector<1x1x16xf32>,
      %swap3A_796 = vector.shape_cast %swap3A_795 : vector<1x1x16xf32> to vector<16xf32>
      %swap3A_797 = vector.shape_cast %mul3A_790 : vector<16xf32> to vector<1x1x16xf32>
      tpu.vector_store %arg6[%swap3A_792, %swap3A_793, %swap3A_794], %swap3A_797 {strides = array<i32>} : memref<6x128x128xf32, #tpu.memory_space<vmem>>, vector<1x1x16xf32>,
      %get3A_798 = arith.constant 2 : i32
      %get3A_799 = arith.index_cast %get3A_798 : i32 to index
      %get3A_800 = arith.index_cast %add3A_751 : i32 to index
      %get3A_801 = arith.constant 48 : index
      %get3A_802 = tpu.vector_load %arg6[%get3A_799, %get3A_800, %get3A_801] {strides = array<i32>} : memref<6x128x128xf32, #tpu.memory_space<vmem>>, vector<1x1x16xf32>,
      %get3A_803 = vector.shape_cast %get3A_802 : vector<1x1x16xf32> to vector<16xf32>
      %mul3A_804 = arith.constant 11.3137083 : f32
      %mul3A_805 = vector.broadcast %mul3A_804 : f32 to vector<16xf32>
      %mul3A_806 = arith.mulf %get3A_803, %mul3A_805 : vector<16xf32>
      %swap3A_807 = arith.constant 2 : i32
      %swap3A_808 = arith.index_cast %swap3A_807 : i32 to index
      %swap3A_809 = arith.index_cast %add3A_751 : i32 to index
      %swap3A_810 = arith.constant 48 : index
      %swap3A_811 = tpu.vector_load %arg6[%swap3A_808, %swap3A_809, %swap3A_810] {strides = array<i32>} : memref<6x128x128xf32, #tpu.memory_space<vmem>>, vector<1x1x16xf32>,
      %swap3A_812 = vector.shape_cast %swap3A_811 : vector<1x1x16xf32> to vector<16xf32>
      %swap3A_813 = vector.shape_cast %mul3A_806 : vector<16xf32> to vector<1x1x16xf32>
      tpu.vector_store %arg6[%swap3A_808, %swap3A_809, %swap3A_810], %swap3A_813 {strides = array<i32>} : memref<6x128x128xf32, #tpu.memory_space<vmem>>, vector<1x1x16xf32>,
      %get3A_814 = arith.constant 2 : i32
      %get3A_815 = arith.index_cast %get3A_814 : i32 to index
      %get3A_816 = arith.index_cast %add3A_751 : i32 to index
      %get3A_817 = arith.constant 64 : index
      %get3A_818 = tpu.vector_load %arg6[%get3A_815, %get3A_816, %get3A_817] {strides = array<i32>} : memref<6x128x128xf32, #tpu.memory_space<vmem>>, vector<1x1x16xf32>,
      %get3A_819 = vector.shape_cast %get3A_818 : vector<1x1x16xf32> to vector<16xf32>
      %mul3A_820 = arith.constant 11.3137083 : f32
      %mul3A_821 = vector.broadcast %mul3A_820 : f32 to vector<16xf32>
      %mul3A_822 = arith.mulf %get3A_819, %mul3A_821 : vector<16xf32>
      %swap3A_823 = arith.constant 2 : i32
      %swap3A_824 = arith.index_cast %swap3A_823 : i32 to index
      %swap3A_825 = arith.index_cast %add3A_751 : i32 to index
      %swap3A_826 = arith.constant 64 : index
      %swap3A_827 = tpu.vector_load %arg6[%swap3A_824, %swap3A_825, %swap3A_826] {strides = array<i32>} : memref<6x128x128xf32, #tpu.memory_space<vmem>>, vector<1x1x16xf32>,
      %swap3A_828 = vector.shape_cast %swap3A_827 : vector<1x1x16xf32> to vector<16xf32>
      %swap3A_829 = vector.shape_cast %mul3A_822 : vector<16xf32> to vector<1x1x16xf32>
      tpu.vector_store %arg6[%swap3A_824, %swap3A_825, %swap3A_826], %swap3A_829 {strides = array<i32>} : memref<6x128x128xf32, #tpu.memory_space<vmem>>, vector<1x1x16xf32>,
      %get3A_830 = arith.constant 2 : i32
      %get3A_831 = arith.index_cast %get3A_830 : i32 to index
      %get3A_832 = arith.index_cast %add3A_751 : i32 to index
      %get3A_833 = arith.constant 80 : index
      %get3A_834 = tpu.vector_load %arg6[%get3A_831, %get3A_832, %get3A_833] {strides = array<i32>} : memref<6x128x128xf32, #tpu.memory_space<vmem>>, vector<1x1x16xf32>,
      %get3A_835 = vector.shape_cast %get3A_834 : vector<1x1x16xf32> to vector<16xf32>
      %mul3A_836 = arith.constant 11.3137083 : f32
      %mul3A_837 = vector.broadcast %mul3A_836 : f32 to vector<16xf32>
      %mul3A_838 = arith.mulf %get3A_835, %mul3A_837 : vector<16xf32>
      %swap3A_839 = arith.constant 2 : i32
      %swap3A_840 = arith.index_cast %swap3A_839 : i32 to index
      %swap3A_841 = arith.index_cast %add3A_751 : i32 to index
      %swap3A_842 = arith.constant 80 : index
      %swap3A_843 = tpu.vector_load %arg6[%swap3A_840, %swap3A_841, %swap3A_842] {strides = array<i32>} : memref<6x128x128xf32, #tpu.memory_space<vmem>>, vector<1x1x16xf32>,
      %swap3A_844 = vector.shape_cast %swap3A_843 : vector<1x1x16xf32> to vector<16xf32>
      %swap3A_845 = vector.shape_cast %mul3A_838 : vector<16xf32> to vector<1x1x16xf32>
      tpu.vector_store %arg6[%swap3A_840, %swap3A_841, %swap3A_842], %swap3A_845 {strides = array<i32>} : memref<6x128x128xf32, #tpu.memory_space<vmem>>, vector<1x1x16xf32>,
      %get3A_846 = arith.constant 2 : i32
      %get3A_847 = arith.index_cast %get3A_846 : i32 to index
      %get3A_848 = arith.index_cast %add3A_751 : i32 to index
      %get3A_849 = arith.constant 96 : index
      %get3A_850 = tpu.vector_load %arg6[%get3A_847, %get3A_848, %get3A_849] {strides = array<i32>} : memref<6x128x128xf32, #tpu.memory_space<vmem>>, vector<1x1x16xf32>,
      %get3A_851 = vector.shape_cast %get3A_850 : vector<1x1x16xf32> to vector<16xf32>
      %mul3A_852 = arith.constant 11.3137083 : f32
      %mul3A_853 = vector.broadcast %mul3A_852 : f32 to vector<16xf32>
      %mul3A_854 = arith.mulf %get3A_851, %mul3A_853 : vector<16xf32>
      %swap3A_855 = arith.constant 2 : i32
      %swap3A_856 = arith.index_cast %swap3A_855 : i32 to index
      %swap3A_857 = arith.index_cast %add3A_751 : i32 to index
      %swap3A_858 = arith.constant 96 : index
      %swap3A_859 = tpu.vector_load %arg6[%swap3A_856, %swap3A_857, %swap3A_858] {strides = array<i32>} : memref<6x128x128xf32, #tpu.memory_space<vmem>>, vector<1x1x16xf32>,
      %swap3A_860 = vector.shape_cast %swap3A_859 : vector<1x1x16xf32> to vector<16xf32>
      %swap3A_861 = vector.shape_cast %mul3A_854 : vector<16xf32> to vector<1x1x16xf32>
      tpu.vector_store %arg6[%swap3A_856, %swap3A_857, %swap3A_858], %swap3A_861 {strides = array<i32>} : memref<6x128x128xf32, #tpu.memory_space<vmem>>, vector<1x1x16xf32>,
      %get3A_862 = arith.constant 2 : i32
      %get3A_863 = arith.index_cast %get3A_862 : i32 to index
      %get3A_864 = arith.index_cast %add3A_751 : i32 to index
      %get3A_865 = arith.constant 112 : index
      %get3A_866 = tpu.vector_load %arg6[%get3A_863, %get3A_864, %get3A_865] {strides = array<i32>} : memref<6x128x128xf32, #tpu.memory_space<vmem>>, vector<1x1x16xf32>,
      %get3A_867 = vector.shape_cast %get3A_866 : vector<1x1x16xf32> to vector<16xf32>
      %mul3A_868 = arith.constant 11.3137083 : f32
      %mul3A_869 = vector.broadcast %mul3A_868 : f32 to vector<16xf32>
      %mul3A_870 = arith.mulf %get3A_867, %mul3A_869 : vector<16xf32>
      %swap3A_871 = arith.constant 2 : i32
      %swap3A_872 = arith.index_cast %swap3A_871 : i32 to index
      %swap3A_873 = arith.index_cast %add3A_751 : i32 to index
      %swap3A_874 = arith.constant 112 : index
      %swap3A_875 = tpu.vector_load %arg6[%swap3A_872, %swap3A_873, %swap3A_874] {strides = array<i32>} : memref<6x128x128xf32, #tpu.memory_space<vmem>>, vector<1x1x16xf32>,
      %swap3A_876 = vector.shape_cast %swap3A_875 : vector<1x1x16xf32> to vector<16xf32>
      %swap3A_877 = vector.shape_cast %mul3A_870 : vector<16xf32> to vector<1x1x16xf32>
      tpu.vector_store %arg6[%swap3A_872, %swap3A_873, %swap3A_874], %swap3A_877 {strides = array<i32>} : memref<6x128x128xf32, #tpu.memory_space<vmem>>, vector<1x1x16xf32>,
    }
    %scan3A_480 = arith.constant 128 : i32
    %add3A_481 = arith.constant 24832 : i32
    %add3A_482 = arith.addi %mul3A_2, %add3A_481 : i32
    %dma_start3A_483 = arith.constant 2 : i32
    %dma_start3A_484 = arith.constant 0 : i32
    %dma_start3A_485 = arith.constant 0 : i32
    %dma_start3A_486 = tpu.memref_slice %arg6[%dma_start3A_483, %dma_start3A_484, %dma_start3A_485] : memref<6x128x128xf32, #tpu.memory_space<vmem>> -> memref<1x128x128xf32, #tpu.memory_space<vmem>>
    %dma_start3A_487 = tpu.memref_squeeze %dma_start3A_486 : memref<1x128x128xf32, #tpu.memory_space<vmem>> -> memref<128x128xf32, #tpu.memory_space<vmem>>
    %dma_start3A_488 = arith.constant 0 : i32
    %dma_start3A_489 = tpu.memref_slice %arg4[%add3A_482, %dma_start3A_488] : memref<819200x128xf32, #tpu.memory_space<hbm>> -> memref<128x128xf32, #tpu.memory_space<hbm>>
    %dma_start3A_490 = arith.constant 0 : i32
    %dma_start3A_491 = tpu.memref_slice %arg4[%add3A_482, %dma_start3A_490] : memref<819200x128xf32, #tpu.memory_space<hbm>> -> memref<128x128xf32, #tpu.memory_space<hbm>>
    %dma_start3A_492 = arith.constant 0 : i32
    %dma_start3A_493 = arith.constant 0 : i32
    %dma_start3A_494 = tpu.memref_slice %arg6[%dma_start3A_483, %dma_start3A_492, %dma_start3A_493] : memref<6x128x128xf32, #tpu.memory_space<vmem>> -> memref<1x128x128xf32, #tpu.memory_space<vmem>>
    %dma_start3A_495 = tpu.memref_squeeze %dma_start3A_494 : memref<1x128x128xf32, #tpu.memory_space<vmem>> -> memref<128x128xf32, #tpu.memory_space<vmem>>
    tpu.enqueue_dma source(%dma_start3A_495 : memref<128x128xf32, #tpu.memory_space<vmem>>) target(%dma_start3A_491 : memref<128x128xf32, #tpu.memory_space<hbm>>) target_semaphore(%arg15 : memref<!tpu.dma_semaphore, #tpu.memory_space<semaphore_mem>>)
    %dma_wait3A_496 = arith.constant 1 : i32
    %dma_wait3A_497 = arith.constant 0 : i32
    %dma_wait3A_498 = arith.constant 0 : i32
    %dma_wait3A_499 = tpu.memref_slice %arg6[%dma_wait3A_496, %dma_wait3A_497, %dma_wait3A_498] : memref<6x128x128xf32, #tpu.memory_space<vmem>> -> memref<1x128x128xf32, #tpu.memory_space<vmem>>
    %dma_wait3A_500 = tpu.memref_squeeze %dma_wait3A_499 : memref<1x128x128xf32, #tpu.memory_space<vmem>> -> memref<128x128xf32, #tpu.memory_space<vmem>>
    %dma_wait3A_501 = arith.constant 0 : i32
    %dma_wait3A_502 = tpu.memref_slice %arg4[%mul3A_2, %dma_wait3A_501] : memref<819200x128xf32, #tpu.memory_space<hbm>> -> memref<128x128xf32, #tpu.memory_space<hbm>>
    %dma_wait3A_503 = arith.constant 0 : i32
    %dma_wait3A_504 = tpu.memref_slice %arg4[%mul3A_2, %dma_wait3A_503] : memref<819200x128xf32, #tpu.memory_space<hbm>> -> memref<128x128xf32, #tpu.memory_space<hbm>>
    %dma_wait3A_505 = arith.constant 0 : i32
    %dma_wait3A_506 = arith.constant 0 : i32
    %dma_wait3A_507 = tpu.memref_slice %arg6[%dma_wait3A_496, %dma_wait3A_505, %dma_wait3A_506] : memref<6x128x128xf32, #tpu.memory_space<vmem>> -> memref<1x128x128xf32, #tpu.memory_space<vmem>>
    %dma_wait3A_508 = tpu.memref_squeeze %dma_wait3A_507 : memref<1x128x128xf32, #tpu.memory_space<vmem>> -> memref<128x128xf32, #tpu.memory_space<vmem>>
    tpu.wait_dma2 semaphore(%arg14 : memref<!tpu.dma_semaphore, #tpu.memory_space<semaphore_mem>>) src(%dma_wait3A_508 : memref<128x128xf32, #tpu.memory_space<vmem>>) dst(%dma_wait3A_504 : memref<128x128xf32, #tpu.memory_space<hbm>>)
    %dma_start3A_509 = arith.constant 1 : i32
    %dma_start3A_510 = arith.constant 0 : i32
    %dma_start3A_511 = arith.constant 0 : i32
    %dma_start3A_512 = tpu.memref_slice %arg6[%dma_start3A_509, %dma_start3A_510, %dma_start3A_511] : memref<6x128x128xf32, #tpu.memory_space<vmem>> -> memref<1x128x128xf32, #tpu.memory_space<vmem>>
    %dma_start3A_513 = tpu.memref_squeeze %dma_start3A_512 : memref<1x128x128xf32, #tpu.memory_space<vmem>> -> memref<128x128xf32, #tpu.memory_space<vmem>>
    %dma_start3A_514 = arith.constant 25472 : i32
    %dma_start3A_515 = tpu.memref_slice %arg5[%dma_start3A_514] : memref<25600xi32, #tpu.memory_space<vmem>> -> memref<128xi32, #tpu.memory_space<vmem>>
    %dma_start3A_516 = arith.constant 0 : i32
    %dma_start3A_517 = arith.constant 0 : i32
    %dma_start3A_518 = tpu.memref_slice %arg3[%dma_start3A_516, %dma_start3A_517] : memref<100000x128xf32, #tpu.memory_space<hbm>> -> memref<100000x128xf32, #tpu.memory_space<hbm>>
    tpu.enqueue_indirect_dma source(%dma_start3A_518 : memref<100000x128xf32, #tpu.memory_space<hbm>>) target(%dma_start3A_513 : memref<128x128xf32, #tpu.memory_space<vmem>>) offsets(%dma_start3A_515 : memref<128xi32, #tpu.memory_space<vmem>>) semaphore(%arg8 : memref<!tpu.dma_semaphore, #tpu.memory_space<semaphore_mem>>)
    %dma_wait3A_519 = arith.constant 3 : i32
    %dma_wait3A_520 = arith.constant 0 : i32
    %dma_wait3A_521 = arith.constant 0 : i32
    %dma_wait3A_522 = tpu.memref_slice %arg6[%dma_wait3A_519, %dma_wait3A_520, %dma_wait3A_521] : memref<6x128x128xf32, #tpu.memory_space<vmem>> -> memref<1x128x128xf32, #tpu.memory_space<vmem>>
    %dma_wait3A_523 = tpu.memref_squeeze %dma_wait3A_522 : memref<1x128x128xf32, #tpu.memory_space<vmem>> -> memref<128x128xf32, #tpu.memory_space<vmem>>
    %dma_wait3A_524 = arith.constant 0 : i32
    %dma_wait3A_525 = tpu.memref_slice %arg5[%dma_wait3A_524] : memref<25600xi32, #tpu.memory_space<vmem>> -> memref<128xi32, #tpu.memory_space<vmem>>
    %dma_wait3A_526 = arith.constant 0 : i32
    %dma_wait3A_527 = arith.constant 0 : i32
    %dma_wait3A_528 = tpu.memref_slice %arg3[%dma_wait3A_526, %dma_wait3A_527] : memref<100000x128xf32, #tpu.memory_space<hbm>> -> memref<100000x128xf32, #tpu.memory_space<hbm>>
    tpu.wait_indirect_dma semaphore(%arg10 : memref<!tpu.dma_semaphore, #tpu.memory_space<semaphore_mem>>) src(%dma_wait3A_528 : memref<100000x128xf32, #tpu.memory_space<hbm>>) dst(%dma_wait3A_523 : memref<128x128xf32, #tpu.memory_space<vmem>>)
    %scan3A_529 = arith.constant 0 : i32
    %scan3A_530 = arith.constant 128 : i32
    %scan3A_531 = arith.addi %scan3A_529, %scan3A_530 : i32
    %scan3A_532 = arith.constant 1 : i32
    scf.for %scan3A_747 = %scan3A_529 to %scan3A_531 step %scan3A_532  : i32 {
      %mul3A_748 = arith.constant 1 : i32
      %mul3A_749 = arith.muli %scan3A_747, %mul3A_748 : i32
      %add3A_750 = arith.constant 0 : i32
      %add3A_751 = arith.addi %add3A_750, %mul3A_749 : i32
      %get3A = arith.constant 3 : i32
      %get3A_752 = arith.index_cast %get3A : i32 to index
      %get3A_753 = arith.index_cast %add3A_751 : i32 to index
      %get3A_754 = arith.constant 0 : index
      %get3A_755 = tpu.vector_load %arg6[%get3A_752, %get3A_753, %get3A_754] {strides = array<i32>} : memref<6x128x128xf32, #tpu.memory_space<vmem>>, vector<1x1x16xf32>,
      %get3A_756 = vector.shape_cast %get3A_755 : vector<1x1x16xf32> to vector<16xf32>
      %mul3A_757 = arith.constant 11.3137083 : f32
      %mul3A_758 = vector.broadcast %mul3A_757 : f32 to vector<16xf32>
      %mul3A_759 = arith.mulf %get3A_756, %mul3A_758 : vector<16xf32>
      %swap3A = arith.constant 3 : i32
      %swap3A_760 = arith.index_cast %swap3A : i32 to index
      %swap3A_761 = arith.index_cast %add3A_751 : i32 to index
      %swap3A_762 = arith.constant 0 : index
      %swap3A_763 = tpu.vector_load %arg6[%swap3A_760, %swap3A_761, %swap3A_762] {strides = array<i32>} : memref<6x128x128xf32, #tpu.memory_space<vmem>>, vector<1x1x16xf32>,
      %swap3A_764 = vector.shape_cast %swap3A_763 : vector<1x1x16xf32> to vector<16xf32>
      %swap3A_765 = vector.shape_cast %mul3A_759 : vector<16xf32> to vector<1x1x16xf32>
      tpu.vector_store %arg6[%swap3A_760, %swap3A_761, %swap3A_762], %swap3A_765 {strides = array<i32>} : memref<6x128x128xf32, #tpu.memory_space<vmem>>, vector<1x1x16xf32>,
      %get3A_766 = arith.constant 3 : i32
      %get3A_767 = arith.index_cast %get3A_766 : i32 to index
      %get3A_768 = arith.index_cast %add3A_751 : i32 to index
      %get3A_769 = arith.constant 16 : index
      %get3A_770 = tpu.vector_load %arg6[%get3A_767, %get3A_768, %get3A_769] {strides = array<i32>} : memref<6x128x128xf32, #tpu.memory_space<vmem>>, vector<1x1x16xf32>,
      %get3A_771 = vector.shape_cast %get3A_770 : vector<1x1x16xf32> to vector<16xf32>
      %mul3A_772 = arith.constant 11.3137083 : f32
      %mul3A_773 = vector.broadcast %mul3A_772 : f32 to vector<16xf32>
      %mul3A_774 = arith.mulf %get3A_771, %mul3A_773 : vector<16xf32>
      %swap3A_775 = arith.constant 3 : i32
      %swap3A_776 = arith.index_cast %swap3A_775 : i32 to index
      %swap3A_777 = arith.index_cast %add3A_751 : i32 to index
      %swap3A_778 = arith.constant 16 : index
      %swap3A_779 = tpu.vector_load %arg6[%swap3A_776, %swap3A_777, %swap3A_778] {strides = array<i32>} : memref<6x128x128xf32, #tpu.memory_space<vmem>>, vector<1x1x16xf32>,
      %swap3A_780 = vector.shape_cast %swap3A_779 : vector<1x1x16xf32> to vector<16xf32>
      %swap3A_781 = vector.shape_cast %mul3A_774 : vector<16xf32> to vector<1x1x16xf32>
      tpu.vector_store %arg6[%swap3A_776, %swap3A_777, %swap3A_778], %swap3A_781 {strides = array<i32>} : memref<6x128x128xf32, #tpu.memory_space<vmem>>, vector<1x1x16xf32>,
      %get3A_782 = arith.constant 3 : i32
      %get3A_783 = arith.index_cast %get3A_782 : i32 to index
      %get3A_784 = arith.index_cast %add3A_751 : i32 to index
      %get3A_785 = arith.constant 32 : index
      %get3A_786 = tpu.vector_load %arg6[%get3A_783, %get3A_784, %get3A_785] {strides = array<i32>} : memref<6x128x128xf32, #tpu.memory_space<vmem>>, vector<1x1x16xf32>,
      %get3A_787 = vector.shape_cast %get3A_786 : vector<1x1x16xf32> to vector<16xf32>
      %mul3A_788 = arith.constant 11.3137083 : f32
      %mul3A_789 = vector.broadcast %mul3A_788 : f32 to vector<16xf32>
      %mul3A_790 = arith.mulf %get3A_787, %mul3A_789 : vector<16xf32>
      %swap3A_791 = arith.constant 3 : i32
      %swap3A_792 = arith.index_cast %swap3A_791 : i32 to index
      %swap3A_793 = arith.index_cast %add3A_751 : i32 to index
      %swap3A_794 = arith.constant 32 : index
      %swap3A_795 = tpu.vector_load %arg6[%swap3A_792, %swap3A_793, %swap3A_794] {strides = array<i32>} : memref<6x128x128xf32, #tpu.memory_space<vmem>>, vector<1x1x16xf32>,
      %swap3A_796 = vector.shape_cast %swap3A_795 : vector<1x1x16xf32> to vector<16xf32>
      %swap3A_797 = vector.shape_cast %mul3A_790 : vector<16xf32> to vector<1x1x16xf32>
      tpu.vector_store %arg6[%swap3A_792, %swap3A_793, %swap3A_794], %swap3A_797 {strides = array<i32>} : memref<6x128x128xf32, #tpu.memory_space<vmem>>, vector<1x1x16xf32>,
      %get3A_798 = arith.constant 3 : i32
      %get3A_799 = arith.index_cast %get3A_798 : i32 to index
      %get3A_800 = arith.index_cast %add3A_751 : i32 to index
      %get3A_801 = arith.constant 48 : index
      %get3A_802 = tpu.vector_load %arg6[%get3A_799, %get3A_800, %get3A_801] {strides = array<i32>} : memref<6x128x128xf32, #tpu.memory_space<vmem>>, vector<1x1x16xf32>,
      %get3A_803 = vector.shape_cast %get3A_802 : vector<1x1x16xf32> to vector<16xf32>
      %mul3A_804 = arith.constant 11.3137083 : f32
      %mul3A_805 = vector.broadcast %mul3A_804 : f32 to vector<16xf32>
      %mul3A_806 = arith.mulf %get3A_803, %mul3A_805 : vector<16xf32>
      %swap3A_807 = arith.constant 3 : i32
      %swap3A_808 = arith.index_cast %swap3A_807 : i32 to index
      %swap3A_809 = arith.index_cast %add3A_751 : i32 to index
      %swap3A_810 = arith.constant 48 : index
      %swap3A_811 = tpu.vector_load %arg6[%swap3A_808, %swap3A_809, %swap3A_810] {strides = array<i32>} : memref<6x128x128xf32, #tpu.memory_space<vmem>>, vector<1x1x16xf32>,
      %swap3A_812 = vector.shape_cast %swap3A_811 : vector<1x1x16xf32> to vector<16xf32>
      %swap3A_813 = vector.shape_cast %mul3A_806 : vector<16xf32> to vector<1x1x16xf32>
      tpu.vector_store %arg6[%swap3A_808, %swap3A_809, %swap3A_810], %swap3A_813 {strides = array<i32>} : memref<6x128x128xf32, #tpu.memory_space<vmem>>, vector<1x1x16xf32>,
      %get3A_814 = arith.constant 3 : i32
      %get3A_815 = arith.index_cast %get3A_814 : i32 to index
      %get3A_816 = arith.index_cast %add3A_751 : i32 to index
      %get3A_817 = arith.constant 64 : index
      %get3A_818 = tpu.vector_load %arg6[%get3A_815, %get3A_816, %get3A_817] {strides = array<i32>} : memref<6x128x128xf32, #tpu.memory_space<vmem>>, vector<1x1x16xf32>,
      %get3A_819 = vector.shape_cast %get3A_818 : vector<1x1x16xf32> to vector<16xf32>
      %mul3A_820 = arith.constant 11.3137083 : f32
      %mul3A_821 = vector.broadcast %mul3A_820 : f32 to vector<16xf32>
      %mul3A_822 = arith.mulf %get3A_819, %mul3A_821 : vector<16xf32>
      %swap3A_823 = arith.constant 3 : i32
      %swap3A_824 = arith.index_cast %swap3A_823 : i32 to index
      %swap3A_825 = arith.index_cast %add3A_751 : i32 to index
      %swap3A_826 = arith.constant 64 : index
      %swap3A_827 = tpu.vector_load %arg6[%swap3A_824, %swap3A_825, %swap3A_826] {strides = array<i32>} : memref<6x128x128xf32, #tpu.memory_space<vmem>>, vector<1x1x16xf32>,
      %swap3A_828 = vector.shape_cast %swap3A_827 : vector<1x1x16xf32> to vector<16xf32>
      %swap3A_829 = vector.shape_cast %mul3A_822 : vector<16xf32> to vector<1x1x16xf32>
      tpu.vector_store %arg6[%swap3A_824, %swap3A_825, %swap3A_826], %swap3A_829 {strides = array<i32>} : memref<6x128x128xf32, #tpu.memory_space<vmem>>, vector<1x1x16xf32>,
      %get3A_830 = arith.constant 3 : i32
      %get3A_831 = arith.index_cast %get3A_830 : i32 to index
      %get3A_832 = arith.index_cast %add3A_751 : i32 to index
      %get3A_833 = arith.constant 80 : index
      %get3A_834 = tpu.vector_load %arg6[%get3A_831, %get3A_832, %get3A_833] {strides = array<i32>} : memref<6x128x128xf32, #tpu.memory_space<vmem>>, vector<1x1x16xf32>,
      %get3A_835 = vector.shape_cast %get3A_834 : vector<1x1x16xf32> to vector<16xf32>
      %mul3A_836 = arith.constant 11.3137083 : f32
      %mul3A_837 = vector.broadcast %mul3A_836 : f32 to vector<16xf32>
      %mul3A_838 = arith.mulf %get3A_835, %mul3A_837 : vector<16xf32>
      %swap3A_839 = arith.constant 3 : i32
      %swap3A_840 = arith.index_cast %swap3A_839 : i32 to index
      %swap3A_841 = arith.index_cast %add3A_751 : i32 to index
      %swap3A_842 = arith.constant 80 : index
      %swap3A_843 = tpu.vector_load %arg6[%swap3A_840, %swap3A_841, %swap3A_842] {strides = array<i32>} : memref<6x128x128xf32, #tpu.memory_space<vmem>>, vector<1x1x16xf32>,
      %swap3A_844 = vector.shape_cast %swap3A_843 : vector<1x1x16xf32> to vector<16xf32>
      %swap3A_845 = vector.shape_cast %mul3A_838 : vector<16xf32> to vector<1x1x16xf32>
      tpu.vector_store %arg6[%swap3A_840, %swap3A_841, %swap3A_842], %swap3A_845 {strides = array<i32>} : memref<6x128x128xf32, #tpu.memory_space<vmem>>, vector<1x1x16xf32>,
      %get3A_846 = arith.constant 3 : i32
      %get3A_847 = arith.index_cast %get3A_846 : i32 to index
      %get3A_848 = arith.index_cast %add3A_751 : i32 to index
      %get3A_849 = arith.constant 96 : index
      %get3A_850 = tpu.vector_load %arg6[%get3A_847, %get3A_848, %get3A_849] {strides = array<i32>} : memref<6x128x128xf32, #tpu.memory_space<vmem>>, vector<1x1x16xf32>,
      %get3A_851 = vector.shape_cast %get3A_850 : vector<1x1x16xf32> to vector<16xf32>
      %mul3A_852 = arith.constant 11.3137083 : f32
      %mul3A_853 = vector.broadcast %mul3A_852 : f32 to vector<16xf32>
      %mul3A_854 = arith.mulf %get3A_851, %mul3A_853 : vector<16xf32>
      %swap3A_855 = arith.constant 3 : i32
      %swap3A_856 = arith.index_cast %swap3A_855 : i32 to index
      %swap3A_857 = arith.index_cast %add3A_751 : i32 to index
      %swap3A_858 = arith.constant 96 : index
      %swap3A_859 = tpu.vector_load %arg6[%swap3A_856, %swap3A_857, %swap3A_858] {strides = array<i32>} : memref<6x128x128xf32, #tpu.memory_space<vmem>>, vector<1x1x16xf32>,
      %swap3A_860 = vector.shape_cast %swap3A_859 : vector<1x1x16xf32> to vector<16xf32>
      %swap3A_861 = vector.shape_cast %mul3A_854 : vector<16xf32> to vector<1x1x16xf32>
      tpu.vector_store %arg6[%swap3A_856, %swap3A_857, %swap3A_858], %swap3A_861 {strides = array<i32>} : memref<6x128x128xf32, #tpu.memory_space<vmem>>, vector<1x1x16xf32>,
      %get3A_862 = arith.constant 3 : i32
      %get3A_863 = arith.index_cast %get3A_862 : i32 to index
      %get3A_864 = arith.index_cast %add3A_751 : i32 to index
      %get3A_865 = arith.constant 112 : index
      %get3A_866 = tpu.vector_load %arg6[%get3A_863, %get3A_864, %get3A_865] {strides = array<i32>} : memref<6x128x128xf32, #tpu.memory_space<vmem>>, vector<1x1x16xf32>,
      %get3A_867 = vector.shape_cast %get3A_866 : vector<1x1x16xf32> to vector<16xf32>
      %mul3A_868 = arith.constant 11.3137083 : f32
      %mul3A_869 = vector.broadcast %mul3A_868 : f32 to vector<16xf32>
      %mul3A_870 = arith.mulf %get3A_867, %mul3A_869 : vector<16xf32>
      %swap3A_871 = arith.constant 3 : i32
      %swap3A_872 = arith.index_cast %swap3A_871 : i32 to index
      %swap3A_873 = arith.index_cast %add3A_751 : i32 to index
      %swap3A_874 = arith.constant 112 : index
      %swap3A_875 = tpu.vector_load %arg6[%swap3A_872, %swap3A_873, %swap3A_874] {strides = array<i32>} : memref<6x128x128xf32, #tpu.memory_space<vmem>>, vector<1x1x16xf32>,
      %swap3A_876 = vector.shape_cast %swap3A_875 : vector<1x1x16xf32> to vector<16xf32>
      %swap3A_877 = vector.shape_cast %mul3A_870 : vector<16xf32> to vector<1x1x16xf32>
      tpu.vector_store %arg6[%swap3A_872, %swap3A_873, %swap3A_874], %swap3A_877 {strides = array<i32>} : memref<6x128x128xf32, #tpu.memory_space<vmem>>, vector<1x1x16xf32>,
    }
    %scan3A_533 = arith.constant 128 : i32
    %add3A_534 = arith.constant 24960 : i32
    %add3A_535 = arith.addi %mul3A_2, %add3A_534 : i32
    %dma_start3A_536 = arith.constant 3 : i32
    %dma_start3A_537 = arith.constant 0 : i32
    %dma_start3A_538 = arith.constant 0 : i32
    %dma_start3A_539 = tpu.memref_slice %arg6[%dma_start3A_536, %dma_start3A_537, %dma_start3A_538] : memref<6x128x128xf32, #tpu.memory_space<vmem>> -> memref<1x128x128xf32, #tpu.memory_space<vmem>>
    %dma_start3A_540 = tpu.memref_squeeze %dma_start3A_539 : memref<1x128x128xf32, #tpu.memory_space<vmem>> -> memref<128x128xf32, #tpu.memory_space<vmem>>
    %dma_start3A_541 = arith.constant 0 : i32
    %dma_start3A_542 = tpu.memref_slice %arg4[%add3A_535, %dma_start3A_541] : memref<819200x128xf32, #tpu.memory_space<hbm>> -> memref<128x128xf32, #tpu.memory_space<hbm>>
    %dma_start3A_543 = arith.constant 0 : i32
    %dma_start3A_544 = tpu.memref_slice %arg4[%add3A_535, %dma_start3A_543] : memref<819200x128xf32, #tpu.memory_space<hbm>> -> memref<128x128xf32, #tpu.memory_space<hbm>>
    %dma_start3A_545 = arith.constant 0 : i32
    %dma_start3A_546 = arith.constant 0 : i32
    %dma_start3A_547 = tpu.memref_slice %arg6[%dma_start3A_536, %dma_start3A_545, %dma_start3A_546] : memref<6x128x128xf32, #tpu.memory_space<vmem>> -> memref<1x128x128xf32, #tpu.memory_space<vmem>>
    %dma_start3A_548 = tpu.memref_squeeze %dma_start3A_547 : memref<1x128x128xf32, #tpu.memory_space<vmem>> -> memref<128x128xf32, #tpu.memory_space<vmem>>
    tpu.enqueue_dma source(%dma_start3A_548 : memref<128x128xf32, #tpu.memory_space<vmem>>) target(%dma_start3A_544 : memref<128x128xf32, #tpu.memory_space<hbm>>) target_semaphore(%arg16 : memref<!tpu.dma_semaphore, #tpu.memory_space<semaphore_mem>>)
    %dma_wait3A_549 = arith.constant 4 : i32
    %dma_wait3A_550 = arith.constant 0 : i32
    %dma_wait3A_551 = arith.constant 0 : i32
    %dma_wait3A_552 = tpu.memref_slice %arg6[%dma_wait3A_549, %dma_wait3A_550, %dma_wait3A_551] : memref<6x128x128xf32, #tpu.memory_space<vmem>> -> memref<1x128x128xf32, #tpu.memory_space<vmem>>
    %dma_wait3A_553 = tpu.memref_squeeze %dma_wait3A_552 : memref<1x128x128xf32, #tpu.memory_space<vmem>> -> memref<128x128xf32, #tpu.memory_space<vmem>>
    %dma_wait3A_554 = arith.constant 0 : i32
    %dma_wait3A_555 = tpu.memref_slice %arg5[%dma_wait3A_554] : memref<25600xi32, #tpu.memory_space<vmem>> -> memref<128xi32, #tpu.memory_space<vmem>>
    %dma_wait3A_556 = arith.constant 0 : i32
    %dma_wait3A_557 = arith.constant 0 : i32
    %dma_wait3A_558 = tpu.memref_slice %arg3[%dma_wait3A_556, %dma_wait3A_557] : memref<100000x128xf32, #tpu.memory_space<hbm>> -> memref<100000x128xf32, #tpu.memory_space<hbm>>
    tpu.wait_indirect_dma semaphore(%arg11 : memref<!tpu.dma_semaphore, #tpu.memory_space<semaphore_mem>>) src(%dma_wait3A_558 : memref<100000x128xf32, #tpu.memory_space<hbm>>) dst(%dma_wait3A_553 : memref<128x128xf32, #tpu.memory_space<vmem>>)
    %scan3A_559 = arith.constant 0 : i32
    %scan3A_560 = arith.constant 128 : i32
    %scan3A_561 = arith.addi %scan3A_559, %scan3A_560 : i32
    %scan3A_562 = arith.constant 1 : i32
    scf.for %scan3A_747 = %scan3A_559 to %scan3A_561 step %scan3A_562  : i32 {
      %mul3A_748 = arith.constant 1 : i32
      %mul3A_749 = arith.muli %scan3A_747, %mul3A_748 : i32
      %add3A_750 = arith.constant 0 : i32
      %add3A_751 = arith.addi %add3A_750, %mul3A_749 : i32
      %get3A = arith.constant 4 : i32
      %get3A_752 = arith.index_cast %get3A : i32 to index
      %get3A_753 = arith.index_cast %add3A_751 : i32 to index
      %get3A_754 = arith.constant 0 : index
      %get3A_755 = tpu.vector_load %arg6[%get3A_752, %get3A_753, %get3A_754] {strides = array<i32>} : memref<6x128x128xf32, #tpu.memory_space<vmem>>, vector<1x1x16xf32>,
      %get3A_756 = vector.shape_cast %get3A_755 : vector<1x1x16xf32> to vector<16xf32>
      %mul3A_757 = arith.constant 11.3137083 : f32
      %mul3A_758 = vector.broadcast %mul3A_757 : f32 to vector<16xf32>
      %mul3A_759 = arith.mulf %get3A_756, %mul3A_758 : vector<16xf32>
      %swap3A = arith.constant 4 : i32
      %swap3A_760 = arith.index_cast %swap3A : i32 to index
      %swap3A_761 = arith.index_cast %add3A_751 : i32 to index
      %swap3A_762 = arith.constant 0 : index
      %swap3A_763 = tpu.vector_load %arg6[%swap3A_760, %swap3A_761, %swap3A_762] {strides = array<i32>} : memref<6x128x128xf32, #tpu.memory_space<vmem>>, vector<1x1x16xf32>,
      %swap3A_764 = vector.shape_cast %swap3A_763 : vector<1x1x16xf32> to vector<16xf32>
      %swap3A_765 = vector.shape_cast %mul3A_759 : vector<16xf32> to vector<1x1x16xf32>
      tpu.vector_store %arg6[%swap3A_760, %swap3A_761, %swap3A_762], %swap3A_765 {strides = array<i32>} : memref<6x128x128xf32, #tpu.memory_space<vmem>>, vector<1x1x16xf32>,
      %get3A_766 = arith.constant 4 : i32
      %get3A_767 = arith.index_cast %get3A_766 : i32 to index
      %get3A_768 = arith.index_cast %add3A_751 : i32 to index
      %get3A_769 = arith.constant 16 : index
      %get3A_770 = tpu.vector_load %arg6[%get3A_767, %get3A_768, %get3A_769] {strides = array<i32>} : memref<6x128x128xf32, #tpu.memory_space<vmem>>, vector<1x1x16xf32>,
      %get3A_771 = vector.shape_cast %get3A_770 : vector<1x1x16xf32> to vector<16xf32>
      %mul3A_772 = arith.constant 11.3137083 : f32
      %mul3A_773 = vector.broadcast %mul3A_772 : f32 to vector<16xf32>
      %mul3A_774 = arith.mulf %get3A_771, %mul3A_773 : vector<16xf32>
      %swap3A_775 = arith.constant 4 : i32
      %swap3A_776 = arith.index_cast %swap3A_775 : i32 to index
      %swap3A_777 = arith.index_cast %add3A_751 : i32 to index
      %swap3A_778 = arith.constant 16 : index
      %swap3A_779 = tpu.vector_load %arg6[%swap3A_776, %swap3A_777, %swap3A_778] {strides = array<i32>} : memref<6x128x128xf32, #tpu.memory_space<vmem>>, vector<1x1x16xf32>,
      %swap3A_780 = vector.shape_cast %swap3A_779 : vector<1x1x16xf32> to vector<16xf32>
      %swap3A_781 = vector.shape_cast %mul3A_774 : vector<16xf32> to vector<1x1x16xf32>
      tpu.vector_store %arg6[%swap3A_776, %swap3A_777, %swap3A_778], %swap3A_781 {strides = array<i32>} : memref<6x128x128xf32, #tpu.memory_space<vmem>>, vector<1x1x16xf32>,
      %get3A_782 = arith.constant 4 : i32
      %get3A_783 = arith.index_cast %get3A_782 : i32 to index
      %get3A_784 = arith.index_cast %add3A_751 : i32 to index
      %get3A_785 = arith.constant 32 : index
      %get3A_786 = tpu.vector_load %arg6[%get3A_783, %get3A_784, %get3A_785] {strides = array<i32>} : memref<6x128x128xf32, #tpu.memory_space<vmem>>, vector<1x1x16xf32>,
      %get3A_787 = vector.shape_cast %get3A_786 : vector<1x1x16xf32> to vector<16xf32>
      %mul3A_788 = arith.constant 11.3137083 : f32
      %mul3A_789 = vector.broadcast %mul3A_788 : f32 to vector<16xf32>
      %mul3A_790 = arith.mulf %get3A_787, %mul3A_789 : vector<16xf32>
      %swap3A_791 = arith.constant 4 : i32
      %swap3A_792 = arith.index_cast %swap3A_791 : i32 to index
      %swap3A_793 = arith.index_cast %add3A_751 : i32 to index
      %swap3A_794 = arith.constant 32 : index
      %swap3A_795 = tpu.vector_load %arg6[%swap3A_792, %swap3A_793, %swap3A_794] {strides = array<i32>} : memref<6x128x128xf32, #tpu.memory_space<vmem>>, vector<1x1x16xf32>,
      %swap3A_796 = vector.shape_cast %swap3A_795 : vector<1x1x16xf32> to vector<16xf32>
      %swap3A_797 = vector.shape_cast %mul3A_790 : vector<16xf32> to vector<1x1x16xf32>
      tpu.vector_store %arg6[%swap3A_792, %swap3A_793, %swap3A_794], %swap3A_797 {strides = array<i32>} : memref<6x128x128xf32, #tpu.memory_space<vmem>>, vector<1x1x16xf32>,
      %get3A_798 = arith.constant 4 : i32
      %get3A_799 = arith.index_cast %get3A_798 : i32 to index
      %get3A_800 = arith.index_cast %add3A_751 : i32 to index
      %get3A_801 = arith.constant 48 : index
      %get3A_802 = tpu.vector_load %arg6[%get3A_799, %get3A_800, %get3A_801] {strides = array<i32>} : memref<6x128x128xf32, #tpu.memory_space<vmem>>, vector<1x1x16xf32>,
      %get3A_803 = vector.shape_cast %get3A_802 : vector<1x1x16xf32> to vector<16xf32>
      %mul3A_804 = arith.constant 11.3137083 : f32
      %mul3A_805 = vector.broadcast %mul3A_804 : f32 to vector<16xf32>
      %mul3A_806 = arith.mulf %get3A_803, %mul3A_805 : vector<16xf32>
      %swap3A_807 = arith.constant 4 : i32
      %swap3A_808 = arith.index_cast %swap3A_807 : i32 to index
      %swap3A_809 = arith.index_cast %add3A_751 : i32 to index
      %swap3A_810 = arith.constant 48 : index
      %swap3A_811 = tpu.vector_load %arg6[%swap3A_808, %swap3A_809, %swap3A_810] {strides = array<i32>} : memref<6x128x128xf32, #tpu.memory_space<vmem>>, vector<1x1x16xf32>,
      %swap3A_812 = vector.shape_cast %swap3A_811 : vector<1x1x16xf32> to vector<16xf32>
      %swap3A_813 = vector.shape_cast %mul3A_806 : vector<16xf32> to vector<1x1x16xf32>
      tpu.vector_store %arg6[%swap3A_808, %swap3A_809, %swap3A_810], %swap3A_813 {strides = array<i32>} : memref<6x128x128xf32, #tpu.memory_space<vmem>>, vector<1x1x16xf32>,
      %get3A_814 = arith.constant 4 : i32
      %get3A_815 = arith.index_cast %get3A_814 : i32 to index
      %get3A_816 = arith.index_cast %add3A_751 : i32 to index
      %get3A_817 = arith.constant 64 : index
      %get3A_818 = tpu.vector_load %arg6[%get3A_815, %get3A_816, %get3A_817] {strides = array<i32>} : memref<6x128x128xf32, #tpu.memory_space<vmem>>, vector<1x1x16xf32>,
      %get3A_819 = vector.shape_cast %get3A_818 : vector<1x1x16xf32> to vector<16xf32>
      %mul3A_820 = arith.constant 11.3137083 : f32
      %mul3A_821 = vector.broadcast %mul3A_820 : f32 to vector<16xf32>
      %mul3A_822 = arith.mulf %get3A_819, %mul3A_821 : vector<16xf32>
      %swap3A_823 = arith.constant 4 : i32
      %swap3A_824 = arith.index_cast %swap3A_823 : i32 to index
      %swap3A_825 = arith.index_cast %add3A_751 : i32 to index
      %swap3A_826 = arith.constant 64 : index
      %swap3A_827 = tpu.vector_load %arg6[%swap3A_824, %swap3A_825, %swap3A_826] {strides = array<i32>} : memref<6x128x128xf32, #tpu.memory_space<vmem>>, vector<1x1x16xf32>,
      %swap3A_828 = vector.shape_cast %swap3A_827 : vector<1x1x16xf32> to vector<16xf32>
      %swap3A_829 = vector.shape_cast %mul3A_822 : vector<16xf32> to vector<1x1x16xf32>
      tpu.vector_store %arg6[%swap3A_824, %swap3A_825, %swap3A_826], %swap3A_829 {strides = array<i32>} : memref<6x128x128xf32, #tpu.memory_space<vmem>>, vector<1x1x16xf32>,
      %get3A_830 = arith.constant 4 : i32
      %get3A_831 = arith.index_cast %get3A_830 : i32 to index
      %get3A_832 = arith.index_cast %add3A_751 : i32 to index
      %get3A_833 = arith.constant 80 : index
      %get3A_834 = tpu.vector_load %arg6[%get3A_831, %get3A_832, %get3A_833] {strides = array<i32>} : memref<6x128x128xf32, #tpu.memory_space<vmem>>, vector<1x1x16xf32>,
      %get3A_835 = vector.shape_cast %get3A_834 : vector<1x1x16xf32> to vector<16xf32>
      %mul3A_836 = arith.constant 11.3137083 : f32
      %mul3A_837 = vector.broadcast %mul3A_836 : f32 to vector<16xf32>
      %mul3A_838 = arith.mulf %get3A_835, %mul3A_837 : vector<16xf32>
      %swap3A_839 = arith.constant 4 : i32
      %swap3A_840 = arith.index_cast %swap3A_839 : i32 to index
      %swap3A_841 = arith.index_cast %add3A_751 : i32 to index
      %swap3A_842 = arith.constant 80 : index
      %swap3A_843 = tpu.vector_load %arg6[%swap3A_840, %swap3A_841, %swap3A_842] {strides = array<i32>} : memref<6x128x128xf32, #tpu.memory_space<vmem>>, vector<1x1x16xf32>,
      %swap3A_844 = vector.shape_cast %swap3A_843 : vector<1x1x16xf32> to vector<16xf32>
      %swap3A_845 = vector.shape_cast %mul3A_838 : vector<16xf32> to vector<1x1x16xf32>
      tpu.vector_store %arg6[%swap3A_840, %swap3A_841, %swap3A_842], %swap3A_845 {strides = array<i32>} : memref<6x128x128xf32, #tpu.memory_space<vmem>>, vector<1x1x16xf32>,
      %get3A_846 = arith.constant 4 : i32
      %get3A_847 = arith.index_cast %get3A_846 : i32 to index
      %get3A_848 = arith.index_cast %add3A_751 : i32 to index
      %get3A_849 = arith.constant 96 : index
      %get3A_850 = tpu.vector_load %arg6[%get3A_847, %get3A_848, %get3A_849] {strides = array<i32>} : memref<6x128x128xf32, #tpu.memory_space<vmem>>, vector<1x1x16xf32>,
      %get3A_851 = vector.shape_cast %get3A_850 : vector<1x1x16xf32> to vector<16xf32>
      %mul3A_852 = arith.constant 11.3137083 : f32
      %mul3A_853 = vector.broadcast %mul3A_852 : f32 to vector<16xf32>
      %mul3A_854 = arith.mulf %get3A_851, %mul3A_853 : vector<16xf32>
      %swap3A_855 = arith.constant 4 : i32
      %swap3A_856 = arith.index_cast %swap3A_855 : i32 to index
      %swap3A_857 = arith.index_cast %add3A_751 : i32 to index
      %swap3A_858 = arith.constant 96 : index
      %swap3A_859 = tpu.vector_load %arg6[%swap3A_856, %swap3A_857, %swap3A_858] {strides = array<i32>} : memref<6x128x128xf32, #tpu.memory_space<vmem>>, vector<1x1x16xf32>,
      %swap3A_860 = vector.shape_cast %swap3A_859 : vector<1x1x16xf32> to vector<16xf32>
      %swap3A_861 = vector.shape_cast %mul3A_854 : vector<16xf32> to vector<1x1x16xf32>
      tpu.vector_store %arg6[%swap3A_856, %swap3A_857, %swap3A_858], %swap3A_861 {strides = array<i32>} : memref<6x128x128xf32, #tpu.memory_space<vmem>>, vector<1x1x16xf32>,
      %get3A_862 = arith.constant 4 : i32
      %get3A_863 = arith.index_cast %get3A_862 : i32 to index
      %get3A_864 = arith.index_cast %add3A_751 : i32 to index
      %get3A_865 = arith.constant 112 : index
      %get3A_866 = tpu.vector_load %arg6[%get3A_863, %get3A_864, %get3A_865] {strides = array<i32>} : memref<6x128x128xf32, #tpu.memory_space<vmem>>, vector<1x1x16xf32>,
      %get3A_867 = vector.shape_cast %get3A_866 : vector<1x1x16xf32> to vector<16xf32>
      %mul3A_868 = arith.constant 11.3137083 : f32
      %mul3A_869 = vector.broadcast %mul3A_868 : f32 to vector<16xf32>
      %mul3A_870 = arith.mulf %get3A_867, %mul3A_869 : vector<16xf32>
      %swap3A_871 = arith.constant 4 : i32
      %swap3A_872 = arith.index_cast %swap3A_871 : i32 to index
      %swap3A_873 = arith.index_cast %add3A_751 : i32 to index
      %swap3A_874 = arith.constant 112 : index
      %swap3A_875 = tpu.vector_load %arg6[%swap3A_872, %swap3A_873, %swap3A_874] {strides = array<i32>} : memref<6x128x128xf32, #tpu.memory_space<vmem>>, vector<1x1x16xf32>,
      %swap3A_876 = vector.shape_cast %swap3A_875 : vector<1x1x16xf32> to vector<16xf32>
      %swap3A_877 = vector.shape_cast %mul3A_870 : vector<16xf32> to vector<1x1x16xf32>
      tpu.vector_store %arg6[%swap3A_872, %swap3A_873, %swap3A_874], %swap3A_877 {strides = array<i32>} : memref<6x128x128xf32, #tpu.memory_space<vmem>>, vector<1x1x16xf32>,
    }
    %scan3A_563 = arith.constant 128 : i32
    %add3A_564 = arith.constant 25088 : i32
    %add3A_565 = arith.addi %mul3A_2, %add3A_564 : i32
    %dma_start3A_566 = arith.constant 4 : i32
    %dma_start3A_567 = arith.constant 0 : i32
    %dma_start3A_568 = arith.constant 0 : i32
    %dma_start3A_569 = tpu.memref_slice %arg6[%dma_start3A_566, %dma_start3A_567, %dma_start3A_568] : memref<6x128x128xf32, #tpu.memory_space<vmem>> -> memref<1x128x128xf32, #tpu.memory_space<vmem>>
    %dma_start3A_570 = tpu.memref_squeeze %dma_start3A_569 : memref<1x128x128xf32, #tpu.memory_space<vmem>> -> memref<128x128xf32, #tpu.memory_space<vmem>>
    %dma_start3A_571 = arith.constant 0 : i32
    %dma_start3A_572 = tpu.memref_slice %arg4[%add3A_565, %dma_start3A_571] : memref<819200x128xf32, #tpu.memory_space<hbm>> -> memref<128x128xf32, #tpu.memory_space<hbm>>
    %dma_start3A_573 = arith.constant 0 : i32
    %dma_start3A_574 = tpu.memref_slice %arg4[%add3A_565, %dma_start3A_573] : memref<819200x128xf32, #tpu.memory_space<hbm>> -> memref<128x128xf32, #tpu.memory_space<hbm>>
    %dma_start3A_575 = arith.constant 0 : i32
    %dma_start3A_576 = arith.constant 0 : i32
    %dma_start3A_577 = tpu.memref_slice %arg6[%dma_start3A_566, %dma_start3A_575, %dma_start3A_576] : memref<6x128x128xf32, #tpu.memory_space<vmem>> -> memref<1x128x128xf32, #tpu.memory_space<vmem>>
    %dma_start3A_578 = tpu.memref_squeeze %dma_start3A_577 : memref<1x128x128xf32, #tpu.memory_space<vmem>> -> memref<128x128xf32, #tpu.memory_space<vmem>>
    tpu.enqueue_dma source(%dma_start3A_578 : memref<128x128xf32, #tpu.memory_space<vmem>>) target(%dma_start3A_574 : memref<128x128xf32, #tpu.memory_space<hbm>>) target_semaphore(%arg17 : memref<!tpu.dma_semaphore, #tpu.memory_space<semaphore_mem>>)
    %dma_wait3A_579 = arith.constant 5 : i32
    %dma_wait3A_580 = arith.constant 0 : i32
    %dma_wait3A_581 = arith.constant 0 : i32
    %dma_wait3A_582 = tpu.memref_slice %arg6[%dma_wait3A_579, %dma_wait3A_580, %dma_wait3A_581] : memref<6x128x128xf32, #tpu.memory_space<vmem>> -> memref<1x128x128xf32, #tpu.memory_space<vmem>>
    %dma_wait3A_583 = tpu.memref_squeeze %dma_wait3A_582 : memref<1x128x128xf32, #tpu.memory_space<vmem>> -> memref<128x128xf32, #tpu.memory_space<vmem>>
    %dma_wait3A_584 = arith.constant 0 : i32
    %dma_wait3A_585 = tpu.memref_slice %arg5[%dma_wait3A_584] : memref<25600xi32, #tpu.memory_space<vmem>> -> memref<128xi32, #tpu.memory_space<vmem>>
    %dma_wait3A_586 = arith.constant 0 : i32
    %dma_wait3A_587 = arith.constant 0 : i32
    %dma_wait3A_588 = tpu.memref_slice %arg3[%dma_wait3A_586, %dma_wait3A_587] : memref<100000x128xf32, #tpu.memory_space<hbm>> -> memref<100000x128xf32, #tpu.memory_space<hbm>>
    tpu.wait_indirect_dma semaphore(%arg12 : memref<!tpu.dma_semaphore, #tpu.memory_space<semaphore_mem>>) src(%dma_wait3A_588 : memref<100000x128xf32, #tpu.memory_space<hbm>>) dst(%dma_wait3A_583 : memref<128x128xf32, #tpu.memory_space<vmem>>)
    %scan3A_589 = arith.constant 0 : i32
    %scan3A_590 = arith.constant 128 : i32
    %scan3A_591 = arith.addi %scan3A_589, %scan3A_590 : i32
    %scan3A_592 = arith.constant 1 : i32
    scf.for %scan3A_747 = %scan3A_589 to %scan3A_591 step %scan3A_592  : i32 {
      %mul3A_748 = arith.constant 1 : i32
      %mul3A_749 = arith.muli %scan3A_747, %mul3A_748 : i32
      %add3A_750 = arith.constant 0 : i32
      %add3A_751 = arith.addi %add3A_750, %mul3A_749 : i32
      %get3A = arith.constant 5 : i32
      %get3A_752 = arith.index_cast %get3A : i32 to index
      %get3A_753 = arith.index_cast %add3A_751 : i32 to index
      %get3A_754 = arith.constant 0 : index
      %get3A_755 = tpu.vector_load %arg6[%get3A_752, %get3A_753, %get3A_754] {strides = array<i32>} : memref<6x128x128xf32, #tpu.memory_space<vmem>>, vector<1x1x16xf32>,
      %get3A_756 = vector.shape_cast %get3A_755 : vector<1x1x16xf32> to vector<16xf32>
      %mul3A_757 = arith.constant 11.3137083 : f32
      %mul3A_758 = vector.broadcast %mul3A_757 : f32 to vector<16xf32>
      %mul3A_759 = arith.mulf %get3A_756, %mul3A_758 : vector<16xf32>
      %swap3A = arith.constant 5 : i32
      %swap3A_760 = arith.index_cast %swap3A : i32 to index
      %swap3A_761 = arith.index_cast %add3A_751 : i32 to index
      %swap3A_762 = arith.constant 0 : index
      %swap3A_763 = tpu.vector_load %arg6[%swap3A_760, %swap3A_761, %swap3A_762] {strides = array<i32>} : memref<6x128x128xf32, #tpu.memory_space<vmem>>, vector<1x1x16xf32>,
      %swap3A_764 = vector.shape_cast %swap3A_763 : vector<1x1x16xf32> to vector<16xf32>
      %swap3A_765 = vector.shape_cast %mul3A_759 : vector<16xf32> to vector<1x1x16xf32>
      tpu.vector_store %arg6[%swap3A_760, %swap3A_761, %swap3A_762], %swap3A_765 {strides = array<i32>} : memref<6x128x128xf32, #tpu.memory_space<vmem>>, vector<1x1x16xf32>,
      %get3A_766 = arith.constant 5 : i32
      %get3A_767 = arith.index_cast %get3A_766 : i32 to index
      %get3A_768 = arith.index_cast %add3A_751 : i32 to index
      %get3A_769 = arith.constant 16 : index
      %get3A_770 = tpu.vector_load %arg6[%get3A_767, %get3A_768, %get3A_769] {strides = array<i32>} : memref<6x128x128xf32, #tpu.memory_space<vmem>>, vector<1x1x16xf32>,
      %get3A_771 = vector.shape_cast %get3A_770 : vector<1x1x16xf32> to vector<16xf32>
      %mul3A_772 = arith.constant 11.3137083 : f32
      %mul3A_773 = vector.broadcast %mul3A_772 : f32 to vector<16xf32>
      %mul3A_774 = arith.mulf %get3A_771, %mul3A_773 : vector<16xf32>
      %swap3A_775 = arith.constant 5 : i32
      %swap3A_776 = arith.index_cast %swap3A_775 : i32 to index
      %swap3A_777 = arith.index_cast %add3A_751 : i32 to index
      %swap3A_778 = arith.constant 16 : index
      %swap3A_779 = tpu.vector_load %arg6[%swap3A_776, %swap3A_777, %swap3A_778] {strides = array<i32>} : memref<6x128x128xf32, #tpu.memory_space<vmem>>, vector<1x1x16xf32>,
      %swap3A_780 = vector.shape_cast %swap3A_779 : vector<1x1x16xf32> to vector<16xf32>
      %swap3A_781 = vector.shape_cast %mul3A_774 : vector<16xf32> to vector<1x1x16xf32>
      tpu.vector_store %arg6[%swap3A_776, %swap3A_777, %swap3A_778], %swap3A_781 {strides = array<i32>} : memref<6x128x128xf32, #tpu.memory_space<vmem>>, vector<1x1x16xf32>,
      %get3A_782 = arith.constant 5 : i32
      %get3A_783 = arith.index_cast %get3A_782 : i32 to index
      %get3A_784 = arith.index_cast %add3A_751 : i32 to index
      %get3A_785 = arith.constant 32 : index
      %get3A_786 = tpu.vector_load %arg6[%get3A_783, %get3A_784, %get3A_785] {strides = array<i32>} : memref<6x128x128xf32, #tpu.memory_space<vmem>>, vector<1x1x16xf32>,
      %get3A_787 = vector.shape_cast %get3A_786 : vector<1x1x16xf32> to vector<16xf32>
      %mul3A_788 = arith.constant 11.3137083 : f32
      %mul3A_789 = vector.broadcast %mul3A_788 : f32 to vector<16xf32>
      %mul3A_790 = arith.mulf %get3A_787, %mul3A_789 : vector<16xf32>
      %swap3A_791 = arith.constant 5 : i32
      %swap3A_792 = arith.index_cast %swap3A_791 : i32 to index
      %swap3A_793 = arith.index_cast %add3A_751 : i32 to index
      %swap3A_794 = arith.constant 32 : index
      %swap3A_795 = tpu.vector_load %arg6[%swap3A_792, %swap3A_793, %swap3A_794] {strides = array<i32>} : memref<6x128x128xf32, #tpu.memory_space<vmem>>, vector<1x1x16xf32>,
      %swap3A_796 = vector.shape_cast %swap3A_795 : vector<1x1x16xf32> to vector<16xf32>
      %swap3A_797 = vector.shape_cast %mul3A_790 : vector<16xf32> to vector<1x1x16xf32>
      tpu.vector_store %arg6[%swap3A_792, %swap3A_793, %swap3A_794], %swap3A_797 {strides = array<i32>} : memref<6x128x128xf32, #tpu.memory_space<vmem>>, vector<1x1x16xf32>,
      %get3A_798 = arith.constant 5 : i32
      %get3A_799 = arith.index_cast %get3A_798 : i32 to index
      %get3A_800 = arith.index_cast %add3A_751 : i32 to index
      %get3A_801 = arith.constant 48 : index
      %get3A_802 = tpu.vector_load %arg6[%get3A_799, %get3A_800, %get3A_801] {strides = array<i32>} : memref<6x128x128xf32, #tpu.memory_space<vmem>>, vector<1x1x16xf32>,
      %get3A_803 = vector.shape_cast %get3A_802 : vector<1x1x16xf32> to vector<16xf32>
      %mul3A_804 = arith.constant 11.3137083 : f32
      %mul3A_805 = vector.broadcast %mul3A_804 : f32 to vector<16xf32>
      %mul3A_806 = arith.mulf %get3A_803, %mul3A_805 : vector<16xf32>
      %swap3A_807 = arith.constant 5 : i32
      %swap3A_808 = arith.index_cast %swap3A_807 : i32 to index
      %swap3A_809 = arith.index_cast %add3A_751 : i32 to index
      %swap3A_810 = arith.constant 48 : index
      %swap3A_811 = tpu.vector_load %arg6[%swap3A_808, %swap3A_809, %swap3A_810] {strides = array<i32>} : memref<6x128x128xf32, #tpu.memory_space<vmem>>, vector<1x1x16xf32>,
      %swap3A_812 = vector.shape_cast %swap3A_811 : vector<1x1x16xf32> to vector<16xf32>
      %swap3A_813 = vector.shape_cast %mul3A_806 : vector<16xf32> to vector<1x1x16xf32>
      tpu.vector_store %arg6[%swap3A_808, %swap3A_809, %swap3A_810], %swap3A_813 {strides = array<i32>} : memref<6x128x128xf32, #tpu.memory_space<vmem>>, vector<1x1x16xf32>,
      %get3A_814 = arith.constant 5 : i32
      %get3A_815 = arith.index_cast %get3A_814 : i32 to index
      %get3A_816 = arith.index_cast %add3A_751 : i32 to index
      %get3A_817 = arith.constant 64 : index
      %get3A_818 = tpu.vector_load %arg6[%get3A_815, %get3A_816, %get3A_817] {strides = array<i32>} : memref<6x128x128xf32, #tpu.memory_space<vmem>>, vector<1x1x16xf32>,
      %get3A_819 = vector.shape_cast %get3A_818 : vector<1x1x16xf32> to vector<16xf32>
      %mul3A_820 = arith.constant 11.3137083 : f32
      %mul3A_821 = vector.broadcast %mul3A_820 : f32 to vector<16xf32>
      %mul3A_822 = arith.mulf %get3A_819, %mul3A_821 : vector<16xf32>
      %swap3A_823 = arith.constant 5 : i32
      %swap3A_824 = arith.index_cast %swap3A_823 : i32 to index
      %swap3A_825 = arith.index_cast %add3A_751 : i32 to index
      %swap3A_826 = arith.constant 64 : index
      %swap3A_827 = tpu.vector_load %arg6[%swap3A_824, %swap3A_825, %swap3A_826] {strides = array<i32>} : memref<6x128x128xf32, #tpu.memory_space<vmem>>, vector<1x1x16xf32>,
      %swap3A_828 = vector.shape_cast %swap3A_827 : vector<1x1x16xf32> to vector<16xf32>
      %swap3A_829 = vector.shape_cast %mul3A_822 : vector<16xf32> to vector<1x1x16xf32>
      tpu.vector_store %arg6[%swap3A_824, %swap3A_825, %swap3A_826], %swap3A_829 {strides = array<i32>} : memref<6x128x128xf32, #tpu.memory_space<vmem>>, vector<1x1x16xf32>,
      %get3A_830 = arith.constant 5 : i32
      %get3A_831 = arith.index_cast %get3A_830 : i32 to index
      %get3A_832 = arith.index_cast %add3A_751 : i32 to index
      %get3A_833 = arith.constant 80 : index
      %get3A_834 = tpu.vector_load %arg6[%get3A_831, %get3A_832, %get3A_833] {strides = array<i32>} : memref<6x128x128xf32, #tpu.memory_space<vmem>>, vector<1x1x16xf32>,
      %get3A_835 = vector.shape_cast %get3A_834 : vector<1x1x16xf32> to vector<16xf32>
      %mul3A_836 = arith.constant 11.3137083 : f32
      %mul3A_837 = vector.broadcast %mul3A_836 : f32 to vector<16xf32>
      %mul3A_838 = arith.mulf %get3A_835, %mul3A_837 : vector<16xf32>
      %swap3A_839 = arith.constant 5 : i32
      %swap3A_840 = arith.index_cast %swap3A_839 : i32 to index
      %swap3A_841 = arith.index_cast %add3A_751 : i32 to index
      %swap3A_842 = arith.constant 80 : index
      %swap3A_843 = tpu.vector_load %arg6[%swap3A_840, %swap3A_841, %swap3A_842] {strides = array<i32>} : memref<6x128x128xf32, #tpu.memory_space<vmem>>, vector<1x1x16xf32>,
      %swap3A_844 = vector.shape_cast %swap3A_843 : vector<1x1x16xf32> to vector<16xf32>
      %swap3A_845 = vector.shape_cast %mul3A_838 : vector<16xf32> to vector<1x1x16xf32>
      tpu.vector_store %arg6[%swap3A_840, %swap3A_841, %swap3A_842], %swap3A_845 {strides = array<i32>} : memref<6x128x128xf32, #tpu.memory_space<vmem>>, vector<1x1x16xf32>,
      %get3A_846 = arith.constant 5 : i32
      %get3A_847 = arith.index_cast %get3A_846 : i32 to index
      %get3A_848 = arith.index_cast %add3A_751 : i32 to index
      %get3A_849 = arith.constant 96 : index
      %get3A_850 = tpu.vector_load %arg6[%get3A_847, %get3A_848, %get3A_849] {strides = array<i32>} : memref<6x128x128xf32, #tpu.memory_space<vmem>>, vector<1x1x16xf32>,
      %get3A_851 = vector.shape_cast %get3A_850 : vector<1x1x16xf32> to vector<16xf32>
      %mul3A_852 = arith.constant 11.3137083 : f32
      %mul3A_853 = vector.broadcast %mul3A_852 : f32 to vector<16xf32>
      %mul3A_854 = arith.mulf %get3A_851, %mul3A_853 : vector<16xf32>
      %swap3A_855 = arith.constant 5 : i32
      %swap3A_856 = arith.index_cast %swap3A_855 : i32 to index
      %swap3A_857 = arith.index_cast %add3A_751 : i32 to index
      %swap3A_858 = arith.constant 96 : index
      %swap3A_859 = tpu.vector_load %arg6[%swap3A_856, %swap3A_857, %swap3A_858] {strides = array<i32>} : memref<6x128x128xf32, #tpu.memory_space<vmem>>, vector<1x1x16xf32>,
      %swap3A_860 = vector.shape_cast %swap3A_859 : vector<1x1x16xf32> to vector<16xf32>
      %swap3A_861 = vector.shape_cast %mul3A_854 : vector<16xf32> to vector<1x1x16xf32>
      tpu.vector_store %arg6[%swap3A_856, %swap3A_857, %swap3A_858], %swap3A_861 {strides = array<i32>} : memref<6x128x128xf32, #tpu.memory_space<vmem>>, vector<1x1x16xf32>,
      %get3A_862 = arith.constant 5 : i32
      %get3A_863 = arith.index_cast %get3A_862 : i32 to index
      %get3A_864 = arith.index_cast %add3A_751 : i32 to index
      %get3A_865 = arith.constant 112 : index
      %get3A_866 = tpu.vector_load %arg6[%get3A_863, %get3A_864, %get3A_865] {strides = array<i32>} : memref<6x128x128xf32, #tpu.memory_space<vmem>>, vector<1x1x16xf32>,
      %get3A_867 = vector.shape_cast %get3A_866 : vector<1x1x16xf32> to vector<16xf32>
      %mul3A_868 = arith.constant 11.3137083 : f32
      %mul3A_869 = vector.broadcast %mul3A_868 : f32 to vector<16xf32>
      %mul3A_870 = arith.mulf %get3A_867, %mul3A_869 : vector<16xf32>
      %swap3A_871 = arith.constant 5 : i32
      %swap3A_872 = arith.index_cast %swap3A_871 : i32 to index
      %swap3A_873 = arith.index_cast %add3A_751 : i32 to index
      %swap3A_874 = arith.constant 112 : index
      %swap3A_875 = tpu.vector_load %arg6[%swap3A_872, %swap3A_873, %swap3A_874] {strides = array<i32>} : memref<6x128x128xf32, #tpu.memory_space<vmem>>, vector<1x1x16xf32>,
      %swap3A_876 = vector.shape_cast %swap3A_875 : vector<1x1x16xf32> to vector<16xf32>
      %swap3A_877 = vector.shape_cast %mul3A_870 : vector<16xf32> to vector<1x1x16xf32>
      tpu.vector_store %arg6[%swap3A_872, %swap3A_873, %swap3A_874], %swap3A_877 {strides = array<i32>} : memref<6x128x128xf32, #tpu.memory_space<vmem>>, vector<1x1x16xf32>,
    }
    %scan3A_593 = arith.constant 128 : i32
    %add3A_594 = arith.constant 25216 : i32
    %add3A_595 = arith.addi %mul3A_2, %add3A_594 : i32
    %dma_start3A_596 = arith.constant 5 : i32
    %dma_start3A_597 = arith.constant 0 : i32
    %dma_start3A_598 = arith.constant 0 : i32
    %dma_start3A_599 = tpu.memref_slice %arg6[%dma_start3A_596, %dma_start3A_597, %dma_start3A_598] : memref<6x128x128xf32, #tpu.memory_space<vmem>> -> memref<1x128x128xf32, #tpu.memory_space<vmem>>
    %dma_start3A_600 = tpu.memref_squeeze %dma_start3A_599 : memref<1x128x128xf32, #tpu.memory_space<vmem>> -> memref<128x128xf32, #tpu.memory_space<vmem>>
    %dma_start3A_601 = arith.constant 0 : i32
    %dma_start3A_602 = tpu.memref_slice %arg4[%add3A_595, %dma_start3A_601] : memref<819200x128xf32, #tpu.memory_space<hbm>> -> memref<128x128xf32, #tpu.memory_space<hbm>>
    %dma_start3A_603 = arith.constant 0 : i32
    %dma_start3A_604 = tpu.memref_slice %arg4[%add3A_595, %dma_start3A_603] : memref<819200x128xf32, #tpu.memory_space<hbm>> -> memref<128x128xf32, #tpu.memory_space<hbm>>
    %dma_start3A_605 = arith.constant 0 : i32
    %dma_start3A_606 = arith.constant 0 : i32
    %dma_start3A_607 = tpu.memref_slice %arg6[%dma_start3A_596, %dma_start3A_605, %dma_start3A_606] : memref<6x128x128xf32, #tpu.memory_space<vmem>> -> memref<1x128x128xf32, #tpu.memory_space<vmem>>
    %dma_start3A_608 = tpu.memref_squeeze %dma_start3A_607 : memref<1x128x128xf32, #tpu.memory_space<vmem>> -> memref<128x128xf32, #tpu.memory_space<vmem>>
    tpu.enqueue_dma source(%dma_start3A_608 : memref<128x128xf32, #tpu.memory_space<vmem>>) target(%dma_start3A_604 : memref<128x128xf32, #tpu.memory_space<hbm>>) target_semaphore(%arg18 : memref<!tpu.dma_semaphore, #tpu.memory_space<semaphore_mem>>)
    %dma_wait3A_609 = arith.constant 0 : i32
    %dma_wait3A_610 = arith.constant 0 : i32
    %dma_wait3A_611 = arith.constant 0 : i32
    %dma_wait3A_612 = tpu.memref_slice %arg6[%dma_wait3A_609, %dma_wait3A_610, %dma_wait3A_611] : memref<6x128x128xf32, #tpu.memory_space<vmem>> -> memref<1x128x128xf32, #tpu.memory_space<vmem>>
    %dma_wait3A_613 = tpu.memref_squeeze %dma_wait3A_612 : memref<1x128x128xf32, #tpu.memory_space<vmem>> -> memref<128x128xf32, #tpu.memory_space<vmem>>
    %dma_wait3A_614 = arith.constant 0 : i32
    %dma_wait3A_615 = tpu.memref_slice %arg5[%dma_wait3A_614] : memref<25600xi32, #tpu.memory_space<vmem>> -> memref<128xi32, #tpu.memory_space<vmem>>
    %dma_wait3A_616 = arith.constant 0 : i32
    %dma_wait3A_617 = arith.constant 0 : i32
    %dma_wait3A_618 = tpu.memref_slice %arg3[%dma_wait3A_616, %dma_wait3A_617] : memref<100000x128xf32, #tpu.memory_space<hbm>> -> memref<100000x128xf32, #tpu.memory_space<hbm>>
    tpu.wait_indirect_dma semaphore(%arg7 : memref<!tpu.dma_semaphore, #tpu.memory_space<semaphore_mem>>) src(%dma_wait3A_618 : memref<100000x128xf32, #tpu.memory_space<hbm>>) dst(%dma_wait3A_613 : memref<128x128xf32, #tpu.memory_space<vmem>>)
    %scan3A_619 = arith.constant 0 : i32
    %scan3A_620 = arith.constant 128 : i32
    %scan3A_621 = arith.addi %scan3A_619, %scan3A_620 : i32
    %scan3A_622 = arith.constant 1 : i32
    scf.for %scan3A_747 = %scan3A_619 to %scan3A_621 step %scan3A_622  : i32 {
      %mul3A_748 = arith.constant 1 : i32
      %mul3A_749 = arith.muli %scan3A_747, %mul3A_748 : i32
      %add3A_750 = arith.constant 0 : i32
      %add3A_751 = arith.addi %add3A_750, %mul3A_749 : i32
      %get3A = arith.constant 0 : i32
      %get3A_752 = arith.index_cast %get3A : i32 to index
      %get3A_753 = arith.index_cast %add3A_751 : i32 to index
      %get3A_754 = arith.constant 0 : index
      %get3A_755 = tpu.vector_load %arg6[%get3A_752, %get3A_753, %get3A_754] {strides = array<i32>} : memref<6x128x128xf32, #tpu.memory_space<vmem>>, vector<1x1x16xf32>,
      %get3A_756 = vector.shape_cast %get3A_755 : vector<1x1x16xf32> to vector<16xf32>
      %mul3A_757 = arith.constant 11.3137083 : f32
      %mul3A_758 = vector.broadcast %mul3A_757 : f32 to vector<16xf32>
      %mul3A_759 = arith.mulf %get3A_756, %mul3A_758 : vector<16xf32>
      %swap3A = arith.constant 0 : i32
      %swap3A_760 = arith.index_cast %swap3A : i32 to index
      %swap3A_761 = arith.index_cast %add3A_751 : i32 to index
      %swap3A_762 = arith.constant 0 : index
      %swap3A_763 = tpu.vector_load %arg6[%swap3A_760, %swap3A_761, %swap3A_762] {strides = array<i32>} : memref<6x128x128xf32, #tpu.memory_space<vmem>>, vector<1x1x16xf32>,
      %swap3A_764 = vector.shape_cast %swap3A_763 : vector<1x1x16xf32> to vector<16xf32>
      %swap3A_765 = vector.shape_cast %mul3A_759 : vector<16xf32> to vector<1x1x16xf32>
      tpu.vector_store %arg6[%swap3A_760, %swap3A_761, %swap3A_762], %swap3A_765 {strides = array<i32>} : memref<6x128x128xf32, #tpu.memory_space<vmem>>, vector<1x1x16xf32>,
      %get3A_766 = arith.constant 0 : i32
      %get3A_767 = arith.index_cast %get3A_766 : i32 to index
      %get3A_768 = arith.index_cast %add3A_751 : i32 to index
      %get3A_769 = arith.constant 16 : index
      %get3A_770 = tpu.vector_load %arg6[%get3A_767, %get3A_768, %get3A_769] {strides = array<i32>} : memref<6x128x128xf32, #tpu.memory_space<vmem>>, vector<1x1x16xf32>,
      %get3A_771 = vector.shape_cast %get3A_770 : vector<1x1x16xf32> to vector<16xf32>
      %mul3A_772 = arith.constant 11.3137083 : f32
      %mul3A_773 = vector.broadcast %mul3A_772 : f32 to vector<16xf32>
      %mul3A_774 = arith.mulf %get3A_771, %mul3A_773 : vector<16xf32>
      %swap3A_775 = arith.constant 0 : i32
      %swap3A_776 = arith.index_cast %swap3A_775 : i32 to index
      %swap3A_777 = arith.index_cast %add3A_751 : i32 to index
      %swap3A_778 = arith.constant 16 : index
      %swap3A_779 = tpu.vector_load %arg6[%swap3A_776, %swap3A_777, %swap3A_778] {strides = array<i32>} : memref<6x128x128xf32, #tpu.memory_space<vmem>>, vector<1x1x16xf32>,
      %swap3A_780 = vector.shape_cast %swap3A_779 : vector<1x1x16xf32> to vector<16xf32>
      %swap3A_781 = vector.shape_cast %mul3A_774 : vector<16xf32> to vector<1x1x16xf32>
      tpu.vector_store %arg6[%swap3A_776, %swap3A_777, %swap3A_778], %swap3A_781 {strides = array<i32>} : memref<6x128x128xf32, #tpu.memory_space<vmem>>, vector<1x1x16xf32>,
      %get3A_782 = arith.constant 0 : i32
      %get3A_783 = arith.index_cast %get3A_782 : i32 to index
      %get3A_784 = arith.index_cast %add3A_751 : i32 to index
      %get3A_785 = arith.constant 32 : index
      %get3A_786 = tpu.vector_load %arg6[%get3A_783, %get3A_784, %get3A_785] {strides = array<i32>} : memref<6x128x128xf32, #tpu.memory_space<vmem>>, vector<1x1x16xf32>,
      %get3A_787 = vector.shape_cast %get3A_786 : vector<1x1x16xf32> to vector<16xf32>
      %mul3A_788 = arith.constant 11.3137083 : f32
      %mul3A_789 = vector.broadcast %mul3A_788 : f32 to vector<16xf32>
      %mul3A_790 = arith.mulf %get3A_787, %mul3A_789 : vector<16xf32>
      %swap3A_791 = arith.constant 0 : i32
      %swap3A_792 = arith.index_cast %swap3A_791 : i32 to index
      %swap3A_793 = arith.index_cast %add3A_751 : i32 to index
      %swap3A_794 = arith.constant 32 : index
      %swap3A_795 = tpu.vector_load %arg6[%swap3A_792, %swap3A_793, %swap3A_794] {strides = array<i32>} : memref<6x128x128xf32, #tpu.memory_space<vmem>>, vector<1x1x16xf32>,
      %swap3A_796 = vector.shape_cast %swap3A_795 : vector<1x1x16xf32> to vector<16xf32>
      %swap3A_797 = vector.shape_cast %mul3A_790 : vector<16xf32> to vector<1x1x16xf32>
      tpu.vector_store %arg6[%swap3A_792, %swap3A_793, %swap3A_794], %swap3A_797 {strides = array<i32>} : memref<6x128x128xf32, #tpu.memory_space<vmem>>, vector<1x1x16xf32>,
      %get3A_798 = arith.constant 0 : i32
      %get3A_799 = arith.index_cast %get3A_798 : i32 to index
      %get3A_800 = arith.index_cast %add3A_751 : i32 to index
      %get3A_801 = arith.constant 48 : index
      %get3A_802 = tpu.vector_load %arg6[%get3A_799, %get3A_800, %get3A_801] {strides = array<i32>} : memref<6x128x128xf32, #tpu.memory_space<vmem>>, vector<1x1x16xf32>,
      %get3A_803 = vector.shape_cast %get3A_802 : vector<1x1x16xf32> to vector<16xf32>
      %mul3A_804 = arith.constant 11.3137083 : f32
      %mul3A_805 = vector.broadcast %mul3A_804 : f32 to vector<16xf32>
      %mul3A_806 = arith.mulf %get3A_803, %mul3A_805 : vector<16xf32>
      %swap3A_807 = arith.constant 0 : i32
      %swap3A_808 = arith.index_cast %swap3A_807 : i32 to index
      %swap3A_809 = arith.index_cast %add3A_751 : i32 to index
      %swap3A_810 = arith.constant 48 : index
      %swap3A_811 = tpu.vector_load %arg6[%swap3A_808, %swap3A_809, %swap3A_810] {strides = array<i32>} : memref<6x128x128xf32, #tpu.memory_space<vmem>>, vector<1x1x16xf32>,
      %swap3A_812 = vector.shape_cast %swap3A_811 : vector<1x1x16xf32> to vector<16xf32>
      %swap3A_813 = vector.shape_cast %mul3A_806 : vector<16xf32> to vector<1x1x16xf32>
      tpu.vector_store %arg6[%swap3A_808, %swap3A_809, %swap3A_810], %swap3A_813 {strides = array<i32>} : memref<6x128x128xf32, #tpu.memory_space<vmem>>, vector<1x1x16xf32>,
      %get3A_814 = arith.constant 0 : i32
      %get3A_815 = arith.index_cast %get3A_814 : i32 to index
      %get3A_816 = arith.index_cast %add3A_751 : i32 to index
      %get3A_817 = arith.constant 64 : index
      %get3A_818 = tpu.vector_load %arg6[%get3A_815, %get3A_816, %get3A_817] {strides = array<i32>} : memref<6x128x128xf32, #tpu.memory_space<vmem>>, vector<1x1x16xf32>,
      %get3A_819 = vector.shape_cast %get3A_818 : vector<1x1x16xf32> to vector<16xf32>
      %mul3A_820 = arith.constant 11.3137083 : f32
      %mul3A_821 = vector.broadcast %mul3A_820 : f32 to vector<16xf32>
      %mul3A_822 = arith.mulf %get3A_819, %mul3A_821 : vector<16xf32>
      %swap3A_823 = arith.constant 0 : i32
      %swap3A_824 = arith.index_cast %swap3A_823 : i32 to index
      %swap3A_825 = arith.index_cast %add3A_751 : i32 to index
      %swap3A_826 = arith.constant 64 : index
      %swap3A_827 = tpu.vector_load %arg6[%swap3A_824, %swap3A_825, %swap3A_826] {strides = array<i32>} : memref<6x128x128xf32, #tpu.memory_space<vmem>>, vector<1x1x16xf32>,
      %swap3A_828 = vector.shape_cast %swap3A_827 : vector<1x1x16xf32> to vector<16xf32>
      %swap3A_829 = vector.shape_cast %mul3A_822 : vector<16xf32> to vector<1x1x16xf32>
      tpu.vector_store %arg6[%swap3A_824, %swap3A_825, %swap3A_826], %swap3A_829 {strides = array<i32>} : memref<6x128x128xf32, #tpu.memory_space<vmem>>, vector<1x1x16xf32>,
      %get3A_830 = arith.constant 0 : i32
      %get3A_831 = arith.index_cast %get3A_830 : i32 to index
      %get3A_832 = arith.index_cast %add3A_751 : i32 to index
      %get3A_833 = arith.constant 80 : index
      %get3A_834 = tpu.vector_load %arg6[%get3A_831, %get3A_832, %get3A_833] {strides = array<i32>} : memref<6x128x128xf32, #tpu.memory_space<vmem>>, vector<1x1x16xf32>,
      %get3A_835 = vector.shape_cast %get3A_834 : vector<1x1x16xf32> to vector<16xf32>
      %mul3A_836 = arith.constant 11.3137083 : f32
      %mul3A_837 = vector.broadcast %mul3A_836 : f32 to vector<16xf32>
      %mul3A_838 = arith.mulf %get3A_835, %mul3A_837 : vector<16xf32>
      %swap3A_839 = arith.constant 0 : i32
      %swap3A_840 = arith.index_cast %swap3A_839 : i32 to index
      %swap3A_841 = arith.index_cast %add3A_751 : i32 to index
      %swap3A_842 = arith.constant 80 : index
      %swap3A_843 = tpu.vector_load %arg6[%swap3A_840, %swap3A_841, %swap3A_842] {strides = array<i32>} : memref<6x128x128xf32, #tpu.memory_space<vmem>>, vector<1x1x16xf32>,
      %swap3A_844 = vector.shape_cast %swap3A_843 : vector<1x1x16xf32> to vector<16xf32>
      %swap3A_845 = vector.shape_cast %mul3A_838 : vector<16xf32> to vector<1x1x16xf32>
      tpu.vector_store %arg6[%swap3A_840, %swap3A_841, %swap3A_842], %swap3A_845 {strides = array<i32>} : memref<6x128x128xf32, #tpu.memory_space<vmem>>, vector<1x1x16xf32>,
      %get3A_846 = arith.constant 0 : i32
      %get3A_847 = arith.index_cast %get3A_846 : i32 to index
      %get3A_848 = arith.index_cast %add3A_751 : i32 to index
      %get3A_849 = arith.constant 96 : index
      %get3A_850 = tpu.vector_load %arg6[%get3A_847, %get3A_848, %get3A_849] {strides = array<i32>} : memref<6x128x128xf32, #tpu.memory_space<vmem>>, vector<1x1x16xf32>,
      %get3A_851 = vector.shape_cast %get3A_850 : vector<1x1x16xf32> to vector<16xf32>
      %mul3A_852 = arith.constant 11.3137083 : f32
      %mul3A_853 = vector.broadcast %mul3A_852 : f32 to vector<16xf32>
      %mul3A_854 = arith.mulf %get3A_851, %mul3A_853 : vector<16xf32>
      %swap3A_855 = arith.constant 0 : i32
      %swap3A_856 = arith.index_cast %swap3A_855 : i32 to index
      %swap3A_857 = arith.index_cast %add3A_751 : i32 to index
      %swap3A_858 = arith.constant 96 : index
      %swap3A_859 = tpu.vector_load %arg6[%swap3A_856, %swap3A_857, %swap3A_858] {strides = array<i32>} : memref<6x128x128xf32, #tpu.memory_space<vmem>>, vector<1x1x16xf32>,
      %swap3A_860 = vector.shape_cast %swap3A_859 : vector<1x1x16xf32> to vector<16xf32>
      %swap3A_861 = vector.shape_cast %mul3A_854 : vector<16xf32> to vector<1x1x16xf32>
      tpu.vector_store %arg6[%swap3A_856, %swap3A_857, %swap3A_858], %swap3A_861 {strides = array<i32>} : memref<6x128x128xf32, #tpu.memory_space<vmem>>, vector<1x1x16xf32>,
      %get3A_862 = arith.constant 0 : i32
      %get3A_863 = arith.index_cast %get3A_862 : i32 to index
      %get3A_864 = arith.index_cast %add3A_751 : i32 to index
      %get3A_865 = arith.constant 112 : index
      %get3A_866 = tpu.vector_load %arg6[%get3A_863, %get3A_864, %get3A_865] {strides = array<i32>} : memref<6x128x128xf32, #tpu.memory_space<vmem>>, vector<1x1x16xf32>,
      %get3A_867 = vector.shape_cast %get3A_866 : vector<1x1x16xf32> to vector<16xf32>
      %mul3A_868 = arith.constant 11.3137083 : f32
      %mul3A_869 = vector.broadcast %mul3A_868 : f32 to vector<16xf32>
      %mul3A_870 = arith.mulf %get3A_867, %mul3A_869 : vector<16xf32>
      %swap3A_871 = arith.constant 0 : i32
      %swap3A_872 = arith.index_cast %swap3A_871 : i32 to index
      %swap3A_873 = arith.index_cast %add3A_751 : i32 to index
      %swap3A_874 = arith.constant 112 : index
      %swap3A_875 = tpu.vector_load %arg6[%swap3A_872, %swap3A_873, %swap3A_874] {strides = array<i32>} : memref<6x128x128xf32, #tpu.memory_space<vmem>>, vector<1x1x16xf32>,
      %swap3A_876 = vector.shape_cast %swap3A_875 : vector<1x1x16xf32> to vector<16xf32>
      %swap3A_877 = vector.shape_cast %mul3A_870 : vector<16xf32> to vector<1x1x16xf32>
      tpu.vector_store %arg6[%swap3A_872, %swap3A_873, %swap3A_874], %swap3A_877 {strides = array<i32>} : memref<6x128x128xf32, #tpu.memory_space<vmem>>, vector<1x1x16xf32>,
    }
    %scan3A_623 = arith.constant 128 : i32
    %add3A_624 = arith.constant 25344 : i32
    %add3A_625 = arith.addi %mul3A_2, %add3A_624 : i32
    %dma_start3A_626 = arith.constant 0 : i32
    %dma_start3A_627 = arith.constant 0 : i32
    %dma_start3A_628 = arith.constant 0 : i32
    %dma_start3A_629 = tpu.memref_slice %arg6[%dma_start3A_626, %dma_start3A_627, %dma_start3A_628] : memref<6x128x128xf32, #tpu.memory_space<vmem>> -> memref<1x128x128xf32, #tpu.memory_space<vmem>>
    %dma_start3A_630 = tpu.memref_squeeze %dma_start3A_629 : memref<1x128x128xf32, #tpu.memory_space<vmem>> -> memref<128x128xf32, #tpu.memory_space<vmem>>
    %dma_start3A_631 = arith.constant 0 : i32
    %dma_start3A_632 = tpu.memref_slice %arg4[%add3A_625, %dma_start3A_631] : memref<819200x128xf32, #tpu.memory_space<hbm>> -> memref<128x128xf32, #tpu.memory_space<hbm>>
    %dma_start3A_633 = arith.constant 0 : i32
    %dma_start3A_634 = tpu.memref_slice %arg4[%add3A_625, %dma_start3A_633] : memref<819200x128xf32, #tpu.memory_space<hbm>> -> memref<128x128xf32, #tpu.memory_space<hbm>>
    %dma_start3A_635 = arith.constant 0 : i32
    %dma_start3A_636 = arith.constant 0 : i32
    %dma_start3A_637 = tpu.memref_slice %arg6[%dma_start3A_626, %dma_start3A_635, %dma_start3A_636] : memref<6x128x128xf32, #tpu.memory_space<vmem>> -> memref<1x128x128xf32, #tpu.memory_space<vmem>>
    %dma_start3A_638 = tpu.memref_squeeze %dma_start3A_637 : memref<1x128x128xf32, #tpu.memory_space<vmem>> -> memref<128x128xf32, #tpu.memory_space<vmem>>
    tpu.enqueue_dma source(%dma_start3A_638 : memref<128x128xf32, #tpu.memory_space<vmem>>) target(%dma_start3A_634 : memref<128x128xf32, #tpu.memory_space<hbm>>) target_semaphore(%arg13 : memref<!tpu.dma_semaphore, #tpu.memory_space<semaphore_mem>>)
    %dma_wait3A_639 = arith.constant 1 : i32
    %dma_wait3A_640 = arith.constant 0 : i32
    %dma_wait3A_641 = arith.constant 0 : i32
    %dma_wait3A_642 = tpu.memref_slice %arg6[%dma_wait3A_639, %dma_wait3A_640, %dma_wait3A_641] : memref<6x128x128xf32, #tpu.memory_space<vmem>> -> memref<1x128x128xf32, #tpu.memory_space<vmem>>
    %dma_wait3A_643 = tpu.memref_squeeze %dma_wait3A_642 : memref<1x128x128xf32, #tpu.memory_space<vmem>> -> memref<128x128xf32, #tpu.memory_space<vmem>>
    %dma_wait3A_644 = arith.constant 0 : i32
    %dma_wait3A_645 = tpu.memref_slice %arg5[%dma_wait3A_644] : memref<25600xi32, #tpu.memory_space<vmem>> -> memref<128xi32, #tpu.memory_space<vmem>>
    %dma_wait3A_646 = arith.constant 0 : i32
    %dma_wait3A_647 = arith.constant 0 : i32
    %dma_wait3A_648 = tpu.memref_slice %arg3[%dma_wait3A_646, %dma_wait3A_647] : memref<100000x128xf32, #tpu.memory_space<hbm>> -> memref<100000x128xf32, #tpu.memory_space<hbm>>
    tpu.wait_indirect_dma semaphore(%arg8 : memref<!tpu.dma_semaphore, #tpu.memory_space<semaphore_mem>>) src(%dma_wait3A_648 : memref<100000x128xf32, #tpu.memory_space<hbm>>) dst(%dma_wait3A_643 : memref<128x128xf32, #tpu.memory_space<vmem>>)
    %scan3A_649 = arith.constant 0 : i32
    %scan3A_650 = arith.constant 128 : i32
    %scan3A_651 = arith.addi %scan3A_649, %scan3A_650 : i32
    %scan3A_652 = arith.constant 1 : i32
    scf.for %scan3A_747 = %scan3A_649 to %scan3A_651 step %scan3A_652  : i32 {
      %mul3A_748 = arith.constant 1 : i32
      %mul3A_749 = arith.muli %scan3A_747, %mul3A_748 : i32
      %add3A_750 = arith.constant 0 : i32
      %add3A_751 = arith.addi %add3A_750, %mul3A_749 : i32
      %get3A = arith.constant 1 : i32
      %get3A_752 = arith.index_cast %get3A : i32 to index
      %get3A_753 = arith.index_cast %add3A_751 : i32 to index
      %get3A_754 = arith.constant 0 : index
      %get3A_755 = tpu.vector_load %arg6[%get3A_752, %get3A_753, %get3A_754] {strides = array<i32>} : memref<6x128x128xf32, #tpu.memory_space<vmem>>, vector<1x1x16xf32>,
      %get3A_756 = vector.shape_cast %get3A_755 : vector<1x1x16xf32> to vector<16xf32>
      %mul3A_757 = arith.constant 11.3137083 : f32
      %mul3A_758 = vector.broadcast %mul3A_757 : f32 to vector<16xf32>
      %mul3A_759 = arith.mulf %get3A_756, %mul3A_758 : vector<16xf32>
      %swap3A = arith.constant 1 : i32
      %swap3A_760 = arith.index_cast %swap3A : i32 to index
      %swap3A_761 = arith.index_cast %add3A_751 : i32 to index
      %swap3A_762 = arith.constant 0 : index
      %swap3A_763 = tpu.vector_load %arg6[%swap3A_760, %swap3A_761, %swap3A_762] {strides = array<i32>} : memref<6x128x128xf32, #tpu.memory_space<vmem>>, vector<1x1x16xf32>,
      %swap3A_764 = vector.shape_cast %swap3A_763 : vector<1x1x16xf32> to vector<16xf32>
      %swap3A_765 = vector.shape_cast %mul3A_759 : vector<16xf32> to vector<1x1x16xf32>
      tpu.vector_store %arg6[%swap3A_760, %swap3A_761, %swap3A_762], %swap3A_765 {strides = array<i32>} : memref<6x128x128xf32, #tpu.memory_space<vmem>>, vector<1x1x16xf32>,
      %get3A_766 = arith.constant 1 : i32
      %get3A_767 = arith.index_cast %get3A_766 : i32 to index
      %get3A_768 = arith.index_cast %add3A_751 : i32 to index
      %get3A_769 = arith.constant 16 : index
      %get3A_770 = tpu.vector_load %arg6[%get3A_767, %get3A_768, %get3A_769] {strides = array<i32>} : memref<6x128x128xf32, #tpu.memory_space<vmem>>, vector<1x1x16xf32>,
      %get3A_771 = vector.shape_cast %get3A_770 : vector<1x1x16xf32> to vector<16xf32>
      %mul3A_772 = arith.constant 11.3137083 : f32
      %mul3A_773 = vector.broadcast %mul3A_772 : f32 to vector<16xf32>
      %mul3A_774 = arith.mulf %get3A_771, %mul3A_773 : vector<16xf32>
      %swap3A_775 = arith.constant 1 : i32
      %swap3A_776 = arith.index_cast %swap3A_775 : i32 to index
      %swap3A_777 = arith.index_cast %add3A_751 : i32 to index
      %swap3A_778 = arith.constant 16 : index
      %swap3A_779 = tpu.vector_load %arg6[%swap3A_776, %swap3A_777, %swap3A_778] {strides = array<i32>} : memref<6x128x128xf32, #tpu.memory_space<vmem>>, vector<1x1x16xf32>,
      %swap3A_780 = vector.shape_cast %swap3A_779 : vector<1x1x16xf32> to vector<16xf32>
      %swap3A_781 = vector.shape_cast %mul3A_774 : vector<16xf32> to vector<1x1x16xf32>
      tpu.vector_store %arg6[%swap3A_776, %swap3A_777, %swap3A_778], %swap3A_781 {strides = array<i32>} : memref<6x128x128xf32, #tpu.memory_space<vmem>>, vector<1x1x16xf32>,
      %get3A_782 = arith.constant 1 : i32
      %get3A_783 = arith.index_cast %get3A_782 : i32 to index
      %get3A_784 = arith.index_cast %add3A_751 : i32 to index
      %get3A_785 = arith.constant 32 : index
      %get3A_786 = tpu.vector_load %arg6[%get3A_783, %get3A_784, %get3A_785] {strides = array<i32>} : memref<6x128x128xf32, #tpu.memory_space<vmem>>, vector<1x1x16xf32>,
      %get3A_787 = vector.shape_cast %get3A_786 : vector<1x1x16xf32> to vector<16xf32>
      %mul3A_788 = arith.constant 11.3137083 : f32
      %mul3A_789 = vector.broadcast %mul3A_788 : f32 to vector<16xf32>
      %mul3A_790 = arith.mulf %get3A_787, %mul3A_789 : vector<16xf32>
      %swap3A_791 = arith.constant 1 : i32
      %swap3A_792 = arith.index_cast %swap3A_791 : i32 to index
      %swap3A_793 = arith.index_cast %add3A_751 : i32 to index
      %swap3A_794 = arith.constant 32 : index
      %swap3A_795 = tpu.vector_load %arg6[%swap3A_792, %swap3A_793, %swap3A_794] {strides = array<i32>} : memref<6x128x128xf32, #tpu.memory_space<vmem>>, vector<1x1x16xf32>,
      %swap3A_796 = vector.shape_cast %swap3A_795 : vector<1x1x16xf32> to vector<16xf32>
      %swap3A_797 = vector.shape_cast %mul3A_790 : vector<16xf32> to vector<1x1x16xf32>
      tpu.vector_store %arg6[%swap3A_792, %swap3A_793, %swap3A_794], %swap3A_797 {strides = array<i32>} : memref<6x128x128xf32, #tpu.memory_space<vmem>>, vector<1x1x16xf32>,
      %get3A_798 = arith.constant 1 : i32
      %get3A_799 = arith.index_cast %get3A_798 : i32 to index
      %get3A_800 = arith.index_cast %add3A_751 : i32 to index
      %get3A_801 = arith.constant 48 : index
      %get3A_802 = tpu.vector_load %arg6[%get3A_799, %get3A_800, %get3A_801] {strides = array<i32>} : memref<6x128x128xf32, #tpu.memory_space<vmem>>, vector<1x1x16xf32>,
      %get3A_803 = vector.shape_cast %get3A_802 : vector<1x1x16xf32> to vector<16xf32>
      %mul3A_804 = arith.constant 11.3137083 : f32
      %mul3A_805 = vector.broadcast %mul3A_804 : f32 to vector<16xf32>
      %mul3A_806 = arith.mulf %get3A_803, %mul3A_805 : vector<16xf32>
      %swap3A_807 = arith.constant 1 : i32
      %swap3A_808 = arith.index_cast %swap3A_807 : i32 to index
      %swap3A_809 = arith.index_cast %add3A_751 : i32 to index
      %swap3A_810 = arith.constant 48 : index
      %swap3A_811 = tpu.vector_load %arg6[%swap3A_808, %swap3A_809, %swap3A_810] {strides = array<i32>} : memref<6x128x128xf32, #tpu.memory_space<vmem>>, vector<1x1x16xf32>,
      %swap3A_812 = vector.shape_cast %swap3A_811 : vector<1x1x16xf32> to vector<16xf32>
      %swap3A_813 = vector.shape_cast %mul3A_806 : vector<16xf32> to vector<1x1x16xf32>
      tpu.vector_store %arg6[%swap3A_808, %swap3A_809, %swap3A_810], %swap3A_813 {strides = array<i32>} : memref<6x128x128xf32, #tpu.memory_space<vmem>>, vector<1x1x16xf32>,
      %get3A_814 = arith.constant 1 : i32
      %get3A_815 = arith.index_cast %get3A_814 : i32 to index
      %get3A_816 = arith.index_cast %add3A_751 : i32 to index
      %get3A_817 = arith.constant 64 : index
      %get3A_818 = tpu.vector_load %arg6[%get3A_815, %get3A_816, %get3A_817] {strides = array<i32>} : memref<6x128x128xf32, #tpu.memory_space<vmem>>, vector<1x1x16xf32>,
      %get3A_819 = vector.shape_cast %get3A_818 : vector<1x1x16xf32> to vector<16xf32>
      %mul3A_820 = arith.constant 11.3137083 : f32
      %mul3A_821 = vector.broadcast %mul3A_820 : f32 to vector<16xf32>
      %mul3A_822 = arith.mulf %get3A_819, %mul3A_821 : vector<16xf32>
      %swap3A_823 = arith.constant 1 : i32
      %swap3A_824 = arith.index_cast %swap3A_823 : i32 to index
      %swap3A_825 = arith.index_cast %add3A_751 : i32 to index
      %swap3A_826 = arith.constant 64 : index
      %swap3A_827 = tpu.vector_load %arg6[%swap3A_824, %swap3A_825, %swap3A_826] {strides = array<i32>} : memref<6x128x128xf32, #tpu.memory_space<vmem>>, vector<1x1x16xf32>,
      %swap3A_828 = vector.shape_cast %swap3A_827 : vector<1x1x16xf32> to vector<16xf32>
      %swap3A_829 = vector.shape_cast %mul3A_822 : vector<16xf32> to vector<1x1x16xf32>
      tpu.vector_store %arg6[%swap3A_824, %swap3A_825, %swap3A_826], %swap3A_829 {strides = array<i32>} : memref<6x128x128xf32, #tpu.memory_space<vmem>>, vector<1x1x16xf32>,
      %get3A_830 = arith.constant 1 : i32
      %get3A_831 = arith.index_cast %get3A_830 : i32 to index
      %get3A_832 = arith.index_cast %add3A_751 : i32 to index
      %get3A_833 = arith.constant 80 : index
      %get3A_834 = tpu.vector_load %arg6[%get3A_831, %get3A_832, %get3A_833] {strides = array<i32>} : memref<6x128x128xf32, #tpu.memory_space<vmem>>, vector<1x1x16xf32>,
      %get3A_835 = vector.shape_cast %get3A_834 : vector<1x1x16xf32> to vector<16xf32>
      %mul3A_836 = arith.constant 11.3137083 : f32
      %mul3A_837 = vector.broadcast %mul3A_836 : f32 to vector<16xf32>
      %mul3A_838 = arith.mulf %get3A_835, %mul3A_837 : vector<16xf32>
      %swap3A_839 = arith.constant 1 : i32
      %swap3A_840 = arith.index_cast %swap3A_839 : i32 to index
      %swap3A_841 = arith.index_cast %add3A_751 : i32 to index
      %swap3A_842 = arith.constant 80 : index
      %swap3A_843 = tpu.vector_load %arg6[%swap3A_840, %swap3A_841, %swap3A_842] {strides = array<i32>} : memref<6x128x128xf32, #tpu.memory_space<vmem>>, vector<1x1x16xf32>,
      %swap3A_844 = vector.shape_cast %swap3A_843 : vector<1x1x16xf32> to vector<16xf32>
      %swap3A_845 = vector.shape_cast %mul3A_838 : vector<16xf32> to vector<1x1x16xf32>
      tpu.vector_store %arg6[%swap3A_840, %swap3A_841, %swap3A_842], %swap3A_845 {strides = array<i32>} : memref<6x128x128xf32, #tpu.memory_space<vmem>>, vector<1x1x16xf32>,
      %get3A_846 = arith.constant 1 : i32
      %get3A_847 = arith.index_cast %get3A_846 : i32 to index
      %get3A_848 = arith.index_cast %add3A_751 : i32 to index
      %get3A_849 = arith.constant 96 : index
      %get3A_850 = tpu.vector_load %arg6[%get3A_847, %get3A_848, %get3A_849] {strides = array<i32>} : memref<6x128x128xf32, #tpu.memory_space<vmem>>, vector<1x1x16xf32>,
      %get3A_851 = vector.shape_cast %get3A_850 : vector<1x1x16xf32> to vector<16xf32>
      %mul3A_852 = arith.constant 11.3137083 : f32
      %mul3A_853 = vector.broadcast %mul3A_852 : f32 to vector<16xf32>
      %mul3A_854 = arith.mulf %get3A_851, %mul3A_853 : vector<16xf32>
      %swap3A_855 = arith.constant 1 : i32
      %swap3A_856 = arith.index_cast %swap3A_855 : i32 to index
      %swap3A_857 = arith.index_cast %add3A_751 : i32 to index
      %swap3A_858 = arith.constant 96 : index
      %swap3A_859 = tpu.vector_load %arg6[%swap3A_856, %swap3A_857, %swap3A_858] {strides = array<i32>} : memref<6x128x128xf32, #tpu.memory_space<vmem>>, vector<1x1x16xf32>,
      %swap3A_860 = vector.shape_cast %swap3A_859 : vector<1x1x16xf32> to vector<16xf32>
      %swap3A_861 = vector.shape_cast %mul3A_854 : vector<16xf32> to vector<1x1x16xf32>
      tpu.vector_store %arg6[%swap3A_856, %swap3A_857, %swap3A_858], %swap3A_861 {strides = array<i32>} : memref<6x128x128xf32, #tpu.memory_space<vmem>>, vector<1x1x16xf32>,
      %get3A_862 = arith.constant 1 : i32
      %get3A_863 = arith.index_cast %get3A_862 : i32 to index
      %get3A_864 = arith.index_cast %add3A_751 : i32 to index
      %get3A_865 = arith.constant 112 : index
      %get3A_866 = tpu.vector_load %arg6[%get3A_863, %get3A_864, %get3A_865] {strides = array<i32>} : memref<6x128x128xf32, #tpu.memory_space<vmem>>, vector<1x1x16xf32>,
      %get3A_867 = vector.shape_cast %get3A_866 : vector<1x1x16xf32> to vector<16xf32>
      %mul3A_868 = arith.constant 11.3137083 : f32
      %mul3A_869 = vector.broadcast %mul3A_868 : f32 to vector<16xf32>
      %mul3A_870 = arith.mulf %get3A_867, %mul3A_869 : vector<16xf32>
      %swap3A_871 = arith.constant 1 : i32
      %swap3A_872 = arith.index_cast %swap3A_871 : i32 to index
      %swap3A_873 = arith.index_cast %add3A_751 : i32 to index
      %swap3A_874 = arith.constant 112 : index
      %swap3A_875 = tpu.vector_load %arg6[%swap3A_872, %swap3A_873, %swap3A_874] {strides = array<i32>} : memref<6x128x128xf32, #tpu.memory_space<vmem>>, vector<1x1x16xf32>,
      %swap3A_876 = vector.shape_cast %swap3A_875 : vector<1x1x16xf32> to vector<16xf32>
      %swap3A_877 = vector.shape_cast %mul3A_870 : vector<16xf32> to vector<1x1x16xf32>
      tpu.vector_store %arg6[%swap3A_872, %swap3A_873, %swap3A_874], %swap3A_877 {strides = array<i32>} : memref<6x128x128xf32, #tpu.memory_space<vmem>>, vector<1x1x16xf32>,
    }
    %scan3A_653 = arith.constant 128 : i32
    %add3A_654 = arith.constant 25472 : i32
    %add3A_655 = arith.addi %mul3A_2, %add3A_654 : i32
    %dma_start3A_656 = arith.constant 1 : i32
    %dma_start3A_657 = arith.constant 0 : i32
    %dma_start3A_658 = arith.constant 0 : i32
    %dma_start3A_659 = tpu.memref_slice %arg6[%dma_start3A_656, %dma_start3A_657, %dma_start3A_658] : memref<6x128x128xf32, #tpu.memory_space<vmem>> -> memref<1x128x128xf32, #tpu.memory_space<vmem>>
    %dma_start3A_660 = tpu.memref_squeeze %dma_start3A_659 : memref<1x128x128xf32, #tpu.memory_space<vmem>> -> memref<128x128xf32, #tpu.memory_space<vmem>>
    %dma_start3A_661 = arith.constant 0 : i32
    %dma_start3A_662 = tpu.memref_slice %arg4[%add3A_655, %dma_start3A_661] : memref<819200x128xf32, #tpu.memory_space<hbm>> -> memref<128x128xf32, #tpu.memory_space<hbm>>
    %dma_start3A_663 = arith.constant 0 : i32
    %dma_start3A_664 = tpu.memref_slice %arg4[%add3A_655, %dma_start3A_663] : memref<819200x128xf32, #tpu.memory_space<hbm>> -> memref<128x128xf32, #tpu.memory_space<hbm>>
    %dma_start3A_665 = arith.constant 0 : i32
    %dma_start3A_666 = arith.constant 0 : i32
    %dma_start3A_667 = tpu.memref_slice %arg6[%dma_start3A_656, %dma_start3A_665, %dma_start3A_666] : memref<6x128x128xf32, #tpu.memory_space<vmem>> -> memref<1x128x128xf32, #tpu.memory_space<vmem>>
    %dma_start3A_668 = tpu.memref_squeeze %dma_start3A_667 : memref<1x128x128xf32, #tpu.memory_space<vmem>> -> memref<128x128xf32, #tpu.memory_space<vmem>>
    tpu.enqueue_dma source(%dma_start3A_668 : memref<128x128xf32, #tpu.memory_space<vmem>>) target(%dma_start3A_664 : memref<128x128xf32, #tpu.memory_space<hbm>>) target_semaphore(%arg14 : memref<!tpu.dma_semaphore, #tpu.memory_space<semaphore_mem>>)
    %dma_wait3A_669 = arith.constant 2 : i32
    %dma_wait3A_670 = arith.constant 0 : i32
    %dma_wait3A_671 = arith.constant 0 : i32
    %dma_wait3A_672 = tpu.memref_slice %arg6[%dma_wait3A_669, %dma_wait3A_670, %dma_wait3A_671] : memref<6x128x128xf32, #tpu.memory_space<vmem>> -> memref<1x128x128xf32, #tpu.memory_space<vmem>>
    %dma_wait3A_673 = tpu.memref_squeeze %dma_wait3A_672 : memref<1x128x128xf32, #tpu.memory_space<vmem>> -> memref<128x128xf32, #tpu.memory_space<vmem>>
    %dma_wait3A_674 = arith.constant 0 : i32
    %dma_wait3A_675 = tpu.memref_slice %arg4[%mul3A_2, %dma_wait3A_674] : memref<819200x128xf32, #tpu.memory_space<hbm>> -> memref<128x128xf32, #tpu.memory_space<hbm>>
    %dma_wait3A_676 = arith.constant 0 : i32
    %dma_wait3A_677 = tpu.memref_slice %arg4[%mul3A_2, %dma_wait3A_676] : memref<819200x128xf32, #tpu.memory_space<hbm>> -> memref<128x128xf32, #tpu.memory_space<hbm>>
    %dma_wait3A_678 = arith.constant 0 : i32
    %dma_wait3A_679 = arith.constant 0 : i32
    %dma_wait3A_680 = tpu.memref_slice %arg6[%dma_wait3A_669, %dma_wait3A_678, %dma_wait3A_679] : memref<6x128x128xf32, #tpu.memory_space<vmem>> -> memref<1x128x128xf32, #tpu.memory_space<vmem>>
    %dma_wait3A_681 = tpu.memref_squeeze %dma_wait3A_680 : memref<1x128x128xf32, #tpu.memory_space<vmem>> -> memref<128x128xf32, #tpu.memory_space<vmem>>
    tpu.wait_dma2 semaphore(%arg15 : memref<!tpu.dma_semaphore, #tpu.memory_space<semaphore_mem>>) src(%dma_wait3A_681 : memref<128x128xf32, #tpu.memory_space<vmem>>) dst(%dma_wait3A_677 : memref<128x128xf32, #tpu.memory_space<hbm>>)
    %dma_wait3A_682 = arith.constant 3 : i32
    %dma_wait3A_683 = arith.constant 0 : i32
    %dma_wait3A_684 = arith.constant 0 : i32
    %dma_wait3A_685 = tpu.memref_slice %arg6[%dma_wait3A_682, %dma_wait3A_683, %dma_wait3A_684] : memref<6x128x128xf32, #tpu.memory_space<vmem>> -> memref<1x128x128xf32, #tpu.memory_space<vmem>>
    %dma_wait3A_686 = tpu.memref_squeeze %dma_wait3A_685 : memref<1x128x128xf32, #tpu.memory_space<vmem>> -> memref<128x128xf32, #tpu.memory_space<vmem>>
    %dma_wait3A_687 = arith.constant 0 : i32
    %dma_wait3A_688 = tpu.memref_slice %arg4[%mul3A_2, %dma_wait3A_687] : memref<819200x128xf32, #tpu.memory_space<hbm>> -> memref<128x128xf32, #tpu.memory_space<hbm>>
    %dma_wait3A_689 = arith.constant 0 : i32
    %dma_wait3A_690 = tpu.memref_slice %arg4[%mul3A_2, %dma_wait3A_689] : memref<819200x128xf32, #tpu.memory_space<hbm>> -> memref<128x128xf32, #tpu.memory_space<hbm>>
    %dma_wait3A_691 = arith.constant 0 : i32
    %dma_wait3A_692 = arith.constant 0 : i32
    %dma_wait3A_693 = tpu.memref_slice %arg6[%dma_wait3A_682, %dma_wait3A_691, %dma_wait3A_692] : memref<6x128x128xf32, #tpu.memory_space<vmem>> -> memref<1x128x128xf32, #tpu.memory_space<vmem>>
    %dma_wait3A_694 = tpu.memref_squeeze %dma_wait3A_693 : memref<1x128x128xf32, #tpu.memory_space<vmem>> -> memref<128x128xf32, #tpu.memory_space<vmem>>
    tpu.wait_dma2 semaphore(%arg16 : memref<!tpu.dma_semaphore, #tpu.memory_space<semaphore_mem>>) src(%dma_wait3A_694 : memref<128x128xf32, #tpu.memory_space<vmem>>) dst(%dma_wait3A_690 : memref<128x128xf32, #tpu.memory_space<hbm>>)
    %dma_wait3A_695 = arith.constant 4 : i32
    %dma_wait3A_696 = arith.constant 0 : i32
    %dma_wait3A_697 = arith.constant 0 : i32
    %dma_wait3A_698 = tpu.memref_slice %arg6[%dma_wait3A_695, %dma_wait3A_696, %dma_wait3A_697] : memref<6x128x128xf32, #tpu.memory_space<vmem>> -> memref<1x128x128xf32, #tpu.memory_space<vmem>>
    %dma_wait3A_699 = tpu.memref_squeeze %dma_wait3A_698 : memref<1x128x128xf32, #tpu.memory_space<vmem>> -> memref<128x128xf32, #tpu.memory_space<vmem>>
    %dma_wait3A_700 = arith.constant 0 : i32
    %dma_wait3A_701 = tpu.memref_slice %arg4[%mul3A_2, %dma_wait3A_700] : memref<819200x128xf32, #tpu.memory_space<hbm>> -> memref<128x128xf32, #tpu.memory_space<hbm>>
    %dma_wait3A_702 = arith.constant 0 : i32
    %dma_wait3A_703 = tpu.memref_slice %arg4[%mul3A_2, %dma_wait3A_702] : memref<819200x128xf32, #tpu.memory_space<hbm>> -> memref<128x128xf32, #tpu.memory_space<hbm>>
    %dma_wait3A_704 = arith.constant 0 : i32
    %dma_wait3A_705 = arith.constant 0 : i32
    %dma_wait3A_706 = tpu.memref_slice %arg6[%dma_wait3A_695, %dma_wait3A_704, %dma_wait3A_705] : memref<6x128x128xf32, #tpu.memory_space<vmem>> -> memref<1x128x128xf32, #tpu.memory_space<vmem>>
    %dma_wait3A_707 = tpu.memref_squeeze %dma_wait3A_706 : memref<1x128x128xf32, #tpu.memory_space<vmem>> -> memref<128x128xf32, #tpu.memory_space<vmem>>
    tpu.wait_dma2 semaphore(%arg17 : memref<!tpu.dma_semaphore, #tpu.memory_space<semaphore_mem>>) src(%dma_wait3A_707 : memref<128x128xf32, #tpu.memory_space<vmem>>) dst(%dma_wait3A_703 : memref<128x128xf32, #tpu.memory_space<hbm>>)
    %dma_wait3A_708 = arith.constant 5 : i32
    %dma_wait3A_709 = arith.constant 0 : i32
    %dma_wait3A_710 = arith.constant 0 : i32
    %dma_wait3A_711 = tpu.memref_slice %arg6[%dma_wait3A_708, %dma_wait3A_709, %dma_wait3A_710] : memref<6x128x128xf32, #tpu.memory_space<vmem>> -> memref<1x128x128xf32, #tpu.memory_space<vmem>>
    %dma_wait3A_712 = tpu.memref_squeeze %dma_wait3A_711 : memref<1x128x128xf32, #tpu.memory_space<vmem>> -> memref<128x128xf32, #tpu.memory_space<vmem>>
    %dma_wait3A_713 = arith.constant 0 : i32
    %dma_wait3A_714 = tpu.memref_slice %arg4[%mul3A_2, %dma_wait3A_713] : memref<819200x128xf32, #tpu.memory_space<hbm>> -> memref<128x128xf32, #tpu.memory_space<hbm>>
    %dma_wait3A_715 = arith.constant 0 : i32
    %dma_wait3A_716 = tpu.memref_slice %arg4[%mul3A_2, %dma_wait3A_715] : memref<819200x128xf32, #tpu.memory_space<hbm>> -> memref<128x128xf32, #tpu.memory_space<hbm>>
    %dma_wait3A_717 = arith.constant 0 : i32
    %dma_wait3A_718 = arith.constant 0 : i32
    %dma_wait3A_719 = tpu.memref_slice %arg6[%dma_wait3A_708, %dma_wait3A_717, %dma_wait3A_718] : memref<6x128x128xf32, #tpu.memory_space<vmem>> -> memref<1x128x128xf32, #tpu.memory_space<vmem>>
    %dma_wait3A_720 = tpu.memref_squeeze %dma_wait3A_719 : memref<1x128x128xf32, #tpu.memory_space<vmem>> -> memref<128x128xf32, #tpu.memory_space<vmem>>
    tpu.wait_dma2 semaphore(%arg18 : memref<!tpu.dma_semaphore, #tpu.memory_space<semaphore_mem>>) src(%dma_wait3A_720 : memref<128x128xf32, #tpu.memory_space<vmem>>) dst(%dma_wait3A_716 : memref<128x128xf32, #tpu.memory_space<hbm>>)
    %dma_wait3A_721 = arith.constant 0 : i32
    %dma_wait3A_722 = arith.constant 0 : i32
    %dma_wait3A_723 = arith.constant 0 : i32
    %dma_wait3A_724 = tpu.memref_slice %arg6[%dma_wait3A_721, %dma_wait3A_722, %dma_wait3A_723] : memref<6x128x128xf32, #tpu.memory_space<vmem>> -> memref<1x128x128xf32, #tpu.memory_space<vmem>>
    %dma_wait3A_725 = tpu.memref_squeeze %dma_wait3A_724 : memref<1x128x128xf32, #tpu.memory_space<vmem>> -> memref<128x128xf32, #tpu.memory_space<vmem>>
    %dma_wait3A_726 = arith.constant 0 : i32
    %dma_wait3A_727 = tpu.memref_slice %arg4[%mul3A_2, %dma_wait3A_726] : memref<819200x128xf32, #tpu.memory_space<hbm>> -> memref<128x128xf32, #tpu.memory_space<hbm>>
    %dma_wait3A_728 = arith.constant 0 : i32
    %dma_wait3A_729 = tpu.memref_slice %arg4[%mul3A_2, %dma_wait3A_728] : memref<819200x128xf32, #tpu.memory_space<hbm>> -> memref<128x128xf32, #tpu.memory_space<hbm>>
    %dma_wait3A_730 = arith.constant 0 : i32
    %dma_wait3A_731 = arith.constant 0 : i32
    %dma_wait3A_732 = tpu.memref_slice %arg6[%dma_wait3A_721, %dma_wait3A_730, %dma_wait3A_731] : memref<6x128x128xf32, #tpu.memory_space<vmem>> -> memref<1x128x128xf32, #tpu.memory_space<vmem>>
    %dma_wait3A_733 = tpu.memref_squeeze %dma_wait3A_732 : memref<1x128x128xf32, #tpu.memory_space<vmem>> -> memref<128x128xf32, #tpu.memory_space<vmem>>
    tpu.wait_dma2 semaphore(%arg13 : memref<!tpu.dma_semaphore, #tpu.memory_space<semaphore_mem>>) src(%dma_wait3A_733 : memref<128x128xf32, #tpu.memory_space<vmem>>) dst(%dma_wait3A_729 : memref<128x128xf32, #tpu.memory_space<hbm>>)
    %dma_wait3A_734 = arith.constant 1 : i32
    %dma_wait3A_735 = arith.constant 0 : i32
    %dma_wait3A_736 = arith.constant 0 : i32
    %dma_wait3A_737 = tpu.memref_slice %arg6[%dma_wait3A_734, %dma_wait3A_735, %dma_wait3A_736] : memref<6x128x128xf32, #tpu.memory_space<vmem>> -> memref<1x128x128xf32, #tpu.memory_space<vmem>>
    %dma_wait3A_738 = tpu.memref_squeeze %dma_wait3A_737 : memref<1x128x128xf32, #tpu.memory_space<vmem>> -> memref<128x128xf32, #tpu.memory_space<vmem>>
    %dma_wait3A_739 = arith.constant 0 : i32
    %dma_wait3A_740 = tpu.memref_slice %arg4[%mul3A_2, %dma_wait3A_739] : memref<819200x128xf32, #tpu.memory_space<hbm>> -> memref<128x128xf32, #tpu.memory_space<hbm>>
    %dma_wait3A_741 = arith.constant 0 : i32
    %dma_wait3A_742 = tpu.memref_slice %arg4[%mul3A_2, %dma_wait3A_741] : memref<819200x128xf32, #tpu.memory_space<hbm>> -> memref<128x128xf32, #tpu.memory_space<hbm>>
    %dma_wait3A_743 = arith.constant 0 : i32
    %dma_wait3A_744 = arith.constant 0 : i32
    %dma_wait3A_745 = tpu.memref_slice %arg6[%dma_wait3A_734, %dma_wait3A_743, %dma_wait3A_744] : memref<6x128x128xf32, #tpu.memory_space<vmem>> -> memref<1x128x128xf32, #tpu.memory_space<vmem>>
    %dma_wait3A_746 = tpu.memref_squeeze %dma_wait3A_745 : memref<1x128x128xf32, #tpu.memory_space<vmem>> -> memref<128x128xf32, #tpu.memory_space<vmem>>
    tpu.wait_dma2 semaphore(%arg14 : memref<!tpu.dma_semaphore, #tpu.memory_space<semaphore_mem>>) src(%dma_wait3A_746 : memref<128x128xf32, #tpu.memory_space<vmem>>) dst(%dma_wait3A_742 : memref<128x128xf32, #tpu.memory_space<hbm>>)
    return
  }
}

</mosaic_0001>

<sc_bundles>
// kernel: kernel.3.cloned.1.call-start
scs
__scs_entry_jumppad:
0x0: {  	(pc) =	sbr.rel $0x88, $3  }
0x1: {  	(tag) =	ssettag $0x0;
	lr =	simm.s32 $0x1  }
0x2: {  	[smem:$0x3F9F] =	sst lr;
	_ =	strace $0xD0000000  }
0x3: {  	_ = 	snop  }
0x4: {  	_ = 	snop  }
0x5: {  	_ = 	snop  }
0x6: {  	_ = 	snop  }
0x7: {  	_ = 	snop  }
__scs_overlays_trampoline_lowered:
0x8: {  	[smem:$0x3FAE] =	sst s0  }
0x9: {  	[smem:$0x3FAF] =	sst s1  }
0xa: {  	[smem:$0x3FB0] =	sst s2  }
0xb: {  	[smem:$0x3FB1] =	sst s3  }
0xc: {  	[smem:$0x3FB2] =	sst s4  }
0xd: {  	[smem:$0x3FB3] =	sst s5  }
0xe: {  	[smem:$0x3FB4] =	sst s6  }
0xf: {  	[smem:$0x3FB5] =	sst s7  }
0x10: {  	[smem:$0x3FB6] =	sst s8  }
0x11: {  	[smem:$0x3FB7] =	sst s9;
	s0 =	simm.s32 @!p0 $0x0  }
0x12: {  	s1 =	sld [smem:$0x3F9D];
	s0 =	simm.s32 @p0 $0x1  }
0x13: {  	[smem:$0x3FB8] =	sst s0;
	s0 =	simm.s32 @!p1 $0x0  }
0x14: {  	s2 =	sld [smem:$0x3F9C];
	s0 =	simm.s32 @p1 $0x1  }
0x15: {  	[smem:$0x3FB9] =	sst s0;
	s0 =	simm.s32 @!p2 $0x0  }
0x16: {  	s3 =	sld [smem:$0x3FDB];
	s0 =	simm.s32 @p2 $0x1  }
0x17: {  	s4 =	simm.s32 $0x1BF5;
	[smem:$0x3FBB] =	sst s0  }
0x18: {  	s0 =	sld [smem:$0x3F9E];
	_ =	swait.ge [sflag:s4], $0x0  }
0x19: {  	s7 =	sld [smem:$0x3F9F]  }
0x1a: {  	s8 =	sadd.s32 $0xFFFFE003, lr  }
0x1b: {  	s9 =	sadd.s32 $0xFFFFFEF7, lr;
	s5 =	simm.s32 $0xFFFFFFFF;
	p2 =	slt.u32 s8, $0xFFFFF086  }
0x1c: {  	p1 =	slt.u32 s9, $0xF7A;
	s5 =	simm.s32 @!p2 $0x0  }
0x1d: {  	s5 =	simm.s32 @p1 $0x1;
	p0 =	seq.s32 s7, s2  }
0x1e: {  	s7 =	smul.u32 @!p0 $0xF7A, s2;
	p2 =	seq.s32 @!p0 s5, $0x0  }
0x1f: {  	s9 =	smul.u32 $0xF7A, s1;
	s8 =	simm.s32 @!p0 $0x1BF5;
	p2 =	por !p2, p0  }
0x20: {  	[sflag:s8] =	ssyncset.s32 @!p0 $0xFFFFF086;
	s6 =	sadd.s32 @!p0 s3, s7;
	s7 =	simm.s32 @!p0 $0x108  }
0x21: {  	s3 =	sadd.s32 s3, s9;
	s6 =	sadd.s32 @!p0 $0x88, s6;
	s7 =	simm.s32 @p2 $0x1082  }
0x22: {  	[simem:s7], [sflag:s8] =	dma.local @!p0 [hbm:s6], $0xF7A  }
0x23: {  	s9 =	sor.u32 $0xD0000000, s2;
	s6 =	simm.s32 $0x108;
	_ =	swait.ge @!p0 [sflag:s8], $0x0  }
0x24: {  	s3 =	sadd.s32 $0x88, s3;
	s6 =	simm.s32 @!p1 $0x1082;
	[sflag:s4] =	ssyncset.s32 $0xFFFFF086  }
0x25: {  	[simem:s6], [sflag:s4] =	dma.local [hbm:s3], $0xF7A  }
0x26: {  	[smem:$0x3F9F] =	sst s1;
	(tag) =	ssettag s2;
	_ =	strace s9  }
0x27: {  	s1 =	sld [smem:$0x3FAF]  }
0x28: {  	s2 =	sld [smem:$0x3FB0]  }
0x29: {  	s4 =	sld [smem:$0x3FB2]  }
0x2a: {  	p0 =	seq.s32 s5, $0x0;
	s5 =	sld [smem:$0x3FB3]  }
0x2b: {  	s6 =	sld [smem:$0x3FB4]  }
0x2c: {  	s7 =	sld [smem:$0x3FB5]  }
0x2d: {  	s3 =	simm.s32 $0x108;
	s8 =	sld [smem:$0x3FB6]  }
0x2e: {  	s3 =	simm.s32 @!p0 $0x1082;
	s9 =	sld [smem:$0x3FB7]  }
0x2f: {  	lr =	sadd.s32 s0, s3;
	s0 =	sld [smem:$0x3FAE]  }
0x30: {  	s3 =	sld [smem:$0x3FB1]  }
0x31: {  	[smem:$0x3FBA] =	sst s10  }
0x32: {  	s10 =	sld [smem:$0x3FB8];
	_ =	sdelay $0x3  }
0x33: {  	p0 =	seq.s32 s10, $0x1;
	s10 =	sld [smem:$0x3FBA];
	_ =	sdelay $0x3  }
0x34: {  	[smem:$0x3FBA] =	sst s10  }
0x35: {  	s10 =	sld [smem:$0x3FB9];
	_ =	sdelay $0x3  }
0x36: {  	p1 =	seq.s32 s10, $0x1;
	s10 =	sld [smem:$0x3FBA];
	_ =	sdelay $0x3  }
0x37: {  	[smem:$0x3FBA] =	sst s10  }
0x38: {  	s10 =	sld [smem:$0x3FBB]  }
0x39: {  	_ = 	snop;
	(pc) =	sbr.ind lr, $3  }
0x3a: {  	_ = 	snop  }
0x3b: {  	_ = 	snop  }
0x3c: {  	p2 =	seq.s32 s10, $0x1;
	s10 =	sld [smem:$0x3FBA]  }
0x3d: {  	_ =	shalt  }
0x3e: {  	_ =	shalt  }
0x3f: {  	_ =	shalt  }
0x40: {  	_ =	shalt  }
0x41: {  	_ =	shalt  }
0x42: {  	_ =	shalt  }
0x43: {  	_ =	shalt  }
0x44: {  	_ =	shalt  }
0x45: {  	_ =	shalt  }
0x46: {  	_ =	shalt  }
0x47: {  	_ =	shalt  }
0x48: {  	_ =	shalt  }
0x49: {  	_ =	shalt  }
0x4a: {  	_ =	shalt  }
0x4b: {  	_ =	shalt  }
0x4c: {  	_ =	shalt  }
0x4d: {  	_ =	shalt  }
0x4e: {  	_ =	shalt  }
0x4f: {  	_ =	shalt  }
0x50: {  	_ =	shalt  }
0x51: {  	_ =	shalt  }
0x52: {  	_ =	shalt  }
0x53: {  	_ =	shalt  }
0x54: {  	_ =	shalt  }
0x55: {  	_ =	shalt  }
0x56: {  	_ =	shalt  }
0x57: {  	_ =	shalt  }
0x58: {  	_ =	shalt  }
0x59: {  	_ =	shalt  }
0x5a: {  	_ =	shalt  }
0x5b: {  	_ =	shalt  }
0x5c: {  	_ =	shalt  }
0x5d: {  	_ =	shalt  }
0x5e: {  	_ =	shalt  }
0x5f: {  	_ =	shalt  }
0x60: {  	_ =	shalt  }
0x61: {  	_ =	shalt  }
0x62: {  	_ =	shalt  }
0x63: {  	_ =	shalt  }
0x64: {  	_ =	shalt  }
0x65: {  	_ =	shalt  }
0x66: {  	_ =	shalt  }
0x67: {  	_ =	shalt  }
0x68: {  	_ =	shalt  }
0x69: {  	_ =	shalt  }
0x6a: {  	_ =	shalt  }
0x6b: {  	_ =	shalt  }
0x6c: {  	_ =	shalt  }
0x6d: {  	_ =	shalt  }
0x6e: {  	_ =	shalt  }
0x6f: {  	_ =	shalt  }
0x70: {  	_ =	shalt  }
0x71: {  	_ =	shalt  }
0x72: {  	_ =	shalt  }
0x73: {  	_ =	shalt  }
0x74: {  	_ =	shalt  }
0x75: {  	_ =	shalt  }
0x76: {  	_ =	shalt  }
0x77: {  	_ =	shalt  }
0x78: {  	_ =	shalt  }
0x79: {  	_ =	shalt  }
0x7a: {  	_ =	shalt  }
0x7b: {  	_ =	shalt  }
0x7c: {  	_ =	shalt  }
0x7d: {  	_ =	shalt  }
0x7e: {  	_ =	shalt  }
0x7f: {  	_ =	shalt  }
0x80: {  	_ =	shalt  }
0x81: {  	_ =	shalt  }
0x82: {  	_ =	shalt  }
0x83: {  	_ =	shalt  }
0x84: {  	_ =	shalt  }
0x85: {  	_ =	shalt  }
0x86: {  	_ =	shalt  }
0x87: {  	_ =	shalt  }
.Lfunc_end0:
.L_simem_size_0:
called_computation_lowered:
.L_overlay_start_0:
0x88: {  	s2 =	sld [smem:$0x3FD9]  }
0x89: {  	s3 =	sld [smem:$0x3FFE];
	_ =	sdelay $0x1  }
0x8a: {  	s1 =	srdreg.scid  }
0x8b: {  	s0 =	sand.u32 $0x1, s1  }
0x8c: {  	s17 =	sshll.u32 s0, $0xA;
	s2 =	sadd.s32 s3, s2  }
0x8d: {  	s2 =	sadd.s32 s2, s17  }
0x8e: {  	[smem:$0x3FC6] =	sst s2  }
0x8f: {  	_ = 	snop  }
0x90: {  	s2 =	sld [smem:$0x3FC8]  }
0x91: {  	s18 =	sld [smem:$0x3FD0];
	(tm) =	ssettm $0x1  }
0x92: {  	s4 =	sld [smem:$0x3FFB];
	_ =	sdelay $0x3  }
0x93: {  	_ =	strace s4  }
0x94: {  	s4 =	sld [smem:$0x3FFC];
	_ =	sdelay $0x3  }
0x95: {  	_ =	strace s4  }
0x96: {  	s4 =	sld [smem:$0x3FFD];
	_ =	sdelay $0x3  }
0x97: {  	_ =	strace s4  }
0x98: {  	_ =	strace $0x8FFFFFFF  }
0x99: {  	s19 =	sld [smem:$0x3FDB];
	_ =	sdelay $0x1  }
0x9a: {  	s5 =	simm.s32 $_scs_section_size  }
0x9b: {  	s6 =	simm.s32 $_size__tile_overlayer_lowered;
	s7 =	simm.s32 $_tile_overlayer_lowered  }
0x9c: {  	s22 =	simm.s32 $0x1BFF;
	s21 =	sshll.u32 s7, $0x1;
	s4 =	sadd.s32 s5, s19  }
0x9d: {  	s8 =	simm.s32 $0x0;
	s20 =	sshll.u32 s6, $0x1;
	s6 =	sadd.s32 s21, s4  }
0x9e: {  	[timem:s8], [sflag:s22] =	dma.local [hbm:s6], s20  }
0x9f: {  	_ =	swait.ge [sflag:s22], s20  }
0xa0: {  	s5 =	ssub.s32 $0x0, s20;
	[sflag:s22] =	ssyncset.done $0x0  }
0xa1: {  	[sflag:s22] =	ssyncadd.s32 s5;
	_ =	sdelay $0x1  }
0xa2: {  	s23 =	simm.s32 $0x1B8B  }
0xa3: {  	_ =	swait.ge [sflag:s23], $0x1  }
0xa4: {  	[sflag:s23] =	ssyncset.done $0x0  }
0xa5: {  	s25 =	simm.s32 $0x1B8E;
	s24 =	sld [smem:$0x3FFE];
	[sflag:s23] =	ssyncadd.s32 $0xFFFFFFFF  }
0xa6: {  	s26 =	simm.s32 $execute0_lowered;
	[smem:$0x3FD2] =	sst s25  }
0xa7: {  	s6 =	sshll.u32 s26, $0x1;
	_ =	strace $0x80000046;
	[dreg:$0x1] =	wrdreg $0xFFFFFFFF  }
0xa8: {  	s28 =	simm.s32 $_size_execute0_lowered;
	s4 =	sadd.s32 s4, s6;
	[dreg:$0x0] =	wrdreg $0x0  }
0xa9: {  	s6 =	sshll.u32 s28, $0x1;
	[dreg:$0x2] =	wrdreg s4  }
0xaa: {  	[dreg:$0x3] =	wrdreg s6  }
0xab: {  	[dreg:$0x4] =	wrdreg $0xC0  }
0xac: {  	_ =	task [dreg:s8], $0x5FFFF  }
0xad: {  	[dreg:$0x1] =	wrdreg $0xFFFFFFFF  }
0xae: {  	[dreg:$0x0] =	wrdreg $0x60  }
0xaf: {  	[dreg:$0x2] =	wrdreg s24  }
0xb0: {  	[dreg:$0x3] =	wrdreg s2  }
0xb1: {  	[dreg:$0x4] =	wrdreg s18  }
0xb2: {  	[dreg:$0x5] =	wrdreg $0x9  }
0xb3: {  	_ =	task.clear_ibuf [dreg:s8], $0x6FFFF;
	_ =	strace $0x90000046  }
0xb4: {  	s29 =	simm.s32 $0x9;
	_ =	strace $0x80000048  }
0xb5: {  	_ =	swait.ge [sflag:s29], $0x1  }
0xb6: {  	[sflag:s29] =	ssyncadd.s32 $0xFFFFFFFF  }
0xb7: {  	_ =	strace $0x90000048  }
0xb8: {  	_ =	sfence  }
0xb9: {  	s30 =	sld [smem:$0x0];
	_ =	sdelay $0x2  }
0xba: {  	s31 =	sshll.u32 s1, $0xD;
	s1 =	sshrl.u32 s1, $0x2  }
0xbb: {  	s3 =	sand.u32 $0x4000, s31;
	s1 =	sadd.s32 s1, s30  }
0xbc: {  	s0 =	sor.u32 s3, s0;
	s1 =	sshll.u32 s1, $0x11  }
0xbd: {  	s0 =	sor.u32 s1, s0  }
0xbe: {  	s0 =	sadd.s32 $0x8F2B, s0  }
0xbf: {  	[sflag:s0] =	ssyncadd.remote.s32 $0x1  }
0xc0: {  	_ =	sfence.sel $0xFFFF  }
0xc1: {  	[dreg:$0x0] =	wrdreg $0xFFFFFFFF;
	(pc) =	sbr.abs _section_cstart, $3  }
0xc2: {  	[dreg:$0x1] =	wrdreg $0xFFFFFFFF  }
0xc3: {  	_ =	task.clear_ibuf [dreg:s8], $0x2FFFF;
	_ =	strace $0x9FFFFFFF  }
0xc4: {  	(tm) =	ssettm $0x7FFFFFFF  }
0xc5: {  	_ =	shalt  }
tec
execute0_lowered:
.L_overlay_start_1:
0x0: {  	(tag) =	ssettag $0x1  }
0x1: {  	s0 =	rddreg [dreg:$0x0];
	s1 =	srdreg.scid  }
0x2: {  	s3 =	stileid.u32;
	s2 =	rddreg [dreg:$0x1]  }
0x3: {  	s13 =	simm.s32 $0x0;
	s1 =	sand.u32 $0x1, s1;
	s4 =	sshll.u32 s3, $0x1  }
0x4: {  	s29 =	simm.s32 $0x80;
	s30 =	simm.s32 $0x6400;
	s4 =	sor.u32 s1, s4  }
0x5: {  	s31 =	simm.s32 $0xA400;
	s3 =	rddreg [dreg:$0x2];
	s7 =	smul.u32 $0x64000, s4  }
0x6: {  	[smem:$0x7FF] =	sst s13;
	s1 =	ssub.s32 $0x2, s1;
	s8 =	smul.u32 $0x6400, s4  }
0x7: {  	_ =	strace $0x80000047;
	s6 =	sshrl.u32 s1, $0x1;
	s9 =	sadd.s32 s3, s7  }
0x8: {  	s10 =	smul.u32 $0x320000, s4;
	s17 =	sor.u32 $0x300, s8;
	[dreg:$0x5] =	wrdreg s9  }
0x9: {  	s1 =	ssub.s32 s1, s6;
	s18 =	sor.u32 $0x380, s8;
	[dreg:$0xb] =	wrdreg s17  }
0xa: {  	s6 =	simm.s32 $0x16400;
	s19 =	sadd.s32 $0x400, s8;
	[dreg:$0xc] =	wrdreg s18  }
0xb: {  	s5 =	sshrl.u32 s8, $0x3;
	s28 =	smax.u32 s1, $0x1;
	[dreg:$0xd] =	wrdreg s19  }
0xc: {  	s1 =	simm.s32 $0x12400;
	s11 =	sadd.s32 $0x800, s9;
	[dreg:$0x16] =	wrdreg s28  }
0xd: {  	s0 =	sadd.s32 s5, s0;
	s12 =	sadd.s32 $0x1000, s9;
	[dreg:$0x6] =	wrdreg s11  }
0xe: {  	s14 =	sadd.s32 $0x1800, s9;
	s15 =	sadd.s32 $0x2000, s9;
	[dreg:$0x7] =	wrdreg s12  }
0xf: {  	s16 =	sadd.s32 $0x2800, s9;
	s0 =	sadd.s32 $0x400, s0;
	[dreg:$0x8] =	wrdreg s14  }
0x10: {  	s9 =	simm.s32 $0x1A400;
	[dreg:$0x4] =	wrdreg s0;
	s0 =	sshrl.u32 s10, $0x3  }
0x11: {  	s17 =	simm.s32 $0x8;
	[dreg:$0x9] =	wrdreg s15;
	s0 =	sadd.s32 s3, s0  }
0x12: {  	s18 =	simm.s32 $0x4;
	[dreg:$0xa] =	wrdreg s16;
	s20 =	sadd.s32 $0x60000, s0  }
0x13: {  	s19 =	simm.s32 $0x9;
	s21 =	sadd.s32 $0x60800, s0;
	[dreg:$0xe] =	wrdreg s20  }
0x14: {  	s5 =	simm.s32 $0x0;
	s22 =	sadd.s32 $0x61000, s0;
	[dreg:$0xf] =	wrdreg s21  }
0x15: {  	s16 =	sadd.s32 $0x480, s8;
	s23 =	sadd.s32 $0x61800, s0;
	[dreg:$0x10] =	wrdreg s22  }
0x16: {  	s15 =	smov.u32 s8;
	s24 =	sadd.s32 $0x62000, s0;
	[dreg:$0x11] =	wrdreg s23  }
0x17: {  	s11 =	simm.s32 $0x7;
	s25 =	sadd.s32 $0x62800, s0;
	[dreg:$0x12] =	wrdreg s24  }
0x18: {  	s12 =	simm.s32 $0x3;
	s26 =	sadd.s32 $0x63000, s0;
	[dreg:$0x13] =	wrdreg s25  }
0x19: {  	s10 =	simm.s32 $0x2;
	s0 =	sadd.s32 $0x63800, s0;
	[dreg:$0x14] =	wrdreg s26  }
0x1a: {  	[dreg:$0x15] =	wrdreg s0;
	s26 =	sadd.s32 $0x500, s8;
	s0 =	simm.s32 $0xE400  }
0x1b: {  	s8 =	simm.s32 $0x1;
	s20 =	simm.s32 $0x5;
	s21 =	simm.s32 $0xA  }
0x1c: {  	s22 =	simm.s32 $0x6;
	s23 =	simm.s32 $0xB;
	s24 =	simm.s32 $0xC  }
.LBB2_1:
0x1d: {  	[dreg:$0x17] =	wrdreg s5  }
0x1e: {  	s4 =	rddreg [dreg:$0x4];
	s7 =	simm.s32 $0xD  }
0x1f: {  	[tilespmem:s13], [sflag:$0xD] =	stream.linear.gather [hbm4b:s4+s13], $0x6400, $0x38;
	[tilespmem:$0x1E400] =	vst v63  }
0x20: {  	_ =	swait.ge [sflag:s7], $0x6400  }
0x21: {  	[sflag:s7] =	ssyncset.done $0x0  }
0x22: {  	[sflag:s7] =	ssyncadd.s32 $0xFFFF9C00  }
0x23: {  	[tilespmem:s30], [sflag:$0x1] =	stream.indirect.gather [hbm4b:s2+s29], $0x80, s13, s29, $0xb8;
	[tilespmem:$0x1E400] =	vst v63  }
0x24: {  	_ = 	snop  }
0x25: {  	[tilespmem:s31], [sflag:$0x2] =	stream.indirect.gather [hbm4b:s2+s29], $0x80, s29, s29, $0xb8;
	[tilespmem:$0x1E400] =	vst v63  }
0x26: {  	s14 =	simm.s32 $0x100  }
0x27: {  	[tilespmem:s0], [sflag:$0x3] =	stream.indirect.gather [hbm4b:s2+s29], $0x80, s14, s29, $0xb8;
	[tilespmem:$0x1E400] =	vst v63  }
0x28: {  	s25 =	simm.s32 $0x180  }
0x29: {  	[tilespmem:s1], [sflag:$0x4] =	stream.indirect.gather [hbm4b:s2+s29], $0x80, s25, s29, $0xb8;
	[tilespmem:$0x1E400] =	vst v63  }
0x2a: {  	s28 =	simm.s32 $0x200  }
0x2b: {  	[tilespmem:s6], [sflag:$0x5] =	stream.indirect.gather [hbm4b:s2+s29], $0x80, s28, s29, $0xb8;
	[tilespmem:$0x1E400] =	vst v63  }
0x2c: {  	_ =	swait.ge [sflag:s8], $0x4000  }
0x2d: {  	[sflag:s8] =	ssyncset.done $0x0  }
0x2e: {  	s4 =	simm.s32 $0x0;
	[sflag:s8] =	ssyncadd.s32 $0xFFFFC000  }
0x2f: {  	v3 =	vld [tilespmem:s4+$0x6400]  }
0x30: {  	v5 =	vld [tilespmem:s4+$0x6410]  }
0x31: {  	v4 =	vld [tilespmem:s4+$0x6420]  }
0x32: {  	v2 =	vld [tilespmem:s4+$0x6430]  }
0x33: {  	v0 =	vld [tilespmem:s4+$0x6440]  }
0x34: {  	v1 =	vld [tilespmem:s4+$0x6450];
	v6 =	vmul.f32 $1.131370830e+01, v3  }
0x35: {  	s5 =	simm.s32 $0x200;
	v5 =	vmul.f32 $1.131370830e+01, v5;
	v3 =	vld [tilespmem:s4+$0x6460]  }
.LBB2_2:
0x36: {  	s7 =	sshra.s32 s5, $0x2;
	p0 =	sne.s32 s5, $0xFE00;
	[tilespmem:s4+$0x6400] =	vst v6;
	v4 =	vmul.f32 $1.131370830e+01, v4;
	v6 =	vld [tilespmem:s4+$0x6470]  }
0x37: {  	v7 =	vld [tilespmem:s7+$0x6400];
	[tilespmem:s4+$0x6410] =	vst v5;
	v2 =	vmul.f32 $1.131370830e+01, v2  }
0x38: {  	v5 =	vld [tilespmem:s7+$0x6410];
	[tilespmem:s4+$0x6420] =	vst v4;
	v0 =	vmul.f32 $1.131370830e+01, v0  }
.Ltmp0:
0x39: {  	v4 =	vld [tilespmem:s7+$0x6420];
	[tilespmem:s4+$0x6430] =	vst v2;
	v1 =	vmul.f32 $1.131370830e+01, v1;
	(pc) =	sbr.rel @p0 .LBB2_2-.Ltmp0, $4  }
0x3a: {  	v2 =	vld [tilespmem:s7+$0x6430];
	[tilespmem:s4+$0x6440] =	vst v0;
	v3 =	vmul.f32 $1.131370830e+01, v3  }
0x3b: {  	v0 =	vld [tilespmem:s7+$0x6440];
	[tilespmem:s4+$0x6450] =	vst v1;
	v8 =	vmul.f32 $1.131370830e+01, v6  }
0x3c: {  	v6 =	vmul.f32 $1.131370830e+01, v7;
	v1 =	vld [tilespmem:s7+$0x6450];
	[tilespmem:s4+$0x6460] =	vst v3  }
0x3d: {  	s5 =	sadd.s32 $0x200, s5;
	v5 =	vmul.f32 $1.131370830e+01, v5;
	v3 =	vld [tilespmem:s7+$0x6460];
	[tilespmem:s4+$0x6470] =	vst v8;
	s4 =	smov.u32 s7  }
0x3e: {  	[tilespmem:s4+$0x6400] =	vst v6;
	v4 =	vmul.f32 $1.131370830e+01, v4;
	v6 =	vld [tilespmem:s4+$0x6470]  }
0x3f: {  	[tilespmem:s4+$0x6410] =	vst v5;
	v2 =	vmul.f32 $1.131370830e+01, v2  }
0x40: {  	[tilespmem:s4+$0x6420] =	vst v4;
	v0 =	vmul.f32 $1.131370830e+01, v0  }
0x41: {  	[tilespmem:s4+$0x6430] =	vst v2;
	v1 =	vmul.f32 $1.131370830e+01, v1  }
0x42: {  	[tilespmem:s4+$0x6440] =	vst v0;
	v0 =	vmul.f32 $1.131370830e+01, v3  }
0x43: {  	[tilespmem:s4+$0x6450] =	vst v1;
	v1 =	vmul.f32 $1.131370830e+01, v6  }
0x44: {  	[tilespmem:s4+$0x6460] =	vst v0  }
0x45: {  	s25 =	simm.s32 $0x0;
	s5 =	rddreg [dreg:$0x5];
	[tilespmem:s4+$0x6470] =	vst v1  }
0x46: {  	[hbm4b:s5+s25] =	stream.linear.scatter [tilespmem:s30], [sflag:$0x7], $0x4000, $0x38;
	[tilespmem:$0x1E400] =	vst v63  }
0x47: {  	s28 =	simm.s32 $0x280  }
0x48: {  	[tilespmem:s9], [sflag:$0x6] =	stream.indirect.gather [hbm4b:s2+s29], $0x80, s28, s29, $0xb8;
	[tilespmem:$0x1E400] =	vst v63  }
0x49: {  	_ =	swait.ge [sflag:s10], $0x4000  }
0x4a: {  	[sflag:s10] =	ssyncset.done $0x0  }
0x4b: {  	s4 =	simm.s32 $0x0;
	[sflag:s10] =	ssyncadd.s32 $0xFFFFC000  }
0x4c: {  	v3 =	vld [tilespmem:s4+$0xA400]  }
0x4d: {  	v5 =	vld [tilespmem:s4+$0xA410]  }
0x4e: {  	v4 =	vld [tilespmem:s4+$0xA420]  }
0x4f: {  	v2 =	vld [tilespmem:s4+$0xA430]  }
0x50: {  	v0 =	vld [tilespmem:s4+$0xA440]  }
0x51: {  	v1 =	vld [tilespmem:s4+$0xA450];
	v6 =	vmul.f32 $1.131370830e+01, v3  }
0x52: {  	s5 =	simm.s32 $0x200;
	v5 =	vmul.f32 $1.131370830e+01, v5;
	v3 =	vld [tilespmem:s4+$0xA460]  }
.LBB2_4:
0x53: {  	s7 =	sshra.s32 s5, $0x2;
	p0 =	sne.s32 s5, $0xFE00;
	[tilespmem:s4+$0xA400] =	vst v6;
	v4 =	vmul.f32 $1.131370830e+01, v4;
	v6 =	vld [tilespmem:s4+$0xA470]  }
0x54: {  	v7 =	vld [tilespmem:s7+$0xA400];
	[tilespmem:s4+$0xA410] =	vst v5;
	v2 =	vmul.f32 $1.131370830e+01, v2  }
0x55: {  	v5 =	vld [tilespmem:s7+$0xA410];
	[tilespmem:s4+$0xA420] =	vst v4;
	v0 =	vmul.f32 $1.131370830e+01, v0  }
.Ltmp1:
0x56: {  	v4 =	vld [tilespmem:s7+$0xA420];
	[tilespmem:s4+$0xA430] =	vst v2;
	v1 =	vmul.f32 $1.131370830e+01, v1;
	(pc) =	sbr.rel @p0 .LBB2_4-.Ltmp1, $4  }
0x57: {  	v2 =	vld [tilespmem:s7+$0xA430];
	[tilespmem:s4+$0xA440] =	vst v0;
	v3 =	vmul.f32 $1.131370830e+01, v3  }
0x58: {  	v0 =	vld [tilespmem:s7+$0xA440];
	[tilespmem:s4+$0xA450] =	vst v1;
	v8 =	vmul.f32 $1.131370830e+01, v6  }
0x59: {  	v6 =	vmul.f32 $1.131370830e+01, v7;
	v1 =	vld [tilespmem:s7+$0xA450];
	[tilespmem:s4+$0xA460] =	vst v3  }
0x5a: {  	s5 =	sadd.s32 $0x200, s5;
	v5 =	vmul.f32 $1.131370830e+01, v5;
	v3 =	vld [tilespmem:s7+$0xA460];
	[tilespmem:s4+$0xA470] =	vst v8;
	s4 =	smov.u32 s7  }
0x5b: {  	[tilespmem:s4+$0xA400] =	vst v6;
	v4 =	vmul.f32 $1.131370830e+01, v4;
	v6 =	vld [tilespmem:s4+$0xA470]  }
0x5c: {  	[tilespmem:s4+$0xA410] =	vst v5;
	v2 =	vmul.f32 $1.131370830e+01, v2  }
0x5d: {  	[tilespmem:s4+$0xA420] =	vst v4;
	v0 =	vmul.f32 $1.131370830e+01, v0  }
0x5e: {  	[tilespmem:s4+$0xA430] =	vst v2;
	v1 =	vmul.f32 $1.131370830e+01, v1  }
0x5f: {  	[tilespmem:s4+$0xA440] =	vst v0;
	v0 =	vmul.f32 $1.131370830e+01, v3  }
0x60: {  	[tilespmem:s4+$0xA450] =	vst v1;
	v1 =	vmul.f32 $1.131370830e+01, v6  }
0x61: {  	[tilespmem:s4+$0xA460] =	vst v0  }
0x62: {  	s25 =	simm.s32 $0x0;
	s5 =	rddreg [dreg:$0x6];
	[tilespmem:s4+$0xA470] =	vst v1  }
0x63: {  	[hbm4b:s5+s25] =	stream.linear.scatter [tilespmem:s31], [sflag:$0x8], $0x4000, $0x38;
	[tilespmem:$0x1E400] =	vst v63  }
0x64: {  	_ =	swait.ge [sflag:s11], $0x4000  }
0x65: {  	[sflag:s11] =	ssyncset.done $0x0  }
0x66: {  	s28 =	simm.s32 $0x300;
	[sflag:s11] =	ssyncadd.s32 $0xFFFFC000  }
0x67: {  	[tilespmem:s30], [sflag:$0x1] =	stream.indirect.gather [hbm4b:s2+s29], $0x80, s28, s29, $0xb8;
	[tilespmem:$0x1E400] =	vst v63  }
0x68: {  	_ =	swait.ge [sflag:s12], $0x4000  }
0x69: {  	[sflag:s12] =	ssyncset.done $0x0  }
0x6a: {  	s4 =	simm.s32 $0x0;
	[sflag:s12] =	ssyncadd.s32 $0xFFFFC000  }
0x6b: {  	v3 =	vld [tilespmem:s4+$0xE400]  }
0x6c: {  	v5 =	vld [tilespmem:s4+$0xE410]  }
0x6d: {  	v4 =	vld [tilespmem:s4+$0xE420]  }
0x6e: {  	v2 =	vld [tilespmem:s4+$0xE430]  }
0x6f: {  	v0 =	vld [tilespmem:s4+$0xE440]  }
0x70: {  	v1 =	vld [tilespmem:s4+$0xE450];
	v6 =	vmul.f32 $1.131370830e+01, v3  }
0x71: {  	s5 =	simm.s32 $0x200;
	v5 =	vmul.f32 $1.131370830e+01, v5;
	v3 =	vld [tilespmem:s4+$0xE460]  }
.LBB2_6:
0x72: {  	s7 =	sshra.s32 s5, $0x2;
	p0 =	sne.s32 s5, $0xFE00;
	[tilespmem:s4+$0xE400] =	vst v6;
	v4 =	vmul.f32 $1.131370830e+01, v4;
	v6 =	vld [tilespmem:s4+$0xE470]  }
0x73: {  	v7 =	vld [tilespmem:s7+$0xE400];
	[tilespmem:s4+$0xE410] =	vst v5;
	v2 =	vmul.f32 $1.131370830e+01, v2  }
0x74: {  	v5 =	vld [tilespmem:s7+$0xE410];
	[tilespmem:s4+$0xE420] =	vst v4;
	v0 =	vmul.f32 $1.131370830e+01, v0  }
.Ltmp2:
0x75: {  	v4 =	vld [tilespmem:s7+$0xE420];
	[tilespmem:s4+$0xE430] =	vst v2;
	v1 =	vmul.f32 $1.131370830e+01, v1;
	(pc) =	sbr.rel @p0 .LBB2_6-.Ltmp2, $4  }
0x76: {  	v2 =	vld [tilespmem:s7+$0xE430];
	[tilespmem:s4+$0xE440] =	vst v0;
	v3 =	vmul.f32 $1.131370830e+01, v3  }
0x77: {  	v0 =	vld [tilespmem:s7+$0xE440];
	[tilespmem:s4+$0xE450] =	vst v1;
	v8 =	vmul.f32 $1.131370830e+01, v6  }
0x78: {  	v6 =	vmul.f32 $1.131370830e+01, v7;
	v1 =	vld [tilespmem:s7+$0xE450];
	[tilespmem:s4+$0xE460] =	vst v3  }
0x79: {  	s5 =	sadd.s32 $0x200, s5;
	v5 =	vmul.f32 $1.131370830e+01, v5;
	v3 =	vld [tilespmem:s7+$0xE460];
	[tilespmem:s4+$0xE470] =	vst v8;
	s4 =	smov.u32 s7  }
0x7a: {  	[tilespmem:s4+$0xE400] =	vst v6;
	v4 =	vmul.f32 $1.131370830e+01, v4;
	v6 =	vld [tilespmem:s4+$0xE470]  }
0x7b: {  	[tilespmem:s4+$0xE410] =	vst v5;
	v2 =	vmul.f32 $1.131370830e+01, v2  }
0x7c: {  	[tilespmem:s4+$0xE420] =	vst v4;
	v0 =	vmul.f32 $1.131370830e+01, v0  }
0x7d: {  	[tilespmem:s4+$0xE430] =	vst v2;
	v1 =	vmul.f32 $1.131370830e+01, v1  }
0x7e: {  	[tilespmem:s4+$0xE440] =	vst v0;
	v0 =	vmul.f32 $1.131370830e+01, v3  }
0x7f: {  	[tilespmem:s4+$0xE450] =	vst v1;
	v1 =	vmul.f32 $1.131370830e+01, v6  }
0x80: {  	[tilespmem:s4+$0xE460] =	vst v0  }
0x81: {  	s25 =	simm.s32 $0x0;
	s5 =	rddreg [dreg:$0x7];
	[tilespmem:s4+$0xE470] =	vst v1  }
0x82: {  	[hbm4b:s5+s25] =	stream.linear.scatter [tilespmem:s0], [sflag:$0x9], $0x4000, $0x38;
	[tilespmem:$0x1E400] =	vst v63  }
0x83: {  	_ =	swait.ge [sflag:s17], $0x4000  }
0x84: {  	[sflag:s17] =	ssyncset.done $0x0  }
0x85: {  	s28 =	simm.s32 $0x380;
	[sflag:s17] =	ssyncadd.s32 $0xFFFFC000  }
0x86: {  	[tilespmem:s31], [sflag:$0x2] =	stream.indirect.gather [hbm4b:s2+s29], $0x80, s28, s29, $0xb8;
	[tilespmem:$0x1E400] =	vst v63  }
0x87: {  	_ =	swait.ge [sflag:s18], $0x4000  }
0x88: {  	[sflag:s18] =	ssyncset.done $0x0  }
0x89: {  	s4 =	simm.s32 $0x0;
	[sflag:s18] =	ssyncadd.s32 $0xFFFFC000  }
0x8a: {  	v3 =	vld [tilespmem:s4+$0x12400]  }
0x8b: {  	v5 =	vld [tilespmem:s4+$0x12410]  }
0x8c: {  	v4 =	vld [tilespmem:s4+$0x12420]  }
0x8d: {  	v2 =	vld [tilespmem:s4+$0x12430]  }
0x8e: {  	v0 =	vld [tilespmem:s4+$0x12440]  }
0x8f: {  	v1 =	vld [tilespmem:s4+$0x12450];
	v6 =	vmul.f32 $1.131370830e+01, v3  }
0x90: {  	s5 =	simm.s32 $0x200;
	v5 =	vmul.f32 $1.131370830e+01, v5;
	v3 =	vld [tilespmem:s4+$0x12460]  }
.LBB2_8:
0x91: {  	s7 =	sshra.s32 s5, $0x2;
	p0 =	sne.s32 s5, $0xFE00;
	[tilespmem:s4+$0x12400] =	vst v6;
	v4 =	vmul.f32 $1.131370830e+01, v4;
	v6 =	vld [tilespmem:s4+$0x12470]  }
0x92: {  	v7 =	vld [tilespmem:s7+$0x12400];
	[tilespmem:s4+$0x12410] =	vst v5;
	v2 =	vmul.f32 $1.131370830e+01, v2  }
0x93: {  	v5 =	vld [tilespmem:s7+$0x12410];
	[tilespmem:s4+$0x12420] =	vst v4;
	v0 =	vmul.f32 $1.131370830e+01, v0  }
.Ltmp3:
0x94: {  	v4 =	vld [tilespmem:s7+$0x12420];
	[tilespmem:s4+$0x12430] =	vst v2;
	v1 =	vmul.f32 $1.131370830e+01, v1;
	(pc) =	sbr.rel @p0 .LBB2_8-.Ltmp3, $4  }
0x95: {  	v2 =	vld [tilespmem:s7+$0x12430];
	[tilespmem:s4+$0x12440] =	vst v0;
	v3 =	vmul.f32 $1.131370830e+01, v3  }
0x96: {  	v0 =	vld [tilespmem:s7+$0x12440];
	[tilespmem:s4+$0x12450] =	vst v1;
	v8 =	vmul.f32 $1.131370830e+01, v6  }
0x97: {  	v6 =	vmul.f32 $1.131370830e+01, v7;
	v1 =	vld [tilespmem:s7+$0x12450];
	[tilespmem:s4+$0x12460] =	vst v3  }
0x98: {  	s5 =	sadd.s32 $0x200, s5;
	v5 =	vmul.f32 $1.131370830e+01, v5;
	v3 =	vld [tilespmem:s7+$0x12460];
	[tilespmem:s4+$0x12470] =	vst v8;
	s4 =	smov.u32 s7  }
0x99: {  	[tilespmem:s4+$0x12400] =	vst v6;
	v4 =	vmul.f32 $1.131370830e+01, v4;
	v6 =	vld [tilespmem:s4+$0x12470]  }
0x9a: {  	[tilespmem:s4+$0x12410] =	vst v5;
	v2 =	vmul.f32 $1.131370830e+01, v2  }
0x9b: {  	[tilespmem:s4+$0x12420] =	vst v4;
	v0 =	vmul.f32 $1.131370830e+01, v0  }
0x9c: {  	[tilespmem:s4+$0x12430] =	vst v2;
	v1 =	vmul.f32 $1.131370830e+01, v1  }
0x9d: {  	[tilespmem:s4+$0x12440] =	vst v0;
	v0 =	vmul.f32 $1.131370830e+01, v3  }
0x9e: {  	[tilespmem:s4+$0x12450] =	vst v1;
	v1 =	vmul.f32 $1.131370830e+01, v6  }
0x9f: {  	[tilespmem:s4+$0x12460] =	vst v0  }
0xa0: {  	s25 =	simm.s32 $0x0;
	s5 =	rddreg [dreg:$0x8];
	[tilespmem:s4+$0x12470] =	vst v1  }
0xa1: {  	[hbm4b:s5+s25] =	stream.linear.scatter [tilespmem:s1], [sflag:$0xA], $0x4000, $0x38;
	[tilespmem:$0x1E400] =	vst v63  }
0xa2: {  	_ =	swait.ge [sflag:s19], $0x4000  }
0xa3: {  	[sflag:s19] =	ssyncset.done $0x0  }
0xa4: {  	s28 =	simm.s32 $0x400;
	[sflag:s19] =	ssyncadd.s32 $0xFFFFC000  }
0xa5: {  	[tilespmem:s0], [sflag:$0x3] =	stream.indirect.gather [hbm4b:s2+s29], $0x80, s28, s29, $0xb8;
	[tilespmem:$0x1E400] =	vst v63  }
0xa6: {  	_ =	swait.ge [sflag:s20], $0x4000  }
0xa7: {  	[sflag:s20] =	ssyncset.done $0x0  }
0xa8: {  	s4 =	simm.s32 $0x0;
	[sflag:s20] =	ssyncadd.s32 $0xFFFFC000  }
0xa9: {  	v3 =	vld [tilespmem:s4+$0x16400]  }
0xaa: {  	v5 =	vld [tilespmem:s4+$0x16410]  }
0xab: {  	v4 =	vld [tilespmem:s4+$0x16420]  }
0xac: {  	v2 =	vld [tilespmem:s4+$0x16430]  }
0xad: {  	v0 =	vld [tilespmem:s4+$0x16440]  }
0xae: {  	v1 =	vld [tilespmem:s4+$0x16450];
	v6 =	vmul.f32 $1.131370830e+01, v3  }
0xaf: {  	s5 =	simm.s32 $0x200;
	v5 =	vmul.f32 $1.131370830e+01, v5;
	v3 =	vld [tilespmem:s4+$0x16460]  }
.LBB2_10:
0xb0: {  	s7 =	sshra.s32 s5, $0x2;
	p0 =	sne.s32 s5, $0xFE00;
	[tilespmem:s4+$0x16400] =	vst v6;
	v4 =	vmul.f32 $1.131370830e+01, v4;
	v6 =	vld [tilespmem:s4+$0x16470]  }
0xb1: {  	v7 =	vld [tilespmem:s7+$0x16400];
	[tilespmem:s4+$0x16410] =	vst v5;
	v2 =	vmul.f32 $1.131370830e+01, v2  }
0xb2: {  	v5 =	vld [tilespmem:s7+$0x16410];
	[tilespmem:s4+$0x16420] =	vst v4;
	v0 =	vmul.f32 $1.131370830e+01, v0  }
.Ltmp4:
0xb3: {  	v4 =	vld [tilespmem:s7+$0x16420];
	[tilespmem:s4+$0x16430] =	vst v2;
	v1 =	vmul.f32 $1.131370830e+01, v1;
	(pc) =	sbr.rel @p0 .LBB2_10-.Ltmp4, $4  }
0xb4: {  	v2 =	vld [tilespmem:s7+$0x16430];
	[tilespmem:s4+$0x16440] =	vst v0;
	v3 =	vmul.f32 $1.131370830e+01, v3  }
0xb5: {  	v0 =	vld [tilespmem:s7+$0x16440];
	[tilespmem:s4+$0x16450] =	vst v1;
	v8 =	vmul.f32 $1.131370830e+01, v6  }
0xb6: {  	v6 =	vmul.f32 $1.131370830e+01, v7;
	v1 =	vld [tilespmem:s7+$0x16450];
	[tilespmem:s4+$0x16460] =	vst v3  }
0xb7: {  	s5 =	sadd.s32 $0x200, s5;
	v5 =	vmul.f32 $1.131370830e+01, v5;
	v3 =	vld [tilespmem:s7+$0x16460];
	[tilespmem:s4+$0x16470] =	vst v8;
	s4 =	smov.u32 s7  }
0xb8: {  	[tilespmem:s4+$0x16400] =	vst v6;
	v4 =	vmul.f32 $1.131370830e+01, v4;
	v6 =	vld [tilespmem:s4+$0x16470]  }
0xb9: {  	[tilespmem:s4+$0x16410] =	vst v5;
	v2 =	vmul.f32 $1.131370830e+01, v2  }
0xba: {  	[tilespmem:s4+$0x16420] =	vst v4;
	v0 =	vmul.f32 $1.131370830e+01, v0  }
0xbb: {  	[tilespmem:s4+$0x16430] =	vst v2;
	v1 =	vmul.f32 $1.131370830e+01, v1  }
0xbc: {  	[tilespmem:s4+$0x16440] =	vst v0;
	v0 =	vmul.f32 $1.131370830e+01, v3  }
0xbd: {  	[tilespmem:s4+$0x16450] =	vst v1;
	v1 =	vmul.f32 $1.131370830e+01, v6  }
0xbe: {  	[tilespmem:s4+$0x16460] =	vst v0  }
0xbf: {  	s25 =	simm.s32 $0x0;
	s5 =	rddreg [dreg:$0x9];
	[tilespmem:s4+$0x16470] =	vst v1  }
0xc0: {  	[hbm4b:s5+s25] =	stream.linear.scatter [tilespmem:s6], [sflag:$0xB], $0x4000, $0x38;
	[tilespmem:$0x1E400] =	vst v63  }
0xc1: {  	_ =	swait.ge [sflag:s21], $0x4000  }
0xc2: {  	[sflag:s21] =	ssyncset.done $0x0  }
0xc3: {  	s28 =	simm.s32 $0x480;
	[sflag:s21] =	ssyncadd.s32 $0xFFFFC000  }
0xc4: {  	[tilespmem:s1], [sflag:$0x4] =	stream.indirect.gather [hbm4b:s2+s29], $0x80, s28, s29, $0xb8;
	[tilespmem:$0x1E400] =	vst v63  }
0xc5: {  	_ =	swait.ge [sflag:s22], $0x4000  }
0xc6: {  	[sflag:s22] =	ssyncset.done $0x0  }
0xc7: {  	s4 =	simm.s32 $0x0;
	[sflag:s22] =	ssyncadd.s32 $0xFFFFC000  }
0xc8: {  	v3 =	vld [tilespmem:s4+$0x1A400]  }
0xc9: {  	v5 =	vld [tilespmem:s4+$0x1A410]  }
0xca: {  	v4 =	vld [tilespmem:s4+$0x1A420]  }
0xcb: {  	v2 =	vld [tilespmem:s4+$0x1A430]  }
0xcc: {  	v0 =	vld [tilespmem:s4+$0x1A440]  }
0xcd: {  	v1 =	vld [tilespmem:s4+$0x1A450];
	v6 =	vmul.f32 $1.131370830e+01, v3  }
0xce: {  	s5 =	simm.s32 $0x200;
	v5 =	vmul.f32 $1.131370830e+01, v5;
	v3 =	vld [tilespmem:s4+$0x1A460]  }
.LBB2_12:
0xcf: {  	s7 =	sshra.s32 s5, $0x2;
	p0 =	sne.s32 s5, $0xFE00;
	[tilespmem:s4+$0x1A400] =	vst v6;
	v4 =	vmul.f32 $1.131370830e+01, v4;
	v6 =	vld [tilespmem:s4+$0x1A470]  }
0xd0: {  	v7 =	vld [tilespmem:s7+$0x1A400];
	[tilespmem:s4+$0x1A410] =	vst v5;
	v2 =	vmul.f32 $1.131370830e+01, v2  }
0xd1: {  	v5 =	vld [tilespmem:s7+$0x1A410];
	[tilespmem:s4+$0x1A420] =	vst v4;
	v0 =	vmul.f32 $1.131370830e+01, v0  }
.Ltmp5:
0xd2: {  	v4 =	vld [tilespmem:s7+$0x1A420];
	[tilespmem:s4+$0x1A430] =	vst v2;
	v1 =	vmul.f32 $1.131370830e+01, v1;
	(pc) =	sbr.rel @p0 .LBB2_12-.Ltmp5, $4  }
0xd3: {  	v2 =	vld [tilespmem:s7+$0x1A430];
	[tilespmem:s4+$0x1A440] =	vst v0;
	v3 =	vmul.f32 $1.131370830e+01, v3  }
0xd4: {  	v0 =	vld [tilespmem:s7+$0x1A440];
	[tilespmem:s4+$0x1A450] =	vst v1;
	v8 =	vmul.f32 $1.131370830e+01, v6  }
0xd5: {  	v6 =	vmul.f32 $1.131370830e+01, v7;
	v1 =	vld [tilespmem:s7+$0x1A450];
	[tilespmem:s4+$0x1A460] =	vst v3  }
0xd6: {  	s5 =	sadd.s32 $0x200, s5;
	v5 =	vmul.f32 $1.131370830e+01, v5;
	v3 =	vld [tilespmem:s7+$0x1A460];
	[tilespmem:s4+$0x1A470] =	vst v8;
	s4 =	smov.u32 s7  }
0xd7: {  	[tilespmem:s4+$0x1A400] =	vst v6;
	v4 =	vmul.f32 $1.131370830e+01, v4;
	v61 =	vld [tilespmem:s4+$0x1A470]  }
0xd8: {  	[tilespmem:s4+$0x1A410] =	vst v5;
	v2 =	vmul.f32 $1.131370830e+01, v2  }
0xd9: {  	[tilespmem:s4+$0x1A420] =	vst v4;
	v0 =	vmul.f32 $1.131370830e+01, v0  }
0xda: {  	[tilespmem:s4+$0x1A430] =	vst v2;
	v1 =	vmul.f32 $1.131370830e+01, v1  }
0xdb: {  	[tilespmem:s4+$0x1A440] =	vst v0;
	v62 =	vmul.f32 $1.131370830e+01, v3  }
0xdc: {  	[tilespmem:s4+$0x1A450] =	vst v1;
	v63 =	vmul.f32 $1.131370830e+01, v61  }
0xdd: {  	[tilespmem:s4+$0x1A460] =	vst v62  }
0xde: {  	s7 =	simm.s32 $0x0;
	s25 =	rddreg [dreg:$0xa];
	[tilespmem:s4+$0x1A470] =	vst v63  }
0xdf: {  	[hbm4b:s25+s7] =	stream.linear.scatter [tilespmem:s9], [sflag:$0xC], $0x4000, $0x38;
	[tilespmem:$0x1E400] =	vst v63  }
0xe0: {  	_ =	swait.ge [sflag:s23], $0x4000  }
0xe1: {  	[sflag:s23] =	ssyncset.done $0x0  }
0xe2: {  	s28 =	simm.s32 $0x500;
	[sflag:s23] =	ssyncadd.s32 $0xFFFFC000  }
0xe3: {  	[tilespmem:s6], [sflag:$0x5] =	stream.indirect.gather [hbm4b:s2+s29], $0x80, s28, s29, $0xb8;
	[tilespmem:$0x1E400] =	vst v63  }
.LBB2_14:
0xe4: {  	_ =	swait.ge [sflag:s8], $0x4000  }
0xe5: {  	[sflag:s8] =	ssyncset.done $0x0  }
0xe6: {  	s4 =	simm.s32 $0x0;
	[sflag:s8] =	ssyncadd.s32 $0xFFFFC000  }
0xe7: {  	v2 =	vld [tilespmem:s4+$0x6400]  }
0xe8: {  	v5 =	vld [tilespmem:s4+$0x6410]  }
0xe9: {  	v4 =	vld [tilespmem:s4+$0x6420]  }
0xea: {  	v3 =	vld [tilespmem:s4+$0x6430]  }
0xeb: {  	v0 =	vld [tilespmem:s4+$0x6440]  }
0xec: {  	v1 =	vld [tilespmem:s4+$0x6450];
	v6 =	vmul.f32 $1.131370830e+01, v2  }
0xed: {  	s5 =	simm.s32 $0x200;
	v5 =	vmul.f32 $1.131370830e+01, v5;
	v2 =	vld [tilespmem:s4+$0x6460]  }
.LBB2_15:
0xee: {  	s13 =	sshra.s32 s5, $0x2;
	p0 =	sne.s32 s5, $0xFE00;
	[tilespmem:s4+$0x6400] =	vst v6;
	v4 =	vmul.f32 $1.131370830e+01, v4;
	v6 =	vld [tilespmem:s4+$0x6470]  }
0xef: {  	v7 =	vld [tilespmem:s13+$0x6400];
	[tilespmem:s4+$0x6410] =	vst v5;
	v3 =	vmul.f32 $1.131370830e+01, v3  }
0xf0: {  	v5 =	vld [tilespmem:s13+$0x6410];
	[tilespmem:s4+$0x6420] =	vst v4;
	v0 =	vmul.f32 $1.131370830e+01, v0  }
.Ltmp6:
0xf1: {  	v4 =	vld [tilespmem:s13+$0x6420];
	[tilespmem:s4+$0x6430] =	vst v3;
	v1 =	vmul.f32 $1.131370830e+01, v1;
	(pc) =	sbr.rel @p0 .LBB2_15-.Ltmp6, $4  }
0xf2: {  	v3 =	vld [tilespmem:s13+$0x6430];
	[tilespmem:s4+$0x6440] =	vst v0;
	v2 =	vmul.f32 $1.131370830e+01, v2  }
0xf3: {  	v0 =	vld [tilespmem:s13+$0x6440];
	[tilespmem:s4+$0x6450] =	vst v1;
	v8 =	vmul.f32 $1.131370830e+01, v6  }
0xf4: {  	v6 =	vmul.f32 $1.131370830e+01, v7;
	v1 =	vld [tilespmem:s13+$0x6450];
	[tilespmem:s4+$0x6460] =	vst v2  }
0xf5: {  	s5 =	sadd.s32 $0x200, s5;
	v5 =	vmul.f32 $1.131370830e+01, v5;
	v2 =	vld [tilespmem:s13+$0x6460];
	[tilespmem:s4+$0x6470] =	vst v8;
	s4 =	smov.u32 s13  }
0xf6: {  	[tilespmem:s4+$0x6400] =	vst v6;
	v4 =	vmul.f32 $1.131370830e+01, v4;
	v6 =	vld [tilespmem:s4+$0x6470]  }
0xf7: {  	[tilespmem:s4+$0x6410] =	vst v5;
	v3 =	vmul.f32 $1.131370830e+01, v3  }
0xf8: {  	[tilespmem:s4+$0x6420] =	vst v4;
	v0 =	vmul.f32 $1.131370830e+01, v0  }
0xf9: {  	s25 =	smul.u32 $0x300, s7;
	[tilespmem:s4+$0x6430] =	vst v3;
	v1 =	vmul.f32 $1.131370830e+01, v1  }
0xfa: {  	s5 =	rddreg [dreg:$0xb];
	[tilespmem:s4+$0x6440] =	vst v0;
	v0 =	vmul.f32 $1.131370830e+01, v2  }
0xfb: {  	s5 =	sadd.s32 s25, s5;
	[tilespmem:s4+$0x6450] =	vst v1;
	v1 =	vmul.f32 $1.131370830e+01, v6  }
0xfc: {  	s5 =	sshll.u32 s5, $0x4;
	[tilespmem:s4+$0x6460] =	vst v0  }
0xfd: {  	s14 =	simm.s32 $0x0;
	s13 =	sadd.s32 s3, s5;
	[tilespmem:s4+$0x6470] =	vst v1  }
0xfe: {  	[hbm4b:s13+s14] =	stream.linear.scatter [tilespmem:s30], [sflag:$0x7], $0x4000, $0x38;
	[tilespmem:$0x1E400] =	vst v63  }
0xff: {  	_ =	swait.ge [sflag:s24], $0x4000  }
0x100: {  	[sflag:s24] =	ssyncset.done $0x0  }
0x101: {  	s28 =	sadd.s32 $0x580, s25;
	[sflag:s24] =	ssyncadd.s32 $0xFFFFC000  }
0x102: {  	[tilespmem:s9], [sflag:$0x6] =	stream.indirect.gather [hbm4b:s2+s29], $0x80, s28, s29, $0xb8;
	[tilespmem:$0x1E400] =	vst v63  }
0x103: {  	_ =	swait.ge [sflag:s10], $0x4000  }
0x104: {  	[sflag:s10] =	ssyncset.done $0x0  }
0x105: {  	s4 =	simm.s32 $0x0;
	[sflag:s10] =	ssyncadd.s32 $0xFFFFC000  }
0x106: {  	v3 =	vld [tilespmem:s4+$0xA400]  }
0x107: {  	v5 =	vld [tilespmem:s4+$0xA410]  }
0x108: {  	v4 =	vld [tilespmem:s4+$0xA420]  }
0x109: {  	v2 =	vld [tilespmem:s4+$0xA430]  }
0x10a: {  	v0 =	vld [tilespmem:s4+$0xA440]  }
0x10b: {  	v1 =	vld [tilespmem:s4+$0xA450];
	v6 =	vmul.f32 $1.131370830e+01, v3  }
0x10c: {  	s5 =	simm.s32 $0x200;
	v5 =	vmul.f32 $1.131370830e+01, v5;
	v3 =	vld [tilespmem:s4+$0xA460]  }
.LBB2_17:
0x10d: {  	s13 =	sshra.s32 s5, $0x2;
	p0 =	sne.s32 s5, $0xFE00;
	[tilespmem:s4+$0xA400] =	vst v6;
	v4 =	vmul.f32 $1.131370830e+01, v4;
	v6 =	vld [tilespmem:s4+$0xA470]  }
0x10e: {  	v7 =	vld [tilespmem:s13+$0xA400];
	[tilespmem:s4+$0xA410] =	vst v5;
	v2 =	vmul.f32 $1.131370830e+01, v2  }
0x10f: {  	v5 =	vld [tilespmem:s13+$0xA410];
	[tilespmem:s4+$0xA420] =	vst v4;
	v0 =	vmul.f32 $1.131370830e+01, v0  }
.Ltmp7:
0x110: {  	v4 =	vld [tilespmem:s13+$0xA420];
	[tilespmem:s4+$0xA430] =	vst v2;
	v1 =	vmul.f32 $1.131370830e+01, v1;
	(pc) =	sbr.rel @p0 .LBB2_17-.Ltmp7, $4  }
0x111: {  	v2 =	vld [tilespmem:s13+$0xA430];
	[tilespmem:s4+$0xA440] =	vst v0;
	v3 =	vmul.f32 $1.131370830e+01, v3  }
0x112: {  	v0 =	vld [tilespmem:s13+$0xA440];
	[tilespmem:s4+$0xA450] =	vst v1;
	v8 =	vmul.f32 $1.131370830e+01, v6  }
0x113: {  	v6 =	vmul.f32 $1.131370830e+01, v7;
	v1 =	vld [tilespmem:s13+$0xA450];
	[tilespmem:s4+$0xA460] =	vst v3  }
0x114: {  	s5 =	sadd.s32 $0x200, s5;
	v5 =	vmul.f32 $1.131370830e+01, v5;
	v3 =	vld [tilespmem:s13+$0xA460];
	[tilespmem:s4+$0xA470] =	vst v8;
	s4 =	smov.u32 s13  }
0x115: {  	[tilespmem:s4+$0xA400] =	vst v6;
	v4 =	vmul.f32 $1.131370830e+01, v4;
	v6 =	vld [tilespmem:s4+$0xA470]  }
0x116: {  	[tilespmem:s4+$0xA410] =	vst v5;
	v2 =	vmul.f32 $1.131370830e+01, v2  }
0x117: {  	[tilespmem:s4+$0xA420] =	vst v4;
	v0 =	vmul.f32 $1.131370830e+01, v0  }
0x118: {  	[tilespmem:s4+$0xA430] =	vst v2;
	v1 =	vmul.f32 $1.131370830e+01, v1  }
0x119: {  	s5 =	rddreg [dreg:$0xc];
	[tilespmem:s4+$0xA440] =	vst v0;
	v0 =	vmul.f32 $1.131370830e+01, v3  }
0x11a: {  	s5 =	sadd.s32 s25, s5;
	[tilespmem:s4+$0xA450] =	vst v1;
	v1 =	vmul.f32 $1.131370830e+01, v6  }
0x11b: {  	s5 =	sshll.u32 s5, $0x4;
	[tilespmem:s4+$0xA460] =	vst v0  }
0x11c: {  	s14 =	simm.s32 $0x0;
	s13 =	sadd.s32 s3, s5;
	[tilespmem:s4+$0xA470] =	vst v1  }
0x11d: {  	[hbm4b:s13+s14] =	stream.linear.scatter [tilespmem:s31], [sflag:$0x8], $0x4000, $0x38;
	[tilespmem:$0x1E400] =	vst v63  }
0x11e: {  	s13 =	smul.u32 $0xC00, s7  }
0x11f: {  	_ =	swait.ge [sflag:s11], $0x4000  }
0x120: {  	[sflag:s11] =	ssyncset.done $0x0;
	s4 =	sshra.s32 s13, $0x2  }
0x121: {  	[sflag:s11] =	ssyncadd.s32 $0xFFFFC000;
	s14 =	sadd.s32 $0x600, s4  }
0x122: {  	[tilespmem:s30], [sflag:$0x1] =	stream.indirect.gather [hbm4b:s2+s29], $0x80, s14, s29, $0xb8;
	[tilespmem:$0x1E400] =	vst v63  }
0x123: {  	_ =	swait.ge [sflag:s12], $0x4000  }
0x124: {  	[sflag:s12] =	ssyncset.done $0x0  }
0x125: {  	s5 =	simm.s32 $0x0;
	[sflag:s12] =	ssyncadd.s32 $0xFFFFC000  }
0x126: {  	v3 =	vld [tilespmem:s5+$0xE400]  }
0x127: {  	v5 =	vld [tilespmem:s5+$0xE410]  }
0x128: {  	v4 =	vld [tilespmem:s5+$0xE420]  }
0x129: {  	v2 =	vld [tilespmem:s5+$0xE430]  }
0x12a: {  	v0 =	vld [tilespmem:s5+$0xE440]  }
0x12b: {  	v1 =	vld [tilespmem:s5+$0xE450];
	v6 =	vmul.f32 $1.131370830e+01, v3  }
0x12c: {  	s13 =	simm.s32 $0x200;
	v5 =	vmul.f32 $1.131370830e+01, v5;
	v3 =	vld [tilespmem:s5+$0xE460]  }
.LBB2_19:
0x12d: {  	s14 =	sshra.s32 s13, $0x2;
	p0 =	sne.s32 s13, $0xFE00;
	[tilespmem:s5+$0xE400] =	vst v6;
	v4 =	vmul.f32 $1.131370830e+01, v4;
	v6 =	vld [tilespmem:s5+$0xE470]  }
0x12e: {  	v7 =	vld [tilespmem:s14+$0xE400];
	[tilespmem:s5+$0xE410] =	vst v5;
	v2 =	vmul.f32 $1.131370830e+01, v2  }
0x12f: {  	v5 =	vld [tilespmem:s14+$0xE410];
	[tilespmem:s5+$0xE420] =	vst v4;
	v0 =	vmul.f32 $1.131370830e+01, v0  }
.Ltmp8:
0x130: {  	v4 =	vld [tilespmem:s14+$0xE420];
	[tilespmem:s5+$0xE430] =	vst v2;
	v1 =	vmul.f32 $1.131370830e+01, v1;
	(pc) =	sbr.rel @p0 .LBB2_19-.Ltmp8, $4  }
0x131: {  	v2 =	vld [tilespmem:s14+$0xE430];
	[tilespmem:s5+$0xE440] =	vst v0;
	v3 =	vmul.f32 $1.131370830e+01, v3  }
0x132: {  	v0 =	vld [tilespmem:s14+$0xE440];
	[tilespmem:s5+$0xE450] =	vst v1;
	v8 =	vmul.f32 $1.131370830e+01, v6  }
0x133: {  	v6 =	vmul.f32 $1.131370830e+01, v7;
	v1 =	vld [tilespmem:s14+$0xE450];
	[tilespmem:s5+$0xE460] =	vst v3  }
0x134: {  	s13 =	sadd.s32 $0x200, s13;
	v5 =	vmul.f32 $1.131370830e+01, v5;
	v3 =	vld [tilespmem:s14+$0xE460];
	[tilespmem:s5+$0xE470] =	vst v8;
	s5 =	smov.u32 s14  }
0x135: {  	[tilespmem:s5+$0xE400] =	vst v6;
	v4 =	vmul.f32 $1.131370830e+01, v4;
	v6 =	vld [tilespmem:s5+$0xE470]  }
0x136: {  	[tilespmem:s5+$0xE410] =	vst v5;
	v2 =	vmul.f32 $1.131370830e+01, v2  }
0x137: {  	[tilespmem:s5+$0xE420] =	vst v4;
	v0 =	vmul.f32 $1.131370830e+01, v0  }
0x138: {  	[tilespmem:s5+$0xE430] =	vst v2;
	v1 =	vmul.f32 $1.131370830e+01, v1  }
0x139: {  	s13 =	rddreg [dreg:$0xd];
	[tilespmem:s5+$0xE440] =	vst v0;
	v0 =	vmul.f32 $1.131370830e+01, v3  }
0x13a: {  	s13 =	sadd.s32 s25, s13;
	[tilespmem:s5+$0xE450] =	vst v1;
	v1 =	vmul.f32 $1.131370830e+01, v6  }
0x13b: {  	s13 =	sshll.u32 s13, $0x4;
	[tilespmem:s5+$0xE460] =	vst v0  }
0x13c: {  	s14 =	simm.s32 $0x0;
	s13 =	sadd.s32 s3, s13;
	[tilespmem:s5+$0xE470] =	vst v1  }
0x13d: {  	[hbm4b:s13+s14] =	stream.linear.scatter [tilespmem:s0], [sflag:$0x9], $0x4000, $0x38;
	[tilespmem:$0x1E400] =	vst v63  }
0x13e: {  	_ =	swait.ge [sflag:s17], $0x4000  }
0x13f: {  	[sflag:s17] =	ssyncset.done $0x0  }
0x140: {  	s14 =	sadd.s32 $0x680, s4;
	[sflag:s17] =	ssyncadd.s32 $0xFFFFC000  }
0x141: {  	[tilespmem:s31], [sflag:$0x2] =	stream.indirect.gather [hbm4b:s2+s29], $0x80, s14, s29, $0xb8;
	[tilespmem:$0x1E400] =	vst v63  }
0x142: {  	_ =	swait.ge [sflag:s18], $0x4000  }
0x143: {  	[sflag:s18] =	ssyncset.done $0x0  }
0x144: {  	s5 =	simm.s32 $0x0;
	[sflag:s18] =	ssyncadd.s32 $0xFFFFC000  }
0x145: {  	v3 =	vld [tilespmem:s5+$0x12400]  }
0x146: {  	v5 =	vld [tilespmem:s5+$0x12410]  }
0x147: {  	v4 =	vld [tilespmem:s5+$0x12420]  }
0x148: {  	v2 =	vld [tilespmem:s5+$0x12430]  }
0x149: {  	v0 =	vld [tilespmem:s5+$0x12440]  }
0x14a: {  	v1 =	vld [tilespmem:s5+$0x12450];
	v6 =	vmul.f32 $1.131370830e+01, v3  }
0x14b: {  	s13 =	simm.s32 $0x200;
	v5 =	vmul.f32 $1.131370830e+01, v5;
	v3 =	vld [tilespmem:s5+$0x12460]  }
.LBB2_21:
0x14c: {  	s14 =	sshra.s32 s13, $0x2;
	p0 =	sne.s32 s13, $0xFE00;
	[tilespmem:s5+$0x12400] =	vst v6;
	v4 =	vmul.f32 $1.131370830e+01, v4;
	v6 =	vld [tilespmem:s5+$0x12470]  }
0x14d: {  	v7 =	vld [tilespmem:s14+$0x12400];
	[tilespmem:s5+$0x12410] =	vst v5;
	v2 =	vmul.f32 $1.131370830e+01, v2  }
0x14e: {  	v5 =	vld [tilespmem:s14+$0x12410];
	[tilespmem:s5+$0x12420] =	vst v4;
	v0 =	vmul.f32 $1.131370830e+01, v0  }
.Ltmp9:
0x14f: {  	v4 =	vld [tilespmem:s14+$0x12420];
	[tilespmem:s5+$0x12430] =	vst v2;
	v1 =	vmul.f32 $1.131370830e+01, v1;
	(pc) =	sbr.rel @p0 .LBB2_21-.Ltmp9, $4  }
0x150: {  	v2 =	vld [tilespmem:s14+$0x12430];
	[tilespmem:s5+$0x12440] =	vst v0;
	v3 =	vmul.f32 $1.131370830e+01, v3  }
0x151: {  	v0 =	vld [tilespmem:s14+$0x12440];
	[tilespmem:s5+$0x12450] =	vst v1;
	v8 =	vmul.f32 $1.131370830e+01, v6  }
0x152: {  	v6 =	vmul.f32 $1.131370830e+01, v7;
	v1 =	vld [tilespmem:s14+$0x12450];
	[tilespmem:s5+$0x12460] =	vst v3  }
0x153: {  	s13 =	sadd.s32 $0x200, s13;
	v5 =	vmul.f32 $1.131370830e+01, v5;
	v3 =	vld [tilespmem:s14+$0x12460];
	[tilespmem:s5+$0x12470] =	vst v8;
	s5 =	smov.u32 s14  }
0x154: {  	[tilespmem:s5+$0x12400] =	vst v6;
	v4 =	vmul.f32 $1.131370830e+01, v4;
	v6 =	vld [tilespmem:s5+$0x12470]  }
0x155: {  	[tilespmem:s5+$0x12410] =	vst v5;
	v2 =	vmul.f32 $1.131370830e+01, v2  }
0x156: {  	[tilespmem:s5+$0x12420] =	vst v4;
	v0 =	vmul.f32 $1.131370830e+01, v0  }
0x157: {  	[tilespmem:s5+$0x12430] =	vst v2;
	v1 =	vmul.f32 $1.131370830e+01, v1  }
0x158: {  	[tilespmem:s5+$0x12440] =	vst v0;
	v0 =	vmul.f32 $1.131370830e+01, v3  }
0x159: {  	s13 =	sadd.s32 s25, s16;
	[tilespmem:s5+$0x12450] =	vst v1;
	v1 =	vmul.f32 $1.131370830e+01, v6  }
0x15a: {  	s13 =	sshll.u32 s13, $0x4;
	[tilespmem:s5+$0x12460] =	vst v0  }
0x15b: {  	s14 =	simm.s32 $0x0;
	s13 =	sadd.s32 s3, s13;
	[tilespmem:s5+$0x12470] =	vst v1  }
0x15c: {  	[hbm4b:s13+s14] =	stream.linear.scatter [tilespmem:s1], [sflag:$0xA], $0x4000, $0x38;
	[tilespmem:$0x1E400] =	vst v63  }
0x15d: {  	_ =	swait.ge [sflag:s19], $0x4000  }
0x15e: {  	[sflag:s19] =	ssyncset.done $0x0  }
0x15f: {  	s14 =	sadd.s32 $0x700, s4;
	[sflag:s19] =	ssyncadd.s32 $0xFFFFC000  }
0x160: {  	[tilespmem:s0], [sflag:$0x3] =	stream.indirect.gather [hbm4b:s2+s29], $0x80, s14, s29, $0xb8;
	[tilespmem:$0x1E400] =	vst v63  }
0x161: {  	_ =	swait.ge [sflag:s20], $0x4000  }
0x162: {  	[sflag:s20] =	ssyncset.done $0x0  }
0x163: {  	s5 =	simm.s32 $0x0;
	[sflag:s20] =	ssyncadd.s32 $0xFFFFC000  }
0x164: {  	v3 =	vld [tilespmem:s5+$0x16400]  }
0x165: {  	v5 =	vld [tilespmem:s5+$0x16410]  }
0x166: {  	v4 =	vld [tilespmem:s5+$0x16420]  }
0x167: {  	v2 =	vld [tilespmem:s5+$0x16430]  }
0x168: {  	v0 =	vld [tilespmem:s5+$0x16440]  }
0x169: {  	v1 =	vld [tilespmem:s5+$0x16450];
	v6 =	vmul.f32 $1.131370830e+01, v3  }
0x16a: {  	s13 =	simm.s32 $0x200;
	v5 =	vmul.f32 $1.131370830e+01, v5;
	v3 =	vld [tilespmem:s5+$0x16460]  }
.LBB2_23:
0x16b: {  	s14 =	sshra.s32 s13, $0x2;
	p0 =	sne.s32 s13, $0xFE00;
	[tilespmem:s5+$0x16400] =	vst v6;
	v4 =	vmul.f32 $1.131370830e+01, v4;
	v6 =	vld [tilespmem:s5+$0x16470]  }
0x16c: {  	v7 =	vld [tilespmem:s14+$0x16400];
	[tilespmem:s5+$0x16410] =	vst v5;
	v2 =	vmul.f32 $1.131370830e+01, v2  }
0x16d: {  	v5 =	vld [tilespmem:s14+$0x16410];
	[tilespmem:s5+$0x16420] =	vst v4;
	v0 =	vmul.f32 $1.131370830e+01, v0  }
.Ltmp10:
0x16e: {  	v4 =	vld [tilespmem:s14+$0x16420];
	[tilespmem:s5+$0x16430] =	vst v2;
	v1 =	vmul.f32 $1.131370830e+01, v1;
	(pc) =	sbr.rel @p0 .LBB2_23-.Ltmp10, $4  }
0x16f: {  	v2 =	vld [tilespmem:s14+$0x16430];
	[tilespmem:s5+$0x16440] =	vst v0;
	v3 =	vmul.f32 $1.131370830e+01, v3  }
0x170: {  	v0 =	vld [tilespmem:s14+$0x16440];
	[tilespmem:s5+$0x16450] =	vst v1;
	v8 =	vmul.f32 $1.131370830e+01, v6  }
0x171: {  	v6 =	vmul.f32 $1.131370830e+01, v7;
	v1 =	vld [tilespmem:s14+$0x16450];
	[tilespmem:s5+$0x16460] =	vst v3  }
0x172: {  	s13 =	sadd.s32 $0x200, s13;
	v5 =	vmul.f32 $1.131370830e+01, v5;
	v3 =	vld [tilespmem:s14+$0x16460];
	[tilespmem:s5+$0x16470] =	vst v8;
	s5 =	smov.u32 s14  }
0x173: {  	[tilespmem:s5+$0x16400] =	vst v6;
	v4 =	vmul.f32 $1.131370830e+01, v4;
	v6 =	vld [tilespmem:s5+$0x16470]  }
0x174: {  	[tilespmem:s5+$0x16410] =	vst v5;
	v2 =	vmul.f32 $1.131370830e+01, v2  }
0x175: {  	[tilespmem:s5+$0x16420] =	vst v4;
	v0 =	vmul.f32 $1.131370830e+01, v0  }
0x176: {  	[tilespmem:s5+$0x16430] =	vst v2;
	v1 =	vmul.f32 $1.131370830e+01, v1  }
0x177: {  	[tilespmem:s5+$0x16440] =	vst v0;
	v0 =	vmul.f32 $1.131370830e+01, v3  }
0x178: {  	s13 =	sadd.s32 s25, s26;
	[tilespmem:s5+$0x16450] =	vst v1;
	v1 =	vmul.f32 $1.131370830e+01, v6  }
0x179: {  	s13 =	sshll.u32 s13, $0x4;
	[tilespmem:s5+$0x16460] =	vst v0  }
0x17a: {  	s14 =	simm.s32 $0x0;
	s13 =	sadd.s32 s3, s13;
	[tilespmem:s5+$0x16470] =	vst v1  }
0x17b: {  	[hbm4b:s13+s14] =	stream.linear.scatter [tilespmem:s6], [sflag:$0xB], $0x4000, $0x38;
	[tilespmem:$0x1E400] =	vst v63  }
0x17c: {  	_ =	swait.ge [sflag:s21], $0x4000  }
0x17d: {  	[sflag:s21] =	ssyncset.done $0x0  }
0x17e: {  	s25 =	sadd.s32 $0x780, s4;
	[sflag:s21] =	ssyncadd.s32 $0xFFFFC000  }
0x17f: {  	[tilespmem:s1], [sflag:$0x4] =	stream.indirect.gather [hbm4b:s2+s29], $0x80, s25, s29, $0xb8;
	[tilespmem:$0x1E400] =	vst v63  }
0x180: {  	_ =	swait.ge [sflag:s22], $0x4000  }
0x181: {  	[sflag:s22] =	ssyncset.done $0x0  }
0x182: {  	s5 =	simm.s32 $0x0;
	[sflag:s22] =	ssyncadd.s32 $0xFFFFC000  }
0x183: {  	v3 =	vld [tilespmem:s5+$0x1A400]  }
0x184: {  	v5 =	vld [tilespmem:s5+$0x1A410]  }
0x185: {  	v4 =	vld [tilespmem:s5+$0x1A420]  }
0x186: {  	v2 =	vld [tilespmem:s5+$0x1A430]  }
0x187: {  	v0 =	vld [tilespmem:s5+$0x1A440]  }
0x188: {  	v1 =	vld [tilespmem:s5+$0x1A450];
	v6 =	vmul.f32 $1.131370830e+01, v3  }
0x189: {  	s13 =	simm.s32 $0x200;
	v5 =	vmul.f32 $1.131370830e+01, v5;
	v3 =	vld [tilespmem:s5+$0x1A460]  }
.LBB2_25:
0x18a: {  	s14 =	sshra.s32 s13, $0x2;
	p0 =	sne.s32 s13, $0xFE00;
	[tilespmem:s5+$0x1A400] =	vst v6;
	v4 =	vmul.f32 $1.131370830e+01, v4;
	v6 =	vld [tilespmem:s5+$0x1A470]  }
0x18b: {  	v7 =	vld [tilespmem:s14+$0x1A400];
	[tilespmem:s5+$0x1A410] =	vst v5;
	v2 =	vmul.f32 $1.131370830e+01, v2  }
0x18c: {  	v5 =	vld [tilespmem:s14+$0x1A410];
	[tilespmem:s5+$0x1A420] =	vst v4;
	v0 =	vmul.f32 $1.131370830e+01, v0  }
.Ltmp11:
0x18d: {  	v4 =	vld [tilespmem:s14+$0x1A420];
	[tilespmem:s5+$0x1A430] =	vst v2;
	v1 =	vmul.f32 $1.131370830e+01, v1;
	(pc) =	sbr.rel @p0 .LBB2_25-.Ltmp11, $4  }
0x18e: {  	v2 =	vld [tilespmem:s14+$0x1A430];
	[tilespmem:s5+$0x1A440] =	vst v0;
	v3 =	vmul.f32 $1.131370830e+01, v3  }
0x18f: {  	v0 =	vld [tilespmem:s14+$0x1A440];
	[tilespmem:s5+$0x1A450] =	vst v1;
	v8 =	vmul.f32 $1.131370830e+01, v6  }
0x190: {  	v6 =	vmul.f32 $1.131370830e+01, v7;
	v1 =	vld [tilespmem:s14+$0x1A450];
	[tilespmem:s5+$0x1A460] =	vst v3  }
0x191: {  	s13 =	sadd.s32 $0x200, s13;
	v5 =	vmul.f32 $1.131370830e+01, v5;
	v3 =	vld [tilespmem:s14+$0x1A460];
	[tilespmem:s5+$0x1A470] =	vst v8;
	s5 =	smov.u32 s14  }
0x192: {  	[tilespmem:s5+$0x1A400] =	vst v6;
	v4 =	vmul.f32 $1.131370830e+01, v4;
	v61 =	vld [tilespmem:s5+$0x1A470]  }
0x193: {  	[tilespmem:s5+$0x1A410] =	vst v5;
	v2 =	vmul.f32 $1.131370830e+01, v2  }
0x194: {  	[tilespmem:s5+$0x1A420] =	vst v4;
	v0 =	vmul.f32 $1.131370830e+01, v0  }
0x195: {  	[tilespmem:s5+$0x1A430] =	vst v2;
	v1 =	vmul.f32 $1.131370830e+01, v1  }
0x196: {  	[tilespmem:s5+$0x1A440] =	vst v0;
	v62 =	vmul.f32 $1.131370830e+01, v3  }
0x197: {  	s13 =	sadd.s32 s15, s28;
	[tilespmem:s5+$0x1A450] =	vst v1;
	v63 =	vmul.f32 $1.131370830e+01, v61  }
0x198: {  	s7 =	sadd.s32 $0x1, s7;
	s13 =	sshll.u32 s13, $0x4;
	[tilespmem:s5+$0x1A460] =	vst v62  }
0x199: {  	p0 =	sne.s32 s7, $0x1F;
	s28 =	sadd.s32 s3, s13;
	s13 =	simm.s32 $0x0;
	[tilespmem:s5+$0x1A470] =	vst v63  }
0x19a: {  	[hbm4b:s28+s13] =	stream.linear.scatter [tilespmem:s9], [sflag:$0xC], $0x4000, $0x38;
	[tilespmem:$0x1E400] =	vst v63  }
.Ltmp12:
0x19b: {  	_ = 	snop;
	(pc) =	sbr.rel @p0 .LBB2_14-.Ltmp12, $4  }
0x19c: {  	_ =	swait.ge [sflag:s23], $0x4000  }
0x19d: {  	[sflag:s23] =	ssyncset.done $0x0  }
0x19e: {  	s4 =	sadd.s32 $0x800, s4;
	[sflag:s23] =	ssyncadd.s32 $0xFFFFC000  }
0x19f: {  	[tilespmem:s6], [sflag:$0x5] =	stream.indirect.gather [hbm4b:s2+s29], $0x80, s4, s29, $0xb8;
	[tilespmem:$0x1E400] =	vst v63  }
0x1a0: {  	_ =	swait.ge [sflag:s8], $0x4000  }
0x1a1: {  	[sflag:s8] =	ssyncset.done $0x0  }
0x1a2: {  	s4 =	simm.s32 $0x0;
	[sflag:s8] =	ssyncadd.s32 $0xFFFFC000  }
0x1a3: {  	v3 =	vld [tilespmem:s4+$0x6400]  }
0x1a4: {  	v5 =	vld [tilespmem:s4+$0x6410]  }
0x1a5: {  	v4 =	vld [tilespmem:s4+$0x6420]  }
0x1a6: {  	v2 =	vld [tilespmem:s4+$0x6430]  }
0x1a7: {  	v0 =	vld [tilespmem:s4+$0x6440]  }
0x1a8: {  	v1 =	vld [tilespmem:s4+$0x6450];
	v6 =	vmul.f32 $1.131370830e+01, v3  }
0x1a9: {  	s5 =	simm.s32 $0x200;
	v5 =	vmul.f32 $1.131370830e+01, v5;
	v3 =	vld [tilespmem:s4+$0x6460]  }
.LBB2_28:
0x1aa: {  	s7 =	sshra.s32 s5, $0x2;
	p0 =	sne.s32 s5, $0xFE00;
	[tilespmem:s4+$0x6400] =	vst v6;
	v4 =	vmul.f32 $1.131370830e+01, v4;
	v6 =	vld [tilespmem:s4+$0x6470]  }
0x1ab: {  	v7 =	vld [tilespmem:s7+$0x6400];
	[tilespmem:s4+$0x6410] =	vst v5;
	v2 =	vmul.f32 $1.131370830e+01, v2  }
0x1ac: {  	v5 =	vld [tilespmem:s7+$0x6410];
	[tilespmem:s4+$0x6420] =	vst v4;
	v0 =	vmul.f32 $1.131370830e+01, v0  }
.Ltmp13:
0x1ad: {  	v4 =	vld [tilespmem:s7+$0x6420];
	[tilespmem:s4+$0x6430] =	vst v2;
	v1 =	vmul.f32 $1.131370830e+01, v1;
	(pc) =	sbr.rel @p0 .LBB2_28-.Ltmp13, $4  }
0x1ae: {  	v2 =	vld [tilespmem:s7+$0x6430];
	[tilespmem:s4+$0x6440] =	vst v0;
	v3 =	vmul.f32 $1.131370830e+01, v3  }
0x1af: {  	v0 =	vld [tilespmem:s7+$0x6440];
	[tilespmem:s4+$0x6450] =	vst v1;
	v8 =	vmul.f32 $1.131370830e+01, v6  }
0x1b0: {  	v6 =	vmul.f32 $1.131370830e+01, v7;
	v1 =	vld [tilespmem:s7+$0x6450];
	[tilespmem:s4+$0x6460] =	vst v3  }
0x1b1: {  	s5 =	sadd.s32 $0x200, s5;
	v5 =	vmul.f32 $1.131370830e+01, v5;
	v3 =	vld [tilespmem:s7+$0x6460];
	[tilespmem:s4+$0x6470] =	vst v8;
	s4 =	smov.u32 s7  }
0x1b2: {  	[tilespmem:s4+$0x6400] =	vst v6;
	v4 =	vmul.f32 $1.131370830e+01, v4;
	v6 =	vld [tilespmem:s4+$0x6470]  }
0x1b3: {  	[tilespmem:s4+$0x6410] =	vst v5;
	v2 =	vmul.f32 $1.131370830e+01, v2  }
0x1b4: {  	[tilespmem:s4+$0x6420] =	vst v4;
	v0 =	vmul.f32 $1.131370830e+01, v0  }
0x1b5: {  	[tilespmem:s4+$0x6430] =	vst v2;
	v1 =	vmul.f32 $1.131370830e+01, v1  }
0x1b6: {  	[tilespmem:s4+$0x6440] =	vst v0;
	v0 =	vmul.f32 $1.131370830e+01, v3  }
0x1b7: {  	[tilespmem:s4+$0x6450] =	vst v1;
	v1 =	vmul.f32 $1.131370830e+01, v6  }
0x1b8: {  	[tilespmem:s4+$0x6460] =	vst v0  }
0x1b9: {  	s25 =	simm.s32 $0x0;
	s5 =	rddreg [dreg:$0xe];
	[tilespmem:s4+$0x6470] =	vst v1  }
0x1ba: {  	[hbm4b:s5+s25] =	stream.linear.scatter [tilespmem:s30], [sflag:$0x7], $0x4000, $0x38;
	[tilespmem:$0x1E400] =	vst v63  }
0x1bb: {  	_ =	swait.ge [sflag:s24], $0x4000  }
0x1bc: {  	[sflag:s24] =	ssyncset.done $0x0  }
0x1bd: {  	s28 =	simm.s32 $0x6280;
	[sflag:s24] =	ssyncadd.s32 $0xFFFFC000  }
0x1be: {  	[tilespmem:s9], [sflag:$0x6] =	stream.indirect.gather [hbm4b:s2+s29], $0x80, s28, s29, $0xb8;
	[tilespmem:$0x1E400] =	vst v63  }
0x1bf: {  	_ =	swait.ge [sflag:s10], $0x4000  }
0x1c0: {  	[sflag:s10] =	ssyncset.done $0x0  }
0x1c1: {  	s4 =	simm.s32 $0x0;
	[sflag:s10] =	ssyncadd.s32 $0xFFFFC000  }
0x1c2: {  	v3 =	vld [tilespmem:s4+$0xA400]  }
0x1c3: {  	v5 =	vld [tilespmem:s4+$0xA410]  }
0x1c4: {  	v4 =	vld [tilespmem:s4+$0xA420]  }
0x1c5: {  	v2 =	vld [tilespmem:s4+$0xA430]  }
0x1c6: {  	v0 =	vld [tilespmem:s4+$0xA440]  }
0x1c7: {  	v1 =	vld [tilespmem:s4+$0xA450];
	v6 =	vmul.f32 $1.131370830e+01, v3  }
0x1c8: {  	s5 =	simm.s32 $0x200;
	v5 =	vmul.f32 $1.131370830e+01, v5;
	v3 =	vld [tilespmem:s4+$0xA460]  }
.LBB2_30:
0x1c9: {  	s7 =	sshra.s32 s5, $0x2;
	p0 =	sne.s32 s5, $0xFE00;
	[tilespmem:s4+$0xA400] =	vst v6;
	v4 =	vmul.f32 $1.131370830e+01, v4;
	v6 =	vld [tilespmem:s4+$0xA470]  }
0x1ca: {  	v7 =	vld [tilespmem:s7+$0xA400];
	[tilespmem:s4+$0xA410] =	vst v5;
	v2 =	vmul.f32 $1.131370830e+01, v2  }
0x1cb: {  	v5 =	vld [tilespmem:s7+$0xA410];
	[tilespmem:s4+$0xA420] =	vst v4;
	v0 =	vmul.f32 $1.131370830e+01, v0  }
.Ltmp14:
0x1cc: {  	v4 =	vld [tilespmem:s7+$0xA420];
	[tilespmem:s4+$0xA430] =	vst v2;
	v1 =	vmul.f32 $1.131370830e+01, v1;
	(pc) =	sbr.rel @p0 .LBB2_30-.Ltmp14, $4  }
0x1cd: {  	v2 =	vld [tilespmem:s7+$0xA430];
	[tilespmem:s4+$0xA440] =	vst v0;
	v3 =	vmul.f32 $1.131370830e+01, v3  }
0x1ce: {  	v0 =	vld [tilespmem:s7+$0xA440];
	[tilespmem:s4+$0xA450] =	vst v1;
	v8 =	vmul.f32 $1.131370830e+01, v6  }
0x1cf: {  	v6 =	vmul.f32 $1.131370830e+01, v7;
	v1 =	vld [tilespmem:s7+$0xA450];
	[tilespmem:s4+$0xA460] =	vst v3  }
0x1d0: {  	s5 =	sadd.s32 $0x200, s5;
	v5 =	vmul.f32 $1.131370830e+01, v5;
	v3 =	vld [tilespmem:s7+$0xA460];
	[tilespmem:s4+$0xA470] =	vst v8;
	s4 =	smov.u32 s7  }
0x1d1: {  	[tilespmem:s4+$0xA400] =	vst v6;
	v4 =	vmul.f32 $1.131370830e+01, v4;
	v6 =	vld [tilespmem:s4+$0xA470]  }
0x1d2: {  	[tilespmem:s4+$0xA410] =	vst v5;
	v2 =	vmul.f32 $1.131370830e+01, v2  }
0x1d3: {  	[tilespmem:s4+$0xA420] =	vst v4;
	v0 =	vmul.f32 $1.131370830e+01, v0  }
0x1d4: {  	[tilespmem:s4+$0xA430] =	vst v2;
	v1 =	vmul.f32 $1.131370830e+01, v1  }
0x1d5: {  	[tilespmem:s4+$0xA440] =	vst v0;
	v0 =	vmul.f32 $1.131370830e+01, v3  }
0x1d6: {  	[tilespmem:s4+$0xA450] =	vst v1;
	v1 =	vmul.f32 $1.131370830e+01, v6  }
0x1d7: {  	[tilespmem:s4+$0xA460] =	vst v0  }
0x1d8: {  	s25 =	simm.s32 $0x0;
	s5 =	rddreg [dreg:$0xf];
	[tilespmem:s4+$0xA470] =	vst v1  }
0x1d9: {  	[hbm4b:s5+s25] =	stream.linear.scatter [tilespmem:s31], [sflag:$0x8], $0x4000, $0x38;
	[tilespmem:$0x1E400] =	vst v63  }
0x1da: {  	_ =	swait.ge [sflag:s11], $0x4000  }
0x1db: {  	[sflag:s11] =	ssyncset.done $0x0  }
0x1dc: {  	s28 =	simm.s32 $0x6300;
	[sflag:s11] =	ssyncadd.s32 $0xFFFFC000  }
0x1dd: {  	[tilespmem:s30], [sflag:$0x1] =	stream.indirect.gather [hbm4b:s2+s29], $0x80, s28, s29, $0xb8;
	[tilespmem:$0x1E400] =	vst v63  }
0x1de: {  	_ =	swait.ge [sflag:s12], $0x4000  }
0x1df: {  	[sflag:s12] =	ssyncset.done $0x0  }
0x1e0: {  	s4 =	simm.s32 $0x0;
	[sflag:s12] =	ssyncadd.s32 $0xFFFFC000  }
0x1e1: {  	v3 =	vld [tilespmem:s4+$0xE400]  }
0x1e2: {  	v5 =	vld [tilespmem:s4+$0xE410]  }
0x1e3: {  	v4 =	vld [tilespmem:s4+$0xE420]  }
0x1e4: {  	v2 =	vld [tilespmem:s4+$0xE430]  }
0x1e5: {  	v0 =	vld [tilespmem:s4+$0xE440]  }
0x1e6: {  	v1 =	vld [tilespmem:s4+$0xE450];
	v6 =	vmul.f32 $1.131370830e+01, v3  }
0x1e7: {  	s5 =	simm.s32 $0x200;
	v5 =	vmul.f32 $1.131370830e+01, v5;
	v3 =	vld [tilespmem:s4+$0xE460]  }
.LBB2_32:
0x1e8: {  	s7 =	sshra.s32 s5, $0x2;
	p0 =	sne.s32 s5, $0xFE00;
	[tilespmem:s4+$0xE400] =	vst v6;
	v4 =	vmul.f32 $1.131370830e+01, v4;
	v6 =	vld [tilespmem:s4+$0xE470]  }
0x1e9: {  	v7 =	vld [tilespmem:s7+$0xE400];
	[tilespmem:s4+$0xE410] =	vst v5;
	v2 =	vmul.f32 $1.131370830e+01, v2  }
0x1ea: {  	v5 =	vld [tilespmem:s7+$0xE410];
	[tilespmem:s4+$0xE420] =	vst v4;
	v0 =	vmul.f32 $1.131370830e+01, v0  }
.Ltmp15:
0x1eb: {  	v4 =	vld [tilespmem:s7+$0xE420];
	[tilespmem:s4+$0xE430] =	vst v2;
	v1 =	vmul.f32 $1.131370830e+01, v1;
	(pc) =	sbr.rel @p0 .LBB2_32-.Ltmp15, $4  }
0x1ec: {  	v2 =	vld [tilespmem:s7+$0xE430];
	[tilespmem:s4+$0xE440] =	vst v0;
	v3 =	vmul.f32 $1.131370830e+01, v3  }
0x1ed: {  	v0 =	vld [tilespmem:s7+$0xE440];
	[tilespmem:s4+$0xE450] =	vst v1;
	v8 =	vmul.f32 $1.131370830e+01, v6  }
0x1ee: {  	v6 =	vmul.f32 $1.131370830e+01, v7;
	v1 =	vld [tilespmem:s7+$0xE450];
	[tilespmem:s4+$0xE460] =	vst v3  }
0x1ef: {  	s5 =	sadd.s32 $0x200, s5;
	v5 =	vmul.f32 $1.131370830e+01, v5;
	v3 =	vld [tilespmem:s7+$0xE460];
	[tilespmem:s4+$0xE470] =	vst v8;
	s4 =	smov.u32 s7  }
0x1f0: {  	[tilespmem:s4+$0xE400] =	vst v6;
	v4 =	vmul.f32 $1.131370830e+01, v4;
	v6 =	vld [tilespmem:s4+$0xE470]  }
0x1f1: {  	[tilespmem:s4+$0xE410] =	vst v5;
	v2 =	vmul.f32 $1.131370830e+01, v2  }
0x1f2: {  	[tilespmem:s4+$0xE420] =	vst v4;
	v0 =	vmul.f32 $1.131370830e+01, v0  }
0x1f3: {  	[tilespmem:s4+$0xE430] =	vst v2;
	v1 =	vmul.f32 $1.131370830e+01, v1  }
0x1f4: {  	[tilespmem:s4+$0xE440] =	vst v0;
	v0 =	vmul.f32 $1.131370830e+01, v3  }
0x1f5: {  	[tilespmem:s4+$0xE450] =	vst v1;
	v1 =	vmul.f32 $1.131370830e+01, v6  }
0x1f6: {  	[tilespmem:s4+$0xE460] =	vst v0  }
0x1f7: {  	s25 =	simm.s32 $0x0;
	s5 =	rddreg [dreg:$0x10];
	[tilespmem:s4+$0xE470] =	vst v1  }
0x1f8: {  	[hbm4b:s5+s25] =	stream.linear.scatter [tilespmem:s0], [sflag:$0x9], $0x4000, $0x38;
	[tilespmem:$0x1E400] =	vst v63  }
0x1f9: {  	_ =	swait.ge [sflag:s17], $0x4000  }
0x1fa: {  	[sflag:s17] =	ssyncset.done $0x0  }
0x1fb: {  	s28 =	simm.s32 $0x6380;
	[sflag:s17] =	ssyncadd.s32 $0xFFFFC000  }
0x1fc: {  	[tilespmem:s31], [sflag:$0x2] =	stream.indirect.gather [hbm4b:s2+s29], $0x80, s28, s29, $0xb8;
	[tilespmem:$0x1E400] =	vst v63  }
0x1fd: {  	_ =	swait.ge [sflag:s18], $0x4000  }
0x1fe: {  	[sflag:s18] =	ssyncset.done $0x0  }
0x1ff: {  	s4 =	simm.s32 $0x0;
	[sflag:s18] =	ssyncadd.s32 $0xFFFFC000  }
0x200: {  	v3 =	vld [tilespmem:s4+$0x12400]  }
0x201: {  	v5 =	vld [tilespmem:s4+$0x12410]  }
0x202: {  	v4 =	vld [tilespmem:s4+$0x12420]  }
0x203: {  	v2 =	vld [tilespmem:s4+$0x12430]  }
0x204: {  	v0 =	vld [tilespmem:s4+$0x12440]  }
0x205: {  	v1 =	vld [tilespmem:s4+$0x12450];
	v6 =	vmul.f32 $1.131370830e+01, v3  }
0x206: {  	s5 =	simm.s32 $0x200;
	v5 =	vmul.f32 $1.131370830e+01, v5;
	v3 =	vld [tilespmem:s4+$0x12460]  }
.LBB2_34:
0x207: {  	s7 =	sshra.s32 s5, $0x2;
	p0 =	sne.s32 s5, $0xFE00;
	[tilespmem:s4+$0x12400] =	vst v6;
	v4 =	vmul.f32 $1.131370830e+01, v4;
	v6 =	vld [tilespmem:s4+$0x12470]  }
0x208: {  	v7 =	vld [tilespmem:s7+$0x12400];
	[tilespmem:s4+$0x12410] =	vst v5;
	v2 =	vmul.f32 $1.131370830e+01, v2  }
0x209: {  	v5 =	vld [tilespmem:s7+$0x12410];
	[tilespmem:s4+$0x12420] =	vst v4;
	v0 =	vmul.f32 $1.131370830e+01, v0  }
.Ltmp16:
0x20a: {  	v4 =	vld [tilespmem:s7+$0x12420];
	[tilespmem:s4+$0x12430] =	vst v2;
	v1 =	vmul.f32 $1.131370830e+01, v1;
	(pc) =	sbr.rel @p0 .LBB2_34-.Ltmp16, $4  }
0x20b: {  	v2 =	vld [tilespmem:s7+$0x12430];
	[tilespmem:s4+$0x12440] =	vst v0;
	v3 =	vmul.f32 $1.131370830e+01, v3  }
0x20c: {  	v0 =	vld [tilespmem:s7+$0x12440];
	[tilespmem:s4+$0x12450] =	vst v1;
	v8 =	vmul.f32 $1.131370830e+01, v6  }
0x20d: {  	v6 =	vmul.f32 $1.131370830e+01, v7;
	v1 =	vld [tilespmem:s7+$0x12450];
	[tilespmem:s4+$0x12460] =	vst v3  }
0x20e: {  	s5 =	sadd.s32 $0x200, s5;
	v5 =	vmul.f32 $1.131370830e+01, v5;
	v3 =	vld [tilespmem:s7+$0x12460];
	[tilespmem:s4+$0x12470] =	vst v8;
	s4 =	smov.u32 s7  }
0x20f: {  	[tilespmem:s4+$0x12400] =	vst v6;
	v4 =	vmul.f32 $1.131370830e+01, v4;
	v6 =	vld [tilespmem:s4+$0x12470]  }
0x210: {  	[tilespmem:s4+$0x12410] =	vst v5;
	v2 =	vmul.f32 $1.131370830e+01, v2  }
0x211: {  	[tilespmem:s4+$0x12420] =	vst v4;
	v0 =	vmul.f32 $1.131370830e+01, v0  }
0x212: {  	[tilespmem:s4+$0x12430] =	vst v2;
	v1 =	vmul.f32 $1.131370830e+01, v1  }
0x213: {  	[tilespmem:s4+$0x12440] =	vst v0;
	v0 =	vmul.f32 $1.131370830e+01, v3  }
0x214: {  	[tilespmem:s4+$0x12450] =	vst v1;
	v1 =	vmul.f32 $1.131370830e+01, v6  }
0x215: {  	[tilespmem:s4+$0x12460] =	vst v0  }
0x216: {  	s28 =	simm.s32 $0x0;
	s5 =	rddreg [dreg:$0x11];
	[tilespmem:s4+$0x12470] =	vst v1  }
0x217: {  	[hbm4b:s5+s28] =	stream.linear.scatter [tilespmem:s1], [sflag:$0xA], $0x4000, $0x38;
	[tilespmem:$0x1E400] =	vst v63  }
0x218: {  	_ =	swait.ge [sflag:s20], $0x4000  }
0x219: {  	[sflag:s20] =	ssyncset.done $0x0  }
0x21a: {  	s4 =	simm.s32 $0x0;
	[sflag:s20] =	ssyncadd.s32 $0xFFFFC000  }
0x21b: {  	v3 =	vld [tilespmem:s4+$0x16400]  }
0x21c: {  	v5 =	vld [tilespmem:s4+$0x16410]  }
0x21d: {  	v4 =	vld [tilespmem:s4+$0x16420]  }
0x21e: {  	v2 =	vld [tilespmem:s4+$0x16430]  }
0x21f: {  	v0 =	vld [tilespmem:s4+$0x16440]  }
0x220: {  	v1 =	vld [tilespmem:s4+$0x16450];
	v6 =	vmul.f32 $1.131370830e+01, v3  }
0x221: {  	s5 =	simm.s32 $0x200;
	v5 =	vmul.f32 $1.131370830e+01, v5;
	v3 =	vld [tilespmem:s4+$0x16460]  }
.LBB2_36:
0x222: {  	s7 =	sshra.s32 s5, $0x2;
	p0 =	sne.s32 s5, $0xFE00;
	[tilespmem:s4+$0x16400] =	vst v6;
	v4 =	vmul.f32 $1.131370830e+01, v4;
	v6 =	vld [tilespmem:s4+$0x16470]  }
0x223: {  	v7 =	vld [tilespmem:s7+$0x16400];
	[tilespmem:s4+$0x16410] =	vst v5;
	v2 =	vmul.f32 $1.131370830e+01, v2  }
0x224: {  	v5 =	vld [tilespmem:s7+$0x16410];
	[tilespmem:s4+$0x16420] =	vst v4;
	v0 =	vmul.f32 $1.131370830e+01, v0  }
.Ltmp17:
0x225: {  	v4 =	vld [tilespmem:s7+$0x16420];
	[tilespmem:s4+$0x16430] =	vst v2;
	v1 =	vmul.f32 $1.131370830e+01, v1;
	(pc) =	sbr.rel @p0 .LBB2_36-.Ltmp17, $4  }
0x226: {  	v2 =	vld [tilespmem:s7+$0x16430];
	[tilespmem:s4+$0x16440] =	vst v0;
	v3 =	vmul.f32 $1.131370830e+01, v3  }
0x227: {  	v0 =	vld [tilespmem:s7+$0x16440];
	[tilespmem:s4+$0x16450] =	vst v1;
	v8 =	vmul.f32 $1.131370830e+01, v6  }
0x228: {  	v6 =	vmul.f32 $1.131370830e+01, v7;
	v1 =	vld [tilespmem:s7+$0x16450];
	[tilespmem:s4+$0x16460] =	vst v3  }
0x229: {  	s5 =	sadd.s32 $0x200, s5;
	v5 =	vmul.f32 $1.131370830e+01, v5;
	v3 =	vld [tilespmem:s7+$0x16460];
	[tilespmem:s4+$0x16470] =	vst v8;
	s4 =	smov.u32 s7  }
0x22a: {  	[tilespmem:s4+$0x16400] =	vst v6;
	v4 =	vmul.f32 $1.131370830e+01, v4;
	v6 =	vld [tilespmem:s4+$0x16470]  }
0x22b: {  	[tilespmem:s4+$0x16410] =	vst v5;
	v2 =	vmul.f32 $1.131370830e+01, v2  }
0x22c: {  	[tilespmem:s4+$0x16420] =	vst v4;
	v0 =	vmul.f32 $1.131370830e+01, v0  }
0x22d: {  	[tilespmem:s4+$0x16430] =	vst v2;
	v1 =	vmul.f32 $1.131370830e+01, v1  }
0x22e: {  	[tilespmem:s4+$0x16440] =	vst v0;
	v0 =	vmul.f32 $1.131370830e+01, v3  }
0x22f: {  	[tilespmem:s4+$0x16450] =	vst v1;
	v1 =	vmul.f32 $1.131370830e+01, v6  }
0x230: {  	[tilespmem:s4+$0x16460] =	vst v0  }
0x231: {  	s28 =	simm.s32 $0x0;
	s5 =	rddreg [dreg:$0x12];
	[tilespmem:s4+$0x16470] =	vst v1  }
0x232: {  	[hbm4b:s5+s28] =	stream.linear.scatter [tilespmem:s6], [sflag:$0xB], $0x4000, $0x38;
	[tilespmem:$0x1E400] =	vst v63  }
0x233: {  	_ =	swait.ge [sflag:s22], $0x4000  }
0x234: {  	[sflag:s22] =	ssyncset.done $0x0  }
0x235: {  	s4 =	simm.s32 $0x0;
	[sflag:s22] =	ssyncadd.s32 $0xFFFFC000  }
0x236: {  	v3 =	vld [tilespmem:s4+$0x1A400]  }
0x237: {  	v5 =	vld [tilespmem:s4+$0x1A410]  }
0x238: {  	v4 =	vld [tilespmem:s4+$0x1A420]  }
0x239: {  	v2 =	vld [tilespmem:s4+$0x1A430]  }
0x23a: {  	v0 =	vld [tilespmem:s4+$0x1A440]  }
0x23b: {  	v1 =	vld [tilespmem:s4+$0x1A450];
	v6 =	vmul.f32 $1.131370830e+01, v3  }
0x23c: {  	s5 =	simm.s32 $0x200;
	v5 =	vmul.f32 $1.131370830e+01, v5;
	v3 =	vld [tilespmem:s4+$0x1A460]  }
.LBB2_38:
0x23d: {  	s7 =	sshra.s32 s5, $0x2;
	p0 =	sne.s32 s5, $0xFE00;
	[tilespmem:s4+$0x1A400] =	vst v6;
	v4 =	vmul.f32 $1.131370830e+01, v4;
	v6 =	vld [tilespmem:s4+$0x1A470]  }
0x23e: {  	v7 =	vld [tilespmem:s7+$0x1A400];
	[tilespmem:s4+$0x1A410] =	vst v5;
	v2 =	vmul.f32 $1.131370830e+01, v2  }
0x23f: {  	v5 =	vld [tilespmem:s7+$0x1A410];
	[tilespmem:s4+$0x1A420] =	vst v4;
	v0 =	vmul.f32 $1.131370830e+01, v0  }
.Ltmp18:
0x240: {  	v4 =	vld [tilespmem:s7+$0x1A420];
	[tilespmem:s4+$0x1A430] =	vst v2;
	v1 =	vmul.f32 $1.131370830e+01, v1;
	(pc) =	sbr.rel @p0 .LBB2_38-.Ltmp18, $4  }
0x241: {  	v2 =	vld [tilespmem:s7+$0x1A430];
	[tilespmem:s4+$0x1A440] =	vst v0;
	v3 =	vmul.f32 $1.131370830e+01, v3  }
0x242: {  	v0 =	vld [tilespmem:s7+$0x1A440];
	[tilespmem:s4+$0x1A450] =	vst v1;
	v8 =	vmul.f32 $1.131370830e+01, v6  }
0x243: {  	v6 =	vmul.f32 $1.131370830e+01, v7;
	v1 =	vld [tilespmem:s7+$0x1A450];
	[tilespmem:s4+$0x1A460] =	vst v3  }
0x244: {  	s5 =	sadd.s32 $0x200, s5;
	v5 =	vmul.f32 $1.131370830e+01, v5;
	v3 =	vld [tilespmem:s7+$0x1A460];
	[tilespmem:s4+$0x1A470] =	vst v8;
	s4 =	smov.u32 s7  }
0x245: {  	[tilespmem:s4+$0x1A400] =	vst v6;
	v4 =	vmul.f32 $1.131370830e+01, v4;
	v6 =	vld [tilespmem:s4+$0x1A470]  }
0x246: {  	[tilespmem:s4+$0x1A410] =	vst v5;
	v2 =	vmul.f32 $1.131370830e+01, v2  }
0x247: {  	[tilespmem:s4+$0x1A420] =	vst v4;
	v0 =	vmul.f32 $1.131370830e+01, v0  }
0x248: {  	[tilespmem:s4+$0x1A430] =	vst v2;
	v1 =	vmul.f32 $1.131370830e+01, v1  }
0x249: {  	[tilespmem:s4+$0x1A440] =	vst v0;
	v0 =	vmul.f32 $1.131370830e+01, v3  }
0x24a: {  	[tilespmem:s4+$0x1A450] =	vst v1;
	v1 =	vmul.f32 $1.131370830e+01, v6  }
0x24b: {  	[tilespmem:s4+$0x1A460] =	vst v0  }
0x24c: {  	s28 =	simm.s32 $0x0;
	s5 =	rddreg [dreg:$0x13];
	[tilespmem:s4+$0x1A470] =	vst v1  }
0x24d: {  	[hbm4b:s5+s28] =	stream.linear.scatter [tilespmem:s9], [sflag:$0xC], $0x4000, $0x38;
	[tilespmem:$0x1E400] =	vst v63  }
0x24e: {  	_ =	swait.ge [sflag:s8], $0x4000  }
0x24f: {  	[sflag:s8] =	ssyncset.done $0x0  }
0x250: {  	s4 =	simm.s32 $0x0;
	[sflag:s8] =	ssyncadd.s32 $0xFFFFC000  }
0x251: {  	v3 =	vld [tilespmem:s4+$0x6400]  }
0x252: {  	v5 =	vld [tilespmem:s4+$0x6410]  }
0x253: {  	v4 =	vld [tilespmem:s4+$0x6420]  }
0x254: {  	v2 =	vld [tilespmem:s4+$0x6430]  }
0x255: {  	v0 =	vld [tilespmem:s4+$0x6440]  }
0x256: {  	v1 =	vld [tilespmem:s4+$0x6450];
	v6 =	vmul.f32 $1.131370830e+01, v3  }
0x257: {  	s5 =	simm.s32 $0x200;
	v5 =	vmul.f32 $1.131370830e+01, v5;
	v3 =	vld [tilespmem:s4+$0x6460]  }
.LBB2_40:
0x258: {  	s7 =	sshra.s32 s5, $0x2;
	p0 =	sne.s32 s5, $0xFE00;
	[tilespmem:s4+$0x6400] =	vst v6;
	v4 =	vmul.f32 $1.131370830e+01, v4;
	v6 =	vld [tilespmem:s4+$0x6470]  }
0x259: {  	v7 =	vld [tilespmem:s7+$0x6400];
	[tilespmem:s4+$0x6410] =	vst v5;
	v2 =	vmul.f32 $1.131370830e+01, v2  }
0x25a: {  	v5 =	vld [tilespmem:s7+$0x6410];
	[tilespmem:s4+$0x6420] =	vst v4;
	v0 =	vmul.f32 $1.131370830e+01, v0  }
.Ltmp19:
0x25b: {  	v4 =	vld [tilespmem:s7+$0x6420];
	[tilespmem:s4+$0x6430] =	vst v2;
	v1 =	vmul.f32 $1.131370830e+01, v1;
	(pc) =	sbr.rel @p0 .LBB2_40-.Ltmp19, $4  }
0x25c: {  	v2 =	vld [tilespmem:s7+$0x6430];
	[tilespmem:s4+$0x6440] =	vst v0;
	v3 =	vmul.f32 $1.131370830e+01, v3  }
0x25d: {  	v0 =	vld [tilespmem:s7+$0x6440];
	[tilespmem:s4+$0x6450] =	vst v1;
	v8 =	vmul.f32 $1.131370830e+01, v6  }
0x25e: {  	v6 =	vmul.f32 $1.131370830e+01, v7;
	v1 =	vld [tilespmem:s7+$0x6450];
	[tilespmem:s4+$0x6460] =	vst v3  }
0x25f: {  	s5 =	sadd.s32 $0x200, s5;
	v5 =	vmul.f32 $1.131370830e+01, v5;
	v3 =	vld [tilespmem:s7+$0x6460];
	[tilespmem:s4+$0x6470] =	vst v8;
	s4 =	smov.u32 s7  }
0x260: {  	[tilespmem:s4+$0x6400] =	vst v6;
	v4 =	vmul.f32 $1.131370830e+01, v4;
	v6 =	vld [tilespmem:s4+$0x6470]  }
0x261: {  	[tilespmem:s4+$0x6410] =	vst v5;
	v2 =	vmul.f32 $1.131370830e+01, v2  }
0x262: {  	[tilespmem:s4+$0x6420] =	vst v4;
	v0 =	vmul.f32 $1.131370830e+01, v0  }
0x263: {  	[tilespmem:s4+$0x6430] =	vst v2;
	v1 =	vmul.f32 $1.131370830e+01, v1  }
0x264: {  	[tilespmem:s4+$0x6440] =	vst v0;
	v0 =	vmul.f32 $1.131370830e+01, v3  }
0x265: {  	[tilespmem:s4+$0x6450] =	vst v1;
	v1 =	vmul.f32 $1.131370830e+01, v6  }
0x266: {  	[tilespmem:s4+$0x6460] =	vst v0  }
0x267: {  	s28 =	simm.s32 $0x0;
	s5 =	rddreg [dreg:$0x14];
	[tilespmem:s4+$0x6470] =	vst v1  }
0x268: {  	[hbm4b:s5+s28] =	stream.linear.scatter [tilespmem:s30], [sflag:$0x7], $0x4000, $0x38;
	[tilespmem:$0x1E400] =	vst v63  }
0x269: {  	_ =	swait.ge [sflag:s10], $0x4000  }
0x26a: {  	[sflag:s10] =	ssyncset.done $0x0  }
0x26b: {  	s4 =	simm.s32 $0x0;
	[sflag:s10] =	ssyncadd.s32 $0xFFFFC000  }
0x26c: {  	v3 =	vld [tilespmem:s4+$0xA400]  }
0x26d: {  	v5 =	vld [tilespmem:s4+$0xA410]  }
0x26e: {  	v4 =	vld [tilespmem:s4+$0xA420]  }
0x26f: {  	v2 =	vld [tilespmem:s4+$0xA430]  }
0x270: {  	v0 =	vld [tilespmem:s4+$0xA440]  }
0x271: {  	v1 =	vld [tilespmem:s4+$0xA450];
	v6 =	vmul.f32 $1.131370830e+01, v3  }
0x272: {  	s5 =	simm.s32 $0x200;
	v5 =	vmul.f32 $1.131370830e+01, v5;
	v3 =	vld [tilespmem:s4+$0xA460]  }
.LBB2_42:
0x273: {  	s7 =	sshra.s32 s5, $0x2;
	p0 =	sne.s32 s5, $0xFE00;
	[tilespmem:s4+$0xA400] =	vst v6;
	v4 =	vmul.f32 $1.131370830e+01, v4;
	v6 =	vld [tilespmem:s4+$0xA470]  }
0x274: {  	v7 =	vld [tilespmem:s7+$0xA400];
	[tilespmem:s4+$0xA410] =	vst v5;
	v2 =	vmul.f32 $1.131370830e+01, v2  }
0x275: {  	v5 =	vld [tilespmem:s7+$0xA410];
	[tilespmem:s4+$0xA420] =	vst v4;
	v0 =	vmul.f32 $1.131370830e+01, v0  }
.Ltmp20:
0x276: {  	v4 =	vld [tilespmem:s7+$0xA420];
	[tilespmem:s4+$0xA430] =	vst v2;
	v1 =	vmul.f32 $1.131370830e+01, v1;
	(pc) =	sbr.rel @p0 .LBB2_42-.Ltmp20, $4  }
0x277: {  	v2 =	vld [tilespmem:s7+$0xA430];
	[tilespmem:s4+$0xA440] =	vst v0;
	v3 =	vmul.f32 $1.131370830e+01, v3  }
0x278: {  	v0 =	vld [tilespmem:s7+$0xA440];
	[tilespmem:s4+$0xA450] =	vst v1;
	v8 =	vmul.f32 $1.131370830e+01, v6  }
0x279: {  	v6 =	vmul.f32 $1.131370830e+01, v7;
	v1 =	vld [tilespmem:s7+$0xA450];
	[tilespmem:s4+$0xA460] =	vst v3  }
0x27a: {  	s5 =	sadd.s32 $0x200, s5;
	v5 =	vmul.f32 $1.131370830e+01, v5;
	v3 =	vld [tilespmem:s7+$0xA460];
	[tilespmem:s4+$0xA470] =	vst v8;
	s4 =	smov.u32 s7  }
0x27b: {  	[tilespmem:s4+$0xA400] =	vst v6;
	v4 =	vmul.f32 $1.131370830e+01, v4;
	v61 =	vld [tilespmem:s4+$0xA470]  }
0x27c: {  	[tilespmem:s4+$0xA410] =	vst v5;
	v2 =	vmul.f32 $1.131370830e+01, v2  }
0x27d: {  	[tilespmem:s4+$0xA420] =	vst v4;
	v0 =	vmul.f32 $1.131370830e+01, v0  }
0x27e: {  	[tilespmem:s4+$0xA430] =	vst v2;
	v1 =	vmul.f32 $1.131370830e+01, v1  }
0x27f: {  	[tilespmem:s4+$0xA440] =	vst v0;
	v62 =	vmul.f32 $1.131370830e+01, v3  }
0x280: {  	[tilespmem:s4+$0xA450] =	vst v1;
	v63 =	vmul.f32 $1.131370830e+01, v61  }
0x281: {  	[tilespmem:s4+$0xA460] =	vst v62  }
0x282: {  	s25 =	rddreg [dreg:$0x15];
	[tilespmem:s4+$0xA470] =	vst v63  }
0x283: {  	[hbm4b:s25+s13] =	stream.linear.scatter [tilespmem:s31], [sflag:$0x8], $0x4000, $0x38;
	[tilespmem:$0x1E400] =	vst v63  }
0x284: {  	_ =	swait.ge [sflag:s19], $0x4000  }
0x285: {  	[sflag:s19] =	ssyncset.done $0x0  }
0x286: {  	[sflag:s19] =	ssyncadd.s32 $0xFFFFC000  }
0x287: {  	_ =	swait.ge [sflag:s21], $0x4000  }
0x288: {  	[sflag:s21] =	ssyncset.done $0x0  }
0x289: {  	[sflag:s21] =	ssyncadd.s32 $0xFFFFC000  }
0x28a: {  	_ =	swait.ge [sflag:s23], $0x4000  }
0x28b: {  	[sflag:s23] =	ssyncset.done $0x0  }
0x28c: {  	[sflag:s23] =	ssyncadd.s32 $0xFFFFC000  }
0x28d: {  	_ =	swait.ge [sflag:s24], $0x4000  }
0x28e: {  	[sflag:s24] =	ssyncset.done $0x0  }
0x28f: {  	[sflag:s24] =	ssyncadd.s32 $0xFFFFC000  }
0x290: {  	_ =	swait.ge [sflag:s11], $0x4000  }
0x291: {  	[sflag:s11] =	ssyncset.done $0x0  }
0x292: {  	[sflag:s11] =	ssyncadd.s32 $0xFFFFC000  }
0x293: {  	_ =	swait.ge [sflag:s17], $0x4000  }
0x294: {  	s5 =	rddreg [dreg:$0x17]  }
0x295: {  	s28 =	rddreg [dreg:$0x16];
	s5 =	sadd.s32 $0x1, s5  }
0x296: {  	p0 =	sne.s32 s5, s28  }
.Ltmp21:
0x297: {  	_ = 	snop;
	(pc) =	sbr.rel @p0 .LBB2_1-.Ltmp21, $3  }
0x298: {  	_ =	sdelay $0x1  }
0x299: {  	[sflag:s17] =	ssyncset.done $0x0  }
0x29a: {  	[sflag:s17] =	ssyncadd.s32 $0xFFFFC000  }
0x29b: {  	_ =	sfence.sel $0x180000  }
0x29c: {  	[bflag:$0x0] =	sbarrier.arrive $0xFFFF  }
0x29d: {  	_ =	strace $0x90000047  }
0x29e: {  	s0 =	stileid.u32;
	[bflag:$0x2] =	sbarrier.arrive $0xFFFF  }
0x29f: {  	p0 =	sne.s32 s0, $0x0;
	s0 =	rddreg [dreg:$0x3]  }
0x2a0: {  	s0 =	sadd.s32 @!p0 $0x100000, s0  }
0x2a1: {  	[sflag:s0] =	ssyncadd.tile.s32 @!p0 $0x1;
	_ =	shalt  }
.Lfunc_end2:
_tile_overlayer_lowered:
.L_overlay_start_2:
0x2a2: {  	(tag) =	ssettag $0x2  }
0x2a3: {  	s0 =	rddreg [dreg:$0x0];
	s2 =	stileid.u32  }
0x2a4: {  	s1 =	rddreg [dreg:$0x1];
	p0 =	sne.s32 s2, $0x0  }
0x2a5: {  	s3 =	rddreg [dreg:$0x2];
	[bflag:$0x3] =	sbarrier.arrive $0xFFFF;
	s2 =	simm.s32 @!p0 $0x1C0D  }
0x2a6: {  	[timem:s3], [sflag:s2] =	dma.local @!p0 [hbm:s0], s1  }
0x2a7: {  	s0 =	simm.s32 @!p0 $0xD  }
0x2a8: {  	_ =	swait.ge @!p0 [sflag:s0], s1  }
0x2a9: {  	s1 =	ssub.s32 @!p0 $0x0, s1;
	[sflag:s0] =	ssyncset.done @!p0 $0x0  }
0x2aa: {  	[sflag:s0] =	ssyncadd.s32 @!p0 s1  }
0x2ab: {  	[bflag:$0x3] =	sbarrier.arrive $0xFFFF  }
0x2ac: {  	_ =	shalt  }

</sc_bundles>
